<compile_context>
chip_gen: v7x
topology: tpu7x:2x2x1
jax: 0.10.2.dev20260603
libtpu: 0.0.44.dev20260713+nightly
codegen_flags: <defaults>
</compile_context>

<pallas_src>
import functools

import jax
import jax.numpy as jnp
from jax import lax
from jax.experimental import pallas as pl
from jax.experimental.pallas import tpu as pltpu
from jax.experimental.pallas import tpu_sc as plsc

N_NODES = 10000
N_EDGES = 320000
D = 128
HEADS = 8
C = D // HEADS
K = 2500
NW = 32
CHUNK = 128



def _proj_kernel(x_ref, wl_ref, wr_ref, wa_ref, ol_ref, or_ref, oa_ref):
    x = jnp.nan_to_num(x_ref[...], nan=0.0)
    ol_ref[...] = jnp.dot(x, wl_ref[...], preferred_element_type=jnp.float32)
    or_ref[...] = jnp.dot(x, wr_ref[...], preferred_element_type=jnp.float32)
    oa_ref[...] = jnp.dot(x, wa_ref[...], preferred_element_type=jnp.float32)


def _projections(x, WlT, WrT, WaT):
    blk = 1000
    return pl.pallas_call(
        _proj_kernel,
        grid=(N_NODES // blk,),
        in_specs=[
            pl.BlockSpec((blk, D), lambda i: (i, 0)),
            pl.BlockSpec((D, D), lambda i: (0, 0)),
            pl.BlockSpec((D, D), lambda i: (0, 0)),
            pl.BlockSpec((D, D), lambda i: (0, 0)),
        ],
        out_specs=[
            pl.BlockSpec((blk, D), lambda i: (i, 0)),
            pl.BlockSpec((blk, D), lambda i: (i, 0)),
            pl.BlockSpec((blk, D), lambda i: (i, 0)),
        ],
        out_shape=[
            jax.ShapeDtypeStruct((N_NODES, D), jnp.float32),
            jax.ShapeDtypeStruct((N_NODES, D), jnp.float32),
            jax.ShapeDtypeStruct((N_NODES, D), jnp.float32),
        ],
    )(x, WlT, WrT, WaT)



_MESH = plsc.VectorSubcoreMesh(core_axis_name="c", subcore_axis_name="s")
_NCH = N_EDGES // CHUNK
_ITERS = (_NCH + NW - 1) // NW


@functools.partial(
    pl.kernel,
    mesh=_MESH,
    out_type=[
        jax.ShapeDtypeStruct((N_EDGES, D), jnp.float32),
        jax.ShapeDtypeStruct((N_EDGES, D), jnp.float32),
    ],
    scratch_types=[
        pltpu.VMEM((CHUNK,), jnp.int32),
        pltpu.VMEM((CHUNK,), jnp.int32),
        pltpu.VMEM((CHUNK, D), jnp.float32),
        pltpu.VMEM((CHUNK, D), jnp.float32),
        pltpu.SemaphoreType.DMA,
        pltpu.SemaphoreType.DMA,
    ],
)
def _gather_rows_kernel(xl_hbm, xr_hbm, src_hbm, dst_hbm, oj_hbm, oi_hbm,
                        idxs_v, idxd_v, rows_a, rows_b, sema, semb):
    wid = lax.axis_index("s") * 2 + lax.axis_index("c")

    def body(i, carry):
        ch = i * NW + wid

        @pl.when(ch < _NCH)
        def _():
            base = ch * CHUNK
            pltpu.sync_copy(src_hbm.at[pl.ds(base, CHUNK)], idxs_v)
            pltpu.sync_copy(dst_hbm.at[pl.ds(base, CHUNK)], idxd_v)
            cpa = pltpu.async_copy(xl_hbm.at[idxs_v], rows_a, sema)
            cpb = pltpu.async_copy(xr_hbm.at[idxd_v], rows_b, semb)
            cpa.wait()
            cpb.wait()
            pltpu.sync_copy(rows_a, oj_hbm.at[pl.ds(base, CHUNK)])
            pltpu.sync_copy(rows_b, oi_hbm.at[pl.ds(base, CHUNK)])

        return carry

    lax.fori_loop(0, _ITERS, body, 0)



def _edge_math_kernel(xj_ref, xi_ref, dstm_ref, att_ref, rep_ref, tile_ref,
                      exp_ref, om_ref, od_ref):
    xj = xj_ref[...]
    xi = xi_ref[...]
    t = xi + xj
    t = jnp.where(t >= 0, t, 0.2 * t)
    logit = jnp.dot(t, att_ref[...], preferred_element_type=jnp.float32)
    w = jnp.exp(logit)
    wfull = jnp.dot(w, rep_ref[...], preferred_element_type=jnp.float32)
    om_ref[...] = xj * wfull
    blk = w.shape[0]
    slots = jax.lax.broadcasted_iota(jnp.int32, (blk, 16), 1)
    oh = (dstm_ref[...] == slots).astype(jnp.float32)
    oh_rep = jnp.dot(oh, exp_ref[...], preferred_element_type=jnp.float32)
    w_tile = jnp.dot(w, tile_ref[...], preferred_element_type=jnp.float32)
    od_ref[...] = oh_rep * w_tile


def _edge_math(xj, xi, dst_mod16, att_mat, rep_mat, tile_mat, exp_mat):
    blk = 2000
    return pl.pallas_call(
        _edge_math_kernel,
        grid=(N_EDGES // blk,),
        in_specs=[
            pl.BlockSpec((blk, D), lambda i: (i, 0)),
            pl.BlockSpec((blk, D), lambda i: (i, 0)),
            pl.BlockSpec((blk, 1), lambda i: (i, 0)),
            pl.BlockSpec((D, HEADS), lambda i: (0, 0)),
            pl.BlockSpec((HEADS, D), lambda i: (0, 0)),
            pl.BlockSpec((HEADS, D), lambda i: (0, 0)),
            pl.BlockSpec((16, D), lambda i: (0, 0)),
        ],
        out_specs=[
            pl.BlockSpec((blk, D), lambda i: (i, 0)),
            pl.BlockSpec((blk, D), lambda i: (i, 0)),
        ],
        out_shape=[
            jax.ShapeDtypeStruct((N_EDGES, D), jnp.float32),
            jax.ShapeDtypeStruct((N_EDGES, D), jnp.float32),
        ],
    )(xj, xi, dst_mod16, att_mat, rep_mat, tile_mat, exp_mat)



_ROWS_PER_TILE = 624
_TAIL_ROWS = N_NODES - 16 * _ROWS_PER_TILE
_CH_PER_CORE = _NCH // 2
_SC_ITERS = (_CH_PER_CORE + 15) // 16


_N_DEN = 640


@functools.partial(
    pl.kernel,
    mesh=_MESH,
    out_type=[
        jax.ShapeDtypeStruct((2, N_NODES, D), jnp.float32),
        jax.ShapeDtypeStruct((2, _N_DEN, D), jnp.float32),
    ],
    scratch_types=[
        pltpu.VMEM((CHUNK,), jnp.int32),
        pltpu.VMEM((CHUNK,), jnp.int32),
        pltpu.VMEM((CHUNK, D), jnp.float32),
        pltpu.VMEM((CHUNK, D), jnp.float32),
        pltpu.VMEM_SHARED((N_NODES, D), jnp.float32),
        pltpu.VMEM_SHARED((_N_DEN, D), jnp.float32),
    ],
)
def _scatter_add_kernel(msg_hbm, den_hbm, dst_hbm, dst16_hbm, zeros_hbm,
                        outm_hbm, outd_hbm,
                        idx_v, idx16_v, rows_v, denrows_v, accm_sh, accd_sh):
    cid = lax.axis_index("c")
    sid = lax.axis_index("s")
    r0 = sid * _ROWS_PER_TILE
    pltpu.sync_copy(zeros_hbm.at[pl.ds(r0, _ROWS_PER_TILE)],
                    accm_sh.at[pl.ds(r0, _ROWS_PER_TILE)])

    @pl.when(sid == 15)
    def _zero_tail():
        pltpu.sync_copy(zeros_hbm.at[pl.ds(16 * _ROWS_PER_TILE, _TAIL_ROWS)],
                        accm_sh.at[pl.ds(16 * _ROWS_PER_TILE, _TAIL_ROWS)])

    @pl.when(sid == 0)
    def _zero_den():
        pltpu.sync_copy(zeros_hbm.at[pl.ds(0, _N_DEN)], accd_sh)

    plsc.subcore_barrier()

    def body(j, carry):
        ch = cid * _CH_PER_CORE + j * 16 + sid

        @pl.when(ch < (cid + 1) * _CH_PER_CORE)
        def _():
            base = ch * CHUNK
            pltpu.sync_copy(dst_hbm.at[pl.ds(base, CHUNK)], idx_v)
            pltpu.sync_copy(dst16_hbm.at[pl.ds(base, CHUNK)], idx16_v)
            pltpu.sync_copy(msg_hbm.at[pl.ds(base, CHUNK)], rows_v)
            pltpu.sync_copy(den_hbm.at[pl.ds(base, CHUNK)], denrows_v)
            pltpu.sync_copy(rows_v, accm_sh.at[idx_v], add=True)
            pltpu.sync_copy(denrows_v, accd_sh.at[idx16_v], add=True)

        return carry

    lax.fori_loop(0, _SC_ITERS, body, 0)
    plsc.subcore_barrier()
    pltpu.sync_copy(accm_sh.at[pl.ds(r0, _ROWS_PER_TILE)],
                    outm_hbm.at[cid, pl.ds(r0, _ROWS_PER_TILE)])

    @pl.when(sid == 15)
    def _out_tail():
        pltpu.sync_copy(accm_sh.at[pl.ds(16 * _ROWS_PER_TILE, _TAIL_ROWS)],
                        outm_hbm.at[cid, pl.ds(16 * _ROWS_PER_TILE, _TAIL_ROWS)])

    @pl.when(sid == 1)
    def _out_den():
        pltpu.sync_copy(accd_sh, outd_hbm.at[cid])



def _merge_kernel(accm_ref, accd_ref, rep_ref, o_ref):
    num = accm_ref[0] + accm_ref[1]
    den = accd_ref[0] + accd_ref[1]
    denfull = jnp.dot(den, rep_ref[...], preferred_element_type=jnp.float32)
    o_ref[...] = num / (denfull + 1e-16)


def _merge(accm, accd, rep_mat):
    blk = 1000
    return pl.pallas_call(
        _merge_kernel,
        grid=(N_NODES // blk,),
        in_specs=[
            pl.BlockSpec((2, blk, D), lambda i: (0, i, 0)),
            pl.BlockSpec((2, blk, HEADS), lambda i: (0, i, 0)),
            pl.BlockSpec((HEADS, D), lambda i: (0, 0)),
        ],
        out_specs=pl.BlockSpec((blk, D), lambda i: (i, 0)),
        out_shape=jax.ShapeDtypeStruct((N_NODES, D), jnp.float32),
    )(accm, accd, rep_mat)



_NEG_INF = float("-inf")
_PIB = lax.GatherScatterMode.PROMISE_IN_BOUNDS


@functools.partial(
    pl.kernel,
    compiler_params=pltpu.CompilerParams(needs_layout_passes=False),
    mesh=_MESH,
    out_type=[
        jax.ShapeDtypeStruct((N_EDGES,), jnp.float32),
        jax.ShapeDtypeStruct((NW, N_NODES), jnp.float32),
    ],
    scratch_types=[
        pltpu.VMEM((N_NODES,), jnp.float32),
        pltpu.VMEM((N_NODES,), jnp.float32),
        pltpu.VMEM((N_NODES,), jnp.float32),
        pltpu.VMEM((CHUNK,), jnp.int32),
        pltpu.VMEM((CHUNK,), jnp.int32),
        pltpu.VMEM((CHUNK,), jnp.float32),
        pltpu.VMEM((16,), jnp.float32),
        pltpu.VMEM((16,), jnp.int32),
        pltpu.VMEM((16,), jnp.float32),
    ],
)
def _assign_pass1_kernel(al_hbm, ar_hbm, src_hbm, dst_hbm, att_hbm,
                         alpha_hbm, amax_hbm,
                         al_t, ar_t, amax_t, srcb, dstb, ab, attb, kbuf, vbuf):
    wid = lax.axis_index("s") * 2 + lax.axis_index("c")
    pltpu.sync_copy(al_hbm, al_t)
    pltpu.sync_copy(ar_hbm, ar_t)
    pltpu.sync_copy(att_hbm, attb)
    attv = attb[...]
    ninf = jnp.full((16,), _NEG_INF, jnp.float32)

    def initb(i, c):
        amax_t[pl.ds(i * 16, 16)] = ninf
        return c

    lax.fori_loop(0, N_NODES // 16, initb, 0)

    def body(i, carry):
        ch = i * NW + wid

        @pl.when(ch < _NCH)
        def _():
            base = ch * CHUNK
            pltpu.sync_copy(src_hbm.at[pl.ds(base, CHUNK)], srcb)
            pltpu.sync_copy(dst_hbm.at[pl.ds(base, CHUNK)], dstb)
            iota16 = lax.iota(jnp.int32, 16)
            for j in range(CHUNK // 16):
                s16 = srcb[pl.ds(j * 16, 16)]
                d16 = dstb[pl.ds(j * 16, 16)]
                alv = plsc.load_gather(al_t, [s16])
                arv = plsc.load_gather(ar_t, [d16])
                t = arv + alv
                a = jnp.where(t >= 0, t, jnp.float32(0.2) * t) * attv
                ab[pl.ds(j * 16, 16)] = a
                ks, vs = plsc.sort_key_val(d16, a)
                kbuf[...] = ks
                for dsh in (1, 2, 4, 8):
                    vbuf[...] = vs
                    idx = jnp.maximum(iota16 - dsh, 0)
                    kp = plsc.load_gather(kbuf, [idx])
                    vp = plsc.load_gather(vbuf, [idx])
                    same = (kp == ks) & (iota16 >= dsh)
                    vs = jnp.where(same, jnp.maximum(vs, vp), vs)
                nxt = plsc.load_gather(kbuf, [jnp.minimum(iota16 + 1, 15)])
                is_last = (nxt != ks) | (iota16 == 15)
                cur = plsc.load_gather(amax_t, [ks])
                plsc.store_scatter(amax_t, [ks], jnp.maximum(cur, vs),
                                   mask=is_last)
            pltpu.sync_copy(ab, alpha_hbm.at[pl.ds(base, CHUNK)])

        return carry

    lax.fori_loop(0, _ITERS, body, 0)
    pltpu.sync_copy(amax_t, amax_hbm.at[wid])


def _amax_merge_kernel(am_ref, o_ref):
    m = jnp.max(am_ref[...], axis=0, keepdims=True)
    o_ref[...] = jnp.where(jnp.isfinite(m), m, 0.0)


def _amax_merge(am32):
    return pl.pallas_call(
        _amax_merge_kernel,
        in_specs=[pl.BlockSpec((NW, N_NODES), lambda: (0, 0))],
        out_specs=pl.BlockSpec((1, N_NODES), lambda: (0, 0)),
        out_shape=jax.ShapeDtypeStruct((1, N_NODES), jnp.float32),
    )(am32)


@functools.partial(
    pl.kernel,
    compiler_params=pltpu.CompilerParams(needs_layout_passes=False),
    mesh=_MESH,
    out_type=jax.ShapeDtypeStruct((N_EDGES,), jnp.float32),
    scratch_types=[
        pltpu.VMEM((N_NODES,), jnp.float32),
        pltpu.VMEM((CHUNK,), jnp.int32),
        pltpu.VMEM((CHUNK,), jnp.float32),
    ],
)
def _assign_pass2_kernel(alpha_hbm, dst_hbm, amax_hbm, ex_hbm, am_t, dstb, ab):
    wid = lax.axis_index("s") * 2 + lax.axis_index("c")
    pltpu.sync_copy(amax_hbm, am_t)

    def body(i, carry):
        ch = i * NW + wid

        @pl.when(ch < _NCH)
        def _():
            base = ch * CHUNK
            pltpu.sync_copy(dst_hbm.at[pl.ds(base, CHUNK)], dstb)
            pltpu.sync_copy(alpha_hbm.at[pl.ds(base, CHUNK)], ab)
            for j in range(CHUNK // 16):
                d16 = dstb[pl.ds(j * 16, 16)]
                am = plsc.load_gather(am_t, [d16])
                ab[pl.ds(j * 16, 16)] = jnp.exp(ab[pl.ds(j * 16, 16)] - am)
            pltpu.sync_copy(ab, ex_hbm.at[pl.ds(base, CHUNK)])

        return carry

    lax.fori_loop(0, _ITERS, body, 0)


@functools.partial(
    pl.kernel,
    compiler_params=pltpu.CompilerParams(needs_layout_passes=False),
    mesh=_MESH,
    out_type=jax.ShapeDtypeStruct((N_EDGES,), jnp.float32),
    scratch_types=[
        pltpu.VMEM((N_NODES,), jnp.float32),
        pltpu.VMEM((N_NODES,), jnp.float32),
        pltpu.VMEM((CHUNK,), jnp.int32),
        pltpu.VMEM((CHUNK,), jnp.int32),
        pltpu.VMEM((CHUNK,), jnp.float32),
    ],
)
def _assign_pass3_kernel(ex_hbm, src_hbm, dst_hbm, al_hbm, den_hbm, co_hbm,
                         al_t, den_t, srcb, dstb, eb):
    wid = lax.axis_index("s") * 2 + lax.axis_index("c")
    pltpu.sync_copy(al_hbm, al_t)
    pltpu.sync_copy(den_hbm, den_t)

    def body(i, carry):
        ch = i * NW + wid

        @pl.when(ch < _NCH)
        def _():
            base = ch * CHUNK
            pltpu.sync_copy(src_hbm.at[pl.ds(base, CHUNK)], srcb)
            pltpu.sync_copy(dst_hbm.at[pl.ds(base, CHUNK)], dstb)
            pltpu.sync_copy(ex_hbm.at[pl.ds(base, CHUNK)], eb)
            for j in range(CHUNK // 16):
                s16 = srcb[pl.ds(j * 16, 16)]
                d16 = dstb[pl.ds(j * 16, 16)]
                xj = plsc.load_gather(al_t, [s16])
                dn = plsc.load_gather(den_t, [d16])
                a2 = eb[pl.ds(j * 16, 16)] / (dn + jnp.float32(1e-16))
                eb[pl.ds(j * 16, 16)] = xj * a2
            pltpu.sync_copy(eb, co_hbm.at[pl.ds(base, CHUNK)])

        return carry

    lax.fori_loop(0, _ITERS, body, 0)



def kernel(x, edge_index, batch, Wl_pool, Wr_pool, att_pool, Wl_assign, Wr_assign, att_assign):
    WaT = jnp.zeros((D, D), jnp.float32)
    WaT = WaT.at[:, 0].set(Wl_assign[0])
    WaT = WaT.at[:, 1].set(Wr_assign[0])

    xl, xr, aux = _projections(x, Wl_pool.T, Wr_pool.T, WaT)
    al = aux[:, 0]
    ar = aux[:, 1]

    src = edge_index[0]
    dst = edge_index[1]

    att_vec = jnp.full((16,), att_assign[0, 0, 0], jnp.float32)
    alpha, amax32 = _assign_pass1_kernel(al, ar, src, dst, att_vec)
    amax = _amax_merge(amax32)[0]
    ex = _assign_pass2_kernel(alpha, dst, amax)
    denom = jax.ops.segment_sum(ex, dst, num_segments=N_NODES)
    contrib = _assign_pass3_kernel(ex, src, dst, al, denom)
    scores = jax.ops.segment_sum(contrib, dst, num_segments=N_NODES)
    p = jax.nn.softmax(scores, axis=0)
    _, top_idx = jax.lax.top_k(p, K)

    xj_rows, xi_rows = _gather_rows_kernel(xl, xr, src, dst)

    att_mat = jnp.zeros((D, HEADS), jnp.float32)
    ar_idx = jnp.arange(D)
    att_mat = att_mat.at[ar_idx, ar_idx // C].set(att_pool.reshape(D))
    rep_mat = jnp.zeros((HEADS, D), jnp.float32)
    rep_mat = rep_mat.at[ar_idx // C, ar_idx].set(1.0)

    tile_mat = jnp.tile(jnp.eye(HEADS, dtype=jnp.float32), (1, 16))
    exp_mat = jnp.repeat(jnp.eye(16, dtype=jnp.float32), HEADS, axis=1)
    dst_mod16 = (dst % 16).astype(jnp.int32).reshape(N_EDGES, 1)
    dst_div16 = (dst // 16).astype(jnp.int32)

    msg, denrow = _edge_math(xj_rows, xi_rows, dst_mod16, att_mat, rep_mat,
                             tile_mat, exp_mat)
    zeros_acc = jnp.zeros((N_NODES, D), jnp.float32)
    accm, accd = _scatter_add_kernel(msg, denrow, dst, dst_div16, zeros_acc)
    accd2 = accd[:, :N_NODES // 16].reshape(2, N_NODES, HEADS)
    x_pooled = _merge(accm, accd2, rep_mat)

    x_coarse = jnp.take(x_pooled, top_idx, axis=0)
    batch_coarse = jnp.take(batch, top_idx, axis=0)
    return (x_coarse, batch_coarse)

# --- scband reference (transcript-rebuilt; emitter-appended) ---
"""Pipeline reference for scband-hierarchical-diff-pool-15822659518961 (READ-ONLY COPY).

The authoritative reference and input builder live on the scoring server;
editing this copy changes nothing except your own understanding.
"""

import jax, jax.numpy as jnp
import numpy as np

N_NODES = 10000
N_EDGES = 320000
D = 128
HEADS = 8
RATIO = 0.25


def gatv2(x, edge_index, Wl, Wr, att, heads):
    # Faithful GATv2Conv (PyG-style, aggr='add'):
    #   x_j from src (edge_index[0]), x_i from dst (edge_index[1]),
    #   alpha = segment_softmax((leaky_relu(x_i + x_j) * att).sum(-1), dst)
    #   out[i] = sum_j alpha_ij * x_j
    x = jnp.nan_to_num(x, nan=0.0)
    N = x.shape[0]
    out_ch = Wl.shape[0]
    C = out_ch // heads
    xl = (x @ Wl.T).reshape(N, heads, C)
    xr = (x @ Wr.T).reshape(N, heads, C)
    src = edge_index[0]
    dst = edge_index[1]
    xj = jnp.take(xl, src, axis=0)
    xi = jnp.take(xr, dst, axis=0)
    xcat = xi + xj
    alpha = (jax.nn.leaky_relu(xcat, negative_slope=0.2) * att).sum(axis=-1)  # [E, H]
    amax = jax.ops.segment_max(alpha, dst, num_segments=N)
    amax = jnp.where(jnp.isfinite(amax), amax, 0.0)
    ex = jnp.exp(alpha - jnp.take(amax, dst, axis=0))
    denom = jax.ops.segment_sum(ex, dst, num_segments=N)
    alpha = ex / (jnp.take(denom, dst, axis=0) + 1e-16)
    msg = xj * alpha[..., None]
    out = jax.ops.segment_sum(msg, dst, num_segments=N)
    return out.reshape(N, heads * C)


def setup_inputs(seed: int = 0) -> dict:
    key = jax.random.key(seed)
    ks = jax.random.split(key, 10)
    x = jax.random.normal(ks[0], (N_NODES, D), dtype=jnp.float32)
    edge_index = jax.random.randint(ks[1], (2, N_EDGES), 0, N_NODES, dtype=jnp.int32)
    batch = jnp.sort(jax.random.randint(ks[2], (N_NODES,), 0, 8, dtype=jnp.int32))
    s = 1.0 / np.sqrt(D)
    # pool_gcn: GATv2Conv(128 -> 128, heads=8, head_dim=16)
    Wl_pool = jax.random.normal(ks[3], (D, D), dtype=jnp.float32) * s
    Wr_pool = jax.random.normal(ks[4], (D, D), dtype=jnp.float32) * s
    att_pool = jax.random.normal(ks[5], (1, HEADS, D // HEADS), dtype=jnp.float32) * s
    # assign_gcn: GATv2Conv(128 -> 1); implemented with heads=1, head_dim=1
    Wl_assign = jax.random.normal(ks[6], (1, D), dtype=jnp.float32) * s
    Wr_assign = jax.random.normal(ks[7], (1, D), dtype=jnp.float32) * s
    att_assign = jax.random.normal(ks[8], (1, 1, 1), dtype=jnp.float32) * s
    return {"x": x, "edge_index": edge_index, "batch": batch,
            "Wl_pool": Wl_pool, "Wr_pool": Wr_pool, "att_pool": att_pool,
            "Wl_assign": Wl_assign, "Wr_assign": Wr_assign, "att_assign": att_assign}


def reference(x, edge_index, batch, Wl_pool, Wr_pool, att_pool, Wl_assign, Wr_assign, att_assign):
    num_nodes = x.shape[0]
    k = max(1, int(num_nodes * RATIO))
    scores = gatv2(x, edge_index, Wl_assign, Wr_assign, att_assign, 1)[:, 0]
    scores = jax.nn.softmax(scores, axis=0)
    _, top_idx = jax.lax.top_k(scores, k)
    x_pooled = gatv2(x, edge_index, Wl_pool, Wr_pool, att_pool, HEADS)
    x_coarse = jnp.take(x_pooled, top_idx, axis=0)
    batch_coarse = jnp.take(batch, top_idx, axis=0)
    return (x_coarse, batch_coarse)

if __name__ == "__main__":
    import jax
    _d = setup_inputs()
    print(jax.jit(kernel)(*tuple(_d.values())))

</pallas_src>

<mosaic_0001>
#map = affine_map<(d0, d1) -> (0)>
module attributes {stable_mosaic.version = 14 : i64} {
  func.func @_assign_pass2_kernel(%arg0: i32, %arg1: i32, %arg2: memref<320000xf32, #tpu.memory_space<hbm>>, %arg3: memref<320000xi32, #tpu.memory_space<hbm>>, %arg4: memref<10000xf32, #tpu.memory_space<hbm>>, %arg5: memref<320000xf32, #tpu.memory_space<hbm>>, %arg6: memref<10000xf32, #tpu.memory_space<vmem>>, %arg7: memref<128xi32, #tpu.memory_space<vmem>>, %arg8: memref<128xf32, #tpu.memory_space<vmem>>) attributes {dimension_semantics = [#tpu.dimension_semantics<core_parallel>, #tpu.dimension_semantics<subcore_parallel>], iteration_bounds = array<i64: 2, 16>, scalar_prefetch = 0 : i64, scratch_operands = 3 : i64, tpu.core_type = #tpu.core_type<sc_vector_subcore>, window_params = [{transform_indices = #map}, {transform_indices = #map}, {transform_indices = #map}, {transform_indices = #map}]} {
    %mul3A = arith.constant 2 : i32
    %mul3A_0 = arith.muli %arg1, %mul3A : i32
    %add3A = arith.addi %mul3A_0, %arg0 : i32
    "tpu.region"() ({
      %run_scoped3A = tpu.sem_alloc : memref<!tpu.dma_semaphore, #tpu.memory_space<semaphore_mem>>
      tpu.enqueue_dma source(%arg4 : memref<10000xf32, #tpu.memory_space<hbm>>) target(%arg6 : memref<10000xf32, #tpu.memory_space<vmem>>) target_semaphore(%run_scoped3A : memref<!tpu.dma_semaphore, #tpu.memory_space<semaphore_mem>>)
      tpu.wait_dma2 semaphore(%run_scoped3A : memref<!tpu.dma_semaphore, #tpu.memory_space<semaphore_mem>>) src(%arg4 : memref<10000xf32, #tpu.memory_space<hbm>>) dst(%arg6 : memref<10000xf32, #tpu.memory_space<vmem>>)
      tpu.yield
    }) : () -> ()
    %scan3A = arith.constant 0 : i32
    %scan3A_1 = arith.constant 0 : i32
    %scan3A_2 = arith.constant 79 : i32
    %scan3A_3 = arith.addi %scan3A_1, %scan3A_2 : i32
    %scan3A_4 = arith.constant 1 : i32
    scf.for %scan3A_6 = %scan3A_1 to %scan3A_3 step %scan3A_4  : i32 {
      %mul3A_7 = arith.constant 32 : i32
      %mul3A_8 = arith.muli %scan3A_6, %mul3A_7 : i32
      %add3A_9 = arith.addi %mul3A_8, %add3A : i32
      %lt3A = arith.constant 2500 : i32
      %lt3A_10 = arith.cmpi slt, %add3A_9, %lt3A : i32
      %convert_element_type3A = arith.extui %lt3A_10 : i1 to i32
      %cond3A = arith.constant 0 : i32
      %cond3A_11 = arith.cmpi ne, %convert_element_type3A, %cond3A : i32
      scf.if %cond3A_11 {
        %mul3A_12 = arith.constant 128 : i32
        %mul3A_13 = arith.muli %add3A_9, %mul3A_12 : i32
        "tpu.region"() ({
          %run_scoped3A = tpu.sem_alloc : memref<!tpu.dma_semaphore, #tpu.memory_space<semaphore_mem>>
          %dma_start3A = tpu.memref_slice %arg3[%mul3A_13] : memref<320000xi32, #tpu.memory_space<hbm>> -> memref<128xi32, #tpu.memory_space<hbm>>
          %dma_start3A_81 = tpu.memref_slice %arg3[%mul3A_13] : memref<320000xi32, #tpu.memory_space<hbm>> -> memref<128xi32, #tpu.memory_space<hbm>>
          tpu.enqueue_dma source(%dma_start3A_81 : memref<128xi32, #tpu.memory_space<hbm>>) target(%arg7 : memref<128xi32, #tpu.memory_space<vmem>>) target_semaphore(%run_scoped3A : memref<!tpu.dma_semaphore, #tpu.memory_space<semaphore_mem>>)
          %dma_wait3A = tpu.memref_slice %arg3[%mul3A_13] : memref<320000xi32, #tpu.memory_space<hbm>> -> memref<128xi32, #tpu.memory_space<hbm>>
          %dma_wait3A_82 = tpu.memref_slice %arg3[%mul3A_13] : memref<320000xi32, #tpu.memory_space<hbm>> -> memref<128xi32, #tpu.memory_space<hbm>>
          tpu.wait_dma2 semaphore(%run_scoped3A : memref<!tpu.dma_semaphore, #tpu.memory_space<semaphore_mem>>) src(%dma_wait3A_82 : memref<128xi32, #tpu.memory_space<hbm>>) dst(%arg7 : memref<128xi32, #tpu.memory_space<vmem>>)
          tpu.yield
        }) : () -> ()
        "tpu.region"() ({
          %run_scoped3A = tpu.sem_alloc : memref<!tpu.dma_semaphore, #tpu.memory_space<semaphore_mem>>
          %dma_start3A = tpu.memref_slice %arg2[%mul3A_13] : memref<320000xf32, #tpu.memory_space<hbm>> -> memref<128xf32, #tpu.memory_space<hbm>>
          %dma_start3A_81 = tpu.memref_slice %arg2[%mul3A_13] : memref<320000xf32, #tpu.memory_space<hbm>> -> memref<128xf32, #tpu.memory_space<hbm>>
          tpu.enqueue_dma source(%dma_start3A_81 : memref<128xf32, #tpu.memory_space<hbm>>) target(%arg8 : memref<128xf32, #tpu.memory_space<vmem>>) target_semaphore(%run_scoped3A : memref<!tpu.dma_semaphore, #tpu.memory_space<semaphore_mem>>)
          %dma_wait3A = tpu.memref_slice %arg2[%mul3A_13] : memref<320000xf32, #tpu.memory_space<hbm>> -> memref<128xf32, #tpu.memory_space<hbm>>
          %dma_wait3A_82 = tpu.memref_slice %arg2[%mul3A_13] : memref<320000xf32, #tpu.memory_space<hbm>> -> memref<128xf32, #tpu.memory_space<hbm>>
          tpu.wait_dma2 semaphore(%run_scoped3A : memref<!tpu.dma_semaphore, #tpu.memory_space<semaphore_mem>>) src(%dma_wait3A_82 : memref<128xf32, #tpu.memory_space<hbm>>) dst(%arg8 : memref<128xf32, #tpu.memory_space<vmem>>)
          tpu.yield
        }) : () -> ()
        %get3A = arith.constant 0 : index
        %get3A_14 = tpu.vector_load %arg7[%get3A] {strides = array<i32>} : memref<128xi32, #tpu.memory_space<vmem>>, vector<16xi32>,
        %gather3A = tpu.vector_load_idx %arg6[%get3A_14] : memref<10000xf32, #tpu.memory_space<vmem>>[vector<16xi32>], vector<16xf32>,
        %get3A_15 = arith.constant 0 : index
        %get3A_16 = tpu.vector_load %arg8[%get3A_15] {strides = array<i32>} : memref<128xf32, #tpu.memory_space<vmem>>, vector<16xf32>,
        %sub3A = arith.subf %get3A_16, %gather3A : vector<16xf32>
        %exp3A = math.exp %sub3A : vector<16xf32>
        %swap3A = arith.constant 0 : index
        %swap3A_17 = tpu.vector_load %arg8[%swap3A] {strides = array<i32>} : memref<128xf32, #tpu.memory_space<vmem>>, vector<16xf32>,
        tpu.vector_store %arg8[%swap3A], %exp3A {strides = array<i32>} : memref<128xf32, #tpu.memory_space<vmem>>, vector<16xf32>,
        %get3A_18 = arith.constant 16 : index
        %get3A_19 = tpu.vector_load %arg7[%get3A_18] {strides = array<i32>} : memref<128xi32, #tpu.memory_space<vmem>>, vector<16xi32>,
        %gather3A_20 = tpu.vector_load_idx %arg6[%get3A_19] : memref<10000xf32, #tpu.memory_space<vmem>>[vector<16xi32>], vector<16xf32>,
        %get3A_21 = arith.constant 16 : index
        %get3A_22 = tpu.vector_load %arg8[%get3A_21] {strides = array<i32>} : memref<128xf32, #tpu.memory_space<vmem>>, vector<16xf32>,
        %sub3A_23 = arith.subf %get3A_22, %gather3A_20 : vector<16xf32>
        %exp3A_24 = math.exp %sub3A_23 : vector<16xf32>
        %swap3A_25 = arith.constant 16 : index
        %swap3A_26 = tpu.vector_load %arg8[%swap3A_25] {strides = array<i32>} : memref<128xf32, #tpu.memory_space<vmem>>, vector<16xf32>,
        tpu.vector_store %arg8[%swap3A_25], %exp3A_24 {strides = array<i32>} : memref<128xf32, #tpu.memory_space<vmem>>, vector<16xf32>,
        %get3A_27 = arith.constant 32 : index
        %get3A_28 = tpu.vector_load %arg7[%get3A_27] {strides = array<i32>} : memref<128xi32, #tpu.memory_space<vmem>>, vector<16xi32>,
        %gather3A_29 = tpu.vector_load_idx %arg6[%get3A_28] : memref<10000xf32, #tpu.memory_space<vmem>>[vector<16xi32>], vector<16xf32>,
        %get3A_30 = arith.constant 32 : index
        %get3A_31 = tpu.vector_load %arg8[%get3A_30] {strides = array<i32>} : memref<128xf32, #tpu.memory_space<vmem>>, vector<16xf32>,
        %sub3A_32 = arith.subf %get3A_31, %gather3A_29 : vector<16xf32>
        %exp3A_33 = math.exp %sub3A_32 : vector<16xf32>
        %swap3A_34 = arith.constant 32 : index
        %swap3A_35 = tpu.vector_load %arg8[%swap3A_34] {strides = array<i32>} : memref<128xf32, #tpu.memory_space<vmem>>, vector<16xf32>,
        tpu.vector_store %arg8[%swap3A_34], %exp3A_33 {strides = array<i32>} : memref<128xf32, #tpu.memory_space<vmem>>, vector<16xf32>,
        %get3A_36 = arith.constant 48 : index
        %get3A_37 = tpu.vector_load %arg7[%get3A_36] {strides = array<i32>} : memref<128xi32, #tpu.memory_space<vmem>>, vector<16xi32>,
        %gather3A_38 = tpu.vector_load_idx %arg6[%get3A_37] : memref<10000xf32, #tpu.memory_space<vmem>>[vector<16xi32>], vector<16xf32>,
        %get3A_39 = arith.constant 48 : index
        %get3A_40 = tpu.vector_load %arg8[%get3A_39] {strides = array<i32>} : memref<128xf32, #tpu.memory_space<vmem>>, vector<16xf32>,
        %sub3A_41 = arith.subf %get3A_40, %gather3A_38 : vector<16xf32>
        %exp3A_42 = math.exp %sub3A_41 : vector<16xf32>
        %swap3A_43 = arith.constant 48 : index
        %swap3A_44 = tpu.vector_load %arg8[%swap3A_43] {strides = array<i32>} : memref<128xf32, #tpu.memory_space<vmem>>, vector<16xf32>,
        tpu.vector_store %arg8[%swap3A_43], %exp3A_42 {strides = array<i32>} : memref<128xf32, #tpu.memory_space<vmem>>, vector<16xf32>,
        %get3A_45 = arith.constant 64 : index
        %get3A_46 = tpu.vector_load %arg7[%get3A_45] {strides = array<i32>} : memref<128xi32, #tpu.memory_space<vmem>>, vector<16xi32>,
        %gather3A_47 = tpu.vector_load_idx %arg6[%get3A_46] : memref<10000xf32, #tpu.memory_space<vmem>>[vector<16xi32>], vector<16xf32>,
        %get3A_48 = arith.constant 64 : index
        %get3A_49 = tpu.vector_load %arg8[%get3A_48] {strides = array<i32>} : memref<128xf32, #tpu.memory_space<vmem>>, vector<16xf32>,
        %sub3A_50 = arith.subf %get3A_49, %gather3A_47 : vector<16xf32>
        %exp3A_51 = math.exp %sub3A_50 : vector<16xf32>
        %swap3A_52 = arith.constant 64 : index
        %swap3A_53 = tpu.vector_load %arg8[%swap3A_52] {strides = array<i32>} : memref<128xf32, #tpu.memory_space<vmem>>, vector<16xf32>,
        tpu.vector_store %arg8[%swap3A_52], %exp3A_51 {strides = array<i32>} : memref<128xf32, #tpu.memory_space<vmem>>, vector<16xf32>,
        %get3A_54 = arith.constant 80 : index
        %get3A_55 = tpu.vector_load %arg7[%get3A_54] {strides = array<i32>} : memref<128xi32, #tpu.memory_space<vmem>>, vector<16xi32>,
        %gather3A_56 = tpu.vector_load_idx %arg6[%get3A_55] : memref<10000xf32, #tpu.memory_space<vmem>>[vector<16xi32>], vector<16xf32>,
        %get3A_57 = arith.constant 80 : index
        %get3A_58 = tpu.vector_load %arg8[%get3A_57] {strides = array<i32>} : memref<128xf32, #tpu.memory_space<vmem>>, vector<16xf32>,
        %sub3A_59 = arith.subf %get3A_58, %gather3A_56 : vector<16xf32>
        %exp3A_60 = math.exp %sub3A_59 : vector<16xf32>
        %swap3A_61 = arith.constant 80 : index
        %swap3A_62 = tpu.vector_load %arg8[%swap3A_61] {strides = array<i32>} : memref<128xf32, #tpu.memory_space<vmem>>, vector<16xf32>,
        tpu.vector_store %arg8[%swap3A_61], %exp3A_60 {strides = array<i32>} : memref<128xf32, #tpu.memory_space<vmem>>, vector<16xf32>,
        %get3A_63 = arith.constant 96 : index
        %get3A_64 = tpu.vector_load %arg7[%get3A_63] {strides = array<i32>} : memref<128xi32, #tpu.memory_space<vmem>>, vector<16xi32>,
        %gather3A_65 = tpu.vector_load_idx %arg6[%get3A_64] : memref<10000xf32, #tpu.memory_space<vmem>>[vector<16xi32>], vector<16xf32>,
        %get3A_66 = arith.constant 96 : index
        %get3A_67 = tpu.vector_load %arg8[%get3A_66] {strides = array<i32>} : memref<128xf32, #tpu.memory_space<vmem>>, vector<16xf32>,
        %sub3A_68 = arith.subf %get3A_67, %gather3A_65 : vector<16xf32>
        %exp3A_69 = math.exp %sub3A_68 : vector<16xf32>
        %swap3A_70 = arith.constant 96 : index
        %swap3A_71 = tpu.vector_load %arg8[%swap3A_70] {strides = array<i32>} : memref<128xf32, #tpu.memory_space<vmem>>, vector<16xf32>,
        tpu.vector_store %arg8[%swap3A_70], %exp3A_69 {strides = array<i32>} : memref<128xf32, #tpu.memory_space<vmem>>, vector<16xf32>,
        %get3A_72 = arith.constant 112 : index
        %get3A_73 = tpu.vector_load %arg7[%get3A_72] {strides = array<i32>} : memref<128xi32, #tpu.memory_space<vmem>>, vector<16xi32>,
        %gather3A_74 = tpu.vector_load_idx %arg6[%get3A_73] : memref<10000xf32, #tpu.memory_space<vmem>>[vector<16xi32>], vector<16xf32>,
        %get3A_75 = arith.constant 112 : index
        %get3A_76 = tpu.vector_load %arg8[%get3A_75] {strides = array<i32>} : memref<128xf32, #tpu.memory_space<vmem>>, vector<16xf32>,
        %sub3A_77 = arith.subf %get3A_76, %gather3A_74 : vector<16xf32>
        %exp3A_78 = math.exp %sub3A_77 : vector<16xf32>
        %swap3A_79 = arith.constant 112 : index
        %swap3A_80 = tpu.vector_load %arg8[%swap3A_79] {strides = array<i32>} : memref<128xf32, #tpu.memory_space<vmem>>, vector<16xf32>,
        tpu.vector_store %arg8[%swap3A_79], %exp3A_78 {strides = array<i32>} : memref<128xf32, #tpu.memory_space<vmem>>, vector<16xf32>,
        "tpu.region"() ({
          %run_scoped3A = tpu.sem_alloc : memref<!tpu.dma_semaphore, #tpu.memory_space<semaphore_mem>>
          %dma_start3A = tpu.memref_slice %arg5[%mul3A_13] : memref<320000xf32, #tpu.memory_space<hbm>> -> memref<128xf32, #tpu.memory_space<hbm>>
          %dma_start3A_81 = tpu.memref_slice %arg5[%mul3A_13] : memref<320000xf32, #tpu.memory_space<hbm>> -> memref<128xf32, #tpu.memory_space<hbm>>
          tpu.enqueue_dma source(%arg8 : memref<128xf32, #tpu.memory_space<vmem>>) target(%dma_start3A_81 : memref<128xf32, #tpu.memory_space<hbm>>) target_semaphore(%run_scoped3A : memref<!tpu.dma_semaphore, #tpu.memory_space<semaphore_mem>>)
          %dma_wait3A = tpu.memref_slice %arg5[%mul3A_13] : memref<320000xf32, #tpu.memory_space<hbm>> -> memref<128xf32, #tpu.memory_space<hbm>>
          %dma_wait3A_82 = tpu.memref_slice %arg5[%mul3A_13] : memref<320000xf32, #tpu.memory_space<hbm>> -> memref<128xf32, #tpu.memory_space<hbm>>
          tpu.wait_dma2 semaphore(%run_scoped3A : memref<!tpu.dma_semaphore, #tpu.memory_space<semaphore_mem>>) src(%arg8 : memref<128xf32, #tpu.memory_space<vmem>>) dst(%dma_wait3A_82 : memref<128xf32, #tpu.memory_space<hbm>>)
          tpu.yield
        }) : () -> ()
      } else {
      }
    }
    %scan3A_5 = arith.constant 79 : i32
    return
  }
}

#map = affine_map<(d0, d1) -> (0)>
#map1 = affine_map<(d0, d1) -> (0, 0)>
module attributes {stable_mosaic.version = 14 : i64} {
  func.func @_assign_pass1_kernel(%arg0: i32, %arg1: i32, %arg2: memref<10000xf32, #tpu.memory_space<hbm>>, %arg3: memref<10000xf32, #tpu.memory_space<hbm>>, %arg4: memref<320000xi32, #tpu.memory_space<hbm>>, %arg5: memref<320000xi32, #tpu.memory_space<hbm>>, %arg6: memref<16xf32, #tpu.memory_space<hbm>>, %arg7: memref<320000xf32, #tpu.memory_space<hbm>>, %arg8: memref<32x10000xf32, #tpu.memory_space<hbm>>, %arg9: memref<10000xf32, #tpu.memory_space<vmem>>, %arg10: memref<10000xf32, #tpu.memory_space<vmem>>, %arg11: memref<10000xf32, #tpu.memory_space<vmem>>, %arg12: memref<128xi32, #tpu.memory_space<vmem>>, %arg13: memref<128xi32, #tpu.memory_space<vmem>>, %arg14: memref<128xf32, #tpu.memory_space<vmem>>, %arg15: memref<16xf32, #tpu.memory_space<vmem>>, %arg16: memref<16xi32, #tpu.memory_space<vmem>>, %arg17: memref<16xf32, #tpu.memory_space<vmem>>) attributes {dimension_semantics = [#tpu.dimension_semantics<core_parallel>, #tpu.dimension_semantics<subcore_parallel>], iteration_bounds = array<i64: 2, 16>, scalar_prefetch = 0 : i64, scratch_operands = 9 : i64, tpu.core_type = #tpu.core_type<sc_vector_subcore>, window_params = [{transform_indices = #map}, {transform_indices = #map}, {transform_indices = #map}, {transform_indices = #map}, {transform_indices = #map}, {transform_indices = #map}, {transform_indices = #map1}]} {
    %mul3A = arith.constant 2 : i32
    %mul3A_0 = arith.muli %arg1, %mul3A : i32
    %add3A = arith.addi %mul3A_0, %arg0 : i32
    "tpu.region"() ({
      %run_scoped3A = tpu.sem_alloc : memref<!tpu.dma_semaphore, #tpu.memory_space<semaphore_mem>>
      tpu.enqueue_dma source(%arg2 : memref<10000xf32, #tpu.memory_space<hbm>>) target(%arg9 : memref<10000xf32, #tpu.memory_space<vmem>>) target_semaphore(%run_scoped3A : memref<!tpu.dma_semaphore, #tpu.memory_space<semaphore_mem>>)
      tpu.wait_dma2 semaphore(%run_scoped3A : memref<!tpu.dma_semaphore, #tpu.memory_space<semaphore_mem>>) src(%arg2 : memref<10000xf32, #tpu.memory_space<hbm>>) dst(%arg9 : memref<10000xf32, #tpu.memory_space<vmem>>)
      tpu.yield
    }) : () -> ()
    "tpu.region"() ({
      %run_scoped3A = tpu.sem_alloc : memref<!tpu.dma_semaphore, #tpu.memory_space<semaphore_mem>>
      tpu.enqueue_dma source(%arg3 : memref<10000xf32, #tpu.memory_space<hbm>>) target(%arg10 : memref<10000xf32, #tpu.memory_space<vmem>>) target_semaphore(%run_scoped3A : memref<!tpu.dma_semaphore, #tpu.memory_space<semaphore_mem>>)
      tpu.wait_dma2 semaphore(%run_scoped3A : memref<!tpu.dma_semaphore, #tpu.memory_space<semaphore_mem>>) src(%arg3 : memref<10000xf32, #tpu.memory_space<hbm>>) dst(%arg10 : memref<10000xf32, #tpu.memory_space<vmem>>)
      tpu.yield
    }) : () -> ()
    "tpu.region"() ({
      %run_scoped3A = tpu.sem_alloc : memref<!tpu.dma_semaphore, #tpu.memory_space<semaphore_mem>>
      tpu.enqueue_dma source(%arg6 : memref<16xf32, #tpu.memory_space<hbm>>) target(%arg15 : memref<16xf32, #tpu.memory_space<vmem>>) target_semaphore(%run_scoped3A : memref<!tpu.dma_semaphore, #tpu.memory_space<semaphore_mem>>)
      tpu.wait_dma2 semaphore(%run_scoped3A : memref<!tpu.dma_semaphore, #tpu.memory_space<semaphore_mem>>) src(%arg6 : memref<16xf32, #tpu.memory_space<hbm>>) dst(%arg15 : memref<16xf32, #tpu.memory_space<vmem>>)
      tpu.yield
    }) : () -> ()
    %get3A = arith.constant 0 : index
    %get3A_1 = tpu.vector_load %arg15[%get3A] {strides = array<i32>} : memref<16xf32, #tpu.memory_space<vmem>>, vector<16xf32>,
    %broadcast_in_dim3A = arith.constant 0xFF800000 : f32
    %broadcast_in_dim3A_2 = vector.broadcast %broadcast_in_dim3A : f32 to vector<16xf32>
    %scan3A = arith.constant 0 : i32
    %scan3A_3 = arith.constant 0 : i32
    %scan3A_4 = arith.constant 625 : i32
    %scan3A_5 = arith.addi %scan3A_3, %scan3A_4 : i32
    %scan3A_6 = arith.constant 1 : i32
    scf.for %scan3A_14 = %scan3A_3 to %scan3A_5 step %scan3A_6  : i32 {
      %mul3A_15 = arith.constant 16 : i32
      %mul3A_16 = arith.muli %scan3A_14, %mul3A_15 : i32
      %swap3A = arith.index_cast %mul3A_16 : i32 to index
      %swap3A_17 = tpu.vector_load %arg11[%swap3A] {strides = array<i32>} : memref<10000xf32, #tpu.memory_space<vmem>>, vector<16xf32>,
      tpu.vector_store %arg11[%swap3A], %broadcast_in_dim3A_2 {strides = array<i32>} : memref<10000xf32, #tpu.memory_space<vmem>>, vector<16xf32>,
    }
    %scan3A_7 = arith.constant 625 : i32
    %scan3A_8 = arith.constant 0 : i32
    %scan3A_9 = arith.constant 0 : i32
    %scan3A_10 = arith.constant 79 : i32
    %scan3A_11 = arith.addi %scan3A_9, %scan3A_10 : i32
    %scan3A_12 = arith.constant 1 : i32
    scf.for %scan3A_14 = %scan3A_9 to %scan3A_11 step %scan3A_12  : i32 {
      %mul3A_15 = arith.constant 32 : i32
      %mul3A_16 = arith.muli %scan3A_14, %mul3A_15 : i32
      %add3A_17 = arith.addi %mul3A_16, %add3A : i32
      %lt3A = arith.constant 2500 : i32
      %lt3A_18 = arith.cmpi slt, %add3A_17, %lt3A : i32
      %convert_element_type3A = arith.extui %lt3A_18 : i1 to i32
      %cond3A = arith.constant 0 : i32
      %cond3A_19 = arith.cmpi ne, %convert_element_type3A, %cond3A : i32
      scf.if %cond3A_19 {
        %mul3A_20 = arith.constant 128 : i32
        %mul3A_21 = arith.muli %add3A_17, %mul3A_20 : i32
        "tpu.region"() ({
          %run_scoped3A = tpu.sem_alloc : memref<!tpu.dma_semaphore, #tpu.memory_space<semaphore_mem>>
          %dma_start3A = tpu.memref_slice %arg4[%mul3A_21] : memref<320000xi32, #tpu.memory_space<hbm>> -> memref<128xi32, #tpu.memory_space<hbm>>
          %dma_start3A_882 = tpu.memref_slice %arg4[%mul3A_21] : memref<320000xi32, #tpu.memory_space<hbm>> -> memref<128xi32, #tpu.memory_space<hbm>>
          tpu.enqueue_dma source(%dma_start3A_882 : memref<128xi32, #tpu.memory_space<hbm>>) target(%arg12 : memref<128xi32, #tpu.memory_space<vmem>>) target_semaphore(%run_scoped3A : memref<!tpu.dma_semaphore, #tpu.memory_space<semaphore_mem>>)
          %dma_wait3A = tpu.memref_slice %arg4[%mul3A_21] : memref<320000xi32, #tpu.memory_space<hbm>> -> memref<128xi32, #tpu.memory_space<hbm>>
          %dma_wait3A_883 = tpu.memref_slice %arg4[%mul3A_21] : memref<320000xi32, #tpu.memory_space<hbm>> -> memref<128xi32, #tpu.memory_space<hbm>>
          tpu.wait_dma2 semaphore(%run_scoped3A : memref<!tpu.dma_semaphore, #tpu.memory_space<semaphore_mem>>) src(%dma_wait3A_883 : memref<128xi32, #tpu.memory_space<hbm>>) dst(%arg12 : memref<128xi32, #tpu.memory_space<vmem>>)
          tpu.yield
        }) : () -> ()
        "tpu.region"() ({
          %run_scoped3A = tpu.sem_alloc : memref<!tpu.dma_semaphore, #tpu.memory_space<semaphore_mem>>
          %dma_start3A = tpu.memref_slice %arg5[%mul3A_21] : memref<320000xi32, #tpu.memory_space<hbm>> -> memref<128xi32, #tpu.memory_space<hbm>>
          %dma_start3A_882 = tpu.memref_slice %arg5[%mul3A_21] : memref<320000xi32, #tpu.memory_space<hbm>> -> memref<128xi32, #tpu.memory_space<hbm>>
          tpu.enqueue_dma source(%dma_start3A_882 : memref<128xi32, #tpu.memory_space<hbm>>) target(%arg13 : memref<128xi32, #tpu.memory_space<vmem>>) target_semaphore(%run_scoped3A : memref<!tpu.dma_semaphore, #tpu.memory_space<semaphore_mem>>)
          %dma_wait3A = tpu.memref_slice %arg5[%mul3A_21] : memref<320000xi32, #tpu.memory_space<hbm>> -> memref<128xi32, #tpu.memory_space<hbm>>
          %dma_wait3A_883 = tpu.memref_slice %arg5[%mul3A_21] : memref<320000xi32, #tpu.memory_space<hbm>> -> memref<128xi32, #tpu.memory_space<hbm>>
          tpu.wait_dma2 semaphore(%run_scoped3A : memref<!tpu.dma_semaphore, #tpu.memory_space<semaphore_mem>>) src(%dma_wait3A_883 : memref<128xi32, #tpu.memory_space<hbm>>) dst(%arg13 : memref<128xi32, #tpu.memory_space<vmem>>)
          tpu.yield
        }) : () -> ()
        %iota3A = tpu.iota {dimensions = array<i32: 0>} : vector<16xi32>
        %get3A_22 = arith.constant 0 : index
        %get3A_23 = tpu.vector_load %arg12[%get3A_22] {strides = array<i32>} : memref<128xi32, #tpu.memory_space<vmem>>, vector<16xi32>,
        %get3A_24 = arith.constant 0 : index
        %get3A_25 = tpu.vector_load %arg13[%get3A_24] {strides = array<i32>} : memref<128xi32, #tpu.memory_space<vmem>>, vector<16xi32>,
        %gather3A = tpu.vector_load_idx %arg9[%get3A_23] : memref<10000xf32, #tpu.memory_space<vmem>>[vector<16xi32>], vector<16xf32>,
        %gather3A_26 = tpu.vector_load_idx %arg10[%get3A_25] : memref<10000xf32, #tpu.memory_space<vmem>>[vector<16xi32>], vector<16xf32>,
        %add3A_27 = arith.addf %gather3A_26, %gather3A : vector<16xf32>
        %ge3A = arith.constant 0.000000e+00 : f32
        %ge3A_28 = vector.broadcast %ge3A : f32 to vector<16xf32>
        %ge3A_29 = arith.cmpf oge, %add3A_27, %ge3A_28 : vector<16xf32>
        %mul3A_30 = arith.constant 2.000000e-01 : f32
        %mul3A_31 = vector.broadcast %mul3A_30 : f32 to vector<16xf32>
        %mul3A_32 = arith.mulf %mul3A_31, %add3A_27 : vector<16xf32>
        %select_n3A = arith.select %ge3A_29, %add3A_27, %mul3A_32 : vector<16xi1>, vector<16xf32>
        %mul3A_33 = arith.mulf %select_n3A, %get3A_1 : vector<16xf32>
        %swap3A = arith.constant 0 : index
        %swap3A_34 = tpu.vector_load %arg14[%swap3A] {strides = array<i32>} : memref<128xf32, #tpu.memory_space<vmem>>, vector<16xf32>,
        tpu.vector_store %arg14[%swap3A], %mul3A_33 {strides = array<i32>} : memref<128xf32, #tpu.memory_space<vmem>>, vector<16xf32>,
        %masked_sort3A = arith.constant dense<true> : vector<16xi1>
        %masked_sort3A_35 = arith.constant -2147483648 : i32
        %masked_sort3A_36 = vector.broadcast %masked_sort3A_35 : i32 to vector<16xi32>
        %masked_sort3A_37 = arith.xori %get3A_25, %masked_sort3A_36 : vector<16xi32>
        %masked_sort3A_38, %masked_sort3A_39, %masked_sort3A_40 = tpu.sort %masked_sort3A_37, %mul3A_33 masked %masked_sort3A : (vector<16xi32>, vector<16xf32>, vector<16xi1>) -> (vector<16xi1>, vector<16xi32>, vector<16xf32>)
        %masked_sort3A_41 = arith.xori %masked_sort3A_39, %masked_sort3A_36 : vector<16xi32>
        %swap3A_42 = arith.constant 0 : index
        %swap3A_43 = tpu.vector_load %arg16[%swap3A_42] {strides = array<i32>} : memref<16xi32, #tpu.memory_space<vmem>>, vector<16xi32>,
        tpu.vector_store %arg16[%swap3A_42], %masked_sort3A_41 {strides = array<i32>} : memref<16xi32, #tpu.memory_space<vmem>>, vector<16xi32>,
        %swap3A_44 = arith.constant 0 : index
        %swap3A_45 = tpu.vector_load %arg17[%swap3A_44] {strides = array<i32>} : memref<16xf32, #tpu.memory_space<vmem>>, vector<16xf32>,
        tpu.vector_store %arg17[%swap3A_44], %masked_sort3A_40 {strides = array<i32>} : memref<16xf32, #tpu.memory_space<vmem>>, vector<16xf32>,
        %sub3A = arith.constant 1 : i32
        %sub3A_46 = vector.broadcast %sub3A : i32 to vector<16xi32>
        %sub3A_47 = arith.subi %iota3A, %sub3A_46 : vector<16xi32>
        %max3A = arith.constant 0 : i32
        %max3A_48 = vector.broadcast %max3A : i32 to vector<16xi32>
        %max3A_49 = arith.maxsi %sub3A_47, %max3A_48 : vector<16xi32>
        %gather3A_50 = tpu.vector_load_idx %arg16[%max3A_49] : memref<16xi32, #tpu.memory_space<vmem>>[vector<16xi32>], vector<16xi32>,
        %gather3A_51 = tpu.vector_load_idx %arg17[%max3A_49] : memref<16xf32, #tpu.memory_space<vmem>>[vector<16xi32>], vector<16xf32>,
        %eq3A = arith.cmpi eq, %gather3A_50, %masked_sort3A_41 : vector<16xi32>
        %ge3A_52 = arith.constant 1 : i32
        %ge3A_53 = vector.broadcast %ge3A_52 : i32 to vector<16xi32>
        %ge3A_54 = arith.cmpi sge, %iota3A, %ge3A_53 : vector<16xi32>
        %and3A = arith.andi %eq3A, %ge3A_54 : vector<16xi1>
        %max3A_55 = arith.maximumf %masked_sort3A_40, %gather3A_51 : vector<16xf32>
        %select_n3A_56 = arith.select %and3A, %max3A_55, %masked_sort3A_40 : vector<16xi1>, vector<16xf32>
        %swap3A_57 = arith.constant 0 : index
        %swap3A_58 = tpu.vector_load %arg17[%swap3A_57] {strides = array<i32>} : memref<16xf32, #tpu.memory_space<vmem>>, vector<16xf32>,
        tpu.vector_store %arg17[%swap3A_57], %select_n3A_56 {strides = array<i32>} : memref<16xf32, #tpu.memory_space<vmem>>, vector<16xf32>,
        %sub3A_59 = arith.constant 2 : i32
        %sub3A_60 = vector.broadcast %sub3A_59 : i32 to vector<16xi32>
        %sub3A_61 = arith.subi %iota3A, %sub3A_60 : vector<16xi32>
        %max3A_62 = arith.constant 0 : i32
        %max3A_63 = vector.broadcast %max3A_62 : i32 to vector<16xi32>
        %max3A_64 = arith.maxsi %sub3A_61, %max3A_63 : vector<16xi32>
        %gather3A_65 = tpu.vector_load_idx %arg16[%max3A_64] : memref<16xi32, #tpu.memory_space<vmem>>[vector<16xi32>], vector<16xi32>,
        %gather3A_66 = tpu.vector_load_idx %arg17[%max3A_64] : memref<16xf32, #tpu.memory_space<vmem>>[vector<16xi32>], vector<16xf32>,
        %eq3A_67 = arith.cmpi eq, %gather3A_65, %masked_sort3A_41 : vector<16xi32>
        %ge3A_68 = arith.constant 2 : i32
        %ge3A_69 = vector.broadcast %ge3A_68 : i32 to vector<16xi32>
        %ge3A_70 = arith.cmpi sge, %iota3A, %ge3A_69 : vector<16xi32>
        %and3A_71 = arith.andi %eq3A_67, %ge3A_70 : vector<16xi1>
        %max3A_72 = arith.maximumf %select_n3A_56, %gather3A_66 : vector<16xf32>
        %select_n3A_73 = arith.select %and3A_71, %max3A_72, %select_n3A_56 : vector<16xi1>, vector<16xf32>
        %swap3A_74 = arith.constant 0 : index
        %swap3A_75 = tpu.vector_load %arg17[%swap3A_74] {strides = array<i32>} : memref<16xf32, #tpu.memory_space<vmem>>, vector<16xf32>,
        tpu.vector_store %arg17[%swap3A_74], %select_n3A_73 {strides = array<i32>} : memref<16xf32, #tpu.memory_space<vmem>>, vector<16xf32>,
        %sub3A_76 = arith.constant 4 : i32
        %sub3A_77 = vector.broadcast %sub3A_76 : i32 to vector<16xi32>
        %sub3A_78 = arith.subi %iota3A, %sub3A_77 : vector<16xi32>
        %max3A_79 = arith.constant 0 : i32
        %max3A_80 = vector.broadcast %max3A_79 : i32 to vector<16xi32>
        %max3A_81 = arith.maxsi %sub3A_78, %max3A_80 : vector<16xi32>
        %gather3A_82 = tpu.vector_load_idx %arg16[%max3A_81] : memref<16xi32, #tpu.memory_space<vmem>>[vector<16xi32>], vector<16xi32>,
        %gather3A_83 = tpu.vector_load_idx %arg17[%max3A_81] : memref<16xf32, #tpu.memory_space<vmem>>[vector<16xi32>], vector<16xf32>,
        %eq3A_84 = arith.cmpi eq, %gather3A_82, %masked_sort3A_41 : vector<16xi32>
        %ge3A_85 = arith.constant 4 : i32
        %ge3A_86 = vector.broadcast %ge3A_85 : i32 to vector<16xi32>
        %ge3A_87 = arith.cmpi sge, %iota3A, %ge3A_86 : vector<16xi32>
        %and3A_88 = arith.andi %eq3A_84, %ge3A_87 : vector<16xi1>
        %max3A_89 = arith.maximumf %select_n3A_73, %gather3A_83 : vector<16xf32>
        %select_n3A_90 = arith.select %and3A_88, %max3A_89, %select_n3A_73 : vector<16xi1>, vector<16xf32>
        %swap3A_91 = arith.constant 0 : index
        %swap3A_92 = tpu.vector_load %arg17[%swap3A_91] {strides = array<i32>} : memref<16xf32, #tpu.memory_space<vmem>>, vector<16xf32>,
        tpu.vector_store %arg17[%swap3A_91], %select_n3A_90 {strides = array<i32>} : memref<16xf32, #tpu.memory_space<vmem>>, vector<16xf32>,
        %sub3A_93 = arith.constant 8 : i32
        %sub3A_94 = vector.broadcast %sub3A_93 : i32 to vector<16xi32>
        %sub3A_95 = arith.subi %iota3A, %sub3A_94 : vector<16xi32>
        %max3A_96 = arith.constant 0 : i32
        %max3A_97 = vector.broadcast %max3A_96 : i32 to vector<16xi32>
        %max3A_98 = arith.maxsi %sub3A_95, %max3A_97 : vector<16xi32>
        %gather3A_99 = tpu.vector_load_idx %arg16[%max3A_98] : memref<16xi32, #tpu.memory_space<vmem>>[vector<16xi32>], vector<16xi32>,
        %gather3A_100 = tpu.vector_load_idx %arg17[%max3A_98] : memref<16xf32, #tpu.memory_space<vmem>>[vector<16xi32>], vector<16xf32>,
        %eq3A_101 = arith.cmpi eq, %gather3A_99, %masked_sort3A_41 : vector<16xi32>
        %ge3A_102 = arith.constant 8 : i32
        %ge3A_103 = vector.broadcast %ge3A_102 : i32 to vector<16xi32>
        %ge3A_104 = arith.cmpi sge, %iota3A, %ge3A_103 : vector<16xi32>
        %and3A_105 = arith.andi %eq3A_101, %ge3A_104 : vector<16xi1>
        %max3A_106 = arith.maximumf %select_n3A_90, %gather3A_100 : vector<16xf32>
        %select_n3A_107 = arith.select %and3A_105, %max3A_106, %select_n3A_90 : vector<16xi1>, vector<16xf32>
        %add3A_108 = arith.constant 1 : i32
        %add3A_109 = vector.broadcast %add3A_108 : i32 to vector<16xi32>
        %add3A_110 = arith.addi %iota3A, %add3A_109 : vector<16xi32>
        %min3A = arith.constant 15 : i32
        %min3A_111 = vector.broadcast %min3A : i32 to vector<16xi32>
        %min3A_112 = arith.minsi %add3A_110, %min3A_111 : vector<16xi32>
        %gather3A_113 = tpu.vector_load_idx %arg16[%min3A_112] : memref<16xi32, #tpu.memory_space<vmem>>[vector<16xi32>], vector<16xi32>,
        %ne3A = arith.cmpi ne, %gather3A_113, %masked_sort3A_41 : vector<16xi32>
        %eq3A_114 = arith.constant 15 : i32
        %eq3A_115 = vector.broadcast %eq3A_114 : i32 to vector<16xi32>
        %eq3A_116 = arith.cmpi eq, %iota3A, %eq3A_115 : vector<16xi32>
        %or3A = arith.ori %ne3A, %eq3A_116 : vector<16xi1>
        %gather3A_117 = tpu.vector_load_idx %arg11[%masked_sort3A_41] : memref<10000xf32, #tpu.memory_space<vmem>>[vector<16xi32>], vector<16xf32>,
        %max3A_118 = arith.maximumf %gather3A_117, %select_n3A_107 : vector<16xf32>
        tpu.vector_store_idx %arg11[%masked_sort3A_41], %max3A_118 masked %or3A : memref<10000xf32, #tpu.memory_space<vmem>>[vector<16xi32>], vector<16xf32>, vector<16xi1>
        %get3A_119 = arith.constant 16 : index
        %get3A_120 = tpu.vector_load %arg12[%get3A_119] {strides = array<i32>} : memref<128xi32, #tpu.memory_space<vmem>>, vector<16xi32>,
        %get3A_121 = arith.constant 16 : index
        %get3A_122 = tpu.vector_load %arg13[%get3A_121] {strides = array<i32>} : memref<128xi32, #tpu.memory_space<vmem>>, vector<16xi32>,
        %gather3A_123 = tpu.vector_load_idx %arg9[%get3A_120] : memref<10000xf32, #tpu.memory_space<vmem>>[vector<16xi32>], vector<16xf32>,
        %gather3A_124 = tpu.vector_load_idx %arg10[%get3A_122] : memref<10000xf32, #tpu.memory_space<vmem>>[vector<16xi32>], vector<16xf32>,
        %add3A_125 = arith.addf %gather3A_124, %gather3A_123 : vector<16xf32>
        %ge3A_126 = arith.constant 0.000000e+00 : f32
        %ge3A_127 = vector.broadcast %ge3A_126 : f32 to vector<16xf32>
        %ge3A_128 = arith.cmpf oge, %add3A_125, %ge3A_127 : vector<16xf32>
        %mul3A_129 = arith.constant 2.000000e-01 : f32
        %mul3A_130 = vector.broadcast %mul3A_129 : f32 to vector<16xf32>
        %mul3A_131 = arith.mulf %mul3A_130, %add3A_125 : vector<16xf32>
        %select_n3A_132 = arith.select %ge3A_128, %add3A_125, %mul3A_131 : vector<16xi1>, vector<16xf32>
        %mul3A_133 = arith.mulf %select_n3A_132, %get3A_1 : vector<16xf32>
        %swap3A_134 = arith.constant 16 : index
        %swap3A_135 = tpu.vector_load %arg14[%swap3A_134] {strides = array<i32>} : memref<128xf32, #tpu.memory_space<vmem>>, vector<16xf32>,
        tpu.vector_store %arg14[%swap3A_134], %mul3A_133 {strides = array<i32>} : memref<128xf32, #tpu.memory_space<vmem>>, vector<16xf32>,
        %masked_sort3A_136 = arith.constant dense<true> : vector<16xi1>
        %masked_sort3A_137 = arith.constant -2147483648 : i32
        %masked_sort3A_138 = vector.broadcast %masked_sort3A_137 : i32 to vector<16xi32>
        %masked_sort3A_139 = arith.xori %get3A_122, %masked_sort3A_138 : vector<16xi32>
        %masked_sort3A_140, %masked_sort3A_141, %masked_sort3A_142 = tpu.sort %masked_sort3A_139, %mul3A_133 masked %masked_sort3A_136 : (vector<16xi32>, vector<16xf32>, vector<16xi1>) -> (vector<16xi1>, vector<16xi32>, vector<16xf32>)
        %masked_sort3A_143 = arith.xori %masked_sort3A_141, %masked_sort3A_138 : vector<16xi32>
        %swap3A_144 = arith.constant 0 : index
        %swap3A_145 = tpu.vector_load %arg16[%swap3A_144] {strides = array<i32>} : memref<16xi32, #tpu.memory_space<vmem>>, vector<16xi32>,
        tpu.vector_store %arg16[%swap3A_144], %masked_sort3A_143 {strides = array<i32>} : memref<16xi32, #tpu.memory_space<vmem>>, vector<16xi32>,
        %swap3A_146 = arith.constant 0 : index
        %swap3A_147 = tpu.vector_load %arg17[%swap3A_146] {strides = array<i32>} : memref<16xf32, #tpu.memory_space<vmem>>, vector<16xf32>,
        tpu.vector_store %arg17[%swap3A_146], %masked_sort3A_142 {strides = array<i32>} : memref<16xf32, #tpu.memory_space<vmem>>, vector<16xf32>,
        %sub3A_148 = arith.constant 1 : i32
        %sub3A_149 = vector.broadcast %sub3A_148 : i32 to vector<16xi32>
        %sub3A_150 = arith.subi %iota3A, %sub3A_149 : vector<16xi32>
        %max3A_151 = arith.constant 0 : i32
        %max3A_152 = vector.broadcast %max3A_151 : i32 to vector<16xi32>
        %max3A_153 = arith.maxsi %sub3A_150, %max3A_152 : vector<16xi32>
        %gather3A_154 = tpu.vector_load_idx %arg16[%max3A_153] : memref<16xi32, #tpu.memory_space<vmem>>[vector<16xi32>], vector<16xi32>,
        %gather3A_155 = tpu.vector_load_idx %arg17[%max3A_153] : memref<16xf32, #tpu.memory_space<vmem>>[vector<16xi32>], vector<16xf32>,
        %eq3A_156 = arith.cmpi eq, %gather3A_154, %masked_sort3A_143 : vector<16xi32>
        %ge3A_157 = arith.constant 1 : i32
        %ge3A_158 = vector.broadcast %ge3A_157 : i32 to vector<16xi32>
        %ge3A_159 = arith.cmpi sge, %iota3A, %ge3A_158 : vector<16xi32>
        %and3A_160 = arith.andi %eq3A_156, %ge3A_159 : vector<16xi1>
        %max3A_161 = arith.maximumf %masked_sort3A_142, %gather3A_155 : vector<16xf32>
        %select_n3A_162 = arith.select %and3A_160, %max3A_161, %masked_sort3A_142 : vector<16xi1>, vector<16xf32>
        %swap3A_163 = arith.constant 0 : index
        %swap3A_164 = tpu.vector_load %arg17[%swap3A_163] {strides = array<i32>} : memref<16xf32, #tpu.memory_space<vmem>>, vector<16xf32>,
        tpu.vector_store %arg17[%swap3A_163], %select_n3A_162 {strides = array<i32>} : memref<16xf32, #tpu.memory_space<vmem>>, vector<16xf32>,
        %sub3A_165 = arith.constant 2 : i32
        %sub3A_166 = vector.broadcast %sub3A_165 : i32 to vector<16xi32>
        %sub3A_167 = arith.subi %iota3A, %sub3A_166 : vector<16xi32>
        %max3A_168 = arith.constant 0 : i32
        %max3A_169 = vector.broadcast %max3A_168 : i32 to vector<16xi32>
        %max3A_170 = arith.maxsi %sub3A_167, %max3A_169 : vector<16xi32>
        %gather3A_171 = tpu.vector_load_idx %arg16[%max3A_170] : memref<16xi32, #tpu.memory_space<vmem>>[vector<16xi32>], vector<16xi32>,
        %gather3A_172 = tpu.vector_load_idx %arg17[%max3A_170] : memref<16xf32, #tpu.memory_space<vmem>>[vector<16xi32>], vector<16xf32>,
        %eq3A_173 = arith.cmpi eq, %gather3A_171, %masked_sort3A_143 : vector<16xi32>
        %ge3A_174 = arith.constant 2 : i32
        %ge3A_175 = vector.broadcast %ge3A_174 : i32 to vector<16xi32>
        %ge3A_176 = arith.cmpi sge, %iota3A, %ge3A_175 : vector<16xi32>
        %and3A_177 = arith.andi %eq3A_173, %ge3A_176 : vector<16xi1>
        %max3A_178 = arith.maximumf %select_n3A_162, %gather3A_172 : vector<16xf32>
        %select_n3A_179 = arith.select %and3A_177, %max3A_178, %select_n3A_162 : vector<16xi1>, vector<16xf32>
        %swap3A_180 = arith.constant 0 : index
        %swap3A_181 = tpu.vector_load %arg17[%swap3A_180] {strides = array<i32>} : memref<16xf32, #tpu.memory_space<vmem>>, vector<16xf32>,
        tpu.vector_store %arg17[%swap3A_180], %select_n3A_179 {strides = array<i32>} : memref<16xf32, #tpu.memory_space<vmem>>, vector<16xf32>,
        %sub3A_182 = arith.constant 4 : i32
        %sub3A_183 = vector.broadcast %sub3A_182 : i32 to vector<16xi32>
        %sub3A_184 = arith.subi %iota3A, %sub3A_183 : vector<16xi32>
        %max3A_185 = arith.constant 0 : i32
        %max3A_186 = vector.broadcast %max3A_185 : i32 to vector<16xi32>
        %max3A_187 = arith.maxsi %sub3A_184, %max3A_186 : vector<16xi32>
        %gather3A_188 = tpu.vector_load_idx %arg16[%max3A_187] : memref<16xi32, #tpu.memory_space<vmem>>[vector<16xi32>], vector<16xi32>,
        %gather3A_189 = tpu.vector_load_idx %arg17[%max3A_187] : memref<16xf32, #tpu.memory_space<vmem>>[vector<16xi32>], vector<16xf32>,
        %eq3A_190 = arith.cmpi eq, %gather3A_188, %masked_sort3A_143 : vector<16xi32>
        %ge3A_191 = arith.constant 4 : i32
        %ge3A_192 = vector.broadcast %ge3A_191 : i32 to vector<16xi32>
        %ge3A_193 = arith.cmpi sge, %iota3A, %ge3A_192 : vector<16xi32>
        %and3A_194 = arith.andi %eq3A_190, %ge3A_193 : vector<16xi1>
        %max3A_195 = arith.maximumf %select_n3A_179, %gather3A_189 : vector<16xf32>
        %select_n3A_196 = arith.select %and3A_194, %max3A_195, %select_n3A_179 : vector<16xi1>, vector<16xf32>
        %swap3A_197 = arith.constant 0 : index
        %swap3A_198 = tpu.vector_load %arg17[%swap3A_197] {strides = array<i32>} : memref<16xf32, #tpu.memory_space<vmem>>, vector<16xf32>,
        tpu.vector_store %arg17[%swap3A_197], %select_n3A_196 {strides = array<i32>} : memref<16xf32, #tpu.memory_space<vmem>>, vector<16xf32>,
        %sub3A_199 = arith.constant 8 : i32
        %sub3A_200 = vector.broadcast %sub3A_199 : i32 to vector<16xi32>
        %sub3A_201 = arith.subi %iota3A, %sub3A_200 : vector<16xi32>
        %max3A_202 = arith.constant 0 : i32
        %max3A_203 = vector.broadcast %max3A_202 : i32 to vector<16xi32>
        %max3A_204 = arith.maxsi %sub3A_201, %max3A_203 : vector<16xi32>
        %gather3A_205 = tpu.vector_load_idx %arg16[%max3A_204] : memref<16xi32, #tpu.memory_space<vmem>>[vector<16xi32>], vector<16xi32>,
        %gather3A_206 = tpu.vector_load_idx %arg17[%max3A_204] : memref<16xf32, #tpu.memory_space<vmem>>[vector<16xi32>], vector<16xf32>,
        %eq3A_207 = arith.cmpi eq, %gather3A_205, %masked_sort3A_143 : vector<16xi32>
        %ge3A_208 = arith.constant 8 : i32
        %ge3A_209 = vector.broadcast %ge3A_208 : i32 to vector<16xi32>
        %ge3A_210 = arith.cmpi sge, %iota3A, %ge3A_209 : vector<16xi32>
        %and3A_211 = arith.andi %eq3A_207, %ge3A_210 : vector<16xi1>
        %max3A_212 = arith.maximumf %select_n3A_196, %gather3A_206 : vector<16xf32>
        %select_n3A_213 = arith.select %and3A_211, %max3A_212, %select_n3A_196 : vector<16xi1>, vector<16xf32>
        %add3A_214 = arith.constant 1 : i32
        %add3A_215 = vector.broadcast %add3A_214 : i32 to vector<16xi32>
        %add3A_216 = arith.addi %iota3A, %add3A_215 : vector<16xi32>
        %min3A_217 = arith.constant 15 : i32
        %min3A_218 = vector.broadcast %min3A_217 : i32 to vector<16xi32>
        %min3A_219 = arith.minsi %add3A_216, %min3A_218 : vector<16xi32>
        %gather3A_220 = tpu.vector_load_idx %arg16[%min3A_219] : memref<16xi32, #tpu.memory_space<vmem>>[vector<16xi32>], vector<16xi32>,
        %ne3A_221 = arith.cmpi ne, %gather3A_220, %masked_sort3A_143 : vector<16xi32>
        %eq3A_222 = arith.constant 15 : i32
        %eq3A_223 = vector.broadcast %eq3A_222 : i32 to vector<16xi32>
        %eq3A_224 = arith.cmpi eq, %iota3A, %eq3A_223 : vector<16xi32>
        %or3A_225 = arith.ori %ne3A_221, %eq3A_224 : vector<16xi1>
        %gather3A_226 = tpu.vector_load_idx %arg11[%masked_sort3A_143] : memref<10000xf32, #tpu.memory_space<vmem>>[vector<16xi32>], vector<16xf32>,
        %max3A_227 = arith.maximumf %gather3A_226, %select_n3A_213 : vector<16xf32>
        tpu.vector_store_idx %arg11[%masked_sort3A_143], %max3A_227 masked %or3A_225 : memref<10000xf32, #tpu.memory_space<vmem>>[vector<16xi32>], vector<16xf32>, vector<16xi1>
        %get3A_228 = arith.constant 32 : index
        %get3A_229 = tpu.vector_load %arg12[%get3A_228] {strides = array<i32>} : memref<128xi32, #tpu.memory_space<vmem>>, vector<16xi32>,
        %get3A_230 = arith.constant 32 : index
        %get3A_231 = tpu.vector_load %arg13[%get3A_230] {strides = array<i32>} : memref<128xi32, #tpu.memory_space<vmem>>, vector<16xi32>,
        %gather3A_232 = tpu.vector_load_idx %arg9[%get3A_229] : memref<10000xf32, #tpu.memory_space<vmem>>[vector<16xi32>], vector<16xf32>,
        %gather3A_233 = tpu.vector_load_idx %arg10[%get3A_231] : memref<10000xf32, #tpu.memory_space<vmem>>[vector<16xi32>], vector<16xf32>,
        %add3A_234 = arith.addf %gather3A_233, %gather3A_232 : vector<16xf32>
        %ge3A_235 = arith.constant 0.000000e+00 : f32
        %ge3A_236 = vector.broadcast %ge3A_235 : f32 to vector<16xf32>
        %ge3A_237 = arith.cmpf oge, %add3A_234, %ge3A_236 : vector<16xf32>
        %mul3A_238 = arith.constant 2.000000e-01 : f32
        %mul3A_239 = vector.broadcast %mul3A_238 : f32 to vector<16xf32>
        %mul3A_240 = arith.mulf %mul3A_239, %add3A_234 : vector<16xf32>
        %select_n3A_241 = arith.select %ge3A_237, %add3A_234, %mul3A_240 : vector<16xi1>, vector<16xf32>
        %mul3A_242 = arith.mulf %select_n3A_241, %get3A_1 : vector<16xf32>
        %swap3A_243 = arith.constant 32 : index
        %swap3A_244 = tpu.vector_load %arg14[%swap3A_243] {strides = array<i32>} : memref<128xf32, #tpu.memory_space<vmem>>, vector<16xf32>,
        tpu.vector_store %arg14[%swap3A_243], %mul3A_242 {strides = array<i32>} : memref<128xf32, #tpu.memory_space<vmem>>, vector<16xf32>,
        %masked_sort3A_245 = arith.constant dense<true> : vector<16xi1>
        %masked_sort3A_246 = arith.constant -2147483648 : i32
        %masked_sort3A_247 = vector.broadcast %masked_sort3A_246 : i32 to vector<16xi32>
        %masked_sort3A_248 = arith.xori %get3A_231, %masked_sort3A_247 : vector<16xi32>
        %masked_sort3A_249, %masked_sort3A_250, %masked_sort3A_251 = tpu.sort %masked_sort3A_248, %mul3A_242 masked %masked_sort3A_245 : (vector<16xi32>, vector<16xf32>, vector<16xi1>) -> (vector<16xi1>, vector<16xi32>, vector<16xf32>)
        %masked_sort3A_252 = arith.xori %masked_sort3A_250, %masked_sort3A_247 : vector<16xi32>
        %swap3A_253 = arith.constant 0 : index
        %swap3A_254 = tpu.vector_load %arg16[%swap3A_253] {strides = array<i32>} : memref<16xi32, #tpu.memory_space<vmem>>, vector<16xi32>,
        tpu.vector_store %arg16[%swap3A_253], %masked_sort3A_252 {strides = array<i32>} : memref<16xi32, #tpu.memory_space<vmem>>, vector<16xi32>,
        %swap3A_255 = arith.constant 0 : index
        %swap3A_256 = tpu.vector_load %arg17[%swap3A_255] {strides = array<i32>} : memref<16xf32, #tpu.memory_space<vmem>>, vector<16xf32>,
        tpu.vector_store %arg17[%swap3A_255], %masked_sort3A_251 {strides = array<i32>} : memref<16xf32, #tpu.memory_space<vmem>>, vector<16xf32>,
        %sub3A_257 = arith.constant 1 : i32
        %sub3A_258 = vector.broadcast %sub3A_257 : i32 to vector<16xi32>
        %sub3A_259 = arith.subi %iota3A, %sub3A_258 : vector<16xi32>
        %max3A_260 = arith.constant 0 : i32
        %max3A_261 = vector.broadcast %max3A_260 : i32 to vector<16xi32>
        %max3A_262 = arith.maxsi %sub3A_259, %max3A_261 : vector<16xi32>
        %gather3A_263 = tpu.vector_load_idx %arg16[%max3A_262] : memref<16xi32, #tpu.memory_space<vmem>>[vector<16xi32>], vector<16xi32>,
        %gather3A_264 = tpu.vector_load_idx %arg17[%max3A_262] : memref<16xf32, #tpu.memory_space<vmem>>[vector<16xi32>], vector<16xf32>,
        %eq3A_265 = arith.cmpi eq, %gather3A_263, %masked_sort3A_252 : vector<16xi32>
        %ge3A_266 = arith.constant 1 : i32
        %ge3A_267 = vector.broadcast %ge3A_266 : i32 to vector<16xi32>
        %ge3A_268 = arith.cmpi sge, %iota3A, %ge3A_267 : vector<16xi32>
        %and3A_269 = arith.andi %eq3A_265, %ge3A_268 : vector<16xi1>
        %max3A_270 = arith.maximumf %masked_sort3A_251, %gather3A_264 : vector<16xf32>
        %select_n3A_271 = arith.select %and3A_269, %max3A_270, %masked_sort3A_251 : vector<16xi1>, vector<16xf32>
        %swap3A_272 = arith.constant 0 : index
        %swap3A_273 = tpu.vector_load %arg17[%swap3A_272] {strides = array<i32>} : memref<16xf32, #tpu.memory_space<vmem>>, vector<16xf32>,
        tpu.vector_store %arg17[%swap3A_272], %select_n3A_271 {strides = array<i32>} : memref<16xf32, #tpu.memory_space<vmem>>, vector<16xf32>,
        %sub3A_274 = arith.constant 2 : i32
        %sub3A_275 = vector.broadcast %sub3A_274 : i32 to vector<16xi32>
        %sub3A_276 = arith.subi %iota3A, %sub3A_275 : vector<16xi32>
        %max3A_277 = arith.constant 0 : i32
        %max3A_278 = vector.broadcast %max3A_277 : i32 to vector<16xi32>
        %max3A_279 = arith.maxsi %sub3A_276, %max3A_278 : vector<16xi32>
        %gather3A_280 = tpu.vector_load_idx %arg16[%max3A_279] : memref<16xi32, #tpu.memory_space<vmem>>[vector<16xi32>], vector<16xi32>,
        %gather3A_281 = tpu.vector_load_idx %arg17[%max3A_279] : memref<16xf32, #tpu.memory_space<vmem>>[vector<16xi32>], vector<16xf32>,
        %eq3A_282 = arith.cmpi eq, %gather3A_280, %masked_sort3A_252 : vector<16xi32>
        %ge3A_283 = arith.constant 2 : i32
        %ge3A_284 = vector.broadcast %ge3A_283 : i32 to vector<16xi32>
        %ge3A_285 = arith.cmpi sge, %iota3A, %ge3A_284 : vector<16xi32>
        %and3A_286 = arith.andi %eq3A_282, %ge3A_285 : vector<16xi1>
        %max3A_287 = arith.maximumf %select_n3A_271, %gather3A_281 : vector<16xf32>
        %select_n3A_288 = arith.select %and3A_286, %max3A_287, %select_n3A_271 : vector<16xi1>, vector<16xf32>
        %swap3A_289 = arith.constant 0 : index
        %swap3A_290 = tpu.vector_load %arg17[%swap3A_289] {strides = array<i32>} : memref<16xf32, #tpu.memory_space<vmem>>, vector<16xf32>,
        tpu.vector_store %arg17[%swap3A_289], %select_n3A_288 {strides = array<i32>} : memref<16xf32, #tpu.memory_space<vmem>>, vector<16xf32>,
        %sub3A_291 = arith.constant 4 : i32
        %sub3A_292 = vector.broadcast %sub3A_291 : i32 to vector<16xi32>
        %sub3A_293 = arith.subi %iota3A, %sub3A_292 : vector<16xi32>
        %max3A_294 = arith.constant 0 : i32
        %max3A_295 = vector.broadcast %max3A_294 : i32 to vector<16xi32>
        %max3A_296 = arith.maxsi %sub3A_293, %max3A_295 : vector<16xi32>
        %gather3A_297 = tpu.vector_load_idx %arg16[%max3A_296] : memref<16xi32, #tpu.memory_space<vmem>>[vector<16xi32>], vector<16xi32>,
        %gather3A_298 = tpu.vector_load_idx %arg17[%max3A_296] : memref<16xf32, #tpu.memory_space<vmem>>[vector<16xi32>], vector<16xf32>,
        %eq3A_299 = arith.cmpi eq, %gather3A_297, %masked_sort3A_252 : vector<16xi32>
        %ge3A_300 = arith.constant 4 : i32
        %ge3A_301 = vector.broadcast %ge3A_300 : i32 to vector<16xi32>
        %ge3A_302 = arith.cmpi sge, %iota3A, %ge3A_301 : vector<16xi32>
        %and3A_303 = arith.andi %eq3A_299, %ge3A_302 : vector<16xi1>
        %max3A_304 = arith.maximumf %select_n3A_288, %gather3A_298 : vector<16xf32>
        %select_n3A_305 = arith.select %and3A_303, %max3A_304, %select_n3A_288 : vector<16xi1>, vector<16xf32>
        %swap3A_306 = arith.constant 0 : index
        %swap3A_307 = tpu.vector_load %arg17[%swap3A_306] {strides = array<i32>} : memref<16xf32, #tpu.memory_space<vmem>>, vector<16xf32>,
        tpu.vector_store %arg17[%swap3A_306], %select_n3A_305 {strides = array<i32>} : memref<16xf32, #tpu.memory_space<vmem>>, vector<16xf32>,
        %sub3A_308 = arith.constant 8 : i32
        %sub3A_309 = vector.broadcast %sub3A_308 : i32 to vector<16xi32>
        %sub3A_310 = arith.subi %iota3A, %sub3A_309 : vector<16xi32>
        %max3A_311 = arith.constant 0 : i32
        %max3A_312 = vector.broadcast %max3A_311 : i32 to vector<16xi32>
        %max3A_313 = arith.maxsi %sub3A_310, %max3A_312 : vector<16xi32>
        %gather3A_314 = tpu.vector_load_idx %arg16[%max3A_313] : memref<16xi32, #tpu.memory_space<vmem>>[vector<16xi32>], vector<16xi32>,
        %gather3A_315 = tpu.vector_load_idx %arg17[%max3A_313] : memref<16xf32, #tpu.memory_space<vmem>>[vector<16xi32>], vector<16xf32>,
        %eq3A_316 = arith.cmpi eq, %gather3A_314, %masked_sort3A_252 : vector<16xi32>
        %ge3A_317 = arith.constant 8 : i32
        %ge3A_318 = vector.broadcast %ge3A_317 : i32 to vector<16xi32>
        %ge3A_319 = arith.cmpi sge, %iota3A, %ge3A_318 : vector<16xi32>
        %and3A_320 = arith.andi %eq3A_316, %ge3A_319 : vector<16xi1>
        %max3A_321 = arith.maximumf %select_n3A_305, %gather3A_315 : vector<16xf32>
        %select_n3A_322 = arith.select %and3A_320, %max3A_321, %select_n3A_305 : vector<16xi1>, vector<16xf32>
        %add3A_323 = arith.constant 1 : i32
        %add3A_324 = vector.broadcast %add3A_323 : i32 to vector<16xi32>
        %add3A_325 = arith.addi %iota3A, %add3A_324 : vector<16xi32>
        %min3A_326 = arith.constant 15 : i32
        %min3A_327 = vector.broadcast %min3A_326 : i32 to vector<16xi32>
        %min3A_328 = arith.minsi %add3A_325, %min3A_327 : vector<16xi32>
        %gather3A_329 = tpu.vector_load_idx %arg16[%min3A_328] : memref<16xi32, #tpu.memory_space<vmem>>[vector<16xi32>], vector<16xi32>,
        %ne3A_330 = arith.cmpi ne, %gather3A_329, %masked_sort3A_252 : vector<16xi32>
        %eq3A_331 = arith.constant 15 : i32
        %eq3A_332 = vector.broadcast %eq3A_331 : i32 to vector<16xi32>
        %eq3A_333 = arith.cmpi eq, %iota3A, %eq3A_332 : vector<16xi32>
        %or3A_334 = arith.ori %ne3A_330, %eq3A_333 : vector<16xi1>
        %gather3A_335 = tpu.vector_load_idx %arg11[%masked_sort3A_252] : memref<10000xf32, #tpu.memory_space<vmem>>[vector<16xi32>], vector<16xf32>,
        %max3A_336 = arith.maximumf %gather3A_335, %select_n3A_322 : vector<16xf32>
        tpu.vector_store_idx %arg11[%masked_sort3A_252], %max3A_336 masked %or3A_334 : memref<10000xf32, #tpu.memory_space<vmem>>[vector<16xi32>], vector<16xf32>, vector<16xi1>
        %get3A_337 = arith.constant 48 : index
        %get3A_338 = tpu.vector_load %arg12[%get3A_337] {strides = array<i32>} : memref<128xi32, #tpu.memory_space<vmem>>, vector<16xi32>,
        %get3A_339 = arith.constant 48 : index
        %get3A_340 = tpu.vector_load %arg13[%get3A_339] {strides = array<i32>} : memref<128xi32, #tpu.memory_space<vmem>>, vector<16xi32>,
        %gather3A_341 = tpu.vector_load_idx %arg9[%get3A_338] : memref<10000xf32, #tpu.memory_space<vmem>>[vector<16xi32>], vector<16xf32>,
        %gather3A_342 = tpu.vector_load_idx %arg10[%get3A_340] : memref<10000xf32, #tpu.memory_space<vmem>>[vector<16xi32>], vector<16xf32>,
        %add3A_343 = arith.addf %gather3A_342, %gather3A_341 : vector<16xf32>
        %ge3A_344 = arith.constant 0.000000e+00 : f32
        %ge3A_345 = vector.broadcast %ge3A_344 : f32 to vector<16xf32>
        %ge3A_346 = arith.cmpf oge, %add3A_343, %ge3A_345 : vector<16xf32>
        %mul3A_347 = arith.constant 2.000000e-01 : f32
        %mul3A_348 = vector.broadcast %mul3A_347 : f32 to vector<16xf32>
        %mul3A_349 = arith.mulf %mul3A_348, %add3A_343 : vector<16xf32>
        %select_n3A_350 = arith.select %ge3A_346, %add3A_343, %mul3A_349 : vector<16xi1>, vector<16xf32>
        %mul3A_351 = arith.mulf %select_n3A_350, %get3A_1 : vector<16xf32>
        %swap3A_352 = arith.constant 48 : index
        %swap3A_353 = tpu.vector_load %arg14[%swap3A_352] {strides = array<i32>} : memref<128xf32, #tpu.memory_space<vmem>>, vector<16xf32>,
        tpu.vector_store %arg14[%swap3A_352], %mul3A_351 {strides = array<i32>} : memref<128xf32, #tpu.memory_space<vmem>>, vector<16xf32>,
        %masked_sort3A_354 = arith.constant dense<true> : vector<16xi1>
        %masked_sort3A_355 = arith.constant -2147483648 : i32
        %masked_sort3A_356 = vector.broadcast %masked_sort3A_355 : i32 to vector<16xi32>
        %masked_sort3A_357 = arith.xori %get3A_340, %masked_sort3A_356 : vector<16xi32>
        %masked_sort3A_358, %masked_sort3A_359, %masked_sort3A_360 = tpu.sort %masked_sort3A_357, %mul3A_351 masked %masked_sort3A_354 : (vector<16xi32>, vector<16xf32>, vector<16xi1>) -> (vector<16xi1>, vector<16xi32>, vector<16xf32>)
        %masked_sort3A_361 = arith.xori %masked_sort3A_359, %masked_sort3A_356 : vector<16xi32>
        %swap3A_362 = arith.constant 0 : index
        %swap3A_363 = tpu.vector_load %arg16[%swap3A_362] {strides = array<i32>} : memref<16xi32, #tpu.memory_space<vmem>>, vector<16xi32>,
        tpu.vector_store %arg16[%swap3A_362], %masked_sort3A_361 {strides = array<i32>} : memref<16xi32, #tpu.memory_space<vmem>>, vector<16xi32>,
        %swap3A_364 = arith.constant 0 : index
        %swap3A_365 = tpu.vector_load %arg17[%swap3A_364] {strides = array<i32>} : memref<16xf32, #tpu.memory_space<vmem>>, vector<16xf32>,
        tpu.vector_store %arg17[%swap3A_364], %masked_sort3A_360 {strides = array<i32>} : memref<16xf32, #tpu.memory_space<vmem>>, vector<16xf32>,
        %sub3A_366 = arith.constant 1 : i32
        %sub3A_367 = vector.broadcast %sub3A_366 : i32 to vector<16xi32>
        %sub3A_368 = arith.subi %iota3A, %sub3A_367 : vector<16xi32>
        %max3A_369 = arith.constant 0 : i32
        %max3A_370 = vector.broadcast %max3A_369 : i32 to vector<16xi32>
        %max3A_371 = arith.maxsi %sub3A_368, %max3A_370 : vector<16xi32>
        %gather3A_372 = tpu.vector_load_idx %arg16[%max3A_371] : memref<16xi32, #tpu.memory_space<vmem>>[vector<16xi32>], vector<16xi32>,
        %gather3A_373 = tpu.vector_load_idx %arg17[%max3A_371] : memref<16xf32, #tpu.memory_space<vmem>>[vector<16xi32>], vector<16xf32>,
        %eq3A_374 = arith.cmpi eq, %gather3A_372, %masked_sort3A_361 : vector<16xi32>
        %ge3A_375 = arith.constant 1 : i32
        %ge3A_376 = vector.broadcast %ge3A_375 : i32 to vector<16xi32>
        %ge3A_377 = arith.cmpi sge, %iota3A, %ge3A_376 : vector<16xi32>
        %and3A_378 = arith.andi %eq3A_374, %ge3A_377 : vector<16xi1>
        %max3A_379 = arith.maximumf %masked_sort3A_360, %gather3A_373 : vector<16xf32>
        %select_n3A_380 = arith.select %and3A_378, %max3A_379, %masked_sort3A_360 : vector<16xi1>, vector<16xf32>
        %swap3A_381 = arith.constant 0 : index
        %swap3A_382 = tpu.vector_load %arg17[%swap3A_381] {strides = array<i32>} : memref<16xf32, #tpu.memory_space<vmem>>, vector<16xf32>,
        tpu.vector_store %arg17[%swap3A_381], %select_n3A_380 {strides = array<i32>} : memref<16xf32, #tpu.memory_space<vmem>>, vector<16xf32>,
        %sub3A_383 = arith.constant 2 : i32
        %sub3A_384 = vector.broadcast %sub3A_383 : i32 to vector<16xi32>
        %sub3A_385 = arith.subi %iota3A, %sub3A_384 : vector<16xi32>
        %max3A_386 = arith.constant 0 : i32
        %max3A_387 = vector.broadcast %max3A_386 : i32 to vector<16xi32>
        %max3A_388 = arith.maxsi %sub3A_385, %max3A_387 : vector<16xi32>
        %gather3A_389 = tpu.vector_load_idx %arg16[%max3A_388] : memref<16xi32, #tpu.memory_space<vmem>>[vector<16xi32>], vector<16xi32>,
        %gather3A_390 = tpu.vector_load_idx %arg17[%max3A_388] : memref<16xf32, #tpu.memory_space<vmem>>[vector<16xi32>], vector<16xf32>,
        %eq3A_391 = arith.cmpi eq, %gather3A_389, %masked_sort3A_361 : vector<16xi32>
        %ge3A_392 = arith.constant 2 : i32
        %ge3A_393 = vector.broadcast %ge3A_392 : i32 to vector<16xi32>
        %ge3A_394 = arith.cmpi sge, %iota3A, %ge3A_393 : vector<16xi32>
        %and3A_395 = arith.andi %eq3A_391, %ge3A_394 : vector<16xi1>
        %max3A_396 = arith.maximumf %select_n3A_380, %gather3A_390 : vector<16xf32>
        %select_n3A_397 = arith.select %and3A_395, %max3A_396, %select_n3A_380 : vector<16xi1>, vector<16xf32>
        %swap3A_398 = arith.constant 0 : index
        %swap3A_399 = tpu.vector_load %arg17[%swap3A_398] {strides = array<i32>} : memref<16xf32, #tpu.memory_space<vmem>>, vector<16xf32>,
        tpu.vector_store %arg17[%swap3A_398], %select_n3A_397 {strides = array<i32>} : memref<16xf32, #tpu.memory_space<vmem>>, vector<16xf32>,
        %sub3A_400 = arith.constant 4 : i32
        %sub3A_401 = vector.broadcast %sub3A_400 : i32 to vector<16xi32>
        %sub3A_402 = arith.subi %iota3A, %sub3A_401 : vector<16xi32>
        %max3A_403 = arith.constant 0 : i32
        %max3A_404 = vector.broadcast %max3A_403 : i32 to vector<16xi32>
        %max3A_405 = arith.maxsi %sub3A_402, %max3A_404 : vector<16xi32>
        %gather3A_406 = tpu.vector_load_idx %arg16[%max3A_405] : memref<16xi32, #tpu.memory_space<vmem>>[vector<16xi32>], vector<16xi32>,
        %gather3A_407 = tpu.vector_load_idx %arg17[%max3A_405] : memref<16xf32, #tpu.memory_space<vmem>>[vector<16xi32>], vector<16xf32>,
        %eq3A_408 = arith.cmpi eq, %gather3A_406, %masked_sort3A_361 : vector<16xi32>
        %ge3A_409 = arith.constant 4 : i32
        %ge3A_410 = vector.broadcast %ge3A_409 : i32 to vector<16xi32>
        %ge3A_411 = arith.cmpi sge, %iota3A, %ge3A_410 : vector<16xi32>
        %and3A_412 = arith.andi %eq3A_408, %ge3A_411 : vector<16xi1>
        %max3A_413 = arith.maximumf %select_n3A_397, %gather3A_407 : vector<16xf32>
        %select_n3A_414 = arith.select %and3A_412, %max3A_413, %select_n3A_397 : vector<16xi1>, vector<16xf32>
        %swap3A_415 = arith.constant 0 : index
        %swap3A_416 = tpu.vector_load %arg17[%swap3A_415] {strides = array<i32>} : memref<16xf32, #tpu.memory_space<vmem>>, vector<16xf32>,
        tpu.vector_store %arg17[%swap3A_415], %select_n3A_414 {strides = array<i32>} : memref<16xf32, #tpu.memory_space<vmem>>, vector<16xf32>,
        %sub3A_417 = arith.constant 8 : i32
        %sub3A_418 = vector.broadcast %sub3A_417 : i32 to vector<16xi32>
        %sub3A_419 = arith.subi %iota3A, %sub3A_418 : vector<16xi32>
        %max3A_420 = arith.constant 0 : i32
        %max3A_421 = vector.broadcast %max3A_420 : i32 to vector<16xi32>
        %max3A_422 = arith.maxsi %sub3A_419, %max3A_421 : vector<16xi32>
        %gather3A_423 = tpu.vector_load_idx %arg16[%max3A_422] : memref<16xi32, #tpu.memory_space<vmem>>[vector<16xi32>], vector<16xi32>,
        %gather3A_424 = tpu.vector_load_idx %arg17[%max3A_422] : memref<16xf32, #tpu.memory_space<vmem>>[vector<16xi32>], vector<16xf32>,
        %eq3A_425 = arith.cmpi eq, %gather3A_423, %masked_sort3A_361 : vector<16xi32>
        %ge3A_426 = arith.constant 8 : i32
        %ge3A_427 = vector.broadcast %ge3A_426 : i32 to vector<16xi32>
        %ge3A_428 = arith.cmpi sge, %iota3A, %ge3A_427 : vector<16xi32>
        %and3A_429 = arith.andi %eq3A_425, %ge3A_428 : vector<16xi1>
        %max3A_430 = arith.maximumf %select_n3A_414, %gather3A_424 : vector<16xf32>
        %select_n3A_431 = arith.select %and3A_429, %max3A_430, %select_n3A_414 : vector<16xi1>, vector<16xf32>
        %add3A_432 = arith.constant 1 : i32
        %add3A_433 = vector.broadcast %add3A_432 : i32 to vector<16xi32>
        %add3A_434 = arith.addi %iota3A, %add3A_433 : vector<16xi32>
        %min3A_435 = arith.constant 15 : i32
        %min3A_436 = vector.broadcast %min3A_435 : i32 to vector<16xi32>
        %min3A_437 = arith.minsi %add3A_434, %min3A_436 : vector<16xi32>
        %gather3A_438 = tpu.vector_load_idx %arg16[%min3A_437] : memref<16xi32, #tpu.memory_space<vmem>>[vector<16xi32>], vector<16xi32>,
        %ne3A_439 = arith.cmpi ne, %gather3A_438, %masked_sort3A_361 : vector<16xi32>
        %eq3A_440 = arith.constant 15 : i32
        %eq3A_441 = vector.broadcast %eq3A_440 : i32 to vector<16xi32>
        %eq3A_442 = arith.cmpi eq, %iota3A, %eq3A_441 : vector<16xi32>
        %or3A_443 = arith.ori %ne3A_439, %eq3A_442 : vector<16xi1>
        %gather3A_444 = tpu.vector_load_idx %arg11[%masked_sort3A_361] : memref<10000xf32, #tpu.memory_space<vmem>>[vector<16xi32>], vector<16xf32>,
        %max3A_445 = arith.maximumf %gather3A_444, %select_n3A_431 : vector<16xf32>
        tpu.vector_store_idx %arg11[%masked_sort3A_361], %max3A_445 masked %or3A_443 : memref<10000xf32, #tpu.memory_space<vmem>>[vector<16xi32>], vector<16xf32>, vector<16xi1>
        %get3A_446 = arith.constant 64 : index
        %get3A_447 = tpu.vector_load %arg12[%get3A_446] {strides = array<i32>} : memref<128xi32, #tpu.memory_space<vmem>>, vector<16xi32>,
        %get3A_448 = arith.constant 64 : index
        %get3A_449 = tpu.vector_load %arg13[%get3A_448] {strides = array<i32>} : memref<128xi32, #tpu.memory_space<vmem>>, vector<16xi32>,
        %gather3A_450 = tpu.vector_load_idx %arg9[%get3A_447] : memref<10000xf32, #tpu.memory_space<vmem>>[vector<16xi32>], vector<16xf32>,
        %gather3A_451 = tpu.vector_load_idx %arg10[%get3A_449] : memref<10000xf32, #tpu.memory_space<vmem>>[vector<16xi32>], vector<16xf32>,
        %add3A_452 = arith.addf %gather3A_451, %gather3A_450 : vector<16xf32>
        %ge3A_453 = arith.constant 0.000000e+00 : f32
        %ge3A_454 = vector.broadcast %ge3A_453 : f32 to vector<16xf32>
        %ge3A_455 = arith.cmpf oge, %add3A_452, %ge3A_454 : vector<16xf32>
        %mul3A_456 = arith.constant 2.000000e-01 : f32
        %mul3A_457 = vector.broadcast %mul3A_456 : f32 to vector<16xf32>
        %mul3A_458 = arith.mulf %mul3A_457, %add3A_452 : vector<16xf32>
        %select_n3A_459 = arith.select %ge3A_455, %add3A_452, %mul3A_458 : vector<16xi1>, vector<16xf32>
        %mul3A_460 = arith.mulf %select_n3A_459, %get3A_1 : vector<16xf32>
        %swap3A_461 = arith.constant 64 : index
        %swap3A_462 = tpu.vector_load %arg14[%swap3A_461] {strides = array<i32>} : memref<128xf32, #tpu.memory_space<vmem>>, vector<16xf32>,
        tpu.vector_store %arg14[%swap3A_461], %mul3A_460 {strides = array<i32>} : memref<128xf32, #tpu.memory_space<vmem>>, vector<16xf32>,
        %masked_sort3A_463 = arith.constant dense<true> : vector<16xi1>
        %masked_sort3A_464 = arith.constant -2147483648 : i32
        %masked_sort3A_465 = vector.broadcast %masked_sort3A_464 : i32 to vector<16xi32>
        %masked_sort3A_466 = arith.xori %get3A_449, %masked_sort3A_465 : vector<16xi32>
        %masked_sort3A_467, %masked_sort3A_468, %masked_sort3A_469 = tpu.sort %masked_sort3A_466, %mul3A_460 masked %masked_sort3A_463 : (vector<16xi32>, vector<16xf32>, vector<16xi1>) -> (vector<16xi1>, vector<16xi32>, vector<16xf32>)
        %masked_sort3A_470 = arith.xori %masked_sort3A_468, %masked_sort3A_465 : vector<16xi32>
        %swap3A_471 = arith.constant 0 : index
        %swap3A_472 = tpu.vector_load %arg16[%swap3A_471] {strides = array<i32>} : memref<16xi32, #tpu.memory_space<vmem>>, vector<16xi32>,
        tpu.vector_store %arg16[%swap3A_471], %masked_sort3A_470 {strides = array<i32>} : memref<16xi32, #tpu.memory_space<vmem>>, vector<16xi32>,
        %swap3A_473 = arith.constant 0 : index
        %swap3A_474 = tpu.vector_load %arg17[%swap3A_473] {strides = array<i32>} : memref<16xf32, #tpu.memory_space<vmem>>, vector<16xf32>,
        tpu.vector_store %arg17[%swap3A_473], %masked_sort3A_469 {strides = array<i32>} : memref<16xf32, #tpu.memory_space<vmem>>, vector<16xf32>,
        %sub3A_475 = arith.constant 1 : i32
        %sub3A_476 = vector.broadcast %sub3A_475 : i32 to vector<16xi32>
        %sub3A_477 = arith.subi %iota3A, %sub3A_476 : vector<16xi32>
        %max3A_478 = arith.constant 0 : i32
        %max3A_479 = vector.broadcast %max3A_478 : i32 to vector<16xi32>
        %max3A_480 = arith.maxsi %sub3A_477, %max3A_479 : vector<16xi32>
        %gather3A_481 = tpu.vector_load_idx %arg16[%max3A_480] : memref<16xi32, #tpu.memory_space<vmem>>[vector<16xi32>], vector<16xi32>,
        %gather3A_482 = tpu.vector_load_idx %arg17[%max3A_480] : memref<16xf32, #tpu.memory_space<vmem>>[vector<16xi32>], vector<16xf32>,
        %eq3A_483 = arith.cmpi eq, %gather3A_481, %masked_sort3A_470 : vector<16xi32>
        %ge3A_484 = arith.constant 1 : i32
        %ge3A_485 = vector.broadcast %ge3A_484 : i32 to vector<16xi32>
        %ge3A_486 = arith.cmpi sge, %iota3A, %ge3A_485 : vector<16xi32>
        %and3A_487 = arith.andi %eq3A_483, %ge3A_486 : vector<16xi1>
        %max3A_488 = arith.maximumf %masked_sort3A_469, %gather3A_482 : vector<16xf32>
        %select_n3A_489 = arith.select %and3A_487, %max3A_488, %masked_sort3A_469 : vector<16xi1>, vector<16xf32>
        %swap3A_490 = arith.constant 0 : index
        %swap3A_491 = tpu.vector_load %arg17[%swap3A_490] {strides = array<i32>} : memref<16xf32, #tpu.memory_space<vmem>>, vector<16xf32>,
        tpu.vector_store %arg17[%swap3A_490], %select_n3A_489 {strides = array<i32>} : memref<16xf32, #tpu.memory_space<vmem>>, vector<16xf32>,
        %sub3A_492 = arith.constant 2 : i32
        %sub3A_493 = vector.broadcast %sub3A_492 : i32 to vector<16xi32>
        %sub3A_494 = arith.subi %iota3A, %sub3A_493 : vector<16xi32>
        %max3A_495 = arith.constant 0 : i32
        %max3A_496 = vector.broadcast %max3A_495 : i32 to vector<16xi32>
        %max3A_497 = arith.maxsi %sub3A_494, %max3A_496 : vector<16xi32>
        %gather3A_498 = tpu.vector_load_idx %arg16[%max3A_497] : memref<16xi32, #tpu.memory_space<vmem>>[vector<16xi32>], vector<16xi32>,
        %gather3A_499 = tpu.vector_load_idx %arg17[%max3A_497] : memref<16xf32, #tpu.memory_space<vmem>>[vector<16xi32>], vector<16xf32>,
        %eq3A_500 = arith.cmpi eq, %gather3A_498, %masked_sort3A_470 : vector<16xi32>
        %ge3A_501 = arith.constant 2 : i32
        %ge3A_502 = vector.broadcast %ge3A_501 : i32 to vector<16xi32>
        %ge3A_503 = arith.cmpi sge, %iota3A, %ge3A_502 : vector<16xi32>
        %and3A_504 = arith.andi %eq3A_500, %ge3A_503 : vector<16xi1>
        %max3A_505 = arith.maximumf %select_n3A_489, %gather3A_499 : vector<16xf32>
        %select_n3A_506 = arith.select %and3A_504, %max3A_505, %select_n3A_489 : vector<16xi1>, vector<16xf32>
        %swap3A_507 = arith.constant 0 : index
        %swap3A_508 = tpu.vector_load %arg17[%swap3A_507] {strides = array<i32>} : memref<16xf32, #tpu.memory_space<vmem>>, vector<16xf32>,
        tpu.vector_store %arg17[%swap3A_507], %select_n3A_506 {strides = array<i32>} : memref<16xf32, #tpu.memory_space<vmem>>, vector<16xf32>,
        %sub3A_509 = arith.constant 4 : i32
        %sub3A_510 = vector.broadcast %sub3A_509 : i32 to vector<16xi32>
        %sub3A_511 = arith.subi %iota3A, %sub3A_510 : vector<16xi32>
        %max3A_512 = arith.constant 0 : i32
        %max3A_513 = vector.broadcast %max3A_512 : i32 to vector<16xi32>
        %max3A_514 = arith.maxsi %sub3A_511, %max3A_513 : vector<16xi32>
        %gather3A_515 = tpu.vector_load_idx %arg16[%max3A_514] : memref<16xi32, #tpu.memory_space<vmem>>[vector<16xi32>], vector<16xi32>,
        %gather3A_516 = tpu.vector_load_idx %arg17[%max3A_514] : memref<16xf32, #tpu.memory_space<vmem>>[vector<16xi32>], vector<16xf32>,
        %eq3A_517 = arith.cmpi eq, %gather3A_515, %masked_sort3A_470 : vector<16xi32>
        %ge3A_518 = arith.constant 4 : i32
        %ge3A_519 = vector.broadcast %ge3A_518 : i32 to vector<16xi32>
        %ge3A_520 = arith.cmpi sge, %iota3A, %ge3A_519 : vector<16xi32>
        %and3A_521 = arith.andi %eq3A_517, %ge3A_520 : vector<16xi1>
        %max3A_522 = arith.maximumf %select_n3A_506, %gather3A_516 : vector<16xf32>
        %select_n3A_523 = arith.select %and3A_521, %max3A_522, %select_n3A_506 : vector<16xi1>, vector<16xf32>
        %swap3A_524 = arith.constant 0 : index
        %swap3A_525 = tpu.vector_load %arg17[%swap3A_524] {strides = array<i32>} : memref<16xf32, #tpu.memory_space<vmem>>, vector<16xf32>,
        tpu.vector_store %arg17[%swap3A_524], %select_n3A_523 {strides = array<i32>} : memref<16xf32, #tpu.memory_space<vmem>>, vector<16xf32>,
        %sub3A_526 = arith.constant 8 : i32
        %sub3A_527 = vector.broadcast %sub3A_526 : i32 to vector<16xi32>
        %sub3A_528 = arith.subi %iota3A, %sub3A_527 : vector<16xi32>
        %max3A_529 = arith.constant 0 : i32
        %max3A_530 = vector.broadcast %max3A_529 : i32 to vector<16xi32>
        %max3A_531 = arith.maxsi %sub3A_528, %max3A_530 : vector<16xi32>
        %gather3A_532 = tpu.vector_load_idx %arg16[%max3A_531] : memref<16xi32, #tpu.memory_space<vmem>>[vector<16xi32>], vector<16xi32>,
        %gather3A_533 = tpu.vector_load_idx %arg17[%max3A_531] : memref<16xf32, #tpu.memory_space<vmem>>[vector<16xi32>], vector<16xf32>,
        %eq3A_534 = arith.cmpi eq, %gather3A_532, %masked_sort3A_470 : vector<16xi32>
        %ge3A_535 = arith.constant 8 : i32
        %ge3A_536 = vector.broadcast %ge3A_535 : i32 to vector<16xi32>
        %ge3A_537 = arith.cmpi sge, %iota3A, %ge3A_536 : vector<16xi32>
        %and3A_538 = arith.andi %eq3A_534, %ge3A_537 : vector<16xi1>
        %max3A_539 = arith.maximumf %select_n3A_523, %gather3A_533 : vector<16xf32>
        %select_n3A_540 = arith.select %and3A_538, %max3A_539, %select_n3A_523 : vector<16xi1>, vector<16xf32>
        %add3A_541 = arith.constant 1 : i32
        %add3A_542 = vector.broadcast %add3A_541 : i32 to vector<16xi32>
        %add3A_543 = arith.addi %iota3A, %add3A_542 : vector<16xi32>
        %min3A_544 = arith.constant 15 : i32
        %min3A_545 = vector.broadcast %min3A_544 : i32 to vector<16xi32>
        %min3A_546 = arith.minsi %add3A_543, %min3A_545 : vector<16xi32>
        %gather3A_547 = tpu.vector_load_idx %arg16[%min3A_546] : memref<16xi32, #tpu.memory_space<vmem>>[vector<16xi32>], vector<16xi32>,
        %ne3A_548 = arith.cmpi ne, %gather3A_547, %masked_sort3A_470 : vector<16xi32>
        %eq3A_549 = arith.constant 15 : i32
        %eq3A_550 = vector.broadcast %eq3A_549 : i32 to vector<16xi32>
        %eq3A_551 = arith.cmpi eq, %iota3A, %eq3A_550 : vector<16xi32>
        %or3A_552 = arith.ori %ne3A_548, %eq3A_551 : vector<16xi1>
        %gather3A_553 = tpu.vector_load_idx %arg11[%masked_sort3A_470] : memref<10000xf32, #tpu.memory_space<vmem>>[vector<16xi32>], vector<16xf32>,
        %max3A_554 = arith.maximumf %gather3A_553, %select_n3A_540 : vector<16xf32>
        tpu.vector_store_idx %arg11[%masked_sort3A_470], %max3A_554 masked %or3A_552 : memref<10000xf32, #tpu.memory_space<vmem>>[vector<16xi32>], vector<16xf32>, vector<16xi1>
        %get3A_555 = arith.constant 80 : index
        %get3A_556 = tpu.vector_load %arg12[%get3A_555] {strides = array<i32>} : memref<128xi32, #tpu.memory_space<vmem>>, vector<16xi32>,
        %get3A_557 = arith.constant 80 : index
        %get3A_558 = tpu.vector_load %arg13[%get3A_557] {strides = array<i32>} : memref<128xi32, #tpu.memory_space<vmem>>, vector<16xi32>,
        %gather3A_559 = tpu.vector_load_idx %arg9[%get3A_556] : memref<10000xf32, #tpu.memory_space<vmem>>[vector<16xi32>], vector<16xf32>,
        %gather3A_560 = tpu.vector_load_idx %arg10[%get3A_558] : memref<10000xf32, #tpu.memory_space<vmem>>[vector<16xi32>], vector<16xf32>,
        %add3A_561 = arith.addf %gather3A_560, %gather3A_559 : vector<16xf32>
        %ge3A_562 = arith.constant 0.000000e+00 : f32
        %ge3A_563 = vector.broadcast %ge3A_562 : f32 to vector<16xf32>
        %ge3A_564 = arith.cmpf oge, %add3A_561, %ge3A_563 : vector<16xf32>
        %mul3A_565 = arith.constant 2.000000e-01 : f32
        %mul3A_566 = vector.broadcast %mul3A_565 : f32 to vector<16xf32>
        %mul3A_567 = arith.mulf %mul3A_566, %add3A_561 : vector<16xf32>
        %select_n3A_568 = arith.select %ge3A_564, %add3A_561, %mul3A_567 : vector<16xi1>, vector<16xf32>
        %mul3A_569 = arith.mulf %select_n3A_568, %get3A_1 : vector<16xf32>
        %swap3A_570 = arith.constant 80 : index
        %swap3A_571 = tpu.vector_load %arg14[%swap3A_570] {strides = array<i32>} : memref<128xf32, #tpu.memory_space<vmem>>, vector<16xf32>,
        tpu.vector_store %arg14[%swap3A_570], %mul3A_569 {strides = array<i32>} : memref<128xf32, #tpu.memory_space<vmem>>, vector<16xf32>,
        %masked_sort3A_572 = arith.constant dense<true> : vector<16xi1>
        %masked_sort3A_573 = arith.constant -2147483648 : i32
        %masked_sort3A_574 = vector.broadcast %masked_sort3A_573 : i32 to vector<16xi32>
        %masked_sort3A_575 = arith.xori %get3A_558, %masked_sort3A_574 : vector<16xi32>
        %masked_sort3A_576, %masked_sort3A_577, %masked_sort3A_578 = tpu.sort %masked_sort3A_575, %mul3A_569 masked %masked_sort3A_572 : (vector<16xi32>, vector<16xf32>, vector<16xi1>) -> (vector<16xi1>, vector<16xi32>, vector<16xf32>)
        %masked_sort3A_579 = arith.xori %masked_sort3A_577, %masked_sort3A_574 : vector<16xi32>
        %swap3A_580 = arith.constant 0 : index
        %swap3A_581 = tpu.vector_load %arg16[%swap3A_580] {strides = array<i32>} : memref<16xi32, #tpu.memory_space<vmem>>, vector<16xi32>,
        tpu.vector_store %arg16[%swap3A_580], %masked_sort3A_579 {strides = array<i32>} : memref<16xi32, #tpu.memory_space<vmem>>, vector<16xi32>,
        %swap3A_582 = arith.constant 0 : index
        %swap3A_583 = tpu.vector_load %arg17[%swap3A_582] {strides = array<i32>} : memref<16xf32, #tpu.memory_space<vmem>>, vector<16xf32>,
        tpu.vector_store %arg17[%swap3A_582], %masked_sort3A_578 {strides = array<i32>} : memref<16xf32, #tpu.memory_space<vmem>>, vector<16xf32>,
        %sub3A_584 = arith.constant 1 : i32
        %sub3A_585 = vector.broadcast %sub3A_584 : i32 to vector<16xi32>
        %sub3A_586 = arith.subi %iota3A, %sub3A_585 : vector<16xi32>
        %max3A_587 = arith.constant 0 : i32
        %max3A_588 = vector.broadcast %max3A_587 : i32 to vector<16xi32>
        %max3A_589 = arith.maxsi %sub3A_586, %max3A_588 : vector<16xi32>
        %gather3A_590 = tpu.vector_load_idx %arg16[%max3A_589] : memref<16xi32, #tpu.memory_space<vmem>>[vector<16xi32>], vector<16xi32>,
        %gather3A_591 = tpu.vector_load_idx %arg17[%max3A_589] : memref<16xf32, #tpu.memory_space<vmem>>[vector<16xi32>], vector<16xf32>,
        %eq3A_592 = arith.cmpi eq, %gather3A_590, %masked_sort3A_579 : vector<16xi32>
        %ge3A_593 = arith.constant 1 : i32
        %ge3A_594 = vector.broadcast %ge3A_593 : i32 to vector<16xi32>
        %ge3A_595 = arith.cmpi sge, %iota3A, %ge3A_594 : vector<16xi32>
        %and3A_596 = arith.andi %eq3A_592, %ge3A_595 : vector<16xi1>
        %max3A_597 = arith.maximumf %masked_sort3A_578, %gather3A_591 : vector<16xf32>
        %select_n3A_598 = arith.select %and3A_596, %max3A_597, %masked_sort3A_578 : vector<16xi1>, vector<16xf32>
        %swap3A_599 = arith.constant 0 : index
        %swap3A_600 = tpu.vector_load %arg17[%swap3A_599] {strides = array<i32>} : memref<16xf32, #tpu.memory_space<vmem>>, vector<16xf32>,
        tpu.vector_store %arg17[%swap3A_599], %select_n3A_598 {strides = array<i32>} : memref<16xf32, #tpu.memory_space<vmem>>, vector<16xf32>,
        %sub3A_601 = arith.constant 2 : i32
        %sub3A_602 = vector.broadcast %sub3A_601 : i32 to vector<16xi32>
        %sub3A_603 = arith.subi %iota3A, %sub3A_602 : vector<16xi32>
        %max3A_604 = arith.constant 0 : i32
        %max3A_605 = vector.broadcast %max3A_604 : i32 to vector<16xi32>
        %max3A_606 = arith.maxsi %sub3A_603, %max3A_605 : vector<16xi32>
        %gather3A_607 = tpu.vector_load_idx %arg16[%max3A_606] : memref<16xi32, #tpu.memory_space<vmem>>[vector<16xi32>], vector<16xi32>,
        %gather3A_608 = tpu.vector_load_idx %arg17[%max3A_606] : memref<16xf32, #tpu.memory_space<vmem>>[vector<16xi32>], vector<16xf32>,
        %eq3A_609 = arith.cmpi eq, %gather3A_607, %masked_sort3A_579 : vector<16xi32>
        %ge3A_610 = arith.constant 2 : i32
        %ge3A_611 = vector.broadcast %ge3A_610 : i32 to vector<16xi32>
        %ge3A_612 = arith.cmpi sge, %iota3A, %ge3A_611 : vector<16xi32>
        %and3A_613 = arith.andi %eq3A_609, %ge3A_612 : vector<16xi1>
        %max3A_614 = arith.maximumf %select_n3A_598, %gather3A_608 : vector<16xf32>
        %select_n3A_615 = arith.select %and3A_613, %max3A_614, %select_n3A_598 : vector<16xi1>, vector<16xf32>
        %swap3A_616 = arith.constant 0 : index
        %swap3A_617 = tpu.vector_load %arg17[%swap3A_616] {strides = array<i32>} : memref<16xf32, #tpu.memory_space<vmem>>, vector<16xf32>,
        tpu.vector_store %arg17[%swap3A_616], %select_n3A_615 {strides = array<i32>} : memref<16xf32, #tpu.memory_space<vmem>>, vector<16xf32>,
        %sub3A_618 = arith.constant 4 : i32
        %sub3A_619 = vector.broadcast %sub3A_618 : i32 to vector<16xi32>
        %sub3A_620 = arith.subi %iota3A, %sub3A_619 : vector<16xi32>
        %max3A_621 = arith.constant 0 : i32
        %max3A_622 = vector.broadcast %max3A_621 : i32 to vector<16xi32>
        %max3A_623 = arith.maxsi %sub3A_620, %max3A_622 : vector<16xi32>
        %gather3A_624 = tpu.vector_load_idx %arg16[%max3A_623] : memref<16xi32, #tpu.memory_space<vmem>>[vector<16xi32>], vector<16xi32>,
        %gather3A_625 = tpu.vector_load_idx %arg17[%max3A_623] : memref<16xf32, #tpu.memory_space<vmem>>[vector<16xi32>], vector<16xf32>,
        %eq3A_626 = arith.cmpi eq, %gather3A_624, %masked_sort3A_579 : vector<16xi32>
        %ge3A_627 = arith.constant 4 : i32
        %ge3A_628 = vector.broadcast %ge3A_627 : i32 to vector<16xi32>
        %ge3A_629 = arith.cmpi sge, %iota3A, %ge3A_628 : vector<16xi32>
        %and3A_630 = arith.andi %eq3A_626, %ge3A_629 : vector<16xi1>
        %max3A_631 = arith.maximumf %select_n3A_615, %gather3A_625 : vector<16xf32>
        %select_n3A_632 = arith.select %and3A_630, %max3A_631, %select_n3A_615 : vector<16xi1>, vector<16xf32>
        %swap3A_633 = arith.constant 0 : index
        %swap3A_634 = tpu.vector_load %arg17[%swap3A_633] {strides = array<i32>} : memref<16xf32, #tpu.memory_space<vmem>>, vector<16xf32>,
        tpu.vector_store %arg17[%swap3A_633], %select_n3A_632 {strides = array<i32>} : memref<16xf32, #tpu.memory_space<vmem>>, vector<16xf32>,
        %sub3A_635 = arith.constant 8 : i32
        %sub3A_636 = vector.broadcast %sub3A_635 : i32 to vector<16xi32>
        %sub3A_637 = arith.subi %iota3A, %sub3A_636 : vector<16xi32>
        %max3A_638 = arith.constant 0 : i32
        %max3A_639 = vector.broadcast %max3A_638 : i32 to vector<16xi32>
        %max3A_640 = arith.maxsi %sub3A_637, %max3A_639 : vector<16xi32>
        %gather3A_641 = tpu.vector_load_idx %arg16[%max3A_640] : memref<16xi32, #tpu.memory_space<vmem>>[vector<16xi32>], vector<16xi32>,
        %gather3A_642 = tpu.vector_load_idx %arg17[%max3A_640] : memref<16xf32, #tpu.memory_space<vmem>>[vector<16xi32>], vector<16xf32>,
        %eq3A_643 = arith.cmpi eq, %gather3A_641, %masked_sort3A_579 : vector<16xi32>
        %ge3A_644 = arith.constant 8 : i32
        %ge3A_645 = vector.broadcast %ge3A_644 : i32 to vector<16xi32>
        %ge3A_646 = arith.cmpi sge, %iota3A, %ge3A_645 : vector<16xi32>
        %and3A_647 = arith.andi %eq3A_643, %ge3A_646 : vector<16xi1>
        %max3A_648 = arith.maximumf %select_n3A_632, %gather3A_642 : vector<16xf32>
        %select_n3A_649 = arith.select %and3A_647, %max3A_648, %select_n3A_632 : vector<16xi1>, vector<16xf32>
        %add3A_650 = arith.constant 1 : i32
        %add3A_651 = vector.broadcast %add3A_650 : i32 to vector<16xi32>
        %add3A_652 = arith.addi %iota3A, %add3A_651 : vector<16xi32>
        %min3A_653 = arith.constant 15 : i32
        %min3A_654 = vector.broadcast %min3A_653 : i32 to vector<16xi32>
        %min3A_655 = arith.minsi %add3A_652, %min3A_654 : vector<16xi32>
        %gather3A_656 = tpu.vector_load_idx %arg16[%min3A_655] : memref<16xi32, #tpu.memory_space<vmem>>[vector<16xi32>], vector<16xi32>,
        %ne3A_657 = arith.cmpi ne, %gather3A_656, %masked_sort3A_579 : vector<16xi32>
        %eq3A_658 = arith.constant 15 : i32
        %eq3A_659 = vector.broadcast %eq3A_658 : i32 to vector<16xi32>
        %eq3A_660 = arith.cmpi eq, %iota3A, %eq3A_659 : vector<16xi32>
        %or3A_661 = arith.ori %ne3A_657, %eq3A_660 : vector<16xi1>
        %gather3A_662 = tpu.vector_load_idx %arg11[%masked_sort3A_579] : memref<10000xf32, #tpu.memory_space<vmem>>[vector<16xi32>], vector<16xf32>,
        %max3A_663 = arith.maximumf %gather3A_662, %select_n3A_649 : vector<16xf32>
        tpu.vector_store_idx %arg11[%masked_sort3A_579], %max3A_663 masked %or3A_661 : memref<10000xf32, #tpu.memory_space<vmem>>[vector<16xi32>], vector<16xf32>, vector<16xi1>
        %get3A_664 = arith.constant 96 : index
        %get3A_665 = tpu.vector_load %arg12[%get3A_664] {strides = array<i32>} : memref<128xi32, #tpu.memory_space<vmem>>, vector<16xi32>,
        %get3A_666 = arith.constant 96 : index
        %get3A_667 = tpu.vector_load %arg13[%get3A_666] {strides = array<i32>} : memref<128xi32, #tpu.memory_space<vmem>>, vector<16xi32>,
        %gather3A_668 = tpu.vector_load_idx %arg9[%get3A_665] : memref<10000xf32, #tpu.memory_space<vmem>>[vector<16xi32>], vector<16xf32>,
        %gather3A_669 = tpu.vector_load_idx %arg10[%get3A_667] : memref<10000xf32, #tpu.memory_space<vmem>>[vector<16xi32>], vector<16xf32>,
        %add3A_670 = arith.addf %gather3A_669, %gather3A_668 : vector<16xf32>
        %ge3A_671 = arith.constant 0.000000e+00 : f32
        %ge3A_672 = vector.broadcast %ge3A_671 : f32 to vector<16xf32>
        %ge3A_673 = arith.cmpf oge, %add3A_670, %ge3A_672 : vector<16xf32>
        %mul3A_674 = arith.constant 2.000000e-01 : f32
        %mul3A_675 = vector.broadcast %mul3A_674 : f32 to vector<16xf32>
        %mul3A_676 = arith.mulf %mul3A_675, %add3A_670 : vector<16xf32>
        %select_n3A_677 = arith.select %ge3A_673, %add3A_670, %mul3A_676 : vector<16xi1>, vector<16xf32>
        %mul3A_678 = arith.mulf %select_n3A_677, %get3A_1 : vector<16xf32>
        %swap3A_679 = arith.constant 96 : index
        %swap3A_680 = tpu.vector_load %arg14[%swap3A_679] {strides = array<i32>} : memref<128xf32, #tpu.memory_space<vmem>>, vector<16xf32>,
        tpu.vector_store %arg14[%swap3A_679], %mul3A_678 {strides = array<i32>} : memref<128xf32, #tpu.memory_space<vmem>>, vector<16xf32>,
        %masked_sort3A_681 = arith.constant dense<true> : vector<16xi1>
        %masked_sort3A_682 = arith.constant -2147483648 : i32
        %masked_sort3A_683 = vector.broadcast %masked_sort3A_682 : i32 to vector<16xi32>
        %masked_sort3A_684 = arith.xori %get3A_667, %masked_sort3A_683 : vector<16xi32>
        %masked_sort3A_685, %masked_sort3A_686, %masked_sort3A_687 = tpu.sort %masked_sort3A_684, %mul3A_678 masked %masked_sort3A_681 : (vector<16xi32>, vector<16xf32>, vector<16xi1>) -> (vector<16xi1>, vector<16xi32>, vector<16xf32>)
        %masked_sort3A_688 = arith.xori %masked_sort3A_686, %masked_sort3A_683 : vector<16xi32>
        %swap3A_689 = arith.constant 0 : index
        %swap3A_690 = tpu.vector_load %arg16[%swap3A_689] {strides = array<i32>} : memref<16xi32, #tpu.memory_space<vmem>>, vector<16xi32>,
        tpu.vector_store %arg16[%swap3A_689], %masked_sort3A_688 {strides = array<i32>} : memref<16xi32, #tpu.memory_space<vmem>>, vector<16xi32>,
        %swap3A_691 = arith.constant 0 : index
        %swap3A_692 = tpu.vector_load %arg17[%swap3A_691] {strides = array<i32>} : memref<16xf32, #tpu.memory_space<vmem>>, vector<16xf32>,
        tpu.vector_store %arg17[%swap3A_691], %masked_sort3A_687 {strides = array<i32>} : memref<16xf32, #tpu.memory_space<vmem>>, vector<16xf32>,
        %sub3A_693 = arith.constant 1 : i32
        %sub3A_694 = vector.broadcast %sub3A_693 : i32 to vector<16xi32>
        %sub3A_695 = arith.subi %iota3A, %sub3A_694 : vector<16xi32>
        %max3A_696 = arith.constant 0 : i32
        %max3A_697 = vector.broadcast %max3A_696 : i32 to vector<16xi32>
        %max3A_698 = arith.maxsi %sub3A_695, %max3A_697 : vector<16xi32>
        %gather3A_699 = tpu.vector_load_idx %arg16[%max3A_698] : memref<16xi32, #tpu.memory_space<vmem>>[vector<16xi32>], vector<16xi32>,
        %gather3A_700 = tpu.vector_load_idx %arg17[%max3A_698] : memref<16xf32, #tpu.memory_space<vmem>>[vector<16xi32>], vector<16xf32>,
        %eq3A_701 = arith.cmpi eq, %gather3A_699, %masked_sort3A_688 : vector<16xi32>
        %ge3A_702 = arith.constant 1 : i32
        %ge3A_703 = vector.broadcast %ge3A_702 : i32 to vector<16xi32>
        %ge3A_704 = arith.cmpi sge, %iota3A, %ge3A_703 : vector<16xi32>
        %and3A_705 = arith.andi %eq3A_701, %ge3A_704 : vector<16xi1>
        %max3A_706 = arith.maximumf %masked_sort3A_687, %gather3A_700 : vector<16xf32>
        %select_n3A_707 = arith.select %and3A_705, %max3A_706, %masked_sort3A_687 : vector<16xi1>, vector<16xf32>
        %swap3A_708 = arith.constant 0 : index
        %swap3A_709 = tpu.vector_load %arg17[%swap3A_708] {strides = array<i32>} : memref<16xf32, #tpu.memory_space<vmem>>, vector<16xf32>,
        tpu.vector_store %arg17[%swap3A_708], %select_n3A_707 {strides = array<i32>} : memref<16xf32, #tpu.memory_space<vmem>>, vector<16xf32>,
        %sub3A_710 = arith.constant 2 : i32
        %sub3A_711 = vector.broadcast %sub3A_710 : i32 to vector<16xi32>
        %sub3A_712 = arith.subi %iota3A, %sub3A_711 : vector<16xi32>
        %max3A_713 = arith.constant 0 : i32
        %max3A_714 = vector.broadcast %max3A_713 : i32 to vector<16xi32>
        %max3A_715 = arith.maxsi %sub3A_712, %max3A_714 : vector<16xi32>
        %gather3A_716 = tpu.vector_load_idx %arg16[%max3A_715] : memref<16xi32, #tpu.memory_space<vmem>>[vector<16xi32>], vector<16xi32>,
        %gather3A_717 = tpu.vector_load_idx %arg17[%max3A_715] : memref<16xf32, #tpu.memory_space<vmem>>[vector<16xi32>], vector<16xf32>,
        %eq3A_718 = arith.cmpi eq, %gather3A_716, %masked_sort3A_688 : vector<16xi32>
        %ge3A_719 = arith.constant 2 : i32
        %ge3A_720 = vector.broadcast %ge3A_719 : i32 to vector<16xi32>
        %ge3A_721 = arith.cmpi sge, %iota3A, %ge3A_720 : vector<16xi32>
        %and3A_722 = arith.andi %eq3A_718, %ge3A_721 : vector<16xi1>
        %max3A_723 = arith.maximumf %select_n3A_707, %gather3A_717 : vector<16xf32>
        %select_n3A_724 = arith.select %and3A_722, %max3A_723, %select_n3A_707 : vector<16xi1>, vector<16xf32>
        %swap3A_725 = arith.constant 0 : index
        %swap3A_726 = tpu.vector_load %arg17[%swap3A_725] {strides = array<i32>} : memref<16xf32, #tpu.memory_space<vmem>>, vector<16xf32>,
        tpu.vector_store %arg17[%swap3A_725], %select_n3A_724 {strides = array<i32>} : memref<16xf32, #tpu.memory_space<vmem>>, vector<16xf32>,
        %sub3A_727 = arith.constant 4 : i32
        %sub3A_728 = vector.broadcast %sub3A_727 : i32 to vector<16xi32>
        %sub3A_729 = arith.subi %iota3A, %sub3A_728 : vector<16xi32>
        %max3A_730 = arith.constant 0 : i32
        %max3A_731 = vector.broadcast %max3A_730 : i32 to vector<16xi32>
        %max3A_732 = arith.maxsi %sub3A_729, %max3A_731 : vector<16xi32>
        %gather3A_733 = tpu.vector_load_idx %arg16[%max3A_732] : memref<16xi32, #tpu.memory_space<vmem>>[vector<16xi32>], vector<16xi32>,
        %gather3A_734 = tpu.vector_load_idx %arg17[%max3A_732] : memref<16xf32, #tpu.memory_space<vmem>>[vector<16xi32>], vector<16xf32>,
        %eq3A_735 = arith.cmpi eq, %gather3A_733, %masked_sort3A_688 : vector<16xi32>
        %ge3A_736 = arith.constant 4 : i32
        %ge3A_737 = vector.broadcast %ge3A_736 : i32 to vector<16xi32>
        %ge3A_738 = arith.cmpi sge, %iota3A, %ge3A_737 : vector<16xi32>
        %and3A_739 = arith.andi %eq3A_735, %ge3A_738 : vector<16xi1>
        %max3A_740 = arith.maximumf %select_n3A_724, %gather3A_734 : vector<16xf32>
        %select_n3A_741 = arith.select %and3A_739, %max3A_740, %select_n3A_724 : vector<16xi1>, vector<16xf32>
        %swap3A_742 = arith.constant 0 : index
        %swap3A_743 = tpu.vector_load %arg17[%swap3A_742] {strides = array<i32>} : memref<16xf32, #tpu.memory_space<vmem>>, vector<16xf32>,
        tpu.vector_store %arg17[%swap3A_742], %select_n3A_741 {strides = array<i32>} : memref<16xf32, #tpu.memory_space<vmem>>, vector<16xf32>,
        %sub3A_744 = arith.constant 8 : i32
        %sub3A_745 = vector.broadcast %sub3A_744 : i32 to vector<16xi32>
        %sub3A_746 = arith.subi %iota3A, %sub3A_745 : vector<16xi32>
        %max3A_747 = arith.constant 0 : i32
        %max3A_748 = vector.broadcast %max3A_747 : i32 to vector<16xi32>
        %max3A_749 = arith.maxsi %sub3A_746, %max3A_748 : vector<16xi32>
        %gather3A_750 = tpu.vector_load_idx %arg16[%max3A_749] : memref<16xi32, #tpu.memory_space<vmem>>[vector<16xi32>], vector<16xi32>,
        %gather3A_751 = tpu.vector_load_idx %arg17[%max3A_749] : memref<16xf32, #tpu.memory_space<vmem>>[vector<16xi32>], vector<16xf32>,
        %eq3A_752 = arith.cmpi eq, %gather3A_750, %masked_sort3A_688 : vector<16xi32>
        %ge3A_753 = arith.constant 8 : i32
        %ge3A_754 = vector.broadcast %ge3A_753 : i32 to vector<16xi32>
        %ge3A_755 = arith.cmpi sge, %iota3A, %ge3A_754 : vector<16xi32>
        %and3A_756 = arith.andi %eq3A_752, %ge3A_755 : vector<16xi1>
        %max3A_757 = arith.maximumf %select_n3A_741, %gather3A_751 : vector<16xf32>
        %select_n3A_758 = arith.select %and3A_756, %max3A_757, %select_n3A_741 : vector<16xi1>, vector<16xf32>
        %add3A_759 = arith.constant 1 : i32
        %add3A_760 = vector.broadcast %add3A_759 : i32 to vector<16xi32>
        %add3A_761 = arith.addi %iota3A, %add3A_760 : vector<16xi32>
        %min3A_762 = arith.constant 15 : i32
        %min3A_763 = vector.broadcast %min3A_762 : i32 to vector<16xi32>
        %min3A_764 = arith.minsi %add3A_761, %min3A_763 : vector<16xi32>
        %gather3A_765 = tpu.vector_load_idx %arg16[%min3A_764] : memref<16xi32, #tpu.memory_space<vmem>>[vector<16xi32>], vector<16xi32>,
        %ne3A_766 = arith.cmpi ne, %gather3A_765, %masked_sort3A_688 : vector<16xi32>
        %eq3A_767 = arith.constant 15 : i32
        %eq3A_768 = vector.broadcast %eq3A_767 : i32 to vector<16xi32>
        %eq3A_769 = arith.cmpi eq, %iota3A, %eq3A_768 : vector<16xi32>
        %or3A_770 = arith.ori %ne3A_766, %eq3A_769 : vector<16xi1>
        %gather3A_771 = tpu.vector_load_idx %arg11[%masked_sort3A_688] : memref<10000xf32, #tpu.memory_space<vmem>>[vector<16xi32>], vector<16xf32>,
        %max3A_772 = arith.maximumf %gather3A_771, %select_n3A_758 : vector<16xf32>
        tpu.vector_store_idx %arg11[%masked_sort3A_688], %max3A_772 masked %or3A_770 : memref<10000xf32, #tpu.memory_space<vmem>>[vector<16xi32>], vector<16xf32>, vector<16xi1>
        %get3A_773 = arith.constant 112 : index
        %get3A_774 = tpu.vector_load %arg12[%get3A_773] {strides = array<i32>} : memref<128xi32, #tpu.memory_space<vmem>>, vector<16xi32>,
        %get3A_775 = arith.constant 112 : index
        %get3A_776 = tpu.vector_load %arg13[%get3A_775] {strides = array<i32>} : memref<128xi32, #tpu.memory_space<vmem>>, vector<16xi32>,
        %gather3A_777 = tpu.vector_load_idx %arg9[%get3A_774] : memref<10000xf32, #tpu.memory_space<vmem>>[vector<16xi32>], vector<16xf32>,
        %gather3A_778 = tpu.vector_load_idx %arg10[%get3A_776] : memref<10000xf32, #tpu.memory_space<vmem>>[vector<16xi32>], vector<16xf32>,
        %add3A_779 = arith.addf %gather3A_778, %gather3A_777 : vector<16xf32>
        %ge3A_780 = arith.constant 0.000000e+00 : f32
        %ge3A_781 = vector.broadcast %ge3A_780 : f32 to vector<16xf32>
        %ge3A_782 = arith.cmpf oge, %add3A_779, %ge3A_781 : vector<16xf32>
        %mul3A_783 = arith.constant 2.000000e-01 : f32
        %mul3A_784 = vector.broadcast %mul3A_783 : f32 to vector<16xf32>
        %mul3A_785 = arith.mulf %mul3A_784, %add3A_779 : vector<16xf32>
        %select_n3A_786 = arith.select %ge3A_782, %add3A_779, %mul3A_785 : vector<16xi1>, vector<16xf32>
        %mul3A_787 = arith.mulf %select_n3A_786, %get3A_1 : vector<16xf32>
        %swap3A_788 = arith.constant 112 : index
        %swap3A_789 = tpu.vector_load %arg14[%swap3A_788] {strides = array<i32>} : memref<128xf32, #tpu.memory_space<vmem>>, vector<16xf32>,
        tpu.vector_store %arg14[%swap3A_788], %mul3A_787 {strides = array<i32>} : memref<128xf32, #tpu.memory_space<vmem>>, vector<16xf32>,
        %masked_sort3A_790 = arith.constant dense<true> : vector<16xi1>
        %masked_sort3A_791 = arith.constant -2147483648 : i32
        %masked_sort3A_792 = vector.broadcast %masked_sort3A_791 : i32 to vector<16xi32>
        %masked_sort3A_793 = arith.xori %get3A_776, %masked_sort3A_792 : vector<16xi32>
        %masked_sort3A_794, %masked_sort3A_795, %masked_sort3A_796 = tpu.sort %masked_sort3A_793, %mul3A_787 masked %masked_sort3A_790 : (vector<16xi32>, vector<16xf32>, vector<16xi1>) -> (vector<16xi1>, vector<16xi32>, vector<16xf32>)
        %masked_sort3A_797 = arith.xori %masked_sort3A_795, %masked_sort3A_792 : vector<16xi32>
        %swap3A_798 = arith.constant 0 : index
        %swap3A_799 = tpu.vector_load %arg16[%swap3A_798] {strides = array<i32>} : memref<16xi32, #tpu.memory_space<vmem>>, vector<16xi32>,
        tpu.vector_store %arg16[%swap3A_798], %masked_sort3A_797 {strides = array<i32>} : memref<16xi32, #tpu.memory_space<vmem>>, vector<16xi32>,
        %swap3A_800 = arith.constant 0 : index
        %swap3A_801 = tpu.vector_load %arg17[%swap3A_800] {strides = array<i32>} : memref<16xf32, #tpu.memory_space<vmem>>, vector<16xf32>,
        tpu.vector_store %arg17[%swap3A_800], %masked_sort3A_796 {strides = array<i32>} : memref<16xf32, #tpu.memory_space<vmem>>, vector<16xf32>,
        %sub3A_802 = arith.constant 1 : i32
        %sub3A_803 = vector.broadcast %sub3A_802 : i32 to vector<16xi32>
        %sub3A_804 = arith.subi %iota3A, %sub3A_803 : vector<16xi32>
        %max3A_805 = arith.constant 0 : i32
        %max3A_806 = vector.broadcast %max3A_805 : i32 to vector<16xi32>
        %max3A_807 = arith.maxsi %sub3A_804, %max3A_806 : vector<16xi32>
        %gather3A_808 = tpu.vector_load_idx %arg16[%max3A_807] : memref<16xi32, #tpu.memory_space<vmem>>[vector<16xi32>], vector<16xi32>,
        %gather3A_809 = tpu.vector_load_idx %arg17[%max3A_807] : memref<16xf32, #tpu.memory_space<vmem>>[vector<16xi32>], vector<16xf32>,
        %eq3A_810 = arith.cmpi eq, %gather3A_808, %masked_sort3A_797 : vector<16xi32>
        %ge3A_811 = arith.constant 1 : i32
        %ge3A_812 = vector.broadcast %ge3A_811 : i32 to vector<16xi32>
        %ge3A_813 = arith.cmpi sge, %iota3A, %ge3A_812 : vector<16xi32>
        %and3A_814 = arith.andi %eq3A_810, %ge3A_813 : vector<16xi1>
        %max3A_815 = arith.maximumf %masked_sort3A_796, %gather3A_809 : vector<16xf32>
        %select_n3A_816 = arith.select %and3A_814, %max3A_815, %masked_sort3A_796 : vector<16xi1>, vector<16xf32>
        %swap3A_817 = arith.constant 0 : index
        %swap3A_818 = tpu.vector_load %arg17[%swap3A_817] {strides = array<i32>} : memref<16xf32, #tpu.memory_space<vmem>>, vector<16xf32>,
        tpu.vector_store %arg17[%swap3A_817], %select_n3A_816 {strides = array<i32>} : memref<16xf32, #tpu.memory_space<vmem>>, vector<16xf32>,
        %sub3A_819 = arith.constant 2 : i32
        %sub3A_820 = vector.broadcast %sub3A_819 : i32 to vector<16xi32>
        %sub3A_821 = arith.subi %iota3A, %sub3A_820 : vector<16xi32>
        %max3A_822 = arith.constant 0 : i32
        %max3A_823 = vector.broadcast %max3A_822 : i32 to vector<16xi32>
        %max3A_824 = arith.maxsi %sub3A_821, %max3A_823 : vector<16xi32>
        %gather3A_825 = tpu.vector_load_idx %arg16[%max3A_824] : memref<16xi32, #tpu.memory_space<vmem>>[vector<16xi32>], vector<16xi32>,
        %gather3A_826 = tpu.vector_load_idx %arg17[%max3A_824] : memref<16xf32, #tpu.memory_space<vmem>>[vector<16xi32>], vector<16xf32>,
        %eq3A_827 = arith.cmpi eq, %gather3A_825, %masked_sort3A_797 : vector<16xi32>
        %ge3A_828 = arith.constant 2 : i32
        %ge3A_829 = vector.broadcast %ge3A_828 : i32 to vector<16xi32>
        %ge3A_830 = arith.cmpi sge, %iota3A, %ge3A_829 : vector<16xi32>
        %and3A_831 = arith.andi %eq3A_827, %ge3A_830 : vector<16xi1>
        %max3A_832 = arith.maximumf %select_n3A_816, %gather3A_826 : vector<16xf32>
        %select_n3A_833 = arith.select %and3A_831, %max3A_832, %select_n3A_816 : vector<16xi1>, vector<16xf32>
        %swap3A_834 = arith.constant 0 : index
        %swap3A_835 = tpu.vector_load %arg17[%swap3A_834] {strides = array<i32>} : memref<16xf32, #tpu.memory_space<vmem>>, vector<16xf32>,
        tpu.vector_store %arg17[%swap3A_834], %select_n3A_833 {strides = array<i32>} : memref<16xf32, #tpu.memory_space<vmem>>, vector<16xf32>,
        %sub3A_836 = arith.constant 4 : i32
        %sub3A_837 = vector.broadcast %sub3A_836 : i32 to vector<16xi32>
        %sub3A_838 = arith.subi %iota3A, %sub3A_837 : vector<16xi32>
        %max3A_839 = arith.constant 0 : i32
        %max3A_840 = vector.broadcast %max3A_839 : i32 to vector<16xi32>
        %max3A_841 = arith.maxsi %sub3A_838, %max3A_840 : vector<16xi32>
        %gather3A_842 = tpu.vector_load_idx %arg16[%max3A_841] : memref<16xi32, #tpu.memory_space<vmem>>[vector<16xi32>], vector<16xi32>,
        %gather3A_843 = tpu.vector_load_idx %arg17[%max3A_841] : memref<16xf32, #tpu.memory_space<vmem>>[vector<16xi32>], vector<16xf32>,
        %eq3A_844 = arith.cmpi eq, %gather3A_842, %masked_sort3A_797 : vector<16xi32>
        %ge3A_845 = arith.constant 4 : i32
        %ge3A_846 = vector.broadcast %ge3A_845 : i32 to vector<16xi32>
        %ge3A_847 = arith.cmpi sge, %iota3A, %ge3A_846 : vector<16xi32>
        %and3A_848 = arith.andi %eq3A_844, %ge3A_847 : vector<16xi1>
        %max3A_849 = arith.maximumf %select_n3A_833, %gather3A_843 : vector<16xf32>
        %select_n3A_850 = arith.select %and3A_848, %max3A_849, %select_n3A_833 : vector<16xi1>, vector<16xf32>
        %swap3A_851 = arith.constant 0 : index
        %swap3A_852 = tpu.vector_load %arg17[%swap3A_851] {strides = array<i32>} : memref<16xf32, #tpu.memory_space<vmem>>, vector<16xf32>,
        tpu.vector_store %arg17[%swap3A_851], %select_n3A_850 {strides = array<i32>} : memref<16xf32, #tpu.memory_space<vmem>>, vector<16xf32>,
        %sub3A_853 = arith.constant 8 : i32
        %sub3A_854 = vector.broadcast %sub3A_853 : i32 to vector<16xi32>
        %sub3A_855 = arith.subi %iota3A, %sub3A_854 : vector<16xi32>
        %max3A_856 = arith.constant 0 : i32
        %max3A_857 = vector.broadcast %max3A_856 : i32 to vector<16xi32>
        %max3A_858 = arith.maxsi %sub3A_855, %max3A_857 : vector<16xi32>
        %gather3A_859 = tpu.vector_load_idx %arg16[%max3A_858] : memref<16xi32, #tpu.memory_space<vmem>>[vector<16xi32>], vector<16xi32>,
        %gather3A_860 = tpu.vector_load_idx %arg17[%max3A_858] : memref<16xf32, #tpu.memory_space<vmem>>[vector<16xi32>], vector<16xf32>,
        %eq3A_861 = arith.cmpi eq, %gather3A_859, %masked_sort3A_797 : vector<16xi32>
        %ge3A_862 = arith.constant 8 : i32
        %ge3A_863 = vector.broadcast %ge3A_862 : i32 to vector<16xi32>
        %ge3A_864 = arith.cmpi sge, %iota3A, %ge3A_863 : vector<16xi32>
        %and3A_865 = arith.andi %eq3A_861, %ge3A_864 : vector<16xi1>
        %max3A_866 = arith.maximumf %select_n3A_850, %gather3A_860 : vector<16xf32>
        %select_n3A_867 = arith.select %and3A_865, %max3A_866, %select_n3A_850 : vector<16xi1>, vector<16xf32>
        %add3A_868 = arith.constant 1 : i32
        %add3A_869 = vector.broadcast %add3A_868 : i32 to vector<16xi32>
        %add3A_870 = arith.addi %iota3A, %add3A_869 : vector<16xi32>
        %min3A_871 = arith.constant 15 : i32
        %min3A_872 = vector.broadcast %min3A_871 : i32 to vector<16xi32>
        %min3A_873 = arith.minsi %add3A_870, %min3A_872 : vector<16xi32>
        %gather3A_874 = tpu.vector_load_idx %arg16[%min3A_873] : memref<16xi32, #tpu.memory_space<vmem>>[vector<16xi32>], vector<16xi32>,
        %ne3A_875 = arith.cmpi ne, %gather3A_874, %masked_sort3A_797 : vector<16xi32>
        %eq3A_876 = arith.constant 15 : i32
        %eq3A_877 = vector.broadcast %eq3A_876 : i32 to vector<16xi32>
        %eq3A_878 = arith.cmpi eq, %iota3A, %eq3A_877 : vector<16xi32>
        %or3A_879 = arith.ori %ne3A_875, %eq3A_878 : vector<16xi1>
        %gather3A_880 = tpu.vector_load_idx %arg11[%masked_sort3A_797] : memref<10000xf32, #tpu.memory_space<vmem>>[vector<16xi32>], vector<16xf32>,
        %max3A_881 = arith.maximumf %gather3A_880, %select_n3A_867 : vector<16xf32>
        tpu.vector_store_idx %arg11[%masked_sort3A_797], %max3A_881 masked %or3A_879 : memref<10000xf32, #tpu.memory_space<vmem>>[vector<16xi32>], vector<16xf32>, vector<16xi1>
        "tpu.region"() ({
          %run_scoped3A = tpu.sem_alloc : memref<!tpu.dma_semaphore, #tpu.memory_space<semaphore_mem>>
          %dma_start3A = tpu.memref_slice %arg7[%mul3A_21] : memref<320000xf32, #tpu.memory_space<hbm>> -> memref<128xf32, #tpu.memory_space<hbm>>
          %dma_start3A_882 = tpu.memref_slice %arg7[%mul3A_21] : memref<320000xf32, #tpu.memory_space<hbm>> -> memref<128xf32, #tpu.memory_space<hbm>>
          tpu.enqueue_dma source(%arg14 : memref<128xf32, #tpu.memory_space<vmem>>) target(%dma_start3A_882 : memref<128xf32, #tpu.memory_space<hbm>>) target_semaphore(%run_scoped3A : memref<!tpu.dma_semaphore, #tpu.memory_space<semaphore_mem>>)
          %dma_wait3A = tpu.memref_slice %arg7[%mul3A_21] : memref<320000xf32, #tpu.memory_space<hbm>> -> memref<128xf32, #tpu.memory_space<hbm>>
          %dma_wait3A_883 = tpu.memref_slice %arg7[%mul3A_21] : memref<320000xf32, #tpu.memory_space<hbm>> -> memref<128xf32, #tpu.memory_space<hbm>>
          tpu.wait_dma2 semaphore(%run_scoped3A : memref<!tpu.dma_semaphore, #tpu.memory_space<semaphore_mem>>) src(%arg14 : memref<128xf32, #tpu.memory_space<vmem>>) dst(%dma_wait3A_883 : memref<128xf32, #tpu.memory_space<hbm>>)
          tpu.yield
        }) : () -> ()
      } else {
      }
    }
    %scan3A_13 = arith.constant 79 : i32
    "tpu.region"() ({
      %run_scoped3A = tpu.sem_alloc : memref<!tpu.dma_semaphore, #tpu.memory_space<semaphore_mem>>
      %dma_start3A = arith.constant 0 : i32
      %dma_start3A_14 = tpu.memref_slice %arg8[%add3A, %dma_start3A] : memref<32x10000xf32, #tpu.memory_space<hbm>> -> memref<1x10000xf32, #tpu.memory_space<hbm>>
      %dma_start3A_15 = tpu.memref_squeeze %dma_start3A_14 : memref<1x10000xf32, #tpu.memory_space<hbm>> -> memref<10000xf32, #tpu.memory_space<hbm>>
      %dma_start3A_16 = arith.constant 0 : i32
      %dma_start3A_17 = tpu.memref_slice %arg8[%add3A, %dma_start3A_16] : memref<32x10000xf32, #tpu.memory_space<hbm>> -> memref<1x10000xf32, #tpu.memory_space<hbm>>
      %dma_start3A_18 = tpu.memref_squeeze %dma_start3A_17 : memref<1x10000xf32, #tpu.memory_space<hbm>> -> memref<10000xf32, #tpu.memory_space<hbm>>
      tpu.enqueue_dma source(%arg11 : memref<10000xf32, #tpu.memory_space<vmem>>) target(%dma_start3A_18 : memref<10000xf32, #tpu.memory_space<hbm>>) target_semaphore(%run_scoped3A : memref<!tpu.dma_semaphore, #tpu.memory_space<semaphore_mem>>)
      %dma_wait3A = arith.constant 0 : i32
      %dma_wait3A_19 = tpu.memref_slice %arg8[%add3A, %dma_wait3A] : memref<32x10000xf32, #tpu.memory_space<hbm>> -> memref<1x10000xf32, #tpu.memory_space<hbm>>
      %dma_wait3A_20 = tpu.memref_squeeze %dma_wait3A_19 : memref<1x10000xf32, #tpu.memory_space<hbm>> -> memref<10000xf32, #tpu.memory_space<hbm>>
      %dma_wait3A_21 = arith.constant 0 : i32
      %dma_wait3A_22 = tpu.memref_slice %arg8[%add3A, %dma_wait3A_21] : memref<32x10000xf32, #tpu.memory_space<hbm>> -> memref<1x10000xf32, #tpu.memory_space<hbm>>
      %dma_wait3A_23 = tpu.memref_squeeze %dma_wait3A_22 : memref<1x10000xf32, #tpu.memory_space<hbm>> -> memref<10000xf32, #tpu.memory_space<hbm>>
      tpu.wait_dma2 semaphore(%run_scoped3A : memref<!tpu.dma_semaphore, #tpu.memory_space<semaphore_mem>>) src(%arg11 : memref<10000xf32, #tpu.memory_space<vmem>>) dst(%dma_wait3A_23 : memref<10000xf32, #tpu.memory_space<hbm>>)
      tpu.yield
    }) : () -> ()
    return
  }
}

#map = affine_map<(d0, d1) -> (0, 0)>
#map1 = affine_map<(d0, d1) -> (0)>
module attributes {stable_mosaic.version = 14 : i64} {
  func.func @_gather_rows_kernel(%arg0: i32, %arg1: i32, %arg2: memref<10000x128xf32, #tpu.memory_space<hbm>>, %arg3: memref<10000x128xf32, #tpu.memory_space<hbm>>, %arg4: memref<320000xi32, #tpu.memory_space<hbm>>, %arg5: memref<320000xi32, #tpu.memory_space<hbm>>, %arg6: memref<320000x128xf32, #tpu.memory_space<hbm>>, %arg7: memref<320000x128xf32, #tpu.memory_space<hbm>>, %arg8: memref<128xi32, #tpu.memory_space<vmem>>, %arg9: memref<128xi32, #tpu.memory_space<vmem>>, %arg10: memref<128x128xf32, #tpu.memory_space<vmem>>, %arg11: memref<128x128xf32, #tpu.memory_space<vmem>>, %arg12: memref<!tpu.dma_semaphore, #tpu.memory_space<semaphore_mem>>, %arg13: memref<!tpu.dma_semaphore, #tpu.memory_space<semaphore_mem>>) attributes {dimension_semantics = [#tpu.dimension_semantics<core_parallel>, #tpu.dimension_semantics<subcore_parallel>], iteration_bounds = array<i64: 2, 16>, scalar_prefetch = 0 : i64, scratch_operands = 6 : i64, tpu.core_type = #tpu.core_type<sc_vector_subcore>, window_params = [{transform_indices = #map}, {transform_indices = #map}, {transform_indices = #map1}, {transform_indices = #map1}, {transform_indices = #map}, {transform_indices = #map}]} {
    %mul3A = arith.constant 2 : i32
    %mul3A_0 = arith.muli %arg1, %mul3A : i32
    %add3A = arith.addi %mul3A_0, %arg0 : i32
    %scan3A = arith.constant 0 : i32
    %scan3A_1 = arith.constant 0 : i32
    %scan3A_2 = arith.constant 79 : i32
    %scan3A_3 = arith.addi %scan3A_1, %scan3A_2 : i32
    %scan3A_4 = arith.constant 1 : i32
    scf.for %scan3A_6 = %scan3A_1 to %scan3A_3 step %scan3A_4  : i32 {
      %mul3A_7 = arith.constant 32 : i32
      %mul3A_8 = arith.muli %scan3A_6, %mul3A_7 : i32
      %add3A_9 = arith.addi %mul3A_8, %add3A : i32
      %lt3A = arith.constant 2500 : i32
      %lt3A_10 = arith.cmpi slt, %add3A_9, %lt3A : i32
      %convert_element_type3A = arith.extui %lt3A_10 : i1 to i32
      %cond3A = arith.constant 0 : i32
      %cond3A_11 = arith.cmpi ne, %convert_element_type3A, %cond3A : i32
      scf.if %cond3A_11 {
        %mul3A_12 = arith.constant 128 : i32
        %mul3A_13 = arith.muli %add3A_9, %mul3A_12 : i32
        "tpu.region"() ({
          %run_scoped3A = tpu.sem_alloc : memref<!tpu.dma_semaphore, #tpu.memory_space<semaphore_mem>>
          %dma_start3A_24 = tpu.memref_slice %arg4[%mul3A_13] : memref<320000xi32, #tpu.memory_space<hbm>> -> memref<128xi32, #tpu.memory_space<hbm>>
          %dma_start3A_25 = tpu.memref_slice %arg4[%mul3A_13] : memref<320000xi32, #tpu.memory_space<hbm>> -> memref<128xi32, #tpu.memory_space<hbm>>
          tpu.enqueue_dma source(%dma_start3A_25 : memref<128xi32, #tpu.memory_space<hbm>>) target(%arg8 : memref<128xi32, #tpu.memory_space<vmem>>) target_semaphore(%run_scoped3A : memref<!tpu.dma_semaphore, #tpu.memory_space<semaphore_mem>>)
          %dma_wait3A_26 = tpu.memref_slice %arg4[%mul3A_13] : memref<320000xi32, #tpu.memory_space<hbm>> -> memref<128xi32, #tpu.memory_space<hbm>>
          %dma_wait3A_27 = tpu.memref_slice %arg4[%mul3A_13] : memref<320000xi32, #tpu.memory_space<hbm>> -> memref<128xi32, #tpu.memory_space<hbm>>
          tpu.wait_dma2 semaphore(%run_scoped3A : memref<!tpu.dma_semaphore, #tpu.memory_space<semaphore_mem>>) src(%dma_wait3A_27 : memref<128xi32, #tpu.memory_space<hbm>>) dst(%arg8 : memref<128xi32, #tpu.memory_space<vmem>>)
          tpu.yield
        }) : () -> ()
        "tpu.region"() ({
          %run_scoped3A = tpu.sem_alloc : memref<!tpu.dma_semaphore, #tpu.memory_space<semaphore_mem>>
          %dma_start3A_24 = tpu.memref_slice %arg5[%mul3A_13] : memref<320000xi32, #tpu.memory_space<hbm>> -> memref<128xi32, #tpu.memory_space<hbm>>
          %dma_start3A_25 = tpu.memref_slice %arg5[%mul3A_13] : memref<320000xi32, #tpu.memory_space<hbm>> -> memref<128xi32, #tpu.memory_space<hbm>>
          tpu.enqueue_dma source(%dma_start3A_25 : memref<128xi32, #tpu.memory_space<hbm>>) target(%arg9 : memref<128xi32, #tpu.memory_space<vmem>>) target_semaphore(%run_scoped3A : memref<!tpu.dma_semaphore, #tpu.memory_space<semaphore_mem>>)
          %dma_wait3A_26 = tpu.memref_slice %arg5[%mul3A_13] : memref<320000xi32, #tpu.memory_space<hbm>> -> memref<128xi32, #tpu.memory_space<hbm>>
          %dma_wait3A_27 = tpu.memref_slice %arg5[%mul3A_13] : memref<320000xi32, #tpu.memory_space<hbm>> -> memref<128xi32, #tpu.memory_space<hbm>>
          tpu.wait_dma2 semaphore(%run_scoped3A : memref<!tpu.dma_semaphore, #tpu.memory_space<semaphore_mem>>) src(%dma_wait3A_27 : memref<128xi32, #tpu.memory_space<hbm>>) dst(%arg9 : memref<128xi32, #tpu.memory_space<vmem>>)
          tpu.yield
        }) : () -> ()
        %dma_start3A = arith.constant 0 : i32
        %dma_start3A_14 = arith.constant 0 : i32
        %dma_start3A_15 = tpu.memref_slice %arg2[%dma_start3A, %dma_start3A_14] : memref<10000x128xf32, #tpu.memory_space<hbm>> -> memref<10000x128xf32, #tpu.memory_space<hbm>>
        tpu.enqueue_indirect_dma source(%dma_start3A_15 : memref<10000x128xf32, #tpu.memory_space<hbm>>) target(%arg10 : memref<128x128xf32, #tpu.memory_space<vmem>>) offsets(%arg8 : memref<128xi32, #tpu.memory_space<vmem>>) semaphore(%arg12 : memref<!tpu.dma_semaphore, #tpu.memory_space<semaphore_mem>>)
        %dma_start3A_16 = arith.constant 0 : i32
        %dma_start3A_17 = arith.constant 0 : i32
        %dma_start3A_18 = tpu.memref_slice %arg3[%dma_start3A_16, %dma_start3A_17] : memref<10000x128xf32, #tpu.memory_space<hbm>> -> memref<10000x128xf32, #tpu.memory_space<hbm>>
        tpu.enqueue_indirect_dma source(%dma_start3A_18 : memref<10000x128xf32, #tpu.memory_space<hbm>>) target(%arg11 : memref<128x128xf32, #tpu.memory_space<vmem>>) offsets(%arg9 : memref<128xi32, #tpu.memory_space<vmem>>) semaphore(%arg13 : memref<!tpu.dma_semaphore, #tpu.memory_space<semaphore_mem>>)
        %dma_wait3A = arith.constant 0 : i32
        %dma_wait3A_19 = arith.constant 0 : i32
        %dma_wait3A_20 = tpu.memref_slice %arg2[%dma_wait3A, %dma_wait3A_19] : memref<10000x128xf32, #tpu.memory_space<hbm>> -> memref<10000x128xf32, #tpu.memory_space<hbm>>
        tpu.wait_indirect_dma semaphore(%arg12 : memref<!tpu.dma_semaphore, #tpu.memory_space<semaphore_mem>>) src(%dma_wait3A_20 : memref<10000x128xf32, #tpu.memory_space<hbm>>) dst(%arg10 : memref<128x128xf32, #tpu.memory_space<vmem>>)
        %dma_wait3A_21 = arith.constant 0 : i32
        %dma_wait3A_22 = arith.constant 0 : i32
        %dma_wait3A_23 = tpu.memref_slice %arg3[%dma_wait3A_21, %dma_wait3A_22] : memref<10000x128xf32, #tpu.memory_space<hbm>> -> memref<10000x128xf32, #tpu.memory_space<hbm>>
        tpu.wait_indirect_dma semaphore(%arg13 : memref<!tpu.dma_semaphore, #tpu.memory_space<semaphore_mem>>) src(%dma_wait3A_23 : memref<10000x128xf32, #tpu.memory_space<hbm>>) dst(%arg11 : memref<128x128xf32, #tpu.memory_space<vmem>>)
        "tpu.region"() ({
          %run_scoped3A = tpu.sem_alloc : memref<!tpu.dma_semaphore, #tpu.memory_space<semaphore_mem>>
          %dma_start3A_24 = arith.constant 0 : i32
          %dma_start3A_25 = tpu.memref_slice %arg6[%mul3A_13, %dma_start3A_24] : memref<320000x128xf32, #tpu.memory_space<hbm>> -> memref<128x128xf32, #tpu.memory_space<hbm>>
          %dma_start3A_26 = arith.constant 0 : i32
          %dma_start3A_27 = tpu.memref_slice %arg6[%mul3A_13, %dma_start3A_26] : memref<320000x128xf32, #tpu.memory_space<hbm>> -> memref<128x128xf32, #tpu.memory_space<hbm>>
          tpu.enqueue_dma source(%arg10 : memref<128x128xf32, #tpu.memory_space<vmem>>) target(%dma_start3A_27 : memref<128x128xf32, #tpu.memory_space<hbm>>) target_semaphore(%run_scoped3A : memref<!tpu.dma_semaphore, #tpu.memory_space<semaphore_mem>>)
          %dma_wait3A_28 = arith.constant 0 : i32
          %dma_wait3A_29 = tpu.memref_slice %arg6[%mul3A_13, %dma_wait3A_28] : memref<320000x128xf32, #tpu.memory_space<hbm>> -> memref<128x128xf32, #tpu.memory_space<hbm>>
          %dma_wait3A_30 = arith.constant 0 : i32
          %dma_wait3A_31 = tpu.memref_slice %arg6[%mul3A_13, %dma_wait3A_30] : memref<320000x128xf32, #tpu.memory_space<hbm>> -> memref<128x128xf32, #tpu.memory_space<hbm>>
          tpu.wait_dma2 semaphore(%run_scoped3A : memref<!tpu.dma_semaphore, #tpu.memory_space<semaphore_mem>>) src(%arg10 : memref<128x128xf32, #tpu.memory_space<vmem>>) dst(%dma_wait3A_31 : memref<128x128xf32, #tpu.memory_space<hbm>>)
          tpu.yield
        }) : () -> ()
        "tpu.region"() ({
          %run_scoped3A = tpu.sem_alloc : memref<!tpu.dma_semaphore, #tpu.memory_space<semaphore_mem>>
          %dma_start3A_24 = arith.constant 0 : i32
          %dma_start3A_25 = tpu.memref_slice %arg7[%mul3A_13, %dma_start3A_24] : memref<320000x128xf32, #tpu.memory_space<hbm>> -> memref<128x128xf32, #tpu.memory_space<hbm>>
          %dma_start3A_26 = arith.constant 0 : i32
          %dma_start3A_27 = tpu.memref_slice %arg7[%mul3A_13, %dma_start3A_26] : memref<320000x128xf32, #tpu.memory_space<hbm>> -> memref<128x128xf32, #tpu.memory_space<hbm>>
          tpu.enqueue_dma source(%arg11 : memref<128x128xf32, #tpu.memory_space<vmem>>) target(%dma_start3A_27 : memref<128x128xf32, #tpu.memory_space<hbm>>) target_semaphore(%run_scoped3A : memref<!tpu.dma_semaphore, #tpu.memory_space<semaphore_mem>>)
          %dma_wait3A_28 = arith.constant 0 : i32
          %dma_wait3A_29 = tpu.memref_slice %arg7[%mul3A_13, %dma_wait3A_28] : memref<320000x128xf32, #tpu.memory_space<hbm>> -> memref<128x128xf32, #tpu.memory_space<hbm>>
          %dma_wait3A_30 = arith.constant 0 : i32
          %dma_wait3A_31 = tpu.memref_slice %arg7[%mul3A_13, %dma_wait3A_30] : memref<320000x128xf32, #tpu.memory_space<hbm>> -> memref<128x128xf32, #tpu.memory_space<hbm>>
          tpu.wait_dma2 semaphore(%run_scoped3A : memref<!tpu.dma_semaphore, #tpu.memory_space<semaphore_mem>>) src(%arg11 : memref<128x128xf32, #tpu.memory_space<vmem>>) dst(%dma_wait3A_31 : memref<128x128xf32, #tpu.memory_space<hbm>>)
          tpu.yield
        }) : () -> ()
      } else {
      }
    }
    %scan3A_5 = arith.constant 79 : i32
    return
  }
}

#map = affine_map<(d0, d1) -> (0, 0)>
#map1 = affine_map<(d0, d1) -> (0)>
#map2 = affine_map<(d0, d1) -> (0, 0, 0)>
module attributes {stable_mosaic.version = 14 : i64} {
  func.func @_scatter_add_kernel(%arg0: i32, %arg1: i32, %arg2: memref<320000x128xf32, #tpu.memory_space<hbm>>, %arg3: memref<320000x128xf32, #tpu.memory_space<hbm>>, %arg4: memref<320000xi32, #tpu.memory_space<hbm>>, %arg5: memref<320000xi32, #tpu.memory_space<hbm>>, %arg6: memref<10000x128xf32, #tpu.memory_space<hbm>>, %arg7: memref<2x10000x128xf32, #tpu.memory_space<hbm>>, %arg8: memref<2x640x128xf32, #tpu.memory_space<hbm>>, %arg9: memref<128xi32, #tpu.memory_space<vmem>>, %arg10: memref<128xi32, #tpu.memory_space<vmem>>, %arg11: memref<128x128xf32, #tpu.memory_space<vmem>>, %arg12: memref<128x128xf32, #tpu.memory_space<vmem>>, %arg13: memref<10000x128xf32, #tpu.memory_space<vmem_shared>>, %arg14: memref<640x128xf32, #tpu.memory_space<vmem_shared>>) attributes {dimension_semantics = [#tpu.dimension_semantics<core_parallel>, #tpu.dimension_semantics<subcore_parallel>], iteration_bounds = array<i64: 2, 16>, scalar_prefetch = 0 : i64, scratch_operands = 6 : i64, tpu.core_type = #tpu.core_type<sc_vector_subcore>, window_params = [{transform_indices = #map}, {transform_indices = #map}, {transform_indices = #map1}, {transform_indices = #map1}, {transform_indices = #map}, {transform_indices = #map2}, {transform_indices = #map2}]} {
    %mul3A = arith.constant 624 : i32
    %mul3A_0 = arith.muli %arg1, %mul3A : i32
    "tpu.region"() ({
      %run_scoped3A = tpu.sem_alloc : memref<!tpu.dma_semaphore, #tpu.memory_space<semaphore_mem>>
      %dma_start3A = arith.constant 0 : i32
      %dma_start3A_24 = tpu.memref_slice %arg13[%mul3A_0, %dma_start3A] : memref<10000x128xf32, #tpu.memory_space<vmem_shared>> -> memref<624x128xf32, #tpu.memory_space<vmem_shared>>
      %dma_start3A_25 = arith.constant 0 : i32
      %dma_start3A_26 = tpu.memref_slice %arg6[%mul3A_0, %dma_start3A_25] : memref<10000x128xf32, #tpu.memory_space<hbm>> -> memref<624x128xf32, #tpu.memory_space<hbm>>
      tpu.enqueue_dma source(%dma_start3A_26 : memref<624x128xf32, #tpu.memory_space<hbm>>) target(%dma_start3A_24 : memref<624x128xf32, #tpu.memory_space<vmem_shared>>) target_semaphore(%run_scoped3A : memref<!tpu.dma_semaphore, #tpu.memory_space<semaphore_mem>>)
      %dma_wait3A = arith.constant 0 : i32
      %dma_wait3A_27 = tpu.memref_slice %arg13[%mul3A_0, %dma_wait3A] : memref<10000x128xf32, #tpu.memory_space<vmem_shared>> -> memref<624x128xf32, #tpu.memory_space<vmem_shared>>
      %dma_wait3A_28 = arith.constant 0 : i32
      %dma_wait3A_29 = tpu.memref_slice %arg6[%mul3A_0, %dma_wait3A_28] : memref<10000x128xf32, #tpu.memory_space<hbm>> -> memref<624x128xf32, #tpu.memory_space<hbm>>
      tpu.wait_dma2 semaphore(%run_scoped3A : memref<!tpu.dma_semaphore, #tpu.memory_space<semaphore_mem>>) src(%dma_wait3A_29 : memref<624x128xf32, #tpu.memory_space<hbm>>) dst(%dma_wait3A_27 : memref<624x128xf32, #tpu.memory_space<vmem_shared>>)
      tpu.yield
    }) : () -> ()
    %eq3A = arith.constant 15 : i32
    %eq3A_1 = arith.cmpi eq, %arg1, %eq3A : i32
    %convert_element_type3A = arith.extui %eq3A_1 : i1 to i32
    %cond3A = arith.constant 0 : i32
    %cond3A_2 = arith.cmpi ne, %convert_element_type3A, %cond3A : i32
    scf.if %cond3A_2 {
      "tpu.region"() ({
        %run_scoped3A = tpu.sem_alloc : memref<!tpu.dma_semaphore, #tpu.memory_space<semaphore_mem>>
        %dma_start3A = arith.constant 9984 : i32
        %dma_start3A_24 = arith.constant 0 : i32
        %dma_start3A_25 = tpu.memref_slice %arg13[%dma_start3A, %dma_start3A_24] : memref<10000x128xf32, #tpu.memory_space<vmem_shared>> -> memref<16x128xf32, #tpu.memory_space<vmem_shared>>
        %dma_start3A_26 = arith.constant 9984 : i32
        %dma_start3A_27 = arith.constant 0 : i32
        %dma_start3A_28 = tpu.memref_slice %arg6[%dma_start3A_26, %dma_start3A_27] : memref<10000x128xf32, #tpu.memory_space<hbm>> -> memref<16x128xf32, #tpu.memory_space<hbm>>
        tpu.enqueue_dma source(%dma_start3A_28 : memref<16x128xf32, #tpu.memory_space<hbm>>) target(%dma_start3A_25 : memref<16x128xf32, #tpu.memory_space<vmem_shared>>) target_semaphore(%run_scoped3A : memref<!tpu.dma_semaphore, #tpu.memory_space<semaphore_mem>>)
        %dma_wait3A = arith.constant 9984 : i32
        %dma_wait3A_29 = arith.constant 0 : i32
        %dma_wait3A_30 = tpu.memref_slice %arg13[%dma_wait3A, %dma_wait3A_29] : memref<10000x128xf32, #tpu.memory_space<vmem_shared>> -> memref<16x128xf32, #tpu.memory_space<vmem_shared>>
        %dma_wait3A_31 = arith.constant 9984 : i32
        %dma_wait3A_32 = arith.constant 0 : i32
        %dma_wait3A_33 = tpu.memref_slice %arg6[%dma_wait3A_31, %dma_wait3A_32] : memref<10000x128xf32, #tpu.memory_space<hbm>> -> memref<16x128xf32, #tpu.memory_space<hbm>>
        tpu.wait_dma2 semaphore(%run_scoped3A : memref<!tpu.dma_semaphore, #tpu.memory_space<semaphore_mem>>) src(%dma_wait3A_33 : memref<16x128xf32, #tpu.memory_space<hbm>>) dst(%dma_wait3A_30 : memref<16x128xf32, #tpu.memory_space<vmem_shared>>)
        tpu.yield
      }) : () -> ()
    } else {
    }
    %eq3A_3 = arith.constant 0 : i32
    %eq3A_4 = arith.cmpi eq, %arg1, %eq3A_3 : i32
    %convert_element_type3A_5 = arith.extui %eq3A_4 : i1 to i32
    %cond3A_6 = arith.constant 0 : i32
    %cond3A_7 = arith.cmpi ne, %convert_element_type3A_5, %cond3A_6 : i32
    scf.if %cond3A_7 {
      "tpu.region"() ({
        %run_scoped3A = tpu.sem_alloc : memref<!tpu.dma_semaphore, #tpu.memory_space<semaphore_mem>>
        %dma_start3A = arith.constant 0 : i32
        %dma_start3A_24 = arith.constant 0 : i32
        %dma_start3A_25 = tpu.memref_slice %arg6[%dma_start3A, %dma_start3A_24] : memref<10000x128xf32, #tpu.memory_space<hbm>> -> memref<640x128xf32, #tpu.memory_space<hbm>>
        tpu.enqueue_dma source(%dma_start3A_25 : memref<640x128xf32, #tpu.memory_space<hbm>>) target(%arg14 : memref<640x128xf32, #tpu.memory_space<vmem_shared>>) target_semaphore(%run_scoped3A : memref<!tpu.dma_semaphore, #tpu.memory_space<semaphore_mem>>)
        %dma_wait3A = arith.constant 0 : i32
        %dma_wait3A_26 = arith.constant 0 : i32
        %dma_wait3A_27 = tpu.memref_slice %arg6[%dma_wait3A, %dma_wait3A_26] : memref<10000x128xf32, #tpu.memory_space<hbm>> -> memref<640x128xf32, #tpu.memory_space<hbm>>
        tpu.wait_dma2 semaphore(%run_scoped3A : memref<!tpu.dma_semaphore, #tpu.memory_space<semaphore_mem>>) src(%dma_wait3A_27 : memref<640x128xf32, #tpu.memory_space<hbm>>) dst(%arg14 : memref<640x128xf32, #tpu.memory_space<vmem_shared>>)
        tpu.yield
      }) : () -> ()
    } else {
    }
    %barrier3A = arith.constant 0 : index
    tpu.barrier barrier_id(%barrier3A)
    %scan3A = arith.constant 0 : i32
    %scan3A_8 = arith.constant 0 : i32
    %scan3A_9 = arith.constant 79 : i32
    %scan3A_10 = arith.addi %scan3A_8, %scan3A_9 : i32
    %scan3A_11 = arith.constant 1 : i32
    scf.for %scan3A_24 = %scan3A_8 to %scan3A_10 step %scan3A_11  : i32 {
      %mul3A_25 = arith.constant 1250 : i32
      %mul3A_26 = arith.muli %arg0, %mul3A_25 : i32
      %mul3A_27 = arith.constant 16 : i32
      %mul3A_28 = arith.muli %scan3A_24, %mul3A_27 : i32
      %add3A = arith.addi %mul3A_26, %mul3A_28 : i32
      %add3A_29 = arith.addi %add3A, %arg1 : i32
      %add3A_30 = arith.constant 1 : i32
      %add3A_31 = arith.addi %arg0, %add3A_30 : i32
      %mul3A_32 = arith.constant 1250 : i32
      %mul3A_33 = arith.muli %add3A_31, %mul3A_32 : i32
      %lt3A = arith.cmpi slt, %add3A_29, %mul3A_33 : i32
      %convert_element_type3A_34 = arith.extui %lt3A : i1 to i32
      %cond3A_35 = arith.constant 0 : i32
      %cond3A_36 = arith.cmpi ne, %convert_element_type3A_34, %cond3A_35 : i32
      scf.if %cond3A_36 {
        %mul3A_37 = arith.constant 128 : i32
        %mul3A_38 = arith.muli %add3A_29, %mul3A_37 : i32
        "tpu.region"() ({
          %run_scoped3A = tpu.sem_alloc : memref<!tpu.dma_semaphore, #tpu.memory_space<semaphore_mem>>
          %dma_start3A = tpu.memref_slice %arg4[%mul3A_38] : memref<320000xi32, #tpu.memory_space<hbm>> -> memref<128xi32, #tpu.memory_space<hbm>>
          %dma_start3A_39 = tpu.memref_slice %arg4[%mul3A_38] : memref<320000xi32, #tpu.memory_space<hbm>> -> memref<128xi32, #tpu.memory_space<hbm>>
          tpu.enqueue_dma source(%dma_start3A_39 : memref<128xi32, #tpu.memory_space<hbm>>) target(%arg9 : memref<128xi32, #tpu.memory_space<vmem>>) target_semaphore(%run_scoped3A : memref<!tpu.dma_semaphore, #tpu.memory_space<semaphore_mem>>)
          %dma_wait3A = tpu.memref_slice %arg4[%mul3A_38] : memref<320000xi32, #tpu.memory_space<hbm>> -> memref<128xi32, #tpu.memory_space<hbm>>
          %dma_wait3A_40 = tpu.memref_slice %arg4[%mul3A_38] : memref<320000xi32, #tpu.memory_space<hbm>> -> memref<128xi32, #tpu.memory_space<hbm>>
          tpu.wait_dma2 semaphore(%run_scoped3A : memref<!tpu.dma_semaphore, #tpu.memory_space<semaphore_mem>>) src(%dma_wait3A_40 : memref<128xi32, #tpu.memory_space<hbm>>) dst(%arg9 : memref<128xi32, #tpu.memory_space<vmem>>)
          tpu.yield
        }) : () -> ()
        "tpu.region"() ({
          %run_scoped3A = tpu.sem_alloc : memref<!tpu.dma_semaphore, #tpu.memory_space<semaphore_mem>>
          %dma_start3A = tpu.memref_slice %arg5[%mul3A_38] : memref<320000xi32, #tpu.memory_space<hbm>> -> memref<128xi32, #tpu.memory_space<hbm>>
          %dma_start3A_39 = tpu.memref_slice %arg5[%mul3A_38] : memref<320000xi32, #tpu.memory_space<hbm>> -> memref<128xi32, #tpu.memory_space<hbm>>
          tpu.enqueue_dma source(%dma_start3A_39 : memref<128xi32, #tpu.memory_space<hbm>>) target(%arg10 : memref<128xi32, #tpu.memory_space<vmem>>) target_semaphore(%run_scoped3A : memref<!tpu.dma_semaphore, #tpu.memory_space<semaphore_mem>>)
          %dma_wait3A = tpu.memref_slice %arg5[%mul3A_38] : memref<320000xi32, #tpu.memory_space<hbm>> -> memref<128xi32, #tpu.memory_space<hbm>>
          %dma_wait3A_40 = tpu.memref_slice %arg5[%mul3A_38] : memref<320000xi32, #tpu.memory_space<hbm>> -> memref<128xi32, #tpu.memory_space<hbm>>
          tpu.wait_dma2 semaphore(%run_scoped3A : memref<!tpu.dma_semaphore, #tpu.memory_space<semaphore_mem>>) src(%dma_wait3A_40 : memref<128xi32, #tpu.memory_space<hbm>>) dst(%arg10 : memref<128xi32, #tpu.memory_space<vmem>>)
          tpu.yield
        }) : () -> ()
        "tpu.region"() ({
          %run_scoped3A = tpu.sem_alloc : memref<!tpu.dma_semaphore, #tpu.memory_space<semaphore_mem>>
          %dma_start3A = arith.constant 0 : i32
          %dma_start3A_39 = tpu.memref_slice %arg2[%mul3A_38, %dma_start3A] : memref<320000x128xf32, #tpu.memory_space<hbm>> -> memref<128x128xf32, #tpu.memory_space<hbm>>
          %dma_start3A_40 = arith.constant 0 : i32
          %dma_start3A_41 = tpu.memref_slice %arg2[%mul3A_38, %dma_start3A_40] : memref<320000x128xf32, #tpu.memory_space<hbm>> -> memref<128x128xf32, #tpu.memory_space<hbm>>
          tpu.enqueue_dma source(%dma_start3A_41 : memref<128x128xf32, #tpu.memory_space<hbm>>) target(%arg11 : memref<128x128xf32, #tpu.memory_space<vmem>>) target_semaphore(%run_scoped3A : memref<!tpu.dma_semaphore, #tpu.memory_space<semaphore_mem>>)
          %dma_wait3A = arith.constant 0 : i32
          %dma_wait3A_42 = tpu.memref_slice %arg2[%mul3A_38, %dma_wait3A] : memref<320000x128xf32, #tpu.memory_space<hbm>> -> memref<128x128xf32, #tpu.memory_space<hbm>>
          %dma_wait3A_43 = arith.constant 0 : i32
          %dma_wait3A_44 = tpu.memref_slice %arg2[%mul3A_38, %dma_wait3A_43] : memref<320000x128xf32, #tpu.memory_space<hbm>> -> memref<128x128xf32, #tpu.memory_space<hbm>>
          tpu.wait_dma2 semaphore(%run_scoped3A : memref<!tpu.dma_semaphore, #tpu.memory_space<semaphore_mem>>) src(%dma_wait3A_44 : memref<128x128xf32, #tpu.memory_space<hbm>>) dst(%arg11 : memref<128x128xf32, #tpu.memory_space<vmem>>)
          tpu.yield
        }) : () -> ()
        "tpu.region"() ({
          %run_scoped3A = tpu.sem_alloc : memref<!tpu.dma_semaphore, #tpu.memory_space<semaphore_mem>>
          %dma_start3A = arith.constant 0 : i32
          %dma_start3A_39 = tpu.memref_slice %arg3[%mul3A_38, %dma_start3A] : memref<320000x128xf32, #tpu.memory_space<hbm>> -> memref<128x128xf32, #tpu.memory_space<hbm>>
          %dma_start3A_40 = arith.constant 0 : i32
          %dma_start3A_41 = tpu.memref_slice %arg3[%mul3A_38, %dma_start3A_40] : memref<320000x128xf32, #tpu.memory_space<hbm>> -> memref<128x128xf32, #tpu.memory_space<hbm>>
          tpu.enqueue_dma source(%dma_start3A_41 : memref<128x128xf32, #tpu.memory_space<hbm>>) target(%arg12 : memref<128x128xf32, #tpu.memory_space<vmem>>) target_semaphore(%run_scoped3A : memref<!tpu.dma_semaphore, #tpu.memory_space<semaphore_mem>>)
          %dma_wait3A = arith.constant 0 : i32
          %dma_wait3A_42 = tpu.memref_slice %arg3[%mul3A_38, %dma_wait3A] : memref<320000x128xf32, #tpu.memory_space<hbm>> -> memref<128x128xf32, #tpu.memory_space<hbm>>
          %dma_wait3A_43 = arith.constant 0 : i32
          %dma_wait3A_44 = tpu.memref_slice %arg3[%mul3A_38, %dma_wait3A_43] : memref<320000x128xf32, #tpu.memory_space<hbm>> -> memref<128x128xf32, #tpu.memory_space<hbm>>
          tpu.wait_dma2 semaphore(%run_scoped3A : memref<!tpu.dma_semaphore, #tpu.memory_space<semaphore_mem>>) src(%dma_wait3A_44 : memref<128x128xf32, #tpu.memory_space<hbm>>) dst(%arg12 : memref<128x128xf32, #tpu.memory_space<vmem>>)
          tpu.yield
        }) : () -> ()
        "tpu.region"() ({
          %run_scoped3A = tpu.sem_alloc : memref<!tpu.dma_semaphore, #tpu.memory_space<semaphore_mem>>
          %dma_start3A = arith.constant 0 : i32
          %dma_start3A_39 = arith.constant 0 : i32
          %dma_start3A_40 = tpu.memref_slice %arg13[%dma_start3A, %dma_start3A_39] : memref<10000x128xf32, #tpu.memory_space<vmem_shared>> -> memref<10000x128xf32, #tpu.memory_space<vmem_shared>>
          tpu.enqueue_indirect_dma source(%arg11 : memref<128x128xf32, #tpu.memory_space<vmem>>) target(%dma_start3A_40 : memref<10000x128xf32, #tpu.memory_space<vmem_shared>>) offsets(%arg9 : memref<128xi32, #tpu.memory_space<vmem>>) semaphore(%run_scoped3A : memref<!tpu.dma_semaphore, #tpu.memory_space<semaphore_mem>>) {add = true}
          %dma_wait3A = arith.constant 0 : i32
          %dma_wait3A_41 = arith.constant 0 : i32
          %dma_wait3A_42 = tpu.memref_slice %arg13[%dma_wait3A, %dma_wait3A_41] : memref<10000x128xf32, #tpu.memory_space<vmem_shared>> -> memref<10000x128xf32, #tpu.memory_space<vmem_shared>>
          tpu.wait_indirect_dma semaphore(%run_scoped3A : memref<!tpu.dma_semaphore, #tpu.memory_space<semaphore_mem>>) src(%arg11 : memref<128x128xf32, #tpu.memory_space<vmem>>) dst(%dma_wait3A_42 : memref<10000x128xf32, #tpu.memory_space<vmem_shared>>)
          tpu.yield
        }) : () -> ()
        "tpu.region"() ({
          %run_scoped3A = tpu.sem_alloc : memref<!tpu.dma_semaphore, #tpu.memory_space<semaphore_mem>>
          %dma_start3A = arith.constant 0 : i32
          %dma_start3A_39 = arith.constant 0 : i32
          %dma_start3A_40 = tpu.memref_slice %arg14[%dma_start3A, %dma_start3A_39] : memref<640x128xf32, #tpu.memory_space<vmem_shared>> -> memref<640x128xf32, #tpu.memory_space<vmem_shared>>
          tpu.enqueue_indirect_dma source(%arg12 : memref<128x128xf32, #tpu.memory_space<vmem>>) target(%dma_start3A_40 : memref<640x128xf32, #tpu.memory_space<vmem_shared>>) offsets(%arg10 : memref<128xi32, #tpu.memory_space<vmem>>) semaphore(%run_scoped3A : memref<!tpu.dma_semaphore, #tpu.memory_space<semaphore_mem>>) {add = true}
          %dma_wait3A = arith.constant 0 : i32
          %dma_wait3A_41 = arith.constant 0 : i32
          %dma_wait3A_42 = tpu.memref_slice %arg14[%dma_wait3A, %dma_wait3A_41] : memref<640x128xf32, #tpu.memory_space<vmem_shared>> -> memref<640x128xf32, #tpu.memory_space<vmem_shared>>
          tpu.wait_indirect_dma semaphore(%run_scoped3A : memref<!tpu.dma_semaphore, #tpu.memory_space<semaphore_mem>>) src(%arg12 : memref<128x128xf32, #tpu.memory_space<vmem>>) dst(%dma_wait3A_42 : memref<640x128xf32, #tpu.memory_space<vmem_shared>>)
          tpu.yield
        }) : () -> ()
      } else {
      }
    }
    %scan3A_12 = arith.constant 79 : i32
    %barrier3A_13 = arith.constant 0 : index
    tpu.barrier barrier_id(%barrier3A_13)
    "tpu.region"() ({
      %run_scoped3A = tpu.sem_alloc : memref<!tpu.dma_semaphore, #tpu.memory_space<semaphore_mem>>
      %dma_start3A = arith.constant 0 : i32
      %dma_start3A_24 = tpu.memref_slice %arg7[%arg0, %mul3A_0, %dma_start3A] : memref<2x10000x128xf32, #tpu.memory_space<hbm>> -> memref<1x624x128xf32, #tpu.memory_space<hbm>>
      %dma_start3A_25 = tpu.memref_squeeze %dma_start3A_24 : memref<1x624x128xf32, #tpu.memory_space<hbm>> -> memref<624x128xf32, #tpu.memory_space<hbm>>
      %dma_start3A_26 = arith.constant 0 : i32
      %dma_start3A_27 = tpu.memref_slice %arg13[%mul3A_0, %dma_start3A_26] : memref<10000x128xf32, #tpu.memory_space<vmem_shared>> -> memref<624x128xf32, #tpu.memory_space<vmem_shared>>
      tpu.enqueue_dma source(%dma_start3A_27 : memref<624x128xf32, #tpu.memory_space<vmem_shared>>) target(%dma_start3A_25 : memref<624x128xf32, #tpu.memory_space<hbm>>) target_semaphore(%run_scoped3A : memref<!tpu.dma_semaphore, #tpu.memory_space<semaphore_mem>>)
      %dma_wait3A = arith.constant 0 : i32
      %dma_wait3A_28 = tpu.memref_slice %arg7[%arg0, %mul3A_0, %dma_wait3A] : memref<2x10000x128xf32, #tpu.memory_space<hbm>> -> memref<1x624x128xf32, #tpu.memory_space<hbm>>
      %dma_wait3A_29 = tpu.memref_squeeze %dma_wait3A_28 : memref<1x624x128xf32, #tpu.memory_space<hbm>> -> memref<624x128xf32, #tpu.memory_space<hbm>>
      %dma_wait3A_30 = arith.constant 0 : i32
      %dma_wait3A_31 = tpu.memref_slice %arg13[%mul3A_0, %dma_wait3A_30] : memref<10000x128xf32, #tpu.memory_space<vmem_shared>> -> memref<624x128xf32, #tpu.memory_space<vmem_shared>>
      tpu.wait_dma2 semaphore(%run_scoped3A : memref<!tpu.dma_semaphore, #tpu.memory_space<semaphore_mem>>) src(%dma_wait3A_31 : memref<624x128xf32, #tpu.memory_space<vmem_shared>>) dst(%dma_wait3A_29 : memref<624x128xf32, #tpu.memory_space<hbm>>)
      tpu.yield
    }) : () -> ()
    %eq3A_14 = arith.constant 15 : i32
    %eq3A_15 = arith.cmpi eq, %arg1, %eq3A_14 : i32
    %convert_element_type3A_16 = arith.extui %eq3A_15 : i1 to i32
    %cond3A_17 = arith.constant 0 : i32
    %cond3A_18 = arith.cmpi ne, %convert_element_type3A_16, %cond3A_17 : i32
    scf.if %cond3A_18 {
      "tpu.region"() ({
        %run_scoped3A = tpu.sem_alloc : memref<!tpu.dma_semaphore, #tpu.memory_space<semaphore_mem>>
        %dma_start3A = arith.constant 9984 : i32
        %dma_start3A_24 = arith.constant 0 : i32
        %dma_start3A_25 = tpu.memref_slice %arg7[%arg0, %dma_start3A, %dma_start3A_24] : memref<2x10000x128xf32, #tpu.memory_space<hbm>> -> memref<1x16x128xf32, #tpu.memory_space<hbm>>
        %dma_start3A_26 = tpu.memref_squeeze %dma_start3A_25 : memref<1x16x128xf32, #tpu.memory_space<hbm>> -> memref<16x128xf32, #tpu.memory_space<hbm>>
        %dma_start3A_27 = arith.constant 9984 : i32
        %dma_start3A_28 = arith.constant 0 : i32
        %dma_start3A_29 = tpu.memref_slice %arg13[%dma_start3A_27, %dma_start3A_28] : memref<10000x128xf32, #tpu.memory_space<vmem_shared>> -> memref<16x128xf32, #tpu.memory_space<vmem_shared>>
        tpu.enqueue_dma source(%dma_start3A_29 : memref<16x128xf32, #tpu.memory_space<vmem_shared>>) target(%dma_start3A_26 : memref<16x128xf32, #tpu.memory_space<hbm>>) target_semaphore(%run_scoped3A : memref<!tpu.dma_semaphore, #tpu.memory_space<semaphore_mem>>)
        %dma_wait3A = arith.constant 9984 : i32
        %dma_wait3A_30 = arith.constant 0 : i32
        %dma_wait3A_31 = tpu.memref_slice %arg7[%arg0, %dma_wait3A, %dma_wait3A_30] : memref<2x10000x128xf32, #tpu.memory_space<hbm>> -> memref<1x16x128xf32, #tpu.memory_space<hbm>>
        %dma_wait3A_32 = tpu.memref_squeeze %dma_wait3A_31 : memref<1x16x128xf32, #tpu.memory_space<hbm>> -> memref<16x128xf32, #tpu.memory_space<hbm>>
        %dma_wait3A_33 = arith.constant 9984 : i32
        %dma_wait3A_34 = arith.constant 0 : i32
        %dma_wait3A_35 = tpu.memref_slice %arg13[%dma_wait3A_33, %dma_wait3A_34] : memref<10000x128xf32, #tpu.memory_space<vmem_shared>> -> memref<16x128xf32, #tpu.memory_space<vmem_shared>>
        tpu.wait_dma2 semaphore(%run_scoped3A : memref<!tpu.dma_semaphore, #tpu.memory_space<semaphore_mem>>) src(%dma_wait3A_35 : memref<16x128xf32, #tpu.memory_space<vmem_shared>>) dst(%dma_wait3A_32 : memref<16x128xf32, #tpu.memory_space<hbm>>)
        tpu.yield
      }) : () -> ()
    } else {
    }
    %eq3A_19 = arith.constant 1 : i32
    %eq3A_20 = arith.cmpi eq, %arg1, %eq3A_19 : i32
    %convert_element_type3A_21 = arith.extui %eq3A_20 : i1 to i32
    %cond3A_22 = arith.constant 0 : i32
    %cond3A_23 = arith.cmpi ne, %convert_element_type3A_21, %cond3A_22 : i32
    scf.if %cond3A_23 {
      "tpu.region"() ({
        %run_scoped3A = tpu.sem_alloc : memref<!tpu.dma_semaphore, #tpu.memory_space<semaphore_mem>>
        %dma_start3A = arith.constant 0 : i32
        %dma_start3A_24 = arith.constant 0 : i32
        %dma_start3A_25 = tpu.memref_slice %arg8[%arg0, %dma_start3A, %dma_start3A_24] : memref<2x640x128xf32, #tpu.memory_space<hbm>> -> memref<1x640x128xf32, #tpu.memory_space<hbm>>
        %dma_start3A_26 = tpu.memref_squeeze %dma_start3A_25 : memref<1x640x128xf32, #tpu.memory_space<hbm>> -> memref<640x128xf32, #tpu.memory_space<hbm>>
        tpu.enqueue_dma source(%arg14 : memref<640x128xf32, #tpu.memory_space<vmem_shared>>) target(%dma_start3A_26 : memref<640x128xf32, #tpu.memory_space<hbm>>) target_semaphore(%run_scoped3A : memref<!tpu.dma_semaphore, #tpu.memory_space<semaphore_mem>>)
        %dma_wait3A = arith.constant 0 : i32
        %dma_wait3A_27 = arith.constant 0 : i32
        %dma_wait3A_28 = tpu.memref_slice %arg8[%arg0, %dma_wait3A, %dma_wait3A_27] : memref<2x640x128xf32, #tpu.memory_space<hbm>> -> memref<1x640x128xf32, #tpu.memory_space<hbm>>
        %dma_wait3A_29 = tpu.memref_squeeze %dma_wait3A_28 : memref<1x640x128xf32, #tpu.memory_space<hbm>> -> memref<640x128xf32, #tpu.memory_space<hbm>>
        tpu.wait_dma2 semaphore(%run_scoped3A : memref<!tpu.dma_semaphore, #tpu.memory_space<semaphore_mem>>) src(%arg14 : memref<640x128xf32, #tpu.memory_space<vmem_shared>>) dst(%dma_wait3A_29 : memref<640x128xf32, #tpu.memory_space<hbm>>)
        tpu.yield
      }) : () -> ()
    } else {
    }
    return
  }
}

#map = affine_map<(d0, d1) -> (0)>
module attributes {stable_mosaic.version = 14 : i64} {
  func.func @_assign_pass3_kernel(%arg0: i32, %arg1: i32, %arg2: memref<320000xf32, #tpu.memory_space<hbm>>, %arg3: memref<320000xi32, #tpu.memory_space<hbm>>, %arg4: memref<320000xi32, #tpu.memory_space<hbm>>, %arg5: memref<10000xf32, #tpu.memory_space<hbm>>, %arg6: memref<10000xf32, #tpu.memory_space<hbm>>, %arg7: memref<320000xf32, #tpu.memory_space<hbm>>, %arg8: memref<10000xf32, #tpu.memory_space<vmem>>, %arg9: memref<10000xf32, #tpu.memory_space<vmem>>, %arg10: memref<128xi32, #tpu.memory_space<vmem>>, %arg11: memref<128xi32, #tpu.memory_space<vmem>>, %arg12: memref<128xf32, #tpu.memory_space<vmem>>) attributes {dimension_semantics = [#tpu.dimension_semantics<core_parallel>, #tpu.dimension_semantics<subcore_parallel>], iteration_bounds = array<i64: 2, 16>, scalar_prefetch = 0 : i64, scratch_operands = 5 : i64, tpu.core_type = #tpu.core_type<sc_vector_subcore>, window_params = [{transform_indices = #map}, {transform_indices = #map}, {transform_indices = #map}, {transform_indices = #map}, {transform_indices = #map}, {transform_indices = #map}]} {
    %mul3A = arith.constant 2 : i32
    %mul3A_0 = arith.muli %arg1, %mul3A : i32
    %add3A = arith.addi %mul3A_0, %arg0 : i32
    "tpu.region"() ({
      %run_scoped3A = tpu.sem_alloc : memref<!tpu.dma_semaphore, #tpu.memory_space<semaphore_mem>>
      tpu.enqueue_dma source(%arg5 : memref<10000xf32, #tpu.memory_space<hbm>>) target(%arg8 : memref<10000xf32, #tpu.memory_space<vmem>>) target_semaphore(%run_scoped3A : memref<!tpu.dma_semaphore, #tpu.memory_space<semaphore_mem>>)
      tpu.wait_dma2 semaphore(%run_scoped3A : memref<!tpu.dma_semaphore, #tpu.memory_space<semaphore_mem>>) src(%arg5 : memref<10000xf32, #tpu.memory_space<hbm>>) dst(%arg8 : memref<10000xf32, #tpu.memory_space<vmem>>)
      tpu.yield
    }) : () -> ()
    "tpu.region"() ({
      %run_scoped3A = tpu.sem_alloc : memref<!tpu.dma_semaphore, #tpu.memory_space<semaphore_mem>>
      tpu.enqueue_dma source(%arg6 : memref<10000xf32, #tpu.memory_space<hbm>>) target(%arg9 : memref<10000xf32, #tpu.memory_space<vmem>>) target_semaphore(%run_scoped3A : memref<!tpu.dma_semaphore, #tpu.memory_space<semaphore_mem>>)
      tpu.wait_dma2 semaphore(%run_scoped3A : memref<!tpu.dma_semaphore, #tpu.memory_space<semaphore_mem>>) src(%arg6 : memref<10000xf32, #tpu.memory_space<hbm>>) dst(%arg9 : memref<10000xf32, #tpu.memory_space<vmem>>)
      tpu.yield
    }) : () -> ()
    %scan3A = arith.constant 0 : i32
    %scan3A_1 = arith.constant 0 : i32
    %scan3A_2 = arith.constant 79 : i32
    %scan3A_3 = arith.addi %scan3A_1, %scan3A_2 : i32
    %scan3A_4 = arith.constant 1 : i32
    scf.for %scan3A_6 = %scan3A_1 to %scan3A_3 step %scan3A_4  : i32 {
      %mul3A_7 = arith.constant 32 : i32
      %mul3A_8 = arith.muli %scan3A_6, %mul3A_7 : i32
      %add3A_9 = arith.addi %mul3A_8, %add3A : i32
      %lt3A = arith.constant 2500 : i32
      %lt3A_10 = arith.cmpi slt, %add3A_9, %lt3A : i32
      %convert_element_type3A = arith.extui %lt3A_10 : i1 to i32
      %cond3A = arith.constant 0 : i32
      %cond3A_11 = arith.cmpi ne, %convert_element_type3A, %cond3A : i32
      scf.if %cond3A_11 {
        %mul3A_12 = arith.constant 128 : i32
        %mul3A_13 = arith.muli %add3A_9, %mul3A_12 : i32
        "tpu.region"() ({
          %run_scoped3A = tpu.sem_alloc : memref<!tpu.dma_semaphore, #tpu.memory_space<semaphore_mem>>
          %dma_start3A = tpu.memref_slice %arg3[%mul3A_13] : memref<320000xi32, #tpu.memory_space<hbm>> -> memref<128xi32, #tpu.memory_space<hbm>>
          %dma_start3A_130 = tpu.memref_slice %arg3[%mul3A_13] : memref<320000xi32, #tpu.memory_space<hbm>> -> memref<128xi32, #tpu.memory_space<hbm>>
          tpu.enqueue_dma source(%dma_start3A_130 : memref<128xi32, #tpu.memory_space<hbm>>) target(%arg10 : memref<128xi32, #tpu.memory_space<vmem>>) target_semaphore(%run_scoped3A : memref<!tpu.dma_semaphore, #tpu.memory_space<semaphore_mem>>)
          %dma_wait3A = tpu.memref_slice %arg3[%mul3A_13] : memref<320000xi32, #tpu.memory_space<hbm>> -> memref<128xi32, #tpu.memory_space<hbm>>
          %dma_wait3A_131 = tpu.memref_slice %arg3[%mul3A_13] : memref<320000xi32, #tpu.memory_space<hbm>> -> memref<128xi32, #tpu.memory_space<hbm>>
          tpu.wait_dma2 semaphore(%run_scoped3A : memref<!tpu.dma_semaphore, #tpu.memory_space<semaphore_mem>>) src(%dma_wait3A_131 : memref<128xi32, #tpu.memory_space<hbm>>) dst(%arg10 : memref<128xi32, #tpu.memory_space<vmem>>)
          tpu.yield
        }) : () -> ()
        "tpu.region"() ({
          %run_scoped3A = tpu.sem_alloc : memref<!tpu.dma_semaphore, #tpu.memory_space<semaphore_mem>>
          %dma_start3A = tpu.memref_slice %arg4[%mul3A_13] : memref<320000xi32, #tpu.memory_space<hbm>> -> memref<128xi32, #tpu.memory_space<hbm>>
          %dma_start3A_130 = tpu.memref_slice %arg4[%mul3A_13] : memref<320000xi32, #tpu.memory_space<hbm>> -> memref<128xi32, #tpu.memory_space<hbm>>
          tpu.enqueue_dma source(%dma_start3A_130 : memref<128xi32, #tpu.memory_space<hbm>>) target(%arg11 : memref<128xi32, #tpu.memory_space<vmem>>) target_semaphore(%run_scoped3A : memref<!tpu.dma_semaphore, #tpu.memory_space<semaphore_mem>>)
          %dma_wait3A = tpu.memref_slice %arg4[%mul3A_13] : memref<320000xi32, #tpu.memory_space<hbm>> -> memref<128xi32, #tpu.memory_space<hbm>>
          %dma_wait3A_131 = tpu.memref_slice %arg4[%mul3A_13] : memref<320000xi32, #tpu.memory_space<hbm>> -> memref<128xi32, #tpu.memory_space<hbm>>
          tpu.wait_dma2 semaphore(%run_scoped3A : memref<!tpu.dma_semaphore, #tpu.memory_space<semaphore_mem>>) src(%dma_wait3A_131 : memref<128xi32, #tpu.memory_space<hbm>>) dst(%arg11 : memref<128xi32, #tpu.memory_space<vmem>>)
          tpu.yield
        }) : () -> ()
        "tpu.region"() ({
          %run_scoped3A = tpu.sem_alloc : memref<!tpu.dma_semaphore, #tpu.memory_space<semaphore_mem>>
          %dma_start3A = tpu.memref_slice %arg2[%mul3A_13] : memref<320000xf32, #tpu.memory_space<hbm>> -> memref<128xf32, #tpu.memory_space<hbm>>
          %dma_start3A_130 = tpu.memref_slice %arg2[%mul3A_13] : memref<320000xf32, #tpu.memory_space<hbm>> -> memref<128xf32, #tpu.memory_space<hbm>>
          tpu.enqueue_dma source(%dma_start3A_130 : memref<128xf32, #tpu.memory_space<hbm>>) target(%arg12 : memref<128xf32, #tpu.memory_space<vmem>>) target_semaphore(%run_scoped3A : memref<!tpu.dma_semaphore, #tpu.memory_space<semaphore_mem>>)
          %dma_wait3A = tpu.memref_slice %arg2[%mul3A_13] : memref<320000xf32, #tpu.memory_space<hbm>> -> memref<128xf32, #tpu.memory_space<hbm>>
          %dma_wait3A_131 = tpu.memref_slice %arg2[%mul3A_13] : memref<320000xf32, #tpu.memory_space<hbm>> -> memref<128xf32, #tpu.memory_space<hbm>>
          tpu.wait_dma2 semaphore(%run_scoped3A : memref<!tpu.dma_semaphore, #tpu.memory_space<semaphore_mem>>) src(%dma_wait3A_131 : memref<128xf32, #tpu.memory_space<hbm>>) dst(%arg12 : memref<128xf32, #tpu.memory_space<vmem>>)
          tpu.yield
        }) : () -> ()
        %get3A = arith.constant 0 : index
        %get3A_14 = tpu.vector_load %arg10[%get3A] {strides = array<i32>} : memref<128xi32, #tpu.memory_space<vmem>>, vector<16xi32>,
        %get3A_15 = arith.constant 0 : index
        %get3A_16 = tpu.vector_load %arg11[%get3A_15] {strides = array<i32>} : memref<128xi32, #tpu.memory_space<vmem>>, vector<16xi32>,
        %gather3A = tpu.vector_load_idx %arg8[%get3A_14] : memref<10000xf32, #tpu.memory_space<vmem>>[vector<16xi32>], vector<16xf32>,
        %gather3A_17 = tpu.vector_load_idx %arg9[%get3A_16] : memref<10000xf32, #tpu.memory_space<vmem>>[vector<16xi32>], vector<16xf32>,
        %get3A_18 = arith.constant 0 : index
        %get3A_19 = tpu.vector_load %arg12[%get3A_18] {strides = array<i32>} : memref<128xf32, #tpu.memory_space<vmem>>, vector<16xf32>,
        %add3A_20 = arith.constant 1.000000e-16 : f32
        %add3A_21 = vector.broadcast %add3A_20 : f32 to vector<16xf32>
        %add3A_22 = arith.addf %gather3A_17, %add3A_21 : vector<16xf32>
        %div3A = arith.divf %get3A_19, %add3A_22 : vector<16xf32>
        %mul3A_23 = arith.mulf %gather3A, %div3A : vector<16xf32>
        %swap3A = arith.constant 0 : index
        %swap3A_24 = tpu.vector_load %arg12[%swap3A] {strides = array<i32>} : memref<128xf32, #tpu.memory_space<vmem>>, vector<16xf32>,
        tpu.vector_store %arg12[%swap3A], %mul3A_23 {strides = array<i32>} : memref<128xf32, #tpu.memory_space<vmem>>, vector<16xf32>,
        %get3A_25 = arith.constant 16 : index
        %get3A_26 = tpu.vector_load %arg10[%get3A_25] {strides = array<i32>} : memref<128xi32, #tpu.memory_space<vmem>>, vector<16xi32>,
        %get3A_27 = arith.constant 16 : index
        %get3A_28 = tpu.vector_load %arg11[%get3A_27] {strides = array<i32>} : memref<128xi32, #tpu.memory_space<vmem>>, vector<16xi32>,
        %gather3A_29 = tpu.vector_load_idx %arg8[%get3A_26] : memref<10000xf32, #tpu.memory_space<vmem>>[vector<16xi32>], vector<16xf32>,
        %gather3A_30 = tpu.vector_load_idx %arg9[%get3A_28] : memref<10000xf32, #tpu.memory_space<vmem>>[vector<16xi32>], vector<16xf32>,
        %get3A_31 = arith.constant 16 : index
        %get3A_32 = tpu.vector_load %arg12[%get3A_31] {strides = array<i32>} : memref<128xf32, #tpu.memory_space<vmem>>, vector<16xf32>,
        %add3A_33 = arith.constant 1.000000e-16 : f32
        %add3A_34 = vector.broadcast %add3A_33 : f32 to vector<16xf32>
        %add3A_35 = arith.addf %gather3A_30, %add3A_34 : vector<16xf32>
        %div3A_36 = arith.divf %get3A_32, %add3A_35 : vector<16xf32>
        %mul3A_37 = arith.mulf %gather3A_29, %div3A_36 : vector<16xf32>
        %swap3A_38 = arith.constant 16 : index
        %swap3A_39 = tpu.vector_load %arg12[%swap3A_38] {strides = array<i32>} : memref<128xf32, #tpu.memory_space<vmem>>, vector<16xf32>,
        tpu.vector_store %arg12[%swap3A_38], %mul3A_37 {strides = array<i32>} : memref<128xf32, #tpu.memory_space<vmem>>, vector<16xf32>,
        %get3A_40 = arith.constant 32 : index
        %get3A_41 = tpu.vector_load %arg10[%get3A_40] {strides = array<i32>} : memref<128xi32, #tpu.memory_space<vmem>>, vector<16xi32>,
        %get3A_42 = arith.constant 32 : index
        %get3A_43 = tpu.vector_load %arg11[%get3A_42] {strides = array<i32>} : memref<128xi32, #tpu.memory_space<vmem>>, vector<16xi32>,
        %gather3A_44 = tpu.vector_load_idx %arg8[%get3A_41] : memref<10000xf32, #tpu.memory_space<vmem>>[vector<16xi32>], vector<16xf32>,
        %gather3A_45 = tpu.vector_load_idx %arg9[%get3A_43] : memref<10000xf32, #tpu.memory_space<vmem>>[vector<16xi32>], vector<16xf32>,
        %get3A_46 = arith.constant 32 : index
        %get3A_47 = tpu.vector_load %arg12[%get3A_46] {strides = array<i32>} : memref<128xf32, #tpu.memory_space<vmem>>, vector<16xf32>,
        %add3A_48 = arith.constant 1.000000e-16 : f32
        %add3A_49 = vector.broadcast %add3A_48 : f32 to vector<16xf32>
        %add3A_50 = arith.addf %gather3A_45, %add3A_49 : vector<16xf32>
        %div3A_51 = arith.divf %get3A_47, %add3A_50 : vector<16xf32>
        %mul3A_52 = arith.mulf %gather3A_44, %div3A_51 : vector<16xf32>
        %swap3A_53 = arith.constant 32 : index
        %swap3A_54 = tpu.vector_load %arg12[%swap3A_53] {strides = array<i32>} : memref<128xf32, #tpu.memory_space<vmem>>, vector<16xf32>,
        tpu.vector_store %arg12[%swap3A_53], %mul3A_52 {strides = array<i32>} : memref<128xf32, #tpu.memory_space<vmem>>, vector<16xf32>,
        %get3A_55 = arith.constant 48 : index
        %get3A_56 = tpu.vector_load %arg10[%get3A_55] {strides = array<i32>} : memref<128xi32, #tpu.memory_space<vmem>>, vector<16xi32>,
        %get3A_57 = arith.constant 48 : index
        %get3A_58 = tpu.vector_load %arg11[%get3A_57] {strides = array<i32>} : memref<128xi32, #tpu.memory_space<vmem>>, vector<16xi32>,
        %gather3A_59 = tpu.vector_load_idx %arg8[%get3A_56] : memref<10000xf32, #tpu.memory_space<vmem>>[vector<16xi32>], vector<16xf32>,
        %gather3A_60 = tpu.vector_load_idx %arg9[%get3A_58] : memref<10000xf32, #tpu.memory_space<vmem>>[vector<16xi32>], vector<16xf32>,
        %get3A_61 = arith.constant 48 : index
        %get3A_62 = tpu.vector_load %arg12[%get3A_61] {strides = array<i32>} : memref<128xf32, #tpu.memory_space<vmem>>, vector<16xf32>,
        %add3A_63 = arith.constant 1.000000e-16 : f32
        %add3A_64 = vector.broadcast %add3A_63 : f32 to vector<16xf32>
        %add3A_65 = arith.addf %gather3A_60, %add3A_64 : vector<16xf32>
        %div3A_66 = arith.divf %get3A_62, %add3A_65 : vector<16xf32>
        %mul3A_67 = arith.mulf %gather3A_59, %div3A_66 : vector<16xf32>
        %swap3A_68 = arith.constant 48 : index
        %swap3A_69 = tpu.vector_load %arg12[%swap3A_68] {strides = array<i32>} : memref<128xf32, #tpu.memory_space<vmem>>, vector<16xf32>,
        tpu.vector_store %arg12[%swap3A_68], %mul3A_67 {strides = array<i32>} : memref<128xf32, #tpu.memory_space<vmem>>, vector<16xf32>,
        %get3A_70 = arith.constant 64 : index
        %get3A_71 = tpu.vector_load %arg10[%get3A_70] {strides = array<i32>} : memref<128xi32, #tpu.memory_space<vmem>>, vector<16xi32>,
        %get3A_72 = arith.constant 64 : index
        %get3A_73 = tpu.vector_load %arg11[%get3A_72] {strides = array<i32>} : memref<128xi32, #tpu.memory_space<vmem>>, vector<16xi32>,
        %gather3A_74 = tpu.vector_load_idx %arg8[%get3A_71] : memref<10000xf32, #tpu.memory_space<vmem>>[vector<16xi32>], vector<16xf32>,
        %gather3A_75 = tpu.vector_load_idx %arg9[%get3A_73] : memref<10000xf32, #tpu.memory_space<vmem>>[vector<16xi32>], vector<16xf32>,
        %get3A_76 = arith.constant 64 : index
        %get3A_77 = tpu.vector_load %arg12[%get3A_76] {strides = array<i32>} : memref<128xf32, #tpu.memory_space<vmem>>, vector<16xf32>,
        %add3A_78 = arith.constant 1.000000e-16 : f32
        %add3A_79 = vector.broadcast %add3A_78 : f32 to vector<16xf32>
        %add3A_80 = arith.addf %gather3A_75, %add3A_79 : vector<16xf32>
        %div3A_81 = arith.divf %get3A_77, %add3A_80 : vector<16xf32>
        %mul3A_82 = arith.mulf %gather3A_74, %div3A_81 : vector<16xf32>
        %swap3A_83 = arith.constant 64 : index
        %swap3A_84 = tpu.vector_load %arg12[%swap3A_83] {strides = array<i32>} : memref<128xf32, #tpu.memory_space<vmem>>, vector<16xf32>,
        tpu.vector_store %arg12[%swap3A_83], %mul3A_82 {strides = array<i32>} : memref<128xf32, #tpu.memory_space<vmem>>, vector<16xf32>,
        %get3A_85 = arith.constant 80 : index
        %get3A_86 = tpu.vector_load %arg10[%get3A_85] {strides = array<i32>} : memref<128xi32, #tpu.memory_space<vmem>>, vector<16xi32>,
        %get3A_87 = arith.constant 80 : index
        %get3A_88 = tpu.vector_load %arg11[%get3A_87] {strides = array<i32>} : memref<128xi32, #tpu.memory_space<vmem>>, vector<16xi32>,
        %gather3A_89 = tpu.vector_load_idx %arg8[%get3A_86] : memref<10000xf32, #tpu.memory_space<vmem>>[vector<16xi32>], vector<16xf32>,
        %gather3A_90 = tpu.vector_load_idx %arg9[%get3A_88] : memref<10000xf32, #tpu.memory_space<vmem>>[vector<16xi32>], vector<16xf32>,
        %get3A_91 = arith.constant 80 : index
        %get3A_92 = tpu.vector_load %arg12[%get3A_91] {strides = array<i32>} : memref<128xf32, #tpu.memory_space<vmem>>, vector<16xf32>,
        %add3A_93 = arith.constant 1.000000e-16 : f32
        %add3A_94 = vector.broadcast %add3A_93 : f32 to vector<16xf32>
        %add3A_95 = arith.addf %gather3A_90, %add3A_94 : vector<16xf32>
        %div3A_96 = arith.divf %get3A_92, %add3A_95 : vector<16xf32>
        %mul3A_97 = arith.mulf %gather3A_89, %div3A_96 : vector<16xf32>
        %swap3A_98 = arith.constant 80 : index
        %swap3A_99 = tpu.vector_load %arg12[%swap3A_98] {strides = array<i32>} : memref<128xf32, #tpu.memory_space<vmem>>, vector<16xf32>,
        tpu.vector_store %arg12[%swap3A_98], %mul3A_97 {strides = array<i32>} : memref<128xf32, #tpu.memory_space<vmem>>, vector<16xf32>,
        %get3A_100 = arith.constant 96 : index
        %get3A_101 = tpu.vector_load %arg10[%get3A_100] {strides = array<i32>} : memref<128xi32, #tpu.memory_space<vmem>>, vector<16xi32>,
        %get3A_102 = arith.constant 96 : index
        %get3A_103 = tpu.vector_load %arg11[%get3A_102] {strides = array<i32>} : memref<128xi32, #tpu.memory_space<vmem>>, vector<16xi32>,
        %gather3A_104 = tpu.vector_load_idx %arg8[%get3A_101] : memref<10000xf32, #tpu.memory_space<vmem>>[vector<16xi32>], vector<16xf32>,
        %gather3A_105 = tpu.vector_load_idx %arg9[%get3A_103] : memref<10000xf32, #tpu.memory_space<vmem>>[vector<16xi32>], vector<16xf32>,
        %get3A_106 = arith.constant 96 : index
        %get3A_107 = tpu.vector_load %arg12[%get3A_106] {strides = array<i32>} : memref<128xf32, #tpu.memory_space<vmem>>, vector<16xf32>,
        %add3A_108 = arith.constant 1.000000e-16 : f32
        %add3A_109 = vector.broadcast %add3A_108 : f32 to vector<16xf32>
        %add3A_110 = arith.addf %gather3A_105, %add3A_109 : vector<16xf32>
        %div3A_111 = arith.divf %get3A_107, %add3A_110 : vector<16xf32>
        %mul3A_112 = arith.mulf %gather3A_104, %div3A_111 : vector<16xf32>
        %swap3A_113 = arith.constant 96 : index
        %swap3A_114 = tpu.vector_load %arg12[%swap3A_113] {strides = array<i32>} : memref<128xf32, #tpu.memory_space<vmem>>, vector<16xf32>,
        tpu.vector_store %arg12[%swap3A_113], %mul3A_112 {strides = array<i32>} : memref<128xf32, #tpu.memory_space<vmem>>, vector<16xf32>,
        %get3A_115 = arith.constant 112 : index
        %get3A_116 = tpu.vector_load %arg10[%get3A_115] {strides = array<i32>} : memref<128xi32, #tpu.memory_space<vmem>>, vector<16xi32>,
        %get3A_117 = arith.constant 112 : index
        %get3A_118 = tpu.vector_load %arg11[%get3A_117] {strides = array<i32>} : memref<128xi32, #tpu.memory_space<vmem>>, vector<16xi32>,
        %gather3A_119 = tpu.vector_load_idx %arg8[%get3A_116] : memref<10000xf32, #tpu.memory_space<vmem>>[vector<16xi32>], vector<16xf32>,
        %gather3A_120 = tpu.vector_load_idx %arg9[%get3A_118] : memref<10000xf32, #tpu.memory_space<vmem>>[vector<16xi32>], vector<16xf32>,
        %get3A_121 = arith.constant 112 : index
        %get3A_122 = tpu.vector_load %arg12[%get3A_121] {strides = array<i32>} : memref<128xf32, #tpu.memory_space<vmem>>, vector<16xf32>,
        %add3A_123 = arith.constant 1.000000e-16 : f32
        %add3A_124 = vector.broadcast %add3A_123 : f32 to vector<16xf32>
        %add3A_125 = arith.addf %gather3A_120, %add3A_124 : vector<16xf32>
        %div3A_126 = arith.divf %get3A_122, %add3A_125 : vector<16xf32>
        %mul3A_127 = arith.mulf %gather3A_119, %div3A_126 : vector<16xf32>
        %swap3A_128 = arith.constant 112 : index
        %swap3A_129 = tpu.vector_load %arg12[%swap3A_128] {strides = array<i32>} : memref<128xf32, #tpu.memory_space<vmem>>, vector<16xf32>,
        tpu.vector_store %arg12[%swap3A_128], %mul3A_127 {strides = array<i32>} : memref<128xf32, #tpu.memory_space<vmem>>, vector<16xf32>,
        "tpu.region"() ({
          %run_scoped3A = tpu.sem_alloc : memref<!tpu.dma_semaphore, #tpu.memory_space<semaphore_mem>>
          %dma_start3A = tpu.memref_slice %arg7[%mul3A_13] : memref<320000xf32, #tpu.memory_space<hbm>> -> memref<128xf32, #tpu.memory_space<hbm>>
          %dma_start3A_130 = tpu.memref_slice %arg7[%mul3A_13] : memref<320000xf32, #tpu.memory_space<hbm>> -> memref<128xf32, #tpu.memory_space<hbm>>
          tpu.enqueue_dma source(%arg12 : memref<128xf32, #tpu.memory_space<vmem>>) target(%dma_start3A_130 : memref<128xf32, #tpu.memory_space<hbm>>) target_semaphore(%run_scoped3A : memref<!tpu.dma_semaphore, #tpu.memory_space<semaphore_mem>>)
          %dma_wait3A = tpu.memref_slice %arg7[%mul3A_13] : memref<320000xf32, #tpu.memory_space<hbm>> -> memref<128xf32, #tpu.memory_space<hbm>>
          %dma_wait3A_131 = tpu.memref_slice %arg7[%mul3A_13] : memref<320000xf32, #tpu.memory_space<hbm>> -> memref<128xf32, #tpu.memory_space<hbm>>
          tpu.wait_dma2 semaphore(%run_scoped3A : memref<!tpu.dma_semaphore, #tpu.memory_space<semaphore_mem>>) src(%arg12 : memref<128xf32, #tpu.memory_space<vmem>>) dst(%dma_wait3A_131 : memref<128xf32, #tpu.memory_space<hbm>>)
          tpu.yield
        }) : () -> ()
      } else {
      }
    }
    %scan3A_5 = arith.constant 79 : i32
    return
  }
}

module attributes {stable_mosaic.version = 14 : i64} {
  func.func @_proj_kernel(%arg0: i32, %arg1: memref<1000x128xf32, #tpu.memory_space<vmem>>, %arg2: memref<128x128xf32, #tpu.memory_space<vmem>>, %arg3: memref<128x128xf32, #tpu.memory_space<vmem>>, %arg4: memref<128x128xf32, #tpu.memory_space<vmem>>, %arg5: memref<1000x128xf32, #tpu.memory_space<vmem>>, %arg6: memref<1000x128xf32, #tpu.memory_space<vmem>>, %arg7: memref<1000x128xf32, #tpu.memory_space<vmem>>) attributes {dimension_semantics = [#tpu.dimension_semantics<arbitrary>], iteration_bounds = array<i64: 10>, scalar_prefetch = 0 : i64, scratch_operands = 0 : i64, tpu.core_type = #tpu.core_type<tc>, window_params = [{transform_indices = @transform_0, window_bounds = array<i64: 1000, 128>}, {pipeline_mode = #tpu.pipeline_mode<synchronous>, transform_indices = @transform_1, window_bounds = array<i64: 128, 128>}, {pipeline_mode = #tpu.pipeline_mode<synchronous>, transform_indices = @transform_2, window_bounds = array<i64: 128, 128>}, {pipeline_mode = #tpu.pipeline_mode<synchronous>, transform_indices = @transform_3, window_bounds = array<i64: 128, 128>}, {transform_indices = @transform_4, window_bounds = array<i64: 1000, 128>}, {transform_indices = @transform_5, window_bounds = array<i64: 1000, 128>}, {transform_indices = @transform_6, window_bounds = array<i64: 1000, 128>}]} {
    %get3A = arith.constant 0 : index
    %get3A_0 = arith.constant 0 : index
    %get3A_1 = vector.load %arg1[%get3A, %get3A_0] : memref<1000x128xf32, #tpu.memory_space<vmem>>, vector<1000x128xf32>
    %jit3A = arith.constant 0.000000e+00 : f32
    %ne3A = arith.cmpf one, %get3A_1, %get3A_1 : vector<1000x128xf32>
    %broadcast_in_dim3A = vector.broadcast %jit3A : f32 to vector<1000x128xf32>
    %select_n3A = arith.select %ne3A, %broadcast_in_dim3A, %get3A_1 : vector<1000x128xi1>, vector<1000x128xf32>
    %eq3A = arith.constant 0x7F800000 : f32
    %eq3A_2 = vector.broadcast %eq3A : f32 to vector<1000x128xf32>
    %eq3A_3 = arith.cmpf oeq, %select_n3A, %eq3A_2 : vector<1000x128xf32>
    %jit3A_4 = arith.constant 3.40282347E+38 : f32
    %broadcast_in_dim3A_5 = vector.broadcast %jit3A_4 : f32 to vector<1000x128xf32>
    %select_n3A_6 = arith.select %eq3A_3, %broadcast_in_dim3A_5, %select_n3A : vector<1000x128xi1>, vector<1000x128xf32>
    %eq3A_7 = arith.constant 0xFF800000 : f32
    %eq3A_8 = vector.broadcast %eq3A_7 : f32 to vector<1000x128xf32>
    %eq3A_9 = arith.cmpf oeq, %select_n3A_6, %eq3A_8 : vector<1000x128xf32>
    %jit3A_10 = arith.constant -3.40282347E+38 : f32
    %broadcast_in_dim3A_11 = vector.broadcast %jit3A_10 : f32 to vector<1000x128xf32>
    %select_n3A_12 = arith.select %eq3A_9, %broadcast_in_dim3A_11, %select_n3A_6 : vector<1000x128xi1>, vector<1000x128xf32>
    %get3A_13 = arith.constant 0 : index
    %get3A_14 = arith.constant 0 : index
    %get3A_15 = vector.load %arg2[%get3A_13, %get3A_14] : memref<128x128xf32, #tpu.memory_space<vmem>>, vector<128x128xf32>
    %dot_general3A = arith.constant dense<0.000000e+00> : vector<1000x128xf32>
    %dot_general3A_16 = tpu.matmul %select_n3A_12, %get3A_15, %dot_general3A {dimension_numbers = #tpu.dot_dimension_numbers<[1], [0], [0], [1], [0, 0, 1, 1], [], []>, transpose_lhs_hint = false} : vector<1000x128xf32>, vector<128x128xf32>, vector<1000x128xf32> -> vector<1000x128xf32>
    %swap3A = arith.constant 0 : index
    %swap3A_17 = arith.constant 0 : index
    %swap3A_18 = vector.load %arg5[%swap3A, %swap3A_17] : memref<1000x128xf32, #tpu.memory_space<vmem>>, vector<1000x128xf32>
    tpu.vector_store %arg5[%swap3A, %swap3A_17], %dot_general3A_16 {strides = array<i32>} : memref<1000x128xf32, #tpu.memory_space<vmem>>, vector<1000x128xf32>,
    %get3A_19 = arith.constant 0 : index
    %get3A_20 = arith.constant 0 : index
    %get3A_21 = vector.load %arg3[%get3A_19, %get3A_20] : memref<128x128xf32, #tpu.memory_space<vmem>>, vector<128x128xf32>
    %dot_general3A_22 = arith.constant dense<0.000000e+00> : vector<1000x128xf32>
    %dot_general3A_23 = tpu.matmul %select_n3A_12, %get3A_21, %dot_general3A_22 {dimension_numbers = #tpu.dot_dimension_numbers<[1], [0], [0], [1], [0, 0, 1, 1], [], []>, transpose_lhs_hint = false} : vector<1000x128xf32>, vector<128x128xf32>, vector<1000x128xf32> -> vector<1000x128xf32>
    %swap3A_24 = arith.constant 0 : index
    %swap3A_25 = arith.constant 0 : index
    %swap3A_26 = vector.load %arg6[%swap3A_24, %swap3A_25] : memref<1000x128xf32, #tpu.memory_space<vmem>>, vector<1000x128xf32>
    tpu.vector_store %arg6[%swap3A_24, %swap3A_25], %dot_general3A_23 {strides = array<i32>} : memref<1000x128xf32, #tpu.memory_space<vmem>>, vector<1000x128xf32>,
    %get3A_27 = arith.constant 0 : index
    %get3A_28 = arith.constant 0 : index
    %get3A_29 = vector.load %arg4[%get3A_27, %get3A_28] : memref<128x128xf32, #tpu.memory_space<vmem>>, vector<128x128xf32>
    %dot_general3A_30 = arith.constant dense<0.000000e+00> : vector<1000x128xf32>
    %dot_general3A_31 = tpu.matmul %select_n3A_12, %get3A_29, %dot_general3A_30 {dimension_numbers = #tpu.dot_dimension_numbers<[1], [0], [0], [1], [0, 0, 1, 1], [], []>, transpose_lhs_hint = false} : vector<1000x128xf32>, vector<128x128xf32>, vector<1000x128xf32> -> vector<1000x128xf32>
    %swap3A_32 = arith.constant 0 : index
    %swap3A_33 = arith.constant 0 : index
    %swap3A_34 = vector.load %arg7[%swap3A_32, %swap3A_33] : memref<1000x128xf32, #tpu.memory_space<vmem>>, vector<1000x128xf32>
    tpu.vector_store %arg7[%swap3A_32, %swap3A_33], %dot_general3A_31 {strides = array<i32>} : memref<1000x128xf32, #tpu.memory_space<vmem>>, vector<1000x128xf32>,
    return
  }
  func.func @transform_0(%arg0: i32) -> (i32, i32) {
    %c0_i32 = arith.constant 0 : i32
    %c0_i32_0 = arith.constant 0 : i32
    return %arg0, %c0_i32 : i32, i32
  }
  func.func @transform_1(%arg0: i32) -> (i32, i32) {
    %c0_i32 = arith.constant 0 : i32
    %c0_i32_0 = arith.constant 0 : i32
    %c0_i32_1 = arith.constant 0 : i32
    return %c0_i32, %c0_i32_0 : i32, i32
  }
  func.func @transform_2(%arg0: i32) -> (i32, i32) {
    %c0_i32 = arith.constant 0 : i32
    %c0_i32_0 = arith.constant 0 : i32
    %c0_i32_1 = arith.constant 0 : i32
    return %c0_i32, %c0_i32_0 : i32, i32
  }
  func.func @transform_3(%arg0: i32) -> (i32, i32) {
    %c0_i32 = arith.constant 0 : i32
    %c0_i32_0 = arith.constant 0 : i32
    %c0_i32_1 = arith.constant 0 : i32
    return %c0_i32, %c0_i32_0 : i32, i32
  }
  func.func @transform_4(%arg0: i32) -> (i32, i32) {
    %c0_i32 = arith.constant 0 : i32
    %c0_i32_0 = arith.constant 0 : i32
    return %arg0, %c0_i32 : i32, i32
  }
  func.func @transform_5(%arg0: i32) -> (i32, i32) {
    %c0_i32 = arith.constant 0 : i32
    %c0_i32_0 = arith.constant 0 : i32
    return %arg0, %c0_i32 : i32, i32
  }
  func.func @transform_6(%arg0: i32) -> (i32, i32) {
    %c0_i32 = arith.constant 0 : i32
    %c0_i32_0 = arith.constant 0 : i32
    return %arg0, %c0_i32 : i32, i32
  }
}

module attributes {stable_mosaic.version = 14 : i64} {
  func.func @_amax_merge_kernel(%arg0: memref<32x10000xf32, #tpu.memory_space<vmem>>, %arg1: memref<1x10000xf32, #tpu.memory_space<vmem>>) attributes {dimension_semantics = [], scalar_prefetch = 0 : i64, scratch_operands = 0 : i64, tpu.core_type = #tpu.core_type<tc>} {
    %get3A = arith.constant 0 : index
    %get3A_0 = arith.constant 0 : index
    %get3A_1 = vector.load %arg0[%get3A, %get3A_0] : memref<32x10000xf32, #tpu.memory_space<vmem>>, vector<32x10000xf32>
    %reduce_max3A = arith.constant dense<0xFF800000> : vector<10000xf32>
    %reduce_max3A_2 = vector.multi_reduction <maximumf>, %get3A_1, %reduce_max3A [0] : vector<32x10000xf32> to vector<10000xf32>
    %broadcast_in_dim3A = vector.shape_cast %reduce_max3A_2 : vector<10000xf32> to vector<1x10000xf32>
    %is_finite3A = tpu.weird %broadcast_in_dim3A : vector<1x10000xf32> -> vector<1x10000xi1>
    %is_finite3A_3 = arith.constant dense<true> : vector<1x10000xi1>
    %is_finite3A_4 = arith.xori %is_finite3A, %is_finite3A_3 : vector<1x10000xi1>
    %jit3A = arith.constant 0.000000e+00 : f32
    %broadcast_in_dim3A_5 = vector.broadcast %jit3A : f32 to vector<1x10000xf32>
    %select_n3A = arith.select %is_finite3A_4, %broadcast_in_dim3A, %broadcast_in_dim3A_5 : vector<1x10000xi1>, vector<1x10000xf32>
    %swap3A = arith.constant 0 : index
    %swap3A_6 = arith.constant 0 : index
    %swap3A_7 = vector.load %arg1[%swap3A, %swap3A_6] : memref<1x10000xf32, #tpu.memory_space<vmem>>, vector<1x10000xf32>
    tpu.vector_store %arg1[%swap3A, %swap3A_6], %select_n3A {strides = array<i32>} : memref<1x10000xf32, #tpu.memory_space<vmem>>, vector<1x10000xf32>,
    return
  }
}

module attributes {stable_mosaic.version = 14 : i64} {
  func.func @_edge_math_kernel(%arg0: i32, %arg1: memref<2000x128xf32, #tpu.memory_space<vmem>>, %arg2: memref<2000x128xf32, #tpu.memory_space<vmem>>, %arg3: memref<2000x1xi32, #tpu.memory_space<vmem>>, %arg4: memref<128x8xf32, #tpu.memory_space<vmem>>, %arg5: memref<8x128xf32, #tpu.memory_space<vmem>>, %arg6: memref<8x128xf32, #tpu.memory_space<vmem>>, %arg7: memref<16x128xf32, #tpu.memory_space<vmem>>, %arg8: memref<2000x128xf32, #tpu.memory_space<vmem>>, %arg9: memref<2000x128xf32, #tpu.memory_space<vmem>>) attributes {dimension_semantics = [#tpu.dimension_semantics<arbitrary>], iteration_bounds = array<i64: 160>, scalar_prefetch = 0 : i64, scratch_operands = 0 : i64, tpu.core_type = #tpu.core_type<tc>, window_params = [{transform_indices = @transform_0, window_bounds = array<i64: 2000, 128>}, {transform_indices = @transform_1, window_bounds = array<i64: 2000, 128>}, {transform_indices = @transform_2, window_bounds = array<i64: 2000, 1>}, {pipeline_mode = #tpu.pipeline_mode<synchronous>, transform_indices = @transform_3, window_bounds = array<i64: 128, 8>}, {pipeline_mode = #tpu.pipeline_mode<synchronous>, transform_indices = @transform_4, window_bounds = array<i64: 8, 128>}, {pipeline_mode = #tpu.pipeline_mode<synchronous>, transform_indices = @transform_5, window_bounds = array<i64: 8, 128>}, {pipeline_mode = #tpu.pipeline_mode<synchronous>, transform_indices = @transform_6, window_bounds = array<i64: 16, 128>}, {transform_indices = @transform_7, window_bounds = array<i64: 2000, 128>}, {transform_indices = @transform_8, window_bounds = array<i64: 2000, 128>}]} {
    %get3A = arith.constant 0 : index
    %get3A_0 = arith.constant 0 : index
    %get3A_1 = vector.load %arg1[%get3A, %get3A_0] : memref<2000x128xf32, #tpu.memory_space<vmem>>, vector<2000x128xf32>
    %get3A_2 = arith.constant 0 : index
    %get3A_3 = arith.constant 0 : index
    %get3A_4 = vector.load %arg2[%get3A_2, %get3A_3] : memref<2000x128xf32, #tpu.memory_space<vmem>>, vector<2000x128xf32>
    %add3A = arith.addf %get3A_4, %get3A_1 : vector<2000x128xf32>
    %ge3A = arith.constant 0.000000e+00 : f32
    %ge3A_5 = vector.broadcast %ge3A : f32 to vector<2000x128xf32>
    %ge3A_6 = arith.cmpf oge, %add3A, %ge3A_5 : vector<2000x128xf32>
    %mul3A = arith.constant 2.000000e-01 : f32
    %mul3A_7 = vector.broadcast %mul3A : f32 to vector<2000x128xf32>
    %mul3A_8 = arith.mulf %mul3A_7, %add3A : vector<2000x128xf32>
    %select_n3A = arith.select %ge3A_6, %add3A, %mul3A_8 : vector<2000x128xi1>, vector<2000x128xf32>
    %get3A_9 = arith.constant 0 : index
    %get3A_10 = arith.constant 0 : index
    %get3A_11 = vector.load %arg4[%get3A_9, %get3A_10] : memref<128x8xf32, #tpu.memory_space<vmem>>, vector<128x8xf32>
    %dot_general3A = arith.constant dense<0.000000e+00> : vector<2000x8xf32>
    %dot_general3A_12 = tpu.matmul %select_n3A, %get3A_11, %dot_general3A {dimension_numbers = #tpu.dot_dimension_numbers<[1], [0], [0], [1], [0, 0, 1, 1], [], []>, transpose_lhs_hint = false} : vector<2000x128xf32>, vector<128x8xf32>, vector<2000x8xf32> -> vector<2000x8xf32>
    %exp3A = math.exp %dot_general3A_12 : vector<2000x8xf32>
    %get3A_13 = arith.constant 0 : index
    %get3A_14 = arith.constant 0 : index
    %get3A_15 = vector.load %arg5[%get3A_13, %get3A_14] : memref<8x128xf32, #tpu.memory_space<vmem>>, vector<8x128xf32>
    %dot_general3A_16 = arith.constant dense<0.000000e+00> : vector<2000x128xf32>
    %dot_general3A_17 = tpu.matmul %exp3A, %get3A_15, %dot_general3A_16 {dimension_numbers = #tpu.dot_dimension_numbers<[1], [0], [0], [1], [0, 0, 1, 1], [], []>, transpose_lhs_hint = false} : vector<2000x8xf32>, vector<8x128xf32>, vector<2000x128xf32> -> vector<2000x128xf32>
    %mul3A_18 = arith.mulf %get3A_1, %dot_general3A_17 : vector<2000x128xf32>
    %swap3A = arith.constant 0 : index
    %swap3A_19 = arith.constant 0 : index
    %swap3A_20 = vector.load %arg8[%swap3A, %swap3A_19] : memref<2000x128xf32, #tpu.memory_space<vmem>>, vector<2000x128xf32>
    tpu.vector_store %arg8[%swap3A, %swap3A_19], %mul3A_18 {strides = array<i32>} : memref<2000x128xf32, #tpu.memory_space<vmem>>, vector<2000x128xf32>,
    %iota3A = tpu.iota {dimensions = array<i32: 1>} : vector<2000x16xi32>
    %get3A_21 = arith.constant 0 : index
    %get3A_22 = arith.constant 0 : index
    %get3A_23 = vector.load %arg3[%get3A_21, %get3A_22] : memref<2000x1xi32, #tpu.memory_space<vmem>>, vector<2000x1xi32>
    %eq3A = vector.broadcast %get3A_23 : vector<2000x1xi32> to vector<2000x16xi32>
    %eq3A_24 = arith.cmpi eq, %eq3A, %iota3A : vector<2000x16xi32>
    %convert_element_type3A = arith.extui %eq3A_24 : vector<2000x16xi1> to vector<2000x16xi32>
    %convert_element_type3A_25 = arith.sitofp %convert_element_type3A : vector<2000x16xi32> to vector<2000x16xf32>
    %get3A_26 = arith.constant 0 : index
    %get3A_27 = arith.constant 0 : index
    %get3A_28 = vector.load %arg7[%get3A_26, %get3A_27] : memref<16x128xf32, #tpu.memory_space<vmem>>, vector<16x128xf32>
    %dot_general3A_29 = arith.constant dense<0.000000e+00> : vector<2000x128xf32>
    %dot_general3A_30 = tpu.matmul %convert_element_type3A_25, %get3A_28, %dot_general3A_29 {dimension_numbers = #tpu.dot_dimension_numbers<[1], [0], [0], [1], [0, 0, 1, 1], [], []>, transpose_lhs_hint = false} : vector<2000x16xf32>, vector<16x128xf32>, vector<2000x128xf32> -> vector<2000x128xf32>
    %get3A_31 = arith.constant 0 : index
    %get3A_32 = arith.constant 0 : index
    %get3A_33 = vector.load %arg6[%get3A_31, %get3A_32] : memref<8x128xf32, #tpu.memory_space<vmem>>, vector<8x128xf32>
    %dot_general3A_34 = arith.constant dense<0.000000e+00> : vector<2000x128xf32>
    %dot_general3A_35 = tpu.matmul %exp3A, %get3A_33, %dot_general3A_34 {dimension_numbers = #tpu.dot_dimension_numbers<[1], [0], [0], [1], [0, 0, 1, 1], [], []>, transpose_lhs_hint = false} : vector<2000x8xf32>, vector<8x128xf32>, vector<2000x128xf32> -> vector<2000x128xf32>
    %mul3A_36 = arith.mulf %dot_general3A_30, %dot_general3A_35 : vector<2000x128xf32>
    %swap3A_37 = arith.constant 0 : index
    %swap3A_38 = arith.constant 0 : index
    %swap3A_39 = vector.load %arg9[%swap3A_37, %swap3A_38] : memref<2000x128xf32, #tpu.memory_space<vmem>>, vector<2000x128xf32>
    tpu.vector_store %arg9[%swap3A_37, %swap3A_38], %mul3A_36 {strides = array<i32>} : memref<2000x128xf32, #tpu.memory_space<vmem>>, vector<2000x128xf32>,
    return
  }
  func.func @transform_0(%arg0: i32) -> (i32, i32) {
    %c0_i32 = arith.constant 0 : i32
    %c0_i32_0 = arith.constant 0 : i32
    return %arg0, %c0_i32 : i32, i32
  }
  func.func @transform_1(%arg0: i32) -> (i32, i32) {
    %c0_i32 = arith.constant 0 : i32
    %c0_i32_0 = arith.constant 0 : i32
    return %arg0, %c0_i32 : i32, i32
  }
  func.func @transform_2(%arg0: i32) -> (i32, i32) {
    %c0_i32 = arith.constant 0 : i32
    %c0_i32_0 = arith.constant 0 : i32
    return %arg0, %c0_i32 : i32, i32
  }
  func.func @transform_3(%arg0: i32) -> (i32, i32) {
    %c0_i32 = arith.constant 0 : i32
    %c0_i32_0 = arith.constant 0 : i32
    %c0_i32_1 = arith.constant 0 : i32
    return %c0_i32, %c0_i32_0 : i32, i32
  }
  func.func @transform_4(%arg0: i32) -> (i32, i32) {
    %c0_i32 = arith.constant 0 : i32
    %c0_i32_0 = arith.constant 0 : i32
    %c0_i32_1 = arith.constant 0 : i32
    return %c0_i32, %c0_i32_0 : i32, i32
  }
  func.func @transform_5(%arg0: i32) -> (i32, i32) {
    %c0_i32 = arith.constant 0 : i32
    %c0_i32_0 = arith.constant 0 : i32
    %c0_i32_1 = arith.constant 0 : i32
    return %c0_i32, %c0_i32_0 : i32, i32
  }
  func.func @transform_6(%arg0: i32) -> (i32, i32) {
    %c0_i32 = arith.constant 0 : i32
    %c0_i32_0 = arith.constant 0 : i32
    %c0_i32_1 = arith.constant 0 : i32
    return %c0_i32, %c0_i32_0 : i32, i32
  }
  func.func @transform_7(%arg0: i32) -> (i32, i32) {
    %c0_i32 = arith.constant 0 : i32
    %c0_i32_0 = arith.constant 0 : i32
    return %arg0, %c0_i32 : i32, i32
  }
  func.func @transform_8(%arg0: i32) -> (i32, i32) {
    %c0_i32 = arith.constant 0 : i32
    %c0_i32_0 = arith.constant 0 : i32
    return %arg0, %c0_i32 : i32, i32
  }
}

module attributes {stable_mosaic.version = 14 : i64} {
  func.func @_merge_kernel(%arg0: i32, %arg1: memref<2x1000x128xf32, #tpu.memory_space<vmem>>, %arg2: memref<2x1000x8xf32, #tpu.memory_space<vmem>>, %arg3: memref<8x128xf32, #tpu.memory_space<vmem>>, %arg4: memref<1000x128xf32, #tpu.memory_space<vmem>>) attributes {dimension_semantics = [#tpu.dimension_semantics<arbitrary>], iteration_bounds = array<i64: 10>, scalar_prefetch = 0 : i64, scratch_operands = 0 : i64, tpu.core_type = #tpu.core_type<tc>, window_params = [{transform_indices = @transform_0, window_bounds = array<i64: 2, 1000, 128>}, {transform_indices = @transform_1, window_bounds = array<i64: 2, 1000, 8>}, {pipeline_mode = #tpu.pipeline_mode<synchronous>, transform_indices = @transform_2, window_bounds = array<i64: 8, 128>}, {transform_indices = @transform_3, window_bounds = array<i64: 1000, 128>}]} {
    %get3A = arith.constant 0 : index
    %get3A_0 = arith.constant 0 : index
    %get3A_1 = arith.constant 0 : index
    %get3A_2 = vector.load %arg1[%get3A, %get3A_0, %get3A_1] : memref<2x1000x128xf32, #tpu.memory_space<vmem>>, vector<1x1000x128xf32>
    %get3A_3 = vector.shape_cast %get3A_2 : vector<1x1000x128xf32> to vector<1000x128xf32>
    %get3A_4 = arith.constant 1 : index
    %get3A_5 = arith.constant 0 : index
    %get3A_6 = arith.constant 0 : index
    %get3A_7 = vector.load %arg1[%get3A_4, %get3A_5, %get3A_6] : memref<2x1000x128xf32, #tpu.memory_space<vmem>>, vector<1x1000x128xf32>
    %get3A_8 = vector.shape_cast %get3A_7 : vector<1x1000x128xf32> to vector<1000x128xf32>
    %add3A = arith.addf %get3A_3, %get3A_8 : vector<1000x128xf32>
    %get3A_9 = arith.constant 0 : index
    %get3A_10 = arith.constant 0 : index
    %get3A_11 = arith.constant 0 : index
    %get3A_12 = vector.load %arg2[%get3A_9, %get3A_10, %get3A_11] : memref<2x1000x8xf32, #tpu.memory_space<vmem>>, vector<1x1000x8xf32>
    %get3A_13 = vector.shape_cast %get3A_12 : vector<1x1000x8xf32> to vector<1000x8xf32>
    %get3A_14 = arith.constant 1 : index
    %get3A_15 = arith.constant 0 : index
    %get3A_16 = arith.constant 0 : index
    %get3A_17 = vector.load %arg2[%get3A_14, %get3A_15, %get3A_16] : memref<2x1000x8xf32, #tpu.memory_space<vmem>>, vector<1x1000x8xf32>
    %get3A_18 = vector.shape_cast %get3A_17 : vector<1x1000x8xf32> to vector<1000x8xf32>
    %add3A_19 = arith.addf %get3A_13, %get3A_18 : vector<1000x8xf32>
    %get3A_20 = arith.constant 0 : index
    %get3A_21 = arith.constant 0 : index
    %get3A_22 = vector.load %arg3[%get3A_20, %get3A_21] : memref<8x128xf32, #tpu.memory_space<vmem>>, vector<8x128xf32>
    %dot_general3A = arith.constant dense<0.000000e+00> : vector<1000x128xf32>
    %dot_general3A_23 = tpu.matmul %add3A_19, %get3A_22, %dot_general3A {dimension_numbers = #tpu.dot_dimension_numbers<[1], [0], [0], [1], [0, 0, 1, 1], [], []>, transpose_lhs_hint = false} : vector<1000x8xf32>, vector<8x128xf32>, vector<1000x128xf32> -> vector<1000x128xf32>
    %add3A_24 = arith.constant 1.000000e-16 : f32
    %add3A_25 = vector.broadcast %add3A_24 : f32 to vector<1000x128xf32>
    %add3A_26 = arith.addf %dot_general3A_23, %add3A_25 : vector<1000x128xf32>
    %div3A = arith.divf %add3A, %add3A_26 : vector<1000x128xf32>
    %swap3A = arith.constant 0 : index
    %swap3A_27 = arith.constant 0 : index
    %swap3A_28 = vector.load %arg4[%swap3A, %swap3A_27] : memref<1000x128xf32, #tpu.memory_space<vmem>>, vector<1000x128xf32>
    tpu.vector_store %arg4[%swap3A, %swap3A_27], %div3A {strides = array<i32>} : memref<1000x128xf32, #tpu.memory_space<vmem>>, vector<1000x128xf32>,
    return
  }
  func.func @transform_0(%arg0: i32) -> (i32, i32, i32) {
    %c0_i32 = arith.constant 0 : i32
    %c0_i32_0 = arith.constant 0 : i32
    %c0_i32_1 = arith.constant 0 : i32
    return %c0_i32, %arg0, %c0_i32_0 : i32, i32, i32
  }
  func.func @transform_1(%arg0: i32) -> (i32, i32, i32) {
    %c0_i32 = arith.constant 0 : i32
    %c0_i32_0 = arith.constant 0 : i32
    %c0_i32_1 = arith.constant 0 : i32
    return %c0_i32, %arg0, %c0_i32_0 : i32, i32, i32
  }
  func.func @transform_2(%arg0: i32) -> (i32, i32) {
    %c0_i32 = arith.constant 0 : i32
    %c0_i32_0 = arith.constant 0 : i32
    %c0_i32_1 = arith.constant 0 : i32
    return %c0_i32, %c0_i32_0 : i32, i32
  }
  func.func @transform_3(%arg0: i32) -> (i32, i32) {
    %c0_i32 = arith.constant 0 : i32
    %c0_i32_0 = arith.constant 0 : i32
    return %arg0, %c0_i32 : i32, i32
  }
}

</mosaic_0001>

<sc_bundles>
// kernel: kernel.11.cloned.1.call-start
scs
__scs_entry_jumppad:
0x0: {  	(pc) =	sbr.rel $0x88, $3  }
0x1: {  	(tag) =	ssettag $0x0;
	lr =	simm.s32 $0x1  }
0x2: {  	[smem:$0x3F98] =	sst lr;
	_ =	strace $0xD0000000  }
0x3: {  	_ = 	snop  }
0x4: {  	_ = 	snop  }
0x5: {  	_ = 	snop  }
0x6: {  	_ = 	snop  }
0x7: {  	_ = 	snop  }
__scs_overlays_trampoline_lowered:
0x8: {  	[smem:$0x3FA7] =	sst s0  }
0x9: {  	[smem:$0x3FA8] =	sst s1  }
0xa: {  	[smem:$0x3FA9] =	sst s2  }
0xb: {  	[smem:$0x3FAA] =	sst s3  }
0xc: {  	[smem:$0x3FAB] =	sst s4  }
0xd: {  	[smem:$0x3FAC] =	sst s5  }
0xe: {  	[smem:$0x3FAD] =	sst s6  }
0xf: {  	[smem:$0x3FAE] =	sst s7  }
0x10: {  	[smem:$0x3FAF] =	sst s8  }
0x11: {  	[smem:$0x3FB0] =	sst s9;
	s0 =	simm.s32 @!p0 $0x0  }
0x12: {  	s1 =	sld [smem:$0x3F96];
	s0 =	simm.s32 @p0 $0x1  }
0x13: {  	[smem:$0x3FB1] =	sst s0;
	s0 =	simm.s32 @!p1 $0x0  }
0x14: {  	s2 =	sld [smem:$0x3F95];
	s0 =	simm.s32 @p1 $0x1  }
0x15: {  	[smem:$0x3FB2] =	sst s0;
	s0 =	simm.s32 @!p2 $0x0  }
0x16: {  	s3 =	sld [smem:$0x3FDB];
	s0 =	simm.s32 @p2 $0x1  }
0x17: {  	s4 =	simm.s32 $0x1BF5;
	[smem:$0x3FB4] =	sst s0  }
0x18: {  	s0 =	sld [smem:$0x3F97];
	_ =	swait.ge [sflag:s4], $0x0  }
0x19: {  	s7 =	sld [smem:$0x3F98]  }
0x1a: {  	s8 =	sadd.s32 $0xFFFFE003, lr  }
0x1b: {  	s9 =	sadd.s32 $0xFFFFFEF7, lr;
	s5 =	simm.s32 $0xFFFFFFFF;
	p2 =	slt.u32 s8, $0xFFFFF086  }
0x1c: {  	p1 =	slt.u32 s9, $0xF7A;
	s5 =	simm.s32 @!p2 $0x0  }
0x1d: {  	s5 =	simm.s32 @p1 $0x1;
	p0 =	seq.s32 s7, s2  }
0x1e: {  	s7 =	smul.u32 @!p0 $0xF7A, s2;
	p2 =	seq.s32 @!p0 s5, $0x0  }
0x1f: {  	s9 =	smul.u32 $0xF7A, s1;
	s8 =	simm.s32 @!p0 $0x1BF5;
	p2 =	por !p2, p0  }
0x20: {  	[sflag:s8] =	ssyncset.s32 @!p0 $0xFFFFF086;
	s6 =	sadd.s32 @!p0 s3, s7;
	s7 =	simm.s32 @!p0 $0x108  }
0x21: {  	s3 =	sadd.s32 s3, s9;
	s6 =	sadd.s32 @!p0 $0x88, s6;
	s7 =	simm.s32 @p2 $0x1082  }
0x22: {  	[simem:s7], [sflag:s8] =	dma.local @!p0 [hbm:s6], $0xF7A  }
0x23: {  	s9 =	sor.u32 $0xD0000000, s2;
	s6 =	simm.s32 $0x108;
	_ =	swait.ge @!p0 [sflag:s8], $0x0  }
0x24: {  	s3 =	sadd.s32 $0x88, s3;
	s6 =	simm.s32 @!p1 $0x1082;
	[sflag:s4] =	ssyncset.s32 $0xFFFFF086  }
0x25: {  	[simem:s6], [sflag:s4] =	dma.local [hbm:s3], $0xF7A  }
0x26: {  	[smem:$0x3F98] =	sst s1;
	(tag) =	ssettag s2;
	_ =	strace s9  }
0x27: {  	s1 =	sld [smem:$0x3FA8]  }
0x28: {  	s2 =	sld [smem:$0x3FA9]  }
0x29: {  	s4 =	sld [smem:$0x3FAB]  }
0x2a: {  	p0 =	seq.s32 s5, $0x0;
	s5 =	sld [smem:$0x3FAC]  }
0x2b: {  	s6 =	sld [smem:$0x3FAD]  }
0x2c: {  	s7 =	sld [smem:$0x3FAE]  }
0x2d: {  	s3 =	simm.s32 $0x108;
	s8 =	sld [smem:$0x3FAF]  }
0x2e: {  	s3 =	simm.s32 @!p0 $0x1082;
	s9 =	sld [smem:$0x3FB0]  }
0x2f: {  	lr =	sadd.s32 s0, s3;
	s0 =	sld [smem:$0x3FA7]  }
0x30: {  	s3 =	sld [smem:$0x3FAA]  }
0x31: {  	[smem:$0x3FB3] =	sst s10  }
0x32: {  	s10 =	sld [smem:$0x3FB1];
	_ =	sdelay $0x3  }
0x33: {  	p0 =	seq.s32 s10, $0x1;
	s10 =	sld [smem:$0x3FB3];
	_ =	sdelay $0x3  }
0x34: {  	[smem:$0x3FB3] =	sst s10  }
0x35: {  	s10 =	sld [smem:$0x3FB2];
	_ =	sdelay $0x3  }
0x36: {  	p1 =	seq.s32 s10, $0x1;
	s10 =	sld [smem:$0x3FB3];
	_ =	sdelay $0x3  }
0x37: {  	[smem:$0x3FB3] =	sst s10  }
0x38: {  	s10 =	sld [smem:$0x3FB4]  }
0x39: {  	_ = 	snop;
	(pc) =	sbr.ind lr, $3  }
0x3a: {  	_ = 	snop  }
0x3b: {  	_ = 	snop  }
0x3c: {  	p2 =	seq.s32 s10, $0x1;
	s10 =	sld [smem:$0x3FB3]  }
0x3d: {  	_ =	shalt  }
0x3e: {  	_ =	shalt  }
0x3f: {  	_ =	shalt  }
0x40: {  	_ =	shalt  }
0x41: {  	_ =	shalt  }
0x42: {  	_ =	shalt  }
0x43: {  	_ =	shalt  }
0x44: {  	_ =	shalt  }
0x45: {  	_ =	shalt  }
0x46: {  	_ =	shalt  }
0x47: {  	_ =	shalt  }
0x48: {  	_ =	shalt  }
0x49: {  	_ =	shalt  }
0x4a: {  	_ =	shalt  }
0x4b: {  	_ =	shalt  }
0x4c: {  	_ =	shalt  }
0x4d: {  	_ =	shalt  }
0x4e: {  	_ =	shalt  }
0x4f: {  	_ =	shalt  }
0x50: {  	_ =	shalt  }
0x51: {  	_ =	shalt  }
0x52: {  	_ =	shalt  }
0x53: {  	_ =	shalt  }
0x54: {  	_ =	shalt  }
0x55: {  	_ =	shalt  }
0x56: {  	_ =	shalt  }
0x57: {  	_ =	shalt  }
0x58: {  	_ =	shalt  }
0x59: {  	_ =	shalt  }
0x5a: {  	_ =	shalt  }
0x5b: {  	_ =	shalt  }
0x5c: {  	_ =	shalt  }
0x5d: {  	_ =	shalt  }
0x5e: {  	_ =	shalt  }
0x5f: {  	_ =	shalt  }
0x60: {  	_ =	shalt  }
0x61: {  	_ =	shalt  }
0x62: {  	_ =	shalt  }
0x63: {  	_ =	shalt  }
0x64: {  	_ =	shalt  }
0x65: {  	_ =	shalt  }
0x66: {  	_ =	shalt  }
0x67: {  	_ =	shalt  }
0x68: {  	_ =	shalt  }
0x69: {  	_ =	shalt  }
0x6a: {  	_ =	shalt  }
0x6b: {  	_ =	shalt  }
0x6c: {  	_ =	shalt  }
0x6d: {  	_ =	shalt  }
0x6e: {  	_ =	shalt  }
0x6f: {  	_ =	shalt  }
0x70: {  	_ =	shalt  }
0x71: {  	_ =	shalt  }
0x72: {  	_ =	shalt  }
0x73: {  	_ =	shalt  }
0x74: {  	_ =	shalt  }
0x75: {  	_ =	shalt  }
0x76: {  	_ =	shalt  }
0x77: {  	_ =	shalt  }
0x78: {  	_ =	shalt  }
0x79: {  	_ =	shalt  }
0x7a: {  	_ =	shalt  }
0x7b: {  	_ =	shalt  }
0x7c: {  	_ =	shalt  }
0x7d: {  	_ =	shalt  }
0x7e: {  	_ =	shalt  }
0x7f: {  	_ =	shalt  }
0x80: {  	_ =	shalt  }
0x81: {  	_ =	shalt  }
0x82: {  	_ =	shalt  }
0x83: {  	_ =	shalt  }
0x84: {  	_ =	shalt  }
0x85: {  	_ =	shalt  }
0x86: {  	_ =	shalt  }
0x87: {  	_ =	shalt  }
.Lfunc_end0:
.L_simem_size_0:
called_computation.2_lowered:
.L_overlay_start_0:
0x88: {  	s2 =	sld [smem:$0x3FD9]  }
0x89: {  	s3 =	sld [smem:$0x3FFE];
	_ =	sdelay $0x1  }
0x8a: {  	s1 =	srdreg.scid  }
0x8b: {  	s0 =	sand.u32 $0x1, s1  }
0x8c: {  	s14 =	sshll.u32 s0, $0xA;
	s2 =	sadd.s32 s3, s2  }
0x8d: {  	s2 =	sadd.s32 s2, s14  }
0x8e: {  	[smem:$0x3FBF] =	sst s2  }
0x8f: {  	_ = 	snop  }
0x90: {  	s2 =	sld [smem:$0x3FD0];
	_ =	sdelay $0x2  }
0x91: {  	s15 =	simm.s32 $0xC;
	s4 =	simm.s32 $0x10  }
0x92: {  	[smem:s4], [sflag:s15] =	dma.local [hbm:s2], $0x1  }
0x93: {  	_ =	swait.eq [sflag:s15], $0x1  }
0x94: {  	[sflag:s15] =	ssyncset.done $0x0  }
0x95: {  	[sflag:s15] =	ssyncadd.s32 $0xFFFFFFFF  }
0x96: {  	s16 =	sld [smem:$0x10];
	(tm) =	ssettm $0x1  }
0x97: {  	s17 =	sld [smem:$0x3FFB];
	_ =	sdelay $0x3  }
0x98: {  	_ =	strace s17  }
0x99: {  	s3 =	sld [smem:$0x3FFC];
	_ =	sdelay $0x3  }
0x9a: {  	_ =	strace s3  }
0x9b: {  	s3 =	sld [smem:$0x3FFD];
	_ =	sdelay $0x3  }
0x9c: {  	_ =	strace s3  }
0x9d: {  	_ =	strace $0x8FFFFFFF  }
0x9e: {  	s18 =	sld [smem:$0x3FDB];
	_ =	sdelay $0x1  }
0x9f: {  	s19 =	simm.s32 $_scs_section_size  }
0xa0: {  	s5 =	simm.s32 $_size__tile_overlayer_lowered;
	s6 =	simm.s32 $_tile_overlayer_lowered  }
0xa1: {  	s22 =	simm.s32 $0x1BFF;
	s21 =	sshll.u32 s6, $0x1;
	s3 =	sadd.s32 s19, s18  }
0xa2: {  	s7 =	simm.s32 $0x0;
	s20 =	sshll.u32 s5, $0x1;
	s5 =	sadd.s32 s21, s3  }
0xa3: {  	[timem:s7], [sflag:s22] =	dma.local [hbm:s5], s20  }
0xa4: {  	_ =	swait.ge [sflag:s22], s20  }
0xa5: {  	s4 =	ssub.s32 $0x0, s20;
	[sflag:s22] =	ssyncset.done $0x0  }
0xa6: {  	[sflag:s22] =	ssyncadd.s32 s4;
	_ =	sdelay $0x1  }
0xa7: {  	s23 =	simm.s32 $0x1B8B  }
0xa8: {  	_ =	swait.ge [sflag:s23], $0x1  }
0xa9: {  	[sflag:s23] =	ssyncset.done $0x0  }
0xaa: {  	s25 =	simm.s32 $0x1B8E;
	s24 =	sld [smem:$0x3FFE];
	[sflag:s23] =	ssyncadd.s32 $0xFFFFFFFF  }
0xab: {  	s26 =	simm.s32 $execute0_lowered;
	[smem:$0x3FD2] =	sst s25  }
0xac: {  	s5 =	sshll.u32 s26, $0x1;
	_ =	strace $0x80000046;
	[dreg:$0x1] =	wrdreg $0xFFFFFFFF  }
0xad: {  	s28 =	simm.s32 $_size_execute0_lowered;
	s3 =	sadd.s32 s3, s5;
	[dreg:$0x0] =	wrdreg $0x0  }
0xae: {  	s5 =	sshll.u32 s28, $0x1;
	[dreg:$0x2] =	wrdreg s3  }
0xaf: {  	[dreg:$0x3] =	wrdreg s5  }
0xb0: {  	[dreg:$0x4] =	wrdreg $0xC0  }
0xb1: {  	_ =	task [dreg:s7], $0x5FFFF  }
0xb2: {  	[dreg:$0x1] =	wrdreg $0xFFFFFFFF  }
0xb3: {  	[dreg:$0x0] =	wrdreg $0x60  }
0xb4: {  	[dreg:$0x2] =	wrdreg s24  }
0xb5: {  	[dreg:$0x3] =	wrdreg s16  }
0xb6: {  	[dreg:$0x4] =	wrdreg $0x9  }
0xb7: {  	_ =	task.clear_ibuf [dreg:s7], $0x5FFFF;
	_ =	strace $0x90000046  }
0xb8: {  	s29 =	simm.s32 $0x9;
	_ =	strace $0x80000048  }
0xb9: {  	_ =	swait.ge [sflag:s29], $0x1  }
0xba: {  	[sflag:s29] =	ssyncadd.s32 $0xFFFFFFFF  }
0xbb: {  	_ =	strace $0x90000048  }
0xbc: {  	_ =	sfence  }
0xbd: {  	s30 =	sld [smem:$0x0];
	_ =	sdelay $0x2  }
0xbe: {  	s31 =	sshll.u32 s1, $0xD;
	s1 =	sshrl.u32 s1, $0x2  }
0xbf: {  	s3 =	sand.u32 $0x4000, s31;
	s1 =	sadd.s32 s1, s30  }
0xc0: {  	s0 =	sor.u32 s3, s0;
	s1 =	sshll.u32 s1, $0x11  }
0xc1: {  	s0 =	sor.u32 s1, s0  }
0xc2: {  	s0 =	sadd.s32 $0x8F2B, s0  }
0xc3: {  	[sflag:s0] =	ssyncadd.remote.s32 $0x1  }
0xc4: {  	_ =	sfence.sel $0xFFFF  }
0xc5: {  	[dreg:$0x0] =	wrdreg $0xFFFFFFFF;
	(pc) =	sbr.abs _section_cstart, $3  }
0xc6: {  	[dreg:$0x1] =	wrdreg $0xFFFFFFFF  }
0xc7: {  	_ =	task.clear_ibuf [dreg:s7], $0x2FFFF;
	_ =	strace $0x9FFFFFFF  }
0xc8: {  	(tm) =	ssettm $0x7FFFFFFF  }
0xc9: {  	_ =	shalt  }
tec
execute0_lowered:
.L_overlay_start_1:
0x0: {  	(tag) =	ssettag $0x1  }
0x1: {  	s1 =	rddreg [dreg:$0x0]  }
0x2: {  	s10 =	rddreg [dreg:$0x1]  }
0x3: {  	v0 =	vimm.s32 $0xEDCBA987;
	v1 =	vimm.s32 $0x65432100;
	s0 =	rddreg [dreg:$0x2]  }
0x4: {  	v2 =	vimm.s32 $0xDCBA9876;
	s2 =	stileid.u32;
	s4 =	srdreg.scid;
	v3 =	vimm.s32 $0x54321000;
	v4 =	vimm.s32 $0xBA987654  }
0x5: {  	s3 =	simm.s32 $0x0;
	v6 =	vimm.s32 $0xFFEDCBA9;
	v7 =	vimm.s32 $0x87654321;
	s15 =	simm.s32 $0x7680;
	s16 =	simm.s32 $0x2;
	v0 =	vunpack.c.l.s4.s8 v0  }
0x6: {  	v5 =	vimm.s32 $0xE40000;
	s17 =	simm.s32 $0x7700;
	s18 =	simm.s32 $0x7880;
	vm0 =	vcmask $0x3F04;
	s19 =	simm.s32 $0x7900;
	v1 =	vunpack.c.l.s4.s8 v1  }
0x7: {  	vm3 =	vcmask $0x3F30;
	s20 =	simm.s32 $0x4F00;
	s21 =	simm.s32 $0x7780;
	s22 =	simm.s32 $0x80;
	v2 =	vunpack.c.l.s4.s8 v2;
	v0 =	vunpack.c.0.s8.s32 v0  }
0x8: {  	vm1 =	vcmask $0x3F08;
	s23 =	simm.s32 $0x400;
	s24 =	simm.s32 $0x0;
	s7 =	sand.u32 $0x1, s4;
	v3 =	vunpack.c.l.s4.s8 v3;
	v1 =	vunpack.c.0.s8.s32 v1  }
0x9: {  	s29 =	sshll.u32 s2, $0x1;
	[smem:$0x7FF] =	sst s3;
	s5 =	sshrl.u32 s2, $0x2;
	v4 =	vunpack.c.l.s4.s8 v4;
	v2 =	vunpack.c.0.s8.s32 v2;
	v0 =	vand.u32 $0xF, v0  }
0xa: {  	s11 =	sshll.u32 s2, $0x5;
	s4 =	sor.u32 s7, s29;
	_ =	strace $0x80000047;
	v0 =	vcombine.low v1, v0;
	v1 =	vunpack.c.0.s8.s32 v3;
	v3 =	vimm.s32 $0x32100000  }
0xb: {  	v5 =	vunpack.c.l.s2.s4 v5;
	v6 =	vunpack.c.l.s4.s8 v6;
	s8 =	smul.u32 $0x13C00, s5;
	s5 =	sadd.s32 $0x58A00, s1;
	s30 =	sadd.s32 s11, s1;
	v3 =	vunpack.c.l.s4.s8 v3  }
0xc: {  	v7 =	vunpack.c.l.s4.s8 v7;
	s12 =	ssub.s32 $0x2, s7;
	s14 =	sshll.u32 s7, $0x4;
	s10 =	sadd.s32 s11, s10;
	v4 =	vunpack.c.0.s8.s32 v4;
	v2 =	vand.u32 $0xF, v2  }
0xd: {  	s6 =	sshll.u32 s4, $0x7;
	s13 =	sshrl.u32 s12, $0x1;
	s31 =	sadd.s32 s14, s30;
	v1 =	vcombine.low v1, v2;
	v2 =	vunpack.c.0.s8.s32 v3;
	v3 =	vunpack.c.l.s4.s8 v5  }
.Ltmp0:
0xe: {  	s10 =	sadd.s32 s14, s10;
	s9 =	sand.u32 $0x380, s6;
	v4 =	vand.u32 $0xF, v4;
	v5 =	vunpack.c.0.s8.s32 v6;
	v6 =	vunpack.c.0.s8.s32 v7;
	(pc) =	sbr.rel .LBB2_1-.Ltmp0, $4  }
0xf: {  	s14 =	simm.s32 $0x7800;
	s6 =	sadd.s32 $0x58400, s1;
	s8 =	sor.u32 s8, s9;
	v2 =	vcombine.low v2, v4;
	v4 =	vimm.s32 $0x7060504;
	v7 =	vunpack.c.0.s8.s32 v3  }
0x10: {  	vm2 =	vcmask $0x3F10;
	s12 =	ssub.s32 s12, s13;
	s11 =	sadd.s32 $0x200, s31;
	s8 =	sshrl.u32 s8, $0x3;
	v5 =	vcombine.low v6, v5;
	v4 =	vunpack.c.0.s8.s32 v4  }
0x11: {  	vm4 =	vcmask $0x3F3C;
	s13 =	simm.s32 $0x2780;
	s9 =	sadd.s32 $0x62E00, s31;
	s8 =	sadd.s32 s8, s1;
	v3 =	vimm.f32 $-Inf;
	v6 =	vand.u32 $0x3, v7  }
0x12: {  	s7 =	sadd.s32 $0x59000, s8;
	s8 =	smax.u32 s12, $0x1;
	s12 =	simm.s32 $0x1;
	v5 =	vand.u32 $0xF, v5;
	v4 =	vsel vm3, v4, v6;
	vm3 =	vcmask $0x3F20  }
.LBB2_7:
0x13: {  	s24 =	sadd.s32 $0x1, s24  }
0x14: {  	p0 =	sne.s32 s24, s8  }
.Ltmp1:
0x15: {  	_ = 	snop;
	(pc) =	sbr.rel @!p0 .LBB2_8-.Ltmp1, $4  }
0x16: {  	[hbm4b:s7+s22] =	stream.strided.scatter [tilespmem:s20], [sflag:$0x1], $0x2780, s23, s22, $0x38;
	[tilespmem:$0x7980] =	vst v63  }
0x17: {  	_ =	swait.ge [sflag:s12], $0x2780  }
0x18: {  	[sflag:s12] =	ssyncset.done $0x0  }
0x19: {  	[sflag:s12] =	ssyncadd.s32 $0xFFFFD880  }
.LBB2_1:
0x1a: {  	[tilespmem:s3], [sflag:$0x1] =	stream.linear.gather [hbm4b:s5+s3], $0x2780, $0x38;
	[tilespmem:$0x7980] =	vst v63  }
0x1b: {  	_ =	swait.ge [sflag:s12], $0x2780  }
0x1c: {  	[sflag:s12] =	ssyncset.done $0x0  }
0x1d: {  	[sflag:s12] =	ssyncadd.s32 $0xFFFFD880  }
0x1e: {  	[tilespmem:s13], [sflag:$0x1] =	stream.linear.gather [hbm4b:s6+s3], $0x2780, $0x38;
	[tilespmem:$0x7980] =	vst v63  }
0x1f: {  	_ =	swait.ge [sflag:s12], $0x2780  }
0x20: {  	[sflag:s12] =	ssyncset.done $0x0  }
0x21: {  	[sflag:s12] =	ssyncadd.s32 $0xFFFFD880  }
0x22: {  	[tilespmem:s14], [sflag:$0x1] =	stream.linear.gather [hbm4b:s1+s3], $0x80, $0x38;
	[tilespmem:$0x7980] =	vst v63  }
0x23: {  	_ =	swait.ge [sflag:s12], $0x80  }
0x24: {  	[sflag:s12] =	ssyncset.done $0x0  }
0x25: {  	[sflag:s12] =	ssyncadd.s32 $0xFFFFFF80  }
0x26: {  	s25 =	simm.s32 $0x0;
	v6 =	vld [tilespmem:$0x7800]  }
.LBB2_2:
0x27: {  	p0 =	sne.s32 s25, $0x9C00  }
.Ltmp2:
0x28: {  	_ = 	snop;
	(pc) =	sbr.rel @p0 .LBB2_2-.Ltmp2, $3  }
0x29: {  	_ =	sdelay $0x1  }
0x2a: {  	s26 =	sshra.s32 s25, $0x2  }
0x2b: {  	s25 =	sadd.s32 $0x40, s25;
	[tilespmem:s26+$0x4F00] =	vst v3  }
.Ltmp3:
0x2c: {  	(pc) =	sbr.rel .LBB2_4-.Ltmp3, $2  }
0x2d: {  	_ =	sdelay $0x2  }
0x2e: {  	s25 =	simm.s32 $0x0;
	s26 =	smov.u32 s4  }
.LBB2_6:
0x2f: {  	s25 =	sadd.s32 $0x200, s25  }
0x30: {  	p0 =	sne.s32 s25, $0x9E00  }
.Ltmp4:
0x31: {  	_ = 	snop;
	(pc) =	sbr.rel @!p0 .LBB2_7-.Ltmp4, $2  }
0x32: {  	_ =	sdelay $0x2  }
0x33: {  	s26 =	sadd.s32 $0x20, s26  }
.LBB2_4:
0x34: {  	p0 =	sgt.u32 s26, $0x9C3  }
.Ltmp5:
0x35: {  	_ = 	snop;
	(pc) =	sbr.rel @p0 .LBB2_6-.Ltmp5, $1  }
0x36: {  	_ =	sdelay $0x3  }
0x37: {  	s28 =	sadd.s32 s25, s11  }
0x38: {  	[tilespmem:s15], [sflag:$0x2] =	stream.linear.gather [hbm4b:s28+s3], $0x80, $0x38;
	[tilespmem:$0x7980] =	vst v63  }
0x39: {  	_ =	swait.ge [sflag:s16], $0x80  }
0x3a: {  	[sflag:s16] =	ssyncset.done $0x0  }
0x3b: {  	s30 =	sadd.s32 s25, s10;
	[sflag:s16] =	ssyncadd.s32 $0xFFFFFF80  }
0x3c: {  	[tilespmem:s17], [sflag:$0x2] =	stream.linear.gather [hbm4b:s30+s3], $0x80, $0x38;
	[tilespmem:$0x7980] =	vst v63  }
0x3d: {  	_ =	swait.ge [sflag:s16], $0x80  }
0x3e: {  	[sflag:s16] =	ssyncset.done $0x0  }
0x3f: {  	[sflag:s16] =	ssyncadd.s32 $0xFFFFFF80  }
0x40: {  	v7 =	vld [tilespmem:$0x7680]  }
0x41: {  	v8 =	vld [tilespmem:$0x7700];
	_ =	sdelay $0x6  }
0x42: {  	v7 =	vld.idx.msk [tilespmem:v7+s3+$0x0], $0xffff  }
0x43: {  	v9 =	vld.idx.msk [tilespmem:v8+s13+$0x0], $0xffff;
	_ =	sdelay $0x4  }
0x44: {  	v7 =	vadd.f32 v9, v7;
	_ =	sdelay $0x1  }
0x45: {  	v9 =	vmul.f32 $2.000000030e-01, v7  }
0x46: {  	vm5 =	vge.f32 v7, $0.0e+00  }
0x47: {  	v7 =	vsel vm5, v7, v9  }
0x48: {  	v7 =	vmul.f32 v7, v6  }
0x49: {  	v8 =	vxor.u32 $0x80000000, v8  }
0x4a: {  	(xrf1) =	vsort.ascd.msk.u32 $0xffff, v8, v7;
	_ =	sdelay $0xd  }
0x4b: {  	[tilespmem:$0x7780] =	vst v7;
	v8, v59, _ =	vpop (xrf1)  }
0x4c: {  	v7 =	vxor.u32 $0x80000000, v8;
	[tilespmem:$0x7900] =	vst v59  }
0x4d: {  	[tilespmem:$0x7880] =	vst v7  }
0x4e: {  	v8 =	vld.idx.msk [tilespmem:v0+s18+$0x0], $0xffff  }
0x4f: {  	v10 =	vld.idx.msk [tilespmem:v0+s19+$0x0], $0xffff;
	_ =	sdelay $0x3  }
0x50: {  	vm5 =	veq.s32 v8, v7  }
0x51: {  	v8 =	vmax.f32 v59, v10;
	vm5 =	vmand vm5, vm0  }
0x52: {  	v8 =	vsel vm5, v8, v59  }
0x53: {  	[tilespmem:$0x7900] =	vst v8  }
0x54: {  	v60 =	vld.idx.msk [tilespmem:v1+s18+$0x0], $0xffff  }
0x55: {  	v61 =	vld.idx.msk [tilespmem:v1+s19+$0x0], $0xffff;
	_ =	sdelay $0x3  }
0x56: {  	vm5 =	veq.s32 v60, v7  }
0x57: {  	v62 =	vmax.f32 v8, v61;
	vm5 =	vmand vm5, vm1  }
0x58: {  	v8 =	vsel vm5, v62, v8  }
0x59: {  	[tilespmem:$0x7900] =	vst v8  }
0x5a: {  	v63 =	vld.idx.msk [tilespmem:v2+s18+$0x0], $0xffff  }
0x5b: {  	v12 =	vld.idx.msk [tilespmem:v2+s19+$0x0], $0xffff;
	_ =	sdelay $0x3  }
0x5c: {  	vm5 =	veq.s32 v63, v7  }
0x5d: {  	v13 =	vmax.f32 v8, v12;
	vm5 =	vmand vm5, vm2  }
0x5e: {  	v8 =	vsel vm5, v13, v8  }
0x5f: {  	[tilespmem:$0x7900] =	vst v8  }
0x60: {  	v14 =	vld.idx.msk [tilespmem:v5+s18+$0x0], $0xffff;
	_ =	sdelay $0x2  }
0x61: {  	v15 =	vld.idx.msk [tilespmem:v4+s18+$0x0], $0xffff  }
0x62: {  	v11 =	vld.idx.msk [tilespmem:v4+s19+$0x0], $0xffff  }
0x63: {  	vm5 =	vne.s32 v14, v7  }
0x64: {  	v16 =	vld.idx.msk [tilespmem:v7+s20+$0x0], $0xffff;
	vm5 =	vmor vm5, vm4;
	_ =	sdelay $0x1  }
0x65: {  	vm6 =	veq.s32 v15, v7  }
0x66: {  	v17 =	vmax.f32 v8, v11;
	vm6 =	vmand vm6, vm3  }
0x67: {  	v8 =	vsel vm6, v17, v8  }
0x68: {  	v8 =	vmax.f32 v16, v8  }
0x69: {  	[tilespmem:v7+s20+$0x0] =	vst.idx.msk vm5, v8  }
0x6a: {  	v7 =	vld [tilespmem:$0x7690]  }
0x6b: {  	v8 =	vld [tilespmem:$0x7710];
	_ =	sdelay $0x6  }
0x6c: {  	v7 =	vld.idx.msk [tilespmem:v7+s3+$0x0], $0xffff  }
0x6d: {  	v18 =	vld.idx.msk [tilespmem:v8+s13+$0x0], $0xffff;
	_ =	sdelay $0x4  }
0x6e: {  	v7 =	vadd.f32 v18, v7;
	_ =	sdelay $0x1  }
0x6f: {  	v9 =	vmul.f32 $2.000000030e-01, v7  }
0x70: {  	vm5 =	vge.f32 v7, $0.0e+00  }
0x71: {  	v7 =	vsel vm5, v7, v9  }
0x72: {  	v7 =	vmul.f32 v7, v6  }
0x73: {  	v8 =	vxor.u32 $0x80000000, v8  }
0x74: {  	(xrf1) =	vsort.ascd.msk.u32 $0xffff, v8, v7;
	_ =	sdelay $0xd  }
0x75: {  	[tilespmem:$0x7790] =	vst v7;
	v8, v19, _ =	vpop (xrf1)  }
0x76: {  	v7 =	vxor.u32 $0x80000000, v8;
	[tilespmem:$0x7900] =	vst v19  }
0x77: {  	[tilespmem:$0x7880] =	vst v7  }
0x78: {  	v8 =	vld.idx.msk [tilespmem:v0+s18+$0x0], $0xffff  }
0x79: {  	v20 =	vld.idx.msk [tilespmem:v0+s19+$0x0], $0xffff;
	_ =	sdelay $0x3  }
0x7a: {  	vm5 =	veq.s32 v8, v7  }
0x7b: {  	v8 =	vmax.f32 v19, v20;
	vm5 =	vmand vm5, vm0  }
0x7c: {  	v8 =	vsel vm5, v8, v19  }
0x7d: {  	[tilespmem:$0x7900] =	vst v8  }
0x7e: {  	v21 =	vld.idx.msk [tilespmem:v1+s18+$0x0], $0xffff  }
0x7f: {  	v22 =	vld.idx.msk [tilespmem:v1+s19+$0x0], $0xffff;
	_ =	sdelay $0x3  }
0x80: {  	vm5 =	veq.s32 v21, v7  }
0x81: {  	v23 =	vmax.f32 v8, v22;
	vm5 =	vmand vm5, vm1  }
0x82: {  	v8 =	vsel vm5, v23, v8  }
0x83: {  	[tilespmem:$0x7900] =	vst v8  }
0x84: {  	v24 =	vld.idx.msk [tilespmem:v2+s18+$0x0], $0xffff  }
0x85: {  	v25 =	vld.idx.msk [tilespmem:v2+s19+$0x0], $0xffff;
	_ =	sdelay $0x3  }
0x86: {  	vm5 =	veq.s32 v24, v7  }
0x87: {  	v26 =	vmax.f32 v8, v25;
	vm5 =	vmand vm5, vm2  }
0x88: {  	v8 =	vsel vm5, v26, v8  }
0x89: {  	[tilespmem:$0x7900] =	vst v8  }
0x8a: {  	v27 =	vld.idx.msk [tilespmem:v5+s18+$0x0], $0xffff;
	_ =	sdelay $0x2  }
0x8b: {  	v28 =	vld.idx.msk [tilespmem:v4+s18+$0x0], $0xffff  }
0x8c: {  	v29 =	vld.idx.msk [tilespmem:v4+s19+$0x0], $0xffff  }
0x8d: {  	vm5 =	vne.s32 v27, v7  }
0x8e: {  	v30 =	vld.idx.msk [tilespmem:v7+s20+$0x0], $0xffff;
	vm5 =	vmor vm5, vm4;
	_ =	sdelay $0x1  }
0x8f: {  	vm6 =	veq.s32 v28, v7  }
0x90: {  	v31 =	vmax.f32 v8, v29;
	vm6 =	vmand vm6, vm3  }
0x91: {  	v8 =	vsel vm6, v31, v8  }
0x92: {  	v8 =	vmax.f32 v30, v8  }
0x93: {  	[tilespmem:v7+s20+$0x0] =	vst.idx.msk vm5, v8  }
0x94: {  	v7 =	vld [tilespmem:$0x76A0]  }
0x95: {  	v8 =	vld [tilespmem:$0x7720];
	_ =	sdelay $0x6  }
0x96: {  	v7 =	vld.idx.msk [tilespmem:v7+s3+$0x0], $0xffff  }
0x97: {  	v32 =	vld.idx.msk [tilespmem:v8+s13+$0x0], $0xffff;
	_ =	sdelay $0x4  }
0x98: {  	v7 =	vadd.f32 v32, v7;
	_ =	sdelay $0x1  }
0x99: {  	v9 =	vmul.f32 $2.000000030e-01, v7  }
0x9a: {  	vm5 =	vge.f32 v7, $0.0e+00  }
0x9b: {  	v7 =	vsel vm5, v7, v9  }
0x9c: {  	v7 =	vmul.f32 v7, v6  }
0x9d: {  	v8 =	vxor.u32 $0x80000000, v8  }
0x9e: {  	(xrf1) =	vsort.ascd.msk.u32 $0xffff, v8, v7;
	_ =	sdelay $0xd  }
0x9f: {  	[tilespmem:$0x77A0] =	vst v7;
	v8, v33, _ =	vpop (xrf1)  }
0xa0: {  	v7 =	vxor.u32 $0x80000000, v8;
	[tilespmem:$0x7900] =	vst v33  }
0xa1: {  	[tilespmem:$0x7880] =	vst v7  }
0xa2: {  	v8 =	vld.idx.msk [tilespmem:v0+s18+$0x0], $0xffff  }
0xa3: {  	v34 =	vld.idx.msk [tilespmem:v0+s19+$0x0], $0xffff;
	_ =	sdelay $0x3  }
0xa4: {  	vm5 =	veq.s32 v8, v7  }
0xa5: {  	v8 =	vmax.f32 v33, v34;
	vm5 =	vmand vm5, vm0  }
0xa6: {  	v8 =	vsel vm5, v8, v33  }
0xa7: {  	[tilespmem:$0x7900] =	vst v8  }
0xa8: {  	v35 =	vld.idx.msk [tilespmem:v1+s18+$0x0], $0xffff  }
0xa9: {  	v36 =	vld.idx.msk [tilespmem:v1+s19+$0x0], $0xffff;
	_ =	sdelay $0x3  }
0xaa: {  	vm5 =	veq.s32 v35, v7  }
0xab: {  	v37 =	vmax.f32 v8, v36;
	vm5 =	vmand vm5, vm1  }
0xac: {  	v8 =	vsel vm5, v37, v8  }
0xad: {  	[tilespmem:$0x7900] =	vst v8  }
0xae: {  	v38 =	vld.idx.msk [tilespmem:v2+s18+$0x0], $0xffff  }
0xaf: {  	v39 =	vld.idx.msk [tilespmem:v2+s19+$0x0], $0xffff;
	_ =	sdelay $0x3  }
0xb0: {  	vm5 =	veq.s32 v38, v7  }
0xb1: {  	v40 =	vmax.f32 v8, v39;
	vm5 =	vmand vm5, vm2  }
0xb2: {  	v8 =	vsel vm5, v40, v8  }
0xb3: {  	[tilespmem:$0x7900] =	vst v8  }
0xb4: {  	v41 =	vld.idx.msk [tilespmem:v5+s18+$0x0], $0xffff;
	_ =	sdelay $0x2  }
0xb5: {  	v42 =	vld.idx.msk [tilespmem:v4+s18+$0x0], $0xffff  }
0xb6: {  	v43 =	vld.idx.msk [tilespmem:v4+s19+$0x0], $0xffff  }
0xb7: {  	vm5 =	vne.s32 v41, v7  }
0xb8: {  	v44 =	vld.idx.msk [tilespmem:v7+s20+$0x0], $0xffff;
	vm5 =	vmor vm5, vm4;
	_ =	sdelay $0x1  }
0xb9: {  	vm6 =	veq.s32 v42, v7  }
0xba: {  	v45 =	vmax.f32 v8, v43;
	vm6 =	vmand vm6, vm3  }
0xbb: {  	v8 =	vsel vm6, v45, v8  }
0xbc: {  	v8 =	vmax.f32 v44, v8  }
0xbd: {  	[tilespmem:v7+s20+$0x0] =	vst.idx.msk vm5, v8  }
0xbe: {  	v7 =	vld [tilespmem:$0x76B0]  }
0xbf: {  	v8 =	vld [tilespmem:$0x7730];
	_ =	sdelay $0x6  }
0xc0: {  	v7 =	vld.idx.msk [tilespmem:v7+s3+$0x0], $0xffff  }
0xc1: {  	v46 =	vld.idx.msk [tilespmem:v8+s13+$0x0], $0xffff;
	_ =	sdelay $0x4  }
0xc2: {  	v7 =	vadd.f32 v46, v7;
	_ =	sdelay $0x1  }
0xc3: {  	v9 =	vmul.f32 $2.000000030e-01, v7  }
0xc4: {  	vm5 =	vge.f32 v7, $0.0e+00  }
0xc5: {  	v7 =	vsel vm5, v7, v9  }
0xc6: {  	v7 =	vmul.f32 v7, v6  }
0xc7: {  	v8 =	vxor.u32 $0x80000000, v8  }
0xc8: {  	(xrf1) =	vsort.ascd.msk.u32 $0xffff, v8, v7;
	_ =	sdelay $0xd  }
0xc9: {  	[tilespmem:$0x77B0] =	vst v7;
	v8, v47, _ =	vpop (xrf1)  }
0xca: {  	v7 =	vxor.u32 $0x80000000, v8;
	[tilespmem:$0x7900] =	vst v47  }
0xcb: {  	[tilespmem:$0x7880] =	vst v7  }
0xcc: {  	v8 =	vld.idx.msk [tilespmem:v0+s18+$0x0], $0xffff  }
0xcd: {  	v48 =	vld.idx.msk [tilespmem:v0+s19+$0x0], $0xffff;
	_ =	sdelay $0x3  }
0xce: {  	vm5 =	veq.s32 v8, v7  }
0xcf: {  	v8 =	vmax.f32 v47, v48;
	vm5 =	vmand vm5, vm0  }
0xd0: {  	v8 =	vsel vm5, v8, v47  }
0xd1: {  	[tilespmem:$0x7900] =	vst v8  }
0xd2: {  	v49 =	vld.idx.msk [tilespmem:v1+s18+$0x0], $0xffff  }
0xd3: {  	v50 =	vld.idx.msk [tilespmem:v1+s19+$0x0], $0xffff;
	_ =	sdelay $0x3  }
0xd4: {  	vm5 =	veq.s32 v49, v7  }
0xd5: {  	v51 =	vmax.f32 v8, v50;
	vm5 =	vmand vm5, vm1  }
0xd6: {  	v8 =	vsel vm5, v51, v8  }
0xd7: {  	[tilespmem:$0x7900] =	vst v8  }
0xd8: {  	v52 =	vld.idx.msk [tilespmem:v2+s18+$0x0], $0xffff  }
0xd9: {  	v53 =	vld.idx.msk [tilespmem:v2+s19+$0x0], $0xffff;
	_ =	sdelay $0x3  }
0xda: {  	vm5 =	veq.s32 v52, v7  }
0xdb: {  	v54 =	vmax.f32 v8, v53;
	vm5 =	vmand vm5, vm2  }
0xdc: {  	v8 =	vsel vm5, v54, v8  }
0xdd: {  	[tilespmem:$0x7900] =	vst v8  }
0xde: {  	v55 =	vld.idx.msk [tilespmem:v5+s18+$0x0], $0xffff;
	_ =	sdelay $0x2  }
0xdf: {  	v56 =	vld.idx.msk [tilespmem:v4+s18+$0x0], $0xffff  }
0xe0: {  	v57 =	vld.idx.msk [tilespmem:v4+s19+$0x0], $0xffff  }
0xe1: {  	vm5 =	vne.s32 v55, v7  }
0xe2: {  	v58 =	vld.idx.msk [tilespmem:v7+s20+$0x0], $0xffff;
	vm5 =	vmor vm5, vm4;
	_ =	sdelay $0x1  }
0xe3: {  	vm6 =	veq.s32 v56, v7  }
0xe4: {  	v59 =	vmax.f32 v8, v57;
	vm6 =	vmand vm6, vm3  }
0xe5: {  	v8 =	vsel vm6, v59, v8  }
0xe6: {  	v8 =	vmax.f32 v58, v8  }
0xe7: {  	[tilespmem:v7+s20+$0x0] =	vst.idx.msk vm5, v8  }
0xe8: {  	v7 =	vld [tilespmem:$0x76C0]  }
0xe9: {  	v8 =	vld [tilespmem:$0x7740];
	_ =	sdelay $0x6  }
0xea: {  	v7 =	vld.idx.msk [tilespmem:v7+s3+$0x0], $0xffff  }
0xeb: {  	v60 =	vld.idx.msk [tilespmem:v8+s13+$0x0], $0xffff;
	_ =	sdelay $0x4  }
0xec: {  	v7 =	vadd.f32 v60, v7;
	_ =	sdelay $0x1  }
0xed: {  	v9 =	vmul.f32 $2.000000030e-01, v7  }
0xee: {  	vm5 =	vge.f32 v7, $0.0e+00  }
0xef: {  	v7 =	vsel vm5, v7, v9  }
0xf0: {  	v7 =	vmul.f32 v7, v6  }
0xf1: {  	v8 =	vxor.u32 $0x80000000, v8  }
0xf2: {  	(xrf1) =	vsort.ascd.msk.u32 $0xffff, v8, v7;
	_ =	sdelay $0xd  }
0xf3: {  	[tilespmem:$0x77C0] =	vst v7;
	v8, v61, _ =	vpop (xrf1)  }
0xf4: {  	v7 =	vxor.u32 $0x80000000, v8;
	[tilespmem:$0x7900] =	vst v61  }
0xf5: {  	[tilespmem:$0x7880] =	vst v7  }
0xf6: {  	v8 =	vld.idx.msk [tilespmem:v0+s18+$0x0], $0xffff  }
0xf7: {  	v62 =	vld.idx.msk [tilespmem:v0+s19+$0x0], $0xffff;
	_ =	sdelay $0x3  }
0xf8: {  	vm5 =	veq.s32 v8, v7  }
0xf9: {  	v8 =	vmax.f32 v61, v62;
	vm5 =	vmand vm5, vm0  }
0xfa: {  	v8 =	vsel vm5, v8, v61  }
0xfb: {  	[tilespmem:$0x7900] =	vst v8  }
0xfc: {  	v63 =	vld.idx.msk [tilespmem:v1+s18+$0x0], $0xffff  }
0xfd: {  	v12 =	vld.idx.msk [tilespmem:v1+s19+$0x0], $0xffff;
	_ =	sdelay $0x3  }
0xfe: {  	vm5 =	veq.s32 v63, v7  }
0xff: {  	v13 =	vmax.f32 v8, v12;
	vm5 =	vmand vm5, vm1  }
0x100: {  	v8 =	vsel vm5, v13, v8  }
0x101: {  	[tilespmem:$0x7900] =	vst v8  }
0x102: {  	v14 =	vld.idx.msk [tilespmem:v2+s18+$0x0], $0xffff  }
0x103: {  	v15 =	vld.idx.msk [tilespmem:v2+s19+$0x0], $0xffff;
	_ =	sdelay $0x3  }
0x104: {  	vm5 =	veq.s32 v14, v7  }
0x105: {  	v16 =	vmax.f32 v8, v15;
	vm5 =	vmand vm5, vm2  }
0x106: {  	v8 =	vsel vm5, v16, v8  }
0x107: {  	[tilespmem:$0x7900] =	vst v8  }
0x108: {  	v17 =	vld.idx.msk [tilespmem:v5+s18+$0x0], $0xffff;
	_ =	sdelay $0x2  }
0x109: {  	v18 =	vld.idx.msk [tilespmem:v4+s18+$0x0], $0xffff  }
0x10a: {  	v19 =	vld.idx.msk [tilespmem:v4+s19+$0x0], $0xffff  }
0x10b: {  	vm5 =	vne.s32 v17, v7  }
0x10c: {  	v20 =	vld.idx.msk [tilespmem:v7+s20+$0x0], $0xffff;
	vm5 =	vmor vm5, vm4;
	_ =	sdelay $0x1  }
0x10d: {  	vm6 =	veq.s32 v18, v7  }
0x10e: {  	v21 =	vmax.f32 v8, v19;
	vm6 =	vmand vm6, vm3  }
0x10f: {  	v8 =	vsel vm6, v21, v8  }
0x110: {  	v8 =	vmax.f32 v20, v8  }
0x111: {  	[tilespmem:v7+s20+$0x0] =	vst.idx.msk vm5, v8  }
0x112: {  	v7 =	vld [tilespmem:$0x76D0]  }
0x113: {  	v8 =	vld [tilespmem:$0x7750];
	_ =	sdelay $0x6  }
0x114: {  	v7 =	vld.idx.msk [tilespmem:v7+s3+$0x0], $0xffff  }
0x115: {  	v22 =	vld.idx.msk [tilespmem:v8+s13+$0x0], $0xffff;
	_ =	sdelay $0x4  }
0x116: {  	v7 =	vadd.f32 v22, v7;
	_ =	sdelay $0x1  }
0x117: {  	v9 =	vmul.f32 $2.000000030e-01, v7  }
0x118: {  	vm5 =	vge.f32 v7, $0.0e+00  }
0x119: {  	v7 =	vsel vm5, v7, v9  }
0x11a: {  	v7 =	vmul.f32 v7, v6  }
0x11b: {  	v8 =	vxor.u32 $0x80000000, v8  }
0x11c: {  	(xrf1) =	vsort.ascd.msk.u32 $0xffff, v8, v7;
	_ =	sdelay $0xd  }
0x11d: {  	[tilespmem:$0x77D0] =	vst v7;
	v8, v23, _ =	vpop (xrf1)  }
0x11e: {  	v7 =	vxor.u32 $0x80000000, v8;
	[tilespmem:$0x7900] =	vst v23  }
0x11f: {  	[tilespmem:$0x7880] =	vst v7  }
0x120: {  	v8 =	vld.idx.msk [tilespmem:v0+s18+$0x0], $0xffff  }
0x121: {  	v24 =	vld.idx.msk [tilespmem:v0+s19+$0x0], $0xffff;
	_ =	sdelay $0x3  }
0x122: {  	vm5 =	veq.s32 v8, v7  }
0x123: {  	v8 =	vmax.f32 v23, v24;
	vm5 =	vmand vm5, vm0  }
0x124: {  	v8 =	vsel vm5, v8, v23  }
0x125: {  	[tilespmem:$0x7900] =	vst v8  }
0x126: {  	v25 =	vld.idx.msk [tilespmem:v1+s18+$0x0], $0xffff  }
0x127: {  	v26 =	vld.idx.msk [tilespmem:v1+s19+$0x0], $0xffff;
	_ =	sdelay $0x3  }
0x128: {  	vm5 =	veq.s32 v25, v7  }
0x129: {  	v27 =	vmax.f32 v8, v26;
	vm5 =	vmand vm5, vm1  }
0x12a: {  	v8 =	vsel vm5, v27, v8  }
0x12b: {  	[tilespmem:$0x7900] =	vst v8  }
0x12c: {  	v28 =	vld.idx.msk [tilespmem:v2+s18+$0x0], $0xffff  }
0x12d: {  	v29 =	vld.idx.msk [tilespmem:v2+s19+$0x0], $0xffff;
	_ =	sdelay $0x3  }
0x12e: {  	vm5 =	veq.s32 v28, v7  }
0x12f: {  	v30 =	vmax.f32 v8, v29;
	vm5 =	vmand vm5, vm2  }
0x130: {  	v8 =	vsel vm5, v30, v8  }
0x131: {  	[tilespmem:$0x7900] =	vst v8  }
0x132: {  	v31 =	vld.idx.msk [tilespmem:v5+s18+$0x0], $0xffff;
	_ =	sdelay $0x2  }
0x133: {  	v32 =	vld.idx.msk [tilespmem:v4+s18+$0x0], $0xffff  }
0x134: {  	v33 =	vld.idx.msk [tilespmem:v4+s19+$0x0], $0xffff  }
0x135: {  	vm5 =	vne.s32 v31, v7  }
0x136: {  	v34 =	vld.idx.msk [tilespmem:v7+s20+$0x0], $0xffff;
	vm5 =	vmor vm5, vm4;
	_ =	sdelay $0x1  }
0x137: {  	vm6 =	veq.s32 v32, v7  }
0x138: {  	v35 =	vmax.f32 v8, v33;
	vm6 =	vmand vm6, vm3  }
0x139: {  	v8 =	vsel vm6, v35, v8  }
0x13a: {  	v8 =	vmax.f32 v34, v8  }
0x13b: {  	[tilespmem:v7+s20+$0x0] =	vst.idx.msk vm5, v8  }
0x13c: {  	v7 =	vld [tilespmem:$0x76E0]  }
0x13d: {  	v8 =	vld [tilespmem:$0x7760];
	_ =	sdelay $0x6  }
0x13e: {  	v7 =	vld.idx.msk [tilespmem:v7+s3+$0x0], $0xffff  }
0x13f: {  	v36 =	vld.idx.msk [tilespmem:v8+s13+$0x0], $0xffff;
	_ =	sdelay $0x4  }
0x140: {  	v7 =	vadd.f32 v36, v7;
	_ =	sdelay $0x1  }
0x141: {  	v9 =	vmul.f32 $2.000000030e-01, v7  }
0x142: {  	vm5 =	vge.f32 v7, $0.0e+00  }
0x143: {  	v7 =	vsel vm5, v7, v9  }
0x144: {  	v7 =	vmul.f32 v7, v6  }
0x145: {  	v8 =	vxor.u32 $0x80000000, v8  }
0x146: {  	(xrf1) =	vsort.ascd.msk.u32 $0xffff, v8, v7;
	_ =	sdelay $0xd  }
0x147: {  	[tilespmem:$0x77E0] =	vst v7;
	v8, v37, _ =	vpop (xrf1)  }
0x148: {  	v7 =	vxor.u32 $0x80000000, v8;
	[tilespmem:$0x7900] =	vst v37  }
0x149: {  	[tilespmem:$0x7880] =	vst v7  }
0x14a: {  	v8 =	vld.idx.msk [tilespmem:v0+s18+$0x0], $0xffff  }
0x14b: {  	v38 =	vld.idx.msk [tilespmem:v0+s19+$0x0], $0xffff;
	_ =	sdelay $0x3  }
0x14c: {  	vm5 =	veq.s32 v8, v7  }
0x14d: {  	v8 =	vmax.f32 v37, v38;
	vm5 =	vmand vm5, vm0  }
0x14e: {  	v8 =	vsel vm5, v8, v37  }
0x14f: {  	[tilespmem:$0x7900] =	vst v8  }
0x150: {  	v39 =	vld.idx.msk [tilespmem:v1+s18+$0x0], $0xffff  }
0x151: {  	v40 =	vld.idx.msk [tilespmem:v1+s19+$0x0], $0xffff;
	_ =	sdelay $0x3  }
0x152: {  	vm5 =	veq.s32 v39, v7  }
0x153: {  	v41 =	vmax.f32 v8, v40;
	vm5 =	vmand vm5, vm1  }
0x154: {  	v8 =	vsel vm5, v41, v8  }
0x155: {  	[tilespmem:$0x7900] =	vst v8  }
0x156: {  	v42 =	vld.idx.msk [tilespmem:v2+s18+$0x0], $0xffff  }
0x157: {  	v43 =	vld.idx.msk [tilespmem:v2+s19+$0x0], $0xffff;
	_ =	sdelay $0x3  }
0x158: {  	vm5 =	veq.s32 v42, v7  }
0x159: {  	v44 =	vmax.f32 v8, v43;
	vm5 =	vmand vm5, vm2  }
0x15a: {  	v8 =	vsel vm5, v44, v8  }
0x15b: {  	[tilespmem:$0x7900] =	vst v8  }
0x15c: {  	v45 =	vld.idx.msk [tilespmem:v5+s18+$0x0], $0xffff;
	_ =	sdelay $0x2  }
0x15d: {  	v46 =	vld.idx.msk [tilespmem:v4+s18+$0x0], $0xffff  }
0x15e: {  	v47 =	vld.idx.msk [tilespmem:v4+s19+$0x0], $0xffff  }
0x15f: {  	vm5 =	vne.s32 v45, v7  }
0x160: {  	v48 =	vld.idx.msk [tilespmem:v7+s20+$0x0], $0xffff;
	vm5 =	vmor vm5, vm4;
	_ =	sdelay $0x1  }
0x161: {  	vm6 =	veq.s32 v46, v7  }
0x162: {  	v49 =	vmax.f32 v8, v47;
	vm6 =	vmand vm6, vm3  }
0x163: {  	v8 =	vsel vm6, v49, v8  }
0x164: {  	v8 =	vmax.f32 v48, v8  }
0x165: {  	[tilespmem:v7+s20+$0x0] =	vst.idx.msk vm5, v8  }
0x166: {  	v7 =	vld [tilespmem:$0x76F0]  }
0x167: {  	v8 =	vld [tilespmem:$0x7770];
	_ =	sdelay $0x6  }
0x168: {  	v7 =	vld.idx.msk [tilespmem:v7+s3+$0x0], $0xffff  }
0x169: {  	v50 =	vld.idx.msk [tilespmem:v8+s13+$0x0], $0xffff;
	_ =	sdelay $0x4  }
0x16a: {  	v7 =	vadd.f32 v50, v7;
	_ =	sdelay $0x1  }
0x16b: {  	v9 =	vmul.f32 $2.000000030e-01, v7  }
0x16c: {  	vm5 =	vge.f32 v7, $0.0e+00  }
0x16d: {  	v7 =	vsel vm5, v7, v9  }
0x16e: {  	v7 =	vmul.f32 v7, v6  }
0x16f: {  	v8 =	vxor.u32 $0x80000000, v8  }
0x170: {  	(xrf1) =	vsort.ascd.msk.u32 $0xffff, v8, v7;
	_ =	sdelay $0xd  }
0x171: {  	[tilespmem:$0x77F0] =	vst v7;
	v8, v51, _ =	vpop (xrf1)  }
0x172: {  	v7 =	vxor.u32 $0x80000000, v8;
	[tilespmem:$0x7900] =	vst v51  }
0x173: {  	[tilespmem:$0x7880] =	vst v7  }
0x174: {  	v8 =	vld.idx.msk [tilespmem:v0+s18+$0x0], $0xffff  }
0x175: {  	v52 =	vld.idx.msk [tilespmem:v0+s19+$0x0], $0xffff;
	_ =	sdelay $0x3  }
0x176: {  	vm5 =	veq.s32 v8, v7  }
0x177: {  	v8 =	vmax.f32 v51, v52;
	vm5 =	vmand vm5, vm0  }
0x178: {  	v8 =	vsel vm5, v8, v51  }
0x179: {  	[tilespmem:$0x7900] =	vst v8  }
0x17a: {  	v53 =	vld.idx.msk [tilespmem:v1+s18+$0x0], $0xffff  }
0x17b: {  	v54 =	vld.idx.msk [tilespmem:v1+s19+$0x0], $0xffff;
	_ =	sdelay $0x3  }
0x17c: {  	vm5 =	veq.s32 v53, v7  }
0x17d: {  	v55 =	vmax.f32 v8, v54;
	vm5 =	vmand vm5, vm1  }
0x17e: {  	v8 =	vsel vm5, v55, v8  }
0x17f: {  	[tilespmem:$0x7900] =	vst v8  }
0x180: {  	v56 =	vld.idx.msk [tilespmem:v2+s18+$0x0], $0xffff  }
0x181: {  	v57 =	vld.idx.msk [tilespmem:v2+s19+$0x0], $0xffff;
	_ =	sdelay $0x3  }
0x182: {  	vm5 =	veq.s32 v56, v7  }
0x183: {  	v58 =	vmax.f32 v8, v57;
	vm5 =	vmand vm5, vm2  }
0x184: {  	v8 =	vsel vm5, v58, v8  }
0x185: {  	[tilespmem:$0x7900] =	vst v8  }
0x186: {  	v59 =	vld.idx.msk [tilespmem:v5+s18+$0x0], $0xffff;
	_ =	sdelay $0x2  }
0x187: {  	v60 =	vld.idx.msk [tilespmem:v4+s18+$0x0], $0xffff  }
0x188: {  	v61 =	vld.idx.msk [tilespmem:v4+s19+$0x0], $0xffff  }
0x189: {  	vm5 =	vne.s32 v59, v7  }
0x18a: {  	v62 =	vld.idx.msk [tilespmem:v7+s20+$0x0], $0xffff;
	vm5 =	vmor vm5, vm4;
	_ =	sdelay $0x1  }
0x18b: {  	vm6 =	veq.s32 v60, v7  }
0x18c: {  	v63 =	vmax.f32 v8, v61;
	vm6 =	vmand vm6, vm3  }
0x18d: {  	v8 =	vsel vm6, v63, v8  }
0x18e: {  	v8 =	vmax.f32 v62, v8  }
.Ltmp6:
0x18f: {  	s31 =	sadd.s32 s25, s9;
	[tilespmem:v7+s20+$0x0] =	vst.idx.msk vm5, v8;
	(pc) =	sbr.rel .LBB2_6-.Ltmp6, $4  }
0x190: {  	[hbm4b:s31+s3] =	stream.linear.scatter [tilespmem:s21], [sflag:$0x1], $0x80, $0x38;
	[tilespmem:$0x7980] =	vst v63  }
0x191: {  	_ =	swait.ge [sflag:s12], $0x80  }
0x192: {  	[sflag:s12] =	ssyncset.done $0x0  }
0x193: {  	[sflag:s12] =	ssyncadd.s32 $0xFFFFFF80  }
.LBB2_8:
0x194: {  	_ =	sfence.sel $0x180000  }
0x195: {  	[bflag:$0x0] =	sbarrier.arrive $0xFFFF  }
0x196: {  	p0 =	sne.s32 s2, $0x0;
	_ =	strace $0x90000047  }
0x197: {  	s0 =	sadd.s32 @!p0 $0x100000, s0;
	[bflag:$0x2] =	sbarrier.arrive $0xFFFF  }
0x198: {  	[sflag:s0] =	ssyncadd.tile.s32 @!p0 $0x1;
	_ =	shalt  }
.Lfunc_end2:
_tile_overlayer_lowered:
.L_overlay_start_2:
0x199: {  	(tag) =	ssettag $0x2  }
0x19a: {  	s0 =	rddreg [dreg:$0x0];
	s2 =	stileid.u32  }
0x19b: {  	s1 =	rddreg [dreg:$0x1];
	p0 =	sne.s32 s2, $0x0  }
0x19c: {  	s3 =	rddreg [dreg:$0x2];
	[bflag:$0x3] =	sbarrier.arrive $0xFFFF;
	s2 =	simm.s32 @!p0 $0x1C01  }
0x19d: {  	[timem:s3], [sflag:s2] =	dma.local @!p0 [hbm:s0], s1  }
0x19e: {  	s0 =	simm.s32 @!p0 $0x1  }
0x19f: {  	_ =	swait.ge @!p0 [sflag:s0], s1  }
0x1a0: {  	s1 =	ssub.s32 @!p0 $0x0, s1;
	[sflag:s0] =	ssyncset.done @!p0 $0x0  }
0x1a1: {  	[sflag:s0] =	ssyncadd.s32 @!p0 s1  }
0x1a2: {  	[bflag:$0x3] =	sbarrier.arrive $0xFFFF  }
0x1a3: {  	_ =	shalt  }

// kernel: kernel.14.cloned.1.call-start
scs
__scs_entry_jumppad:
0x0: {  	(pc) =	sbr.rel $0x88, $3  }
0x1: {  	(tag) =	ssettag $0x0;
	lr =	simm.s32 $0x1  }
0x2: {  	[smem:$0x3F98] =	sst lr;
	_ =	strace $0xD0000000  }
0x3: {  	_ = 	snop  }
0x4: {  	_ = 	snop  }
0x5: {  	_ = 	snop  }
0x6: {  	_ = 	snop  }
0x7: {  	_ = 	snop  }
__scs_overlays_trampoline_lowered:
0x8: {  	[smem:$0x3FA7] =	sst s0  }
0x9: {  	[smem:$0x3FA8] =	sst s1  }
0xa: {  	[smem:$0x3FA9] =	sst s2  }
0xb: {  	[smem:$0x3FAA] =	sst s3  }
0xc: {  	[smem:$0x3FAB] =	sst s4  }
0xd: {  	[smem:$0x3FAC] =	sst s5  }
0xe: {  	[smem:$0x3FAD] =	sst s6  }
0xf: {  	[smem:$0x3FAE] =	sst s7  }
0x10: {  	[smem:$0x3FAF] =	sst s8  }
0x11: {  	[smem:$0x3FB0] =	sst s9;
	s0 =	simm.s32 @!p0 $0x0  }
0x12: {  	s1 =	sld [smem:$0x3F96];
	s0 =	simm.s32 @p0 $0x1  }
0x13: {  	[smem:$0x3FB1] =	sst s0;
	s0 =	simm.s32 @!p1 $0x0  }
0x14: {  	s2 =	sld [smem:$0x3F95];
	s0 =	simm.s32 @p1 $0x1  }
0x15: {  	[smem:$0x3FB2] =	sst s0;
	s0 =	simm.s32 @!p2 $0x0  }
0x16: {  	s3 =	sld [smem:$0x3FDB];
	s0 =	simm.s32 @p2 $0x1  }
0x17: {  	s4 =	simm.s32 $0x1BF5;
	[smem:$0x3FB4] =	sst s0  }
0x18: {  	s0 =	sld [smem:$0x3F97];
	_ =	swait.ge [sflag:s4], $0x0  }
0x19: {  	s7 =	sld [smem:$0x3F98]  }
0x1a: {  	s8 =	sadd.s32 $0xFFFFE003, lr  }
0x1b: {  	s9 =	sadd.s32 $0xFFFFFEF7, lr;
	s5 =	simm.s32 $0xFFFFFFFF;
	p2 =	slt.u32 s8, $0xFFFFF086  }
0x1c: {  	p1 =	slt.u32 s9, $0xF7A;
	s5 =	simm.s32 @!p2 $0x0  }
0x1d: {  	s5 =	simm.s32 @p1 $0x1;
	p0 =	seq.s32 s7, s2  }
0x1e: {  	s7 =	smul.u32 @!p0 $0xF7A, s2;
	p2 =	seq.s32 @!p0 s5, $0x0  }
0x1f: {  	s9 =	smul.u32 $0xF7A, s1;
	s8 =	simm.s32 @!p0 $0x1BF5;
	p2 =	por !p2, p0  }
0x20: {  	[sflag:s8] =	ssyncset.s32 @!p0 $0xFFFFF086;
	s6 =	sadd.s32 @!p0 s3, s7;
	s7 =	simm.s32 @!p0 $0x108  }
0x21: {  	s3 =	sadd.s32 s3, s9;
	s6 =	sadd.s32 @!p0 $0x88, s6;
	s7 =	simm.s32 @p2 $0x1082  }
0x22: {  	[simem:s7], [sflag:s8] =	dma.local @!p0 [hbm:s6], $0xF7A  }
0x23: {  	s9 =	sor.u32 $0xD0000000, s2;
	s6 =	simm.s32 $0x108;
	_ =	swait.ge @!p0 [sflag:s8], $0x0  }
0x24: {  	s3 =	sadd.s32 $0x88, s3;
	s6 =	simm.s32 @!p1 $0x1082;
	[sflag:s4] =	ssyncset.s32 $0xFFFFF086  }
0x25: {  	[simem:s6], [sflag:s4] =	dma.local [hbm:s3], $0xF7A  }
0x26: {  	[smem:$0x3F98] =	sst s1;
	(tag) =	ssettag s2;
	_ =	strace s9  }
0x27: {  	s1 =	sld [smem:$0x3FA8]  }
0x28: {  	s2 =	sld [smem:$0x3FA9]  }
0x29: {  	s4 =	sld [smem:$0x3FAB]  }
0x2a: {  	p0 =	seq.s32 s5, $0x0;
	s5 =	sld [smem:$0x3FAC]  }
0x2b: {  	s6 =	sld [smem:$0x3FAD]  }
0x2c: {  	s7 =	sld [smem:$0x3FAE]  }
0x2d: {  	s3 =	simm.s32 $0x108;
	s8 =	sld [smem:$0x3FAF]  }
0x2e: {  	s3 =	simm.s32 @!p0 $0x1082;
	s9 =	sld [smem:$0x3FB0]  }
0x2f: {  	lr =	sadd.s32 s0, s3;
	s0 =	sld [smem:$0x3FA7]  }
0x30: {  	s3 =	sld [smem:$0x3FAA]  }
0x31: {  	[smem:$0x3FB3] =	sst s10  }
0x32: {  	s10 =	sld [smem:$0x3FB1];
	_ =	sdelay $0x3  }
0x33: {  	p0 =	seq.s32 s10, $0x1;
	s10 =	sld [smem:$0x3FB3];
	_ =	sdelay $0x3  }
0x34: {  	[smem:$0x3FB3] =	sst s10  }
0x35: {  	s10 =	sld [smem:$0x3FB2];
	_ =	sdelay $0x3  }
0x36: {  	p1 =	seq.s32 s10, $0x1;
	s10 =	sld [smem:$0x3FB3];
	_ =	sdelay $0x3  }
0x37: {  	[smem:$0x3FB3] =	sst s10  }
0x38: {  	s10 =	sld [smem:$0x3FB4]  }
0x39: {  	_ = 	snop;
	(pc) =	sbr.ind lr, $3  }
0x3a: {  	_ = 	snop  }
0x3b: {  	_ = 	snop  }
0x3c: {  	p2 =	seq.s32 s10, $0x1;
	s10 =	sld [smem:$0x3FB3]  }
0x3d: {  	_ =	shalt  }
0x3e: {  	_ =	shalt  }
0x3f: {  	_ =	shalt  }
0x40: {  	_ =	shalt  }
0x41: {  	_ =	shalt  }
0x42: {  	_ =	shalt  }
0x43: {  	_ =	shalt  }
0x44: {  	_ =	shalt  }
0x45: {  	_ =	shalt  }
0x46: {  	_ =	shalt  }
0x47: {  	_ =	shalt  }
0x48: {  	_ =	shalt  }
0x49: {  	_ =	shalt  }
0x4a: {  	_ =	shalt  }
0x4b: {  	_ =	shalt  }
0x4c: {  	_ =	shalt  }
0x4d: {  	_ =	shalt  }
0x4e: {  	_ =	shalt  }
0x4f: {  	_ =	shalt  }
0x50: {  	_ =	shalt  }
0x51: {  	_ =	shalt  }
0x52: {  	_ =	shalt  }
0x53: {  	_ =	shalt  }
0x54: {  	_ =	shalt  }
0x55: {  	_ =	shalt  }
0x56: {  	_ =	shalt  }
0x57: {  	_ =	shalt  }
0x58: {  	_ =	shalt  }
0x59: {  	_ =	shalt  }
0x5a: {  	_ =	shalt  }
0x5b: {  	_ =	shalt  }
0x5c: {  	_ =	shalt  }
0x5d: {  	_ =	shalt  }
0x5e: {  	_ =	shalt  }
0x5f: {  	_ =	shalt  }
0x60: {  	_ =	shalt  }
0x61: {  	_ =	shalt  }
0x62: {  	_ =	shalt  }
0x63: {  	_ =	shalt  }
0x64: {  	_ =	shalt  }
0x65: {  	_ =	shalt  }
0x66: {  	_ =	shalt  }
0x67: {  	_ =	shalt  }
0x68: {  	_ =	shalt  }
0x69: {  	_ =	shalt  }
0x6a: {  	_ =	shalt  }
0x6b: {  	_ =	shalt  }
0x6c: {  	_ =	shalt  }
0x6d: {  	_ =	shalt  }
0x6e: {  	_ =	shalt  }
0x6f: {  	_ =	shalt  }
0x70: {  	_ =	shalt  }
0x71: {  	_ =	shalt  }
0x72: {  	_ =	shalt  }
0x73: {  	_ =	shalt  }
0x74: {  	_ =	shalt  }
0x75: {  	_ =	shalt  }
0x76: {  	_ =	shalt  }
0x77: {  	_ =	shalt  }
0x78: {  	_ =	shalt  }
0x79: {  	_ =	shalt  }
0x7a: {  	_ =	shalt  }
0x7b: {  	_ =	shalt  }
0x7c: {  	_ =	shalt  }
0x7d: {  	_ =	shalt  }
0x7e: {  	_ =	shalt  }
0x7f: {  	_ =	shalt  }
0x80: {  	_ =	shalt  }
0x81: {  	_ =	shalt  }
0x82: {  	_ =	shalt  }
0x83: {  	_ =	shalt  }
0x84: {  	_ =	shalt  }
0x85: {  	_ =	shalt  }
0x86: {  	_ =	shalt  }
0x87: {  	_ =	shalt  }
.Lfunc_end0:
.L_simem_size_0:
called_computation.3_lowered:
.L_overlay_start_0:
0x88: {  	s2 =	sld [smem:$0x3FD9]  }
0x89: {  	s3 =	sld [smem:$0x3FFE];
	_ =	sdelay $0x1  }
0x8a: {  	s1 =	srdreg.scid  }
0x8b: {  	s0 =	sand.u32 $0x1, s1  }
0x8c: {  	s14 =	sshll.u32 s0, $0xA;
	s2 =	sadd.s32 s3, s2  }
0x8d: {  	s2 =	sadd.s32 s2, s14  }
0x8e: {  	[smem:$0x3FBF] =	sst s2  }
0x8f: {  	_ = 	snop  }
0x90: {  	s2 =	sld [smem:$0x3FD0];
	_ =	sdelay $0x2  }
0x91: {  	s15 =	simm.s32 $0xC;
	s4 =	simm.s32 $0x10  }
0x92: {  	[smem:s4], [sflag:s15] =	dma.local [hbm:s2], $0x1  }
0x93: {  	_ =	swait.eq [sflag:s15], $0x1  }
0x94: {  	[sflag:s15] =	ssyncset.done $0x0  }
0x95: {  	[sflag:s15] =	ssyncadd.s32 $0xFFFFFFFF  }
0x96: {  	s16 =	sld [smem:$0x10];
	(tm) =	ssettm $0x1  }
0x97: {  	s17 =	sld [smem:$0x3FFB];
	_ =	sdelay $0x3  }
0x98: {  	_ =	strace s17  }
0x99: {  	s3 =	sld [smem:$0x3FFC];
	_ =	sdelay $0x3  }
0x9a: {  	_ =	strace s3  }
0x9b: {  	s3 =	sld [smem:$0x3FFD];
	_ =	sdelay $0x3  }
0x9c: {  	_ =	strace s3  }
0x9d: {  	_ =	strace $0x8FFFFFFF  }
0x9e: {  	s18 =	sld [smem:$0x3FDB];
	_ =	sdelay $0x1  }
0x9f: {  	s19 =	simm.s32 $_scs_section_size  }
0xa0: {  	s5 =	simm.s32 $_size__tile_overlayer_lowered;
	s6 =	simm.s32 $_tile_overlayer_lowered  }
0xa1: {  	s22 =	simm.s32 $0x1BFF;
	s21 =	sshll.u32 s6, $0x1;
	s3 =	sadd.s32 s19, s18  }
0xa2: {  	s7 =	simm.s32 $0x0;
	s20 =	sshll.u32 s5, $0x1;
	s5 =	sadd.s32 s21, s3  }
0xa3: {  	[timem:s7], [sflag:s22] =	dma.local [hbm:s5], s20  }
0xa4: {  	_ =	swait.ge [sflag:s22], s20  }
0xa5: {  	s4 =	ssub.s32 $0x0, s20;
	[sflag:s22] =	ssyncset.done $0x0  }
0xa6: {  	[sflag:s22] =	ssyncadd.s32 s4;
	_ =	sdelay $0x1  }
0xa7: {  	s23 =	simm.s32 $0x1B8B  }
0xa8: {  	_ =	swait.ge [sflag:s23], $0x1  }
0xa9: {  	[sflag:s23] =	ssyncset.done $0x0  }
0xaa: {  	s25 =	simm.s32 $0x1B8E;
	s24 =	sld [smem:$0x3FFE];
	[sflag:s23] =	ssyncadd.s32 $0xFFFFFFFF  }
0xab: {  	s26 =	simm.s32 $execute0_lowered;
	[smem:$0x3FD2] =	sst s25  }
0xac: {  	s5 =	sshll.u32 s26, $0x1;
	_ =	strace $0x80000049;
	[dreg:$0x1] =	wrdreg $0xFFFFFFFF  }
0xad: {  	s28 =	simm.s32 $_size_execute0_lowered;
	s3 =	sadd.s32 s3, s5;
	[dreg:$0x0] =	wrdreg $0x0  }
0xae: {  	s5 =	sshll.u32 s28, $0x1;
	[dreg:$0x2] =	wrdreg s3  }
0xaf: {  	[dreg:$0x3] =	wrdreg s5  }
0xb0: {  	[dreg:$0x4] =	wrdreg $0xC0  }
0xb1: {  	_ =	task [dreg:s7], $0x5FFFF  }
0xb2: {  	[dreg:$0x1] =	wrdreg $0xFFFFFFFF  }
0xb3: {  	[dreg:$0x0] =	wrdreg $0x60  }
0xb4: {  	[dreg:$0x2] =	wrdreg s24  }
0xb5: {  	[dreg:$0x3] =	wrdreg s16  }
0xb6: {  	[dreg:$0x4] =	wrdreg $0x9  }
0xb7: {  	_ =	task.clear_ibuf [dreg:s7], $0x5FFFF;
	_ =	strace $0x90000049  }
0xb8: {  	s29 =	simm.s32 $0x9;
	_ =	strace $0x8000004B  }
0xb9: {  	_ =	swait.ge [sflag:s29], $0x1  }
0xba: {  	[sflag:s29] =	ssyncadd.s32 $0xFFFFFFFF  }
0xbb: {  	_ =	strace $0x9000004B  }
0xbc: {  	_ =	sfence  }
0xbd: {  	s30 =	sld [smem:$0x0];
	_ =	sdelay $0x2  }
0xbe: {  	s31 =	sshll.u32 s1, $0xD;
	s1 =	sshrl.u32 s1, $0x2  }
0xbf: {  	s3 =	sand.u32 $0x4000, s31;
	s1 =	sadd.s32 s1, s30  }
0xc0: {  	s0 =	sor.u32 s3, s0;
	s1 =	sshll.u32 s1, $0x11  }
0xc1: {  	s0 =	sor.u32 s1, s0  }
0xc2: {  	s0 =	sadd.s32 $0x8F2B, s0  }
0xc3: {  	[sflag:s0] =	ssyncadd.remote.s32 $0x1  }
0xc4: {  	_ =	sfence.sel $0xFFFF  }
0xc5: {  	[dreg:$0x0] =	wrdreg $0xFFFFFFFF;
	(pc) =	sbr.abs _section_cstart, $3  }
0xc6: {  	[dreg:$0x1] =	wrdreg $0xFFFFFFFF  }
0xc7: {  	_ =	task.clear_ibuf [dreg:s7], $0x2FFFF;
	_ =	strace $0x9FFFFFFF  }
0xc8: {  	(tm) =	ssettm $0x7FFFFFFF  }
0xc9: {  	_ =	shalt  }
tec
execute0_lowered:
.L_overlay_start_1:
0x0: {  	(tag) =	ssettag $0x1  }
0x1: {  	s3 =	rddreg [dreg:$0x0]  }
0x2: {  	s8 =	rddreg [dreg:$0x1]  }
0x3: {  	s0 =	rddreg [dreg:$0x2];
	s4 =	srdreg.scid;
	s2 =	simm.s32 $0x0  }
0x4: {  	s1 =	stileid.u32;
	s11 =	simm.s32 $0x2;
	s12 =	simm.s32 $0x2800  }
0x5: {  	s13 =	simm.s32 $0x0;
	s4 =	sand.u32 $0x1, s4;
	[smem:$0x7FF] =	sst s2  }
0x6: {  	s9 =	sshll.u32 s1, $0x5;
	s5 =	ssub.s32 $0x2, s4;
	_ =	strace $0x8000004A  }
.Ltmp0:
0x7: {  	s6 =	sadd.s32 s9, s3;
	s3 =	sadd.s32 $0x58400, s3;
	(pc) =	sbr.rel .LBB2_1-.Ltmp0, $4  }
0x8: {  	s10 =	sshll.u32 s4, $0x4;
	s4 =	sshll.u32 s1, $0x1;
	s8 =	sadd.s32 s9, s8  }
0x9: {  	s9 =	simm.s32 $0x1;
	s7 =	sshrl.u32 s5, $0x1;
	s31 =	sadd.s32 s10, s6  }
0xa: {  	s8 =	sadd.s32 s10, s8;
	s10 =	simm.s32 $0x2780;
	s5 =	ssub.s32 s5, s7  }
0xb: {  	s6 =	sadd.s32 $0x59000, s31;
	s7 =	sadd.s32 $0x62E00, s31;
	s5 =	smax.u32 s5, $0x1  }
.LBB2_5:
0xc: {  	s13 =	sadd.s32 $0x1, s13  }
0xd: {  	p0 =	sne.s32 s13, s5  }
.Ltmp1:
0xe: {  	_ = 	snop;
	(pc) =	sbr.rel @!p0 .LBB2_6-.Ltmp1, $1  }
0xf: {  	_ =	sdelay $0x3  }
.LBB2_1:
.Ltmp2:
0x10: {  	(pc) =	sbr.rel .LBB2_2-.Ltmp2, $4  }
0x11: {  	[tilespmem:s2], [sflag:$0x1] =	stream.linear.gather [hbm4b:s3+s2], $0x2780, $0x38;
	[tilespmem:$0x2880] =	vst v63  }
0x12: {  	_ =	swait.ge [sflag:s9], $0x2780  }
0x13: {  	[sflag:s9] =	ssyncset.done $0x0  }
0x14: {  	s14 =	smov.u32 s4;
	s15 =	simm.s32 $0x0;
	[sflag:s9] =	ssyncadd.s32 $0xFFFFD880  }
.LBB2_4:
0x15: {  	s15 =	sadd.s32 $0x200, s15  }
0x16: {  	p0 =	sne.s32 s15, $0x9E00  }
.Ltmp3:
0x17: {  	_ = 	snop;
	(pc) =	sbr.rel @!p0 .LBB2_5-.Ltmp3, $2  }
0x18: {  	_ =	sdelay $0x2  }
0x19: {  	s14 =	sadd.s32 $0x20, s14  }
.LBB2_2:
0x1a: {  	p0 =	sgt.u32 s14, $0x9C3  }
.Ltmp4:
0x1b: {  	_ = 	snop;
	(pc) =	sbr.rel @p0 .LBB2_4-.Ltmp4, $1  }
0x1c: {  	_ =	sdelay $0x3  }
0x1d: {  	s16 =	sadd.s32 s15, s8  }
0x1e: {  	[tilespmem:s10], [sflag:$0x2] =	stream.linear.gather [hbm4b:s16+s2], $0x80, $0x38;
	[tilespmem:$0x2880] =	vst v63  }
0x1f: {  	_ =	swait.ge [sflag:s11], $0x80  }
0x20: {  	[sflag:s11] =	ssyncset.done $0x0  }
0x21: {  	s30 =	sadd.s32 s15, s7;
	[sflag:s11] =	ssyncadd.s32 $0xFFFFFF80  }
0x22: {  	[tilespmem:s12], [sflag:$0x2] =	stream.linear.gather [hbm4b:s30+s2], $0x80, $0x38;
	[tilespmem:$0x2880] =	vst v63  }
0x23: {  	_ =	swait.ge [sflag:s11], $0x80  }
0x24: {  	[sflag:s11] =	ssyncset.done $0x0  }
0x25: {  	[sflag:s11] =	ssyncadd.s32 $0xFFFFFF80  }
0x26: {  	v0 =	vld [tilespmem:$0x2780];
	_ =	sdelay $0x6  }
0x27: {  	v1 =	vld [tilespmem:$0x2800]  }
0x28: {  	v0 =	vld.idx.msk [tilespmem:v0+s2+$0x0], $0xffff;
	_ =	sdelay $0x4  }
0x29: {  	v0 =	vsub.f32 v1, v0;
	_ =	sdelay $0x1  }
0x2a: {  	v0 =	vmul.f32 $1.442695020e+00, v0;
	_ =	sdelay $0x1  }
0x2b: {  	(erf) = vpow2.f32 v0;
	_ =	sdelay $0x2  }
0x2c: {  	v43 =	vld [tilespmem:$0x2790];
	_ =	sdelay $0x5  }
0x2d: {  	v44 =	vpop (erf)  }
0x2e: {  	v45 =	vld [tilespmem:$0x2810];
	[tilespmem:$0x2800] =	vst v44  }
0x2f: {  	v0 =	vld.idx.msk [tilespmem:v43+s2+$0x0], $0xffff;
	_ =	sdelay $0x4  }
0x30: {  	v0 =	vsub.f32 v45, v0;
	_ =	sdelay $0x1  }
0x31: {  	v0 =	vmul.f32 $1.442695020e+00, v0;
	_ =	sdelay $0x1  }
0x32: {  	(erf) = vpow2.f32 v0;
	_ =	sdelay $0x2  }
0x33: {  	v46 =	vld [tilespmem:$0x27A0];
	_ =	sdelay $0x5  }
0x34: {  	v47 =	vpop (erf)  }
0x35: {  	v48 =	vld [tilespmem:$0x2820];
	[tilespmem:$0x2810] =	vst v47  }
0x36: {  	v0 =	vld.idx.msk [tilespmem:v46+s2+$0x0], $0xffff;
	_ =	sdelay $0x4  }
0x37: {  	v0 =	vsub.f32 v48, v0;
	_ =	sdelay $0x1  }
0x38: {  	v0 =	vmul.f32 $1.442695020e+00, v0;
	_ =	sdelay $0x1  }
0x39: {  	(erf) = vpow2.f32 v0;
	_ =	sdelay $0x2  }
0x3a: {  	v49 =	vld [tilespmem:$0x27B0];
	_ =	sdelay $0x5  }
0x3b: {  	v50 =	vpop (erf)  }
0x3c: {  	v51 =	vld [tilespmem:$0x2830];
	[tilespmem:$0x2820] =	vst v50  }
0x3d: {  	v0 =	vld.idx.msk [tilespmem:v49+s2+$0x0], $0xffff;
	_ =	sdelay $0x4  }
0x3e: {  	v0 =	vsub.f32 v51, v0;
	_ =	sdelay $0x1  }
0x3f: {  	v0 =	vmul.f32 $1.442695020e+00, v0;
	_ =	sdelay $0x1  }
0x40: {  	(erf) = vpow2.f32 v0;
	_ =	sdelay $0x2  }
0x41: {  	v52 =	vld [tilespmem:$0x27C0];
	_ =	sdelay $0x5  }
0x42: {  	v53 =	vpop (erf)  }
0x43: {  	v54 =	vld [tilespmem:$0x2840];
	[tilespmem:$0x2830] =	vst v53  }
0x44: {  	v0 =	vld.idx.msk [tilespmem:v52+s2+$0x0], $0xffff;
	_ =	sdelay $0x4  }
0x45: {  	v0 =	vsub.f32 v54, v0;
	_ =	sdelay $0x1  }
0x46: {  	v0 =	vmul.f32 $1.442695020e+00, v0;
	_ =	sdelay $0x1  }
0x47: {  	(erf) = vpow2.f32 v0;
	_ =	sdelay $0x2  }
0x48: {  	v55 =	vld [tilespmem:$0x27D0];
	_ =	sdelay $0x5  }
0x49: {  	v56 =	vpop (erf)  }
0x4a: {  	v57 =	vld [tilespmem:$0x2850];
	[tilespmem:$0x2840] =	vst v56  }
0x4b: {  	v0 =	vld.idx.msk [tilespmem:v55+s2+$0x0], $0xffff;
	_ =	sdelay $0x4  }
0x4c: {  	v0 =	vsub.f32 v57, v0;
	_ =	sdelay $0x1  }
0x4d: {  	v0 =	vmul.f32 $1.442695020e+00, v0;
	_ =	sdelay $0x1  }
0x4e: {  	(erf) = vpow2.f32 v0;
	_ =	sdelay $0x2  }
0x4f: {  	v58 =	vld [tilespmem:$0x27E0];
	_ =	sdelay $0x5  }
0x50: {  	v59 =	vpop (erf)  }
0x51: {  	v60 =	vld [tilespmem:$0x2860];
	[tilespmem:$0x2850] =	vst v59  }
0x52: {  	v0 =	vld.idx.msk [tilespmem:v58+s2+$0x0], $0xffff;
	_ =	sdelay $0x4  }
0x53: {  	v0 =	vsub.f32 v60, v0;
	_ =	sdelay $0x1  }
0x54: {  	v0 =	vmul.f32 $1.442695020e+00, v0;
	_ =	sdelay $0x1  }
0x55: {  	(erf) = vpow2.f32 v0;
	_ =	sdelay $0x2  }
0x56: {  	v61 =	vld [tilespmem:$0x27F0];
	_ =	sdelay $0x5  }
0x57: {  	v62 =	vpop (erf)  }
0x58: {  	v63 =	vld [tilespmem:$0x2870];
	[tilespmem:$0x2860] =	vst v62  }
0x59: {  	v0 =	vld.idx.msk [tilespmem:v61+s2+$0x0], $0xffff;
	_ =	sdelay $0x4  }
0x5a: {  	v0 =	vsub.f32 v63, v0;
	_ =	sdelay $0x1  }
0x5b: {  	v0 =	vmul.f32 $1.442695020e+00, v0;
	_ =	sdelay $0x1  }
0x5c: {  	(erf) = vpow2.f32 v0;
	_ =	sdelay $0x8  }
0x5d: {  	v0 =	vpop (erf)  }
.Ltmp5:
0x5e: {  	s31 =	sadd.s32 s15, s6;
	[tilespmem:$0x2870] =	vst v0;
	(pc) =	sbr.rel .LBB2_4-.Ltmp5, $4  }
0x5f: {  	[hbm4b:s31+s2] =	stream.linear.scatter [tilespmem:s12], [sflag:$0x1], $0x80, $0x38;
	[tilespmem:$0x2880] =	vst v63  }
0x60: {  	_ =	swait.ge [sflag:s9], $0x80  }
0x61: {  	[sflag:s9] =	ssyncset.done $0x0  }
0x62: {  	[sflag:s9] =	ssyncadd.s32 $0xFFFFFF80  }
.LBB2_6:
0x63: {  	_ =	sfence.sel $0x180000  }
0x64: {  	[bflag:$0x0] =	sbarrier.arrive $0xFFFF  }
0x65: {  	p0 =	sne.s32 s1, $0x0;
	_ =	strace $0x9000004A  }
0x66: {  	s0 =	sadd.s32 @!p0 $0x100000, s0;
	[bflag:$0x2] =	sbarrier.arrive $0xFFFF  }
0x67: {  	[sflag:s0] =	ssyncadd.tile.s32 @!p0 $0x1;
	_ =	shalt  }
.Lfunc_end2:
_tile_overlayer_lowered:
.L_overlay_start_2:
0x68: {  	(tag) =	ssettag $0x2  }
0x69: {  	s0 =	rddreg [dreg:$0x0];
	s2 =	stileid.u32  }
0x6a: {  	s1 =	rddreg [dreg:$0x1];
	p0 =	sne.s32 s2, $0x0  }
0x6b: {  	s3 =	rddreg [dreg:$0x2];
	[bflag:$0x3] =	sbarrier.arrive $0xFFFF;
	s2 =	simm.s32 @!p0 $0x1C01  }
0x6c: {  	[timem:s3], [sflag:s2] =	dma.local @!p0 [hbm:s0], s1  }
0x6d: {  	s0 =	simm.s32 @!p0 $0x1  }
0x6e: {  	_ =	swait.ge @!p0 [sflag:s0], s1  }
0x6f: {  	s1 =	ssub.s32 @!p0 $0x0, s1;
	[sflag:s0] =	ssyncset.done @!p0 $0x0  }
0x70: {  	[sflag:s0] =	ssyncadd.s32 @!p0 s1  }
0x71: {  	[bflag:$0x3] =	sbarrier.arrive $0xFFFF  }
0x72: {  	_ =	shalt  }

// kernel: kernel.17.cloned.1.call-start
scs
__scs_entry_jumppad:
0x0: {  	(pc) =	sbr.rel $0x88, $3  }
0x1: {  	(tag) =	ssettag $0x0;
	lr =	simm.s32 $0x1  }
0x2: {  	[smem:$0x3F98] =	sst lr;
	_ =	strace $0xD0000000  }
0x3: {  	_ = 	snop  }
0x4: {  	_ = 	snop  }
0x5: {  	_ = 	snop  }
0x6: {  	_ = 	snop  }
0x7: {  	_ = 	snop  }
__scs_overlays_trampoline_lowered:
0x8: {  	[smem:$0x3FA7] =	sst s0  }
0x9: {  	[smem:$0x3FA8] =	sst s1  }
0xa: {  	[smem:$0x3FA9] =	sst s2  }
0xb: {  	[smem:$0x3FAA] =	sst s3  }
0xc: {  	[smem:$0x3FAB] =	sst s4  }
0xd: {  	[smem:$0x3FAC] =	sst s5  }
0xe: {  	[smem:$0x3FAD] =	sst s6  }
0xf: {  	[smem:$0x3FAE] =	sst s7  }
0x10: {  	[smem:$0x3FAF] =	sst s8  }
0x11: {  	[smem:$0x3FB0] =	sst s9;
	s0 =	simm.s32 @!p0 $0x0  }
0x12: {  	s1 =	sld [smem:$0x3F96];
	s0 =	simm.s32 @p0 $0x1  }
0x13: {  	[smem:$0x3FB1] =	sst s0;
	s0 =	simm.s32 @!p1 $0x0  }
0x14: {  	s2 =	sld [smem:$0x3F95];
	s0 =	simm.s32 @p1 $0x1  }
0x15: {  	[smem:$0x3FB2] =	sst s0;
	s0 =	simm.s32 @!p2 $0x0  }
0x16: {  	s3 =	sld [smem:$0x3FDB];
	s0 =	simm.s32 @p2 $0x1  }
0x17: {  	s4 =	simm.s32 $0x1BF5;
	[smem:$0x3FB4] =	sst s0  }
0x18: {  	s0 =	sld [smem:$0x3F97];
	_ =	swait.ge [sflag:s4], $0x0  }
0x19: {  	s7 =	sld [smem:$0x3F98]  }
0x1a: {  	s8 =	sadd.s32 $0xFFFFE003, lr  }
0x1b: {  	s9 =	sadd.s32 $0xFFFFFEF7, lr;
	s5 =	simm.s32 $0xFFFFFFFF;
	p2 =	slt.u32 s8, $0xFFFFF086  }
0x1c: {  	p1 =	slt.u32 s9, $0xF7A;
	s5 =	simm.s32 @!p2 $0x0  }
0x1d: {  	s5 =	simm.s32 @p1 $0x1;
	p0 =	seq.s32 s7, s2  }
0x1e: {  	s7 =	smul.u32 @!p0 $0xF7A, s2;
	p2 =	seq.s32 @!p0 s5, $0x0  }
0x1f: {  	s9 =	smul.u32 $0xF7A, s1;
	s8 =	simm.s32 @!p0 $0x1BF5;
	p2 =	por !p2, p0  }
0x20: {  	[sflag:s8] =	ssyncset.s32 @!p0 $0xFFFFF086;
	s6 =	sadd.s32 @!p0 s3, s7;
	s7 =	simm.s32 @!p0 $0x108  }
0x21: {  	s3 =	sadd.s32 s3, s9;
	s6 =	sadd.s32 @!p0 $0x88, s6;
	s7 =	simm.s32 @p2 $0x1082  }
0x22: {  	[simem:s7], [sflag:s8] =	dma.local @!p0 [hbm:s6], $0xF7A  }
0x23: {  	s9 =	sor.u32 $0xD0000000, s2;
	s6 =	simm.s32 $0x108;
	_ =	swait.ge @!p0 [sflag:s8], $0x0  }
0x24: {  	s3 =	sadd.s32 $0x88, s3;
	s6 =	simm.s32 @!p1 $0x1082;
	[sflag:s4] =	ssyncset.s32 $0xFFFFF086  }
0x25: {  	[simem:s6], [sflag:s4] =	dma.local [hbm:s3], $0xF7A  }
0x26: {  	[smem:$0x3F98] =	sst s1;
	(tag) =	ssettag s2;
	_ =	strace s9  }
0x27: {  	s1 =	sld [smem:$0x3FA8]  }
0x28: {  	s2 =	sld [smem:$0x3FA9]  }
0x29: {  	s4 =	sld [smem:$0x3FAB]  }
0x2a: {  	p0 =	seq.s32 s5, $0x0;
	s5 =	sld [smem:$0x3FAC]  }
0x2b: {  	s6 =	sld [smem:$0x3FAD]  }
0x2c: {  	s7 =	sld [smem:$0x3FAE]  }
0x2d: {  	s3 =	simm.s32 $0x108;
	s8 =	sld [smem:$0x3FAF]  }
0x2e: {  	s3 =	simm.s32 @!p0 $0x1082;
	s9 =	sld [smem:$0x3FB0]  }
0x2f: {  	lr =	sadd.s32 s0, s3;
	s0 =	sld [smem:$0x3FA7]  }
0x30: {  	s3 =	sld [smem:$0x3FAA]  }
0x31: {  	[smem:$0x3FB3] =	sst s10  }
0x32: {  	s10 =	sld [smem:$0x3FB1];
	_ =	sdelay $0x3  }
0x33: {  	p0 =	seq.s32 s10, $0x1;
	s10 =	sld [smem:$0x3FB3];
	_ =	sdelay $0x3  }
0x34: {  	[smem:$0x3FB3] =	sst s10  }
0x35: {  	s10 =	sld [smem:$0x3FB2];
	_ =	sdelay $0x3  }
0x36: {  	p1 =	seq.s32 s10, $0x1;
	s10 =	sld [smem:$0x3FB3];
	_ =	sdelay $0x3  }
0x37: {  	[smem:$0x3FB3] =	sst s10  }
0x38: {  	s10 =	sld [smem:$0x3FB4]  }
0x39: {  	_ = 	snop;
	(pc) =	sbr.ind lr, $3  }
0x3a: {  	_ = 	snop  }
0x3b: {  	_ = 	snop  }
0x3c: {  	p2 =	seq.s32 s10, $0x1;
	s10 =	sld [smem:$0x3FB3]  }
0x3d: {  	_ =	shalt  }
0x3e: {  	_ =	shalt  }
0x3f: {  	_ =	shalt  }
0x40: {  	_ =	shalt  }
0x41: {  	_ =	shalt  }
0x42: {  	_ =	shalt  }
0x43: {  	_ =	shalt  }
0x44: {  	_ =	shalt  }
0x45: {  	_ =	shalt  }
0x46: {  	_ =	shalt  }
0x47: {  	_ =	shalt  }
0x48: {  	_ =	shalt  }
0x49: {  	_ =	shalt  }
0x4a: {  	_ =	shalt  }
0x4b: {  	_ =	shalt  }
0x4c: {  	_ =	shalt  }
0x4d: {  	_ =	shalt  }
0x4e: {  	_ =	shalt  }
0x4f: {  	_ =	shalt  }
0x50: {  	_ =	shalt  }
0x51: {  	_ =	shalt  }
0x52: {  	_ =	shalt  }
0x53: {  	_ =	shalt  }
0x54: {  	_ =	shalt  }
0x55: {  	_ =	shalt  }
0x56: {  	_ =	shalt  }
0x57: {  	_ =	shalt  }
0x58: {  	_ =	shalt  }
0x59: {  	_ =	shalt  }
0x5a: {  	_ =	shalt  }
0x5b: {  	_ =	shalt  }
0x5c: {  	_ =	shalt  }
0x5d: {  	_ =	shalt  }
0x5e: {  	_ =	shalt  }
0x5f: {  	_ =	shalt  }
0x60: {  	_ =	shalt  }
0x61: {  	_ =	shalt  }
0x62: {  	_ =	shalt  }
0x63: {  	_ =	shalt  }
0x64: {  	_ =	shalt  }
0x65: {  	_ =	shalt  }
0x66: {  	_ =	shalt  }
0x67: {  	_ =	shalt  }
0x68: {  	_ =	shalt  }
0x69: {  	_ =	shalt  }
0x6a: {  	_ =	shalt  }
0x6b: {  	_ =	shalt  }
0x6c: {  	_ =	shalt  }
0x6d: {  	_ =	shalt  }
0x6e: {  	_ =	shalt  }
0x6f: {  	_ =	shalt  }
0x70: {  	_ =	shalt  }
0x71: {  	_ =	shalt  }
0x72: {  	_ =	shalt  }
0x73: {  	_ =	shalt  }
0x74: {  	_ =	shalt  }
0x75: {  	_ =	shalt  }
0x76: {  	_ =	shalt  }
0x77: {  	_ =	shalt  }
0x78: {  	_ =	shalt  }
0x79: {  	_ =	shalt  }
0x7a: {  	_ =	shalt  }
0x7b: {  	_ =	shalt  }
0x7c: {  	_ =	shalt  }
0x7d: {  	_ =	shalt  }
0x7e: {  	_ =	shalt  }
0x7f: {  	_ =	shalt  }
0x80: {  	_ =	shalt  }
0x81: {  	_ =	shalt  }
0x82: {  	_ =	shalt  }
0x83: {  	_ =	shalt  }
0x84: {  	_ =	shalt  }
0x85: {  	_ =	shalt  }
0x86: {  	_ =	shalt  }
0x87: {  	_ =	shalt  }
.Lfunc_end0:
.L_simem_size_0:
called_computation.4_lowered:
.L_overlay_start_0:
0x88: {  	s2 =	sld [smem:$0x3FD9]  }
0x89: {  	s3 =	sld [smem:$0x3FFE];
	_ =	sdelay $0x1  }
0x8a: {  	s1 =	srdreg.scid  }
0x8b: {  	s0 =	sand.u32 $0x1, s1  }
0x8c: {  	s15 =	sshll.u32 s0, $0xA;
	s2 =	sadd.s32 s3, s2  }
0x8d: {  	s2 =	sadd.s32 s2, s15  }
0x8e: {  	[smem:$0x3FBF] =	sst s2  }
0x8f: {  	_ = 	snop  }
0x90: {  	s2 =	sld [smem:$0x3FD0];
	_ =	sdelay $0x2  }
0x91: {  	s16 =	simm.s32 $0xC;
	s4 =	simm.s32 $0x10  }
0x92: {  	[smem:s4], [sflag:s16] =	dma.local [hbm:s2], $0x1  }
0x93: {  	_ =	swait.eq [sflag:s16], $0x1  }
0x94: {  	[sflag:s16] =	ssyncset.done $0x0  }
0x95: {  	[sflag:s16] =	ssyncadd.s32 $0xFFFFFFFF  }
0x96: {  	s17 =	sld [smem:$0x10];
	(tm) =	ssettm $0x1  }
0x97: {  	s18 =	sld [smem:$0x3FFB];
	_ =	sdelay $0x3  }
0x98: {  	_ =	strace s18  }
0x99: {  	s2 =	sld [smem:$0x3FFC];
	_ =	sdelay $0x3  }
0x9a: {  	_ =	strace s2  }
0x9b: {  	s2 =	sld [smem:$0x3FFD];
	_ =	sdelay $0x3  }
0x9c: {  	_ =	strace s2  }
0x9d: {  	_ =	strace $0x8FFFFFFF  }
0x9e: {  	s19 =	sld [smem:$0x3FDB];
	_ =	sdelay $0x1  }
0x9f: {  	s20 =	simm.s32 $_scs_section_size  }
0xa0: {  	s5 =	simm.s32 $_size__tile_overlayer_lowered;
	s6 =	simm.s32 $_tile_overlayer_lowered  }
0xa1: {  	s7 =	simm.s32 $0x1BFF;
	s21 =	sshll.u32 s6, $0x1;
	s4 =	sadd.s32 s20, s19  }
0xa2: {  	s22 =	simm.s32 $0x0;
	s5 =	sshll.u32 s5, $0x1;
	s6 =	sadd.s32 s21, s4  }
0xa3: {  	[timem:s22], [sflag:s7] =	dma.local [hbm:s6], s5  }
0xa4: {  	_ =	swait.ge [sflag:s7], s5  }
0xa5: {  	s5 =	ssub.s32 $0x0, s5;
	[sflag:s7] =	ssyncset.done $0x0  }
0xa6: {  	[sflag:s7] =	ssyncadd.s32 s5;
	_ =	sdelay $0x1  }
0xa7: {  	s23 =	simm.s32 $0x1B8B  }
0xa8: {  	_ =	swait.ge [sflag:s23], $0x1  }
0xa9: {  	[sflag:s23] =	ssyncset.done $0x0  }
0xaa: {  	[sflag:s23] =	ssyncadd.s32 $0xFFFFFFFF  }
0xab: {  	s5 =	sld [smem:$0x0]  }
0xac: {  	s6 =	sand.u32 $0xFFFFFFFE, s1  }
0xad: {  	p0 =	sne.s32 s1, s6  }
0xae: {  	s6 =	sshll.u32 @p0 s6, $0xE  }
0xaf: {  	s6 =	sadd.s32 @p0 $0x11B8D, s6;
	s7 =	sshll.u32 @p0 s5, $0x11  }
0xb0: {  	s6 =	sor.u32 @p0 s7, s6  }
0xb1: {  	[sflag:s6] =	ssyncadd.remote.s32 @p0 $0x1;
	_ =	sdelay $0x1  }
0xb2: {  	s6 =	simm.s32 @p0 $0x1B8D  }
0xb3: {  	_ =	swait.eq @p0 [sflag:s6], $0x1  }
0xb4: {  	[sflag:s6] =	ssyncadd.s32 @p0 $0xFFFFFFFF  }
0xb5: {  	s7 =	sshll.u32 @!p0 s1, $0xE  }
0xb6: {  	s7 =	sor.u32 @!p0 $0x4000, s7;
	s6 =	simm.s32 @!p0 $0x1B8D  }
0xb7: {  	s5 =	sshll.u32 @!p0 s5, $0x11;
	s7 =	sadd.s32 @!p0 $0x11B8D, s7;
	_ =	swait.eq @!p0 [sflag:s6], $0x1  }
0xb8: {  	s5 =	sor.u32 @!p0 s5, s7;
	[sflag:s6] =	ssyncadd.s32 @!p0 $0xFFFFFFFF  }
0xb9: {  	s25 =	simm.s32 $0x1B8E;
	s24 =	sld [smem:$0x3FFE];
	[sflag:s5] =	ssyncadd.remote.s32 @!p0 $0x1  }
0xba: {  	s26 =	simm.s32 $execute0_lowered;
	[smem:$0x3FD2] =	sst s25  }
0xbb: {  	s6 =	sshll.u32 s26, $0x1;
	_ =	strace $0x80000058;
	[dreg:$0x1] =	wrdreg $0xFFFFFFFF  }
0xbc: {  	s28 =	simm.s32 $_size_execute0_lowered;
	s4 =	sadd.s32 s4, s6;
	[dreg:$0x0] =	wrdreg $0x0  }
0xbd: {  	s6 =	sshll.u32 s28, $0x1;
	[dreg:$0x2] =	wrdreg s4  }
0xbe: {  	[dreg:$0x3] =	wrdreg s6  }
0xbf: {  	[dreg:$0x4] =	wrdreg $0xC0  }
0xc0: {  	_ =	task [dreg:s22], $0x5FFFF  }
0xc1: {  	[dreg:$0x1] =	wrdreg $0xFFFFFFFF  }
0xc2: {  	[dreg:$0x0] =	wrdreg $0x60  }
0xc3: {  	[dreg:$0x2] =	wrdreg s24  }
0xc4: {  	[dreg:$0x3] =	wrdreg s17  }
0xc5: {  	[dreg:$0x4] =	wrdreg $0x9  }
0xc6: {  	_ =	task.clear_ibuf [dreg:s22], $0x5FFFF;
	_ =	strace $0x90000058  }
0xc7: {  	s29 =	simm.s32 $0x9;
	_ =	strace $0x8000005A  }
0xc8: {  	_ =	swait.ge [sflag:s29], $0x1  }
0xc9: {  	[sflag:s29] =	ssyncadd.s32 $0xFFFFFFFF  }
0xca: {  	_ =	strace $0x9000005A  }
0xcb: {  	_ =	sfence  }
0xcc: {  	s30 =	sld [smem:$0x0];
	_ =	sdelay $0x2  }
0xcd: {  	s31 =	sshll.u32 s1, $0xD;
	s1 =	sshrl.u32 s1, $0x2  }
0xce: {  	s4 =	sand.u32 $0x4000, s31;
	s1 =	sadd.s32 s1, s30  }
0xcf: {  	s0 =	sor.u32 s4, s0;
	s1 =	sshll.u32 s1, $0x11  }
0xd0: {  	s0 =	sor.u32 s1, s0  }
0xd1: {  	s0 =	sadd.s32 $0x8F2B, s0  }
0xd2: {  	[sflag:s0] =	ssyncadd.remote.s32 $0x1  }
0xd3: {  	_ =	sfence.sel $0xFFFF  }
0xd4: {  	[dreg:$0x0] =	wrdreg $0xFFFFFFFF;
	(pc) =	sbr.abs _section_cstart, $3  }
0xd5: {  	[dreg:$0x1] =	wrdreg $0xFFFFFFFF  }
0xd6: {  	_ =	task.clear_ibuf [dreg:s22], $0x2FFFF;
	_ =	strace $0x9FFFFFFF  }
0xd7: {  	(tm) =	ssettm $0x7FFFFFFF  }
tec
execute0_lowered:
.L_overlay_start_1:
0x0: {  	(tag) =	ssettag $0x1  }
0x1: {  	s4 =	rddreg [dreg:$0x0]  }
0x2: {  	s9 =	rddreg [dreg:$0x1]  }
0x3: {  	s0 =	rddreg [dreg:$0x2]  }
0x4: {  	s2 =	simm.s32 $0x0;
	s3 =	srdreg.scid;
	s1 =	stileid.u32  }
0x5: {  	s13 =	simm.s32 $0x4F00;
	s14 =	simm.s32 $0x2;
	s15 =	simm.s32 $0x4F80  }
0x6: {  	s16 =	simm.s32 $0x5000;
	s17 =	simm.s32 $0x0;
	[smem:$0x7FF] =	sst s2  }
0x7: {  	s5 =	sand.u32 $0x1, s3;
	s10 =	sshll.u32 s1, $0x5;
	s3 =	sadd.s32 $0x58A00, s4  }
0x8: {  	_ =	strace $0x80000059;
	s6 =	ssub.s32 $0x2, s5;
	s7 =	sadd.s32 s10, s4  }
.Ltmp0:
0x9: {  	s4 =	sadd.s32 $0xF27000, s4;
	s11 =	sshll.u32 s5, $0x4;
	(pc) =	sbr.rel .LBB2_1-.Ltmp0, $4  }
0xa: {  	s5 =	sshll.u32 s1, $0x1;
	s9 =	sadd.s32 s10, s9;
	s8 =	sshrl.u32 s6, $0x1  }
0xb: {  	s12 =	sadd.s32 s11, s7;
	s9 =	sadd.s32 s11, s9;
	s11 =	simm.s32 $0x1  }
0xc: {  	s6 =	ssub.s32 s6, s8;
	s7 =	sadd.s32 $0x62E00, s12;
	s8 =	sadd.s32 $0x59000, s12  }
0xd: {  	s10 =	sadd.s32 $0x200, s12;
	s12 =	simm.s32 $0x2780;
	s6 =	smax.u32 s6, $0x1  }
.LBB2_5:
0xe: {  	s17 =	sadd.s32 $0x1, s17  }
0xf: {  	p0 =	sne.s32 s17, s6  }
.Ltmp1:
0x10: {  	_ = 	snop;
	(pc) =	sbr.rel @!p0 .LBB2_6-.Ltmp1, $1  }
0x11: {  	_ =	sdelay $0x3  }
.LBB2_1:
0x12: {  	[tilespmem:s2], [sflag:$0x1] =	stream.linear.gather [hbm4b:s3+s2], $0x2780, $0x38;
	[tilespmem:$0x5080] =	vst v63  }
0x13: {  	_ =	swait.ge [sflag:s11], $0x2780  }
0x14: {  	[sflag:s11] =	ssyncset.done $0x0  }
.Ltmp2:
0x15: {  	[sflag:s11] =	ssyncadd.s32 $0xFFFFD880;
	(pc) =	sbr.rel .LBB2_2-.Ltmp2, $4  }
0x16: {  	[tilespmem:s12], [sflag:$0x1] =	stream.linear.gather [hbm4b:s4+s2], $0x2780, $0x38;
	[tilespmem:$0x5080] =	vst v63  }
0x17: {  	_ =	swait.ge [sflag:s11], $0x2780  }
0x18: {  	[sflag:s11] =	ssyncset.done $0x0  }
0x19: {  	s18 =	smov.u32 s5;
	s19 =	simm.s32 $0x0;
	[sflag:s11] =	ssyncadd.s32 $0xFFFFD880  }
.LBB2_4:
0x1a: {  	s19 =	sadd.s32 $0x200, s19  }
0x1b: {  	p0 =	sne.s32 s19, $0x9E00  }
.Ltmp3:
0x1c: {  	_ = 	snop;
	(pc) =	sbr.rel @!p0 .LBB2_5-.Ltmp3, $2  }
0x1d: {  	_ =	sdelay $0x2  }
0x1e: {  	s18 =	sadd.s32 $0x20, s18  }
.LBB2_2:
0x1f: {  	p0 =	sgt.u32 s18, $0x9C3  }
.Ltmp4:
0x20: {  	_ = 	snop;
	(pc) =	sbr.rel @p0 .LBB2_4-.Ltmp4, $1  }
0x21: {  	_ =	sdelay $0x3  }
0x22: {  	s20 =	sadd.s32 s19, s10  }
0x23: {  	[tilespmem:s13], [sflag:$0x2] =	stream.linear.gather [hbm4b:s20+s2], $0x80, $0x38;
	[tilespmem:$0x5080] =	vst v63  }
0x24: {  	_ =	swait.ge [sflag:s14], $0x80  }
0x25: {  	[sflag:s14] =	ssyncset.done $0x0  }
0x26: {  	s29 =	sadd.s32 s19, s9;
	[sflag:s14] =	ssyncadd.s32 $0xFFFFFF80  }
0x27: {  	[tilespmem:s15], [sflag:$0x2] =	stream.linear.gather [hbm4b:s29+s2], $0x80, $0x38;
	[tilespmem:$0x5080] =	vst v63  }
0x28: {  	_ =	swait.ge [sflag:s14], $0x80  }
0x29: {  	[sflag:s14] =	ssyncset.done $0x0  }
0x2a: {  	s30 =	sadd.s32 s19, s8;
	[sflag:s14] =	ssyncadd.s32 $0xFFFFFF80  }
0x2b: {  	[tilespmem:s16], [sflag:$0x2] =	stream.linear.gather [hbm4b:s30+s2], $0x80, $0x38;
	[tilespmem:$0x5080] =	vst v63  }
0x2c: {  	_ =	swait.ge [sflag:s14], $0x80  }
0x2d: {  	[sflag:s14] =	ssyncset.done $0x0  }
0x2e: {  	[sflag:s14] =	ssyncadd.s32 $0xFFFFFF80  }
0x2f: {  	v0 =	vld [tilespmem:$0x4F80];
	_ =	sdelay $0x7  }
0x30: {  	v0 =	vld.idx.msk [tilespmem:v0+s12+$0x0], $0xffff;
	_ =	sdelay $0x4  }
0x31: {  	v0 =	vadd.f32 $1.000000020e-16, v0  }
0x32: {  	v1 =	vld [tilespmem:$0x4F00]  }
0x33: {  	(erf) = vrcp.f32 v0;
	_ =	sdelay $0x4  }
0x34: {  	v36 =	vld [tilespmem:$0x5000]  }
0x35: {  	v2 =	vld [tilespmem:$0x4F90]  }
0x36: {  	v1 =	vld.idx.msk [tilespmem:v1+s2+$0x0], $0xffff;
	_ =	sdelay $0x1  }
0x37: {  	v3 =	vpop (erf)  }
0x38: {  	v0 =	vmul.f32 v3, v36;
	_ =	sdelay $0x1  }
0x39: {  	v0 =	vmul.f32 v0, v1;
	_ =	sdelay $0x1  }
0x3a: {  	[tilespmem:$0x5000] =	vst v0  }
0x3b: {  	v0 =	vld.idx.msk [tilespmem:v2+s12+$0x0], $0xffff;
	_ =	sdelay $0x4  }
0x3c: {  	v0 =	vadd.f32 $1.000000020e-16, v0  }
0x3d: {  	v37 =	vld [tilespmem:$0x4F10]  }
0x3e: {  	(erf) = vrcp.f32 v0;
	_ =	sdelay $0x4  }
0x3f: {  	v38 =	vld [tilespmem:$0x5010]  }
0x40: {  	v39 =	vld [tilespmem:$0x4FA0]  }
0x41: {  	v1 =	vld.idx.msk [tilespmem:v37+s2+$0x0], $0xffff;
	_ =	sdelay $0x1  }
0x42: {  	v40 =	vpop (erf)  }
0x43: {  	v0 =	vmul.f32 v40, v38;
	_ =	sdelay $0x1  }
0x44: {  	v0 =	vmul.f32 v0, v1;
	_ =	sdelay $0x1  }
0x45: {  	[tilespmem:$0x5010] =	vst v0  }
0x46: {  	v0 =	vld.idx.msk [tilespmem:v39+s12+$0x0], $0xffff;
	_ =	sdelay $0x4  }
0x47: {  	v0 =	vadd.f32 $1.000000020e-16, v0  }
0x48: {  	v41 =	vld [tilespmem:$0x4F20]  }
0x49: {  	(erf) = vrcp.f32 v0;
	_ =	sdelay $0x4  }
0x4a: {  	v42 =	vld [tilespmem:$0x5020]  }
0x4b: {  	v43 =	vld [tilespmem:$0x4FB0]  }
0x4c: {  	v1 =	vld.idx.msk [tilespmem:v41+s2+$0x0], $0xffff;
	_ =	sdelay $0x1  }
0x4d: {  	v44 =	vpop (erf)  }
0x4e: {  	v0 =	vmul.f32 v44, v42;
	_ =	sdelay $0x1  }
0x4f: {  	v0 =	vmul.f32 v0, v1;
	_ =	sdelay $0x1  }
0x50: {  	[tilespmem:$0x5020] =	vst v0  }
0x51: {  	v0 =	vld.idx.msk [tilespmem:v43+s12+$0x0], $0xffff;
	_ =	sdelay $0x4  }
0x52: {  	v0 =	vadd.f32 $1.000000020e-16, v0  }
0x53: {  	v45 =	vld [tilespmem:$0x4F30]  }
0x54: {  	(erf) = vrcp.f32 v0;
	_ =	sdelay $0x4  }
0x55: {  	v46 =	vld [tilespmem:$0x5030]  }
0x56: {  	v47 =	vld [tilespmem:$0x4FC0]  }
0x57: {  	v1 =	vld.idx.msk [tilespmem:v45+s2+$0x0], $0xffff;
	_ =	sdelay $0x1  }
0x58: {  	v48 =	vpop (erf)  }
0x59: {  	v0 =	vmul.f32 v48, v46;
	_ =	sdelay $0x1  }
0x5a: {  	v0 =	vmul.f32 v0, v1;
	_ =	sdelay $0x1  }
0x5b: {  	[tilespmem:$0x5030] =	vst v0  }
0x5c: {  	v0 =	vld.idx.msk [tilespmem:v47+s12+$0x0], $0xffff;
	_ =	sdelay $0x4  }
0x5d: {  	v0 =	vadd.f32 $1.000000020e-16, v0  }
0x5e: {  	v49 =	vld [tilespmem:$0x4F40]  }
0x5f: {  	(erf) = vrcp.f32 v0;
	_ =	sdelay $0x4  }
0x60: {  	v50 =	vld [tilespmem:$0x5040]  }
0x61: {  	v51 =	vld [tilespmem:$0x4FD0]  }
0x62: {  	v1 =	vld.idx.msk [tilespmem:v49+s2+$0x0], $0xffff;
	_ =	sdelay $0x1  }
0x63: {  	v52 =	vpop (erf)  }
0x64: {  	v0 =	vmul.f32 v52, v50;
	_ =	sdelay $0x1  }
0x65: {  	v0 =	vmul.f32 v0, v1;
	_ =	sdelay $0x1  }
0x66: {  	[tilespmem:$0x5040] =	vst v0  }
0x67: {  	v0 =	vld.idx.msk [tilespmem:v51+s12+$0x0], $0xffff;
	_ =	sdelay $0x4  }
0x68: {  	v0 =	vadd.f32 $1.000000020e-16, v0  }
0x69: {  	v53 =	vld [tilespmem:$0x4F50]  }
0x6a: {  	(erf) = vrcp.f32 v0;
	_ =	sdelay $0x4  }
0x6b: {  	v54 =	vld [tilespmem:$0x5050]  }
0x6c: {  	v55 =	vld [tilespmem:$0x4FE0]  }
0x6d: {  	v1 =	vld.idx.msk [tilespmem:v53+s2+$0x0], $0xffff;
	_ =	sdelay $0x1  }
0x6e: {  	v56 =	vpop (erf)  }
0x6f: {  	v0 =	vmul.f32 v56, v54;
	_ =	sdelay $0x1  }
0x70: {  	v0 =	vmul.f32 v0, v1;
	_ =	sdelay $0x1  }
0x71: {  	[tilespmem:$0x5050] =	vst v0  }
0x72: {  	v0 =	vld.idx.msk [tilespmem:v55+s12+$0x0], $0xffff;
	_ =	sdelay $0x4  }
0x73: {  	v0 =	vadd.f32 $1.000000020e-16, v0  }
0x74: {  	v57 =	vld [tilespmem:$0x4F60]  }
0x75: {  	(erf) = vrcp.f32 v0;
	_ =	sdelay $0x4  }
0x76: {  	v58 =	vld [tilespmem:$0x5060]  }
0x77: {  	v59 =	vld [tilespmem:$0x4FF0]  }
0x78: {  	v1 =	vld.idx.msk [tilespmem:v57+s2+$0x0], $0xffff;
	_ =	sdelay $0x1  }
0x79: {  	v60 =	vpop (erf)  }
0x7a: {  	v0 =	vmul.f32 v60, v58;
	_ =	sdelay $0x1  }
0x7b: {  	v0 =	vmul.f32 v0, v1;
	_ =	sdelay $0x1  }
0x7c: {  	[tilespmem:$0x5060] =	vst v0  }
0x7d: {  	v0 =	vld.idx.msk [tilespmem:v59+s12+$0x0], $0xffff;
	_ =	sdelay $0x4  }
0x7e: {  	v0 =	vadd.f32 $1.000000020e-16, v0  }
0x7f: {  	v61 =	vld [tilespmem:$0x4F70]  }
0x80: {  	(erf) = vrcp.f32 v0;
	_ =	sdelay $0x4  }
0x81: {  	v62 =	vld [tilespmem:$0x5070];
	_ =	sdelay $0x1  }
0x82: {  	v1 =	vld.idx.msk [tilespmem:v61+s2+$0x0], $0xffff;
	_ =	sdelay $0x1  }
0x83: {  	v63 =	vpop (erf)  }
0x84: {  	v0 =	vmul.f32 v63, v62;
	_ =	sdelay $0x1  }
0x85: {  	v0 =	vmul.f32 v0, v1;
	_ =	sdelay $0x1  }
.Ltmp5:
0x86: {  	s31 =	sadd.s32 s19, s7;
	[tilespmem:$0x5070] =	vst v0;
	(pc) =	sbr.rel .LBB2_4-.Ltmp5, $4  }
0x87: {  	[hbm4b:s31+s2] =	stream.linear.scatter [tilespmem:s16], [sflag:$0x1], $0x80, $0x38;
	[tilespmem:$0x5080] =	vst v63  }
0x88: {  	_ =	swait.ge [sflag:s11], $0x80  }
0x89: {  	[sflag:s11] =	ssyncset.done $0x0  }
0x8a: {  	[sflag:s11] =	ssyncadd.s32 $0xFFFFFF80  }
.LBB2_6:
0x8b: {  	_ =	sfence.sel $0x180000  }
0x8c: {  	[bflag:$0x0] =	sbarrier.arrive $0xFFFF  }
0x8d: {  	p0 =	sne.s32 s1, $0x0;
	_ =	strace $0x90000059  }
0x8e: {  	s0 =	sadd.s32 @!p0 $0x100000, s0;
	[bflag:$0x2] =	sbarrier.arrive $0xFFFF  }
0x8f: {  	[sflag:s0] =	ssyncadd.tile.s32 @!p0 $0x1;
	_ =	shalt  }
.Lfunc_end2:
_tile_overlayer_lowered:
.L_overlay_start_2:
0x90: {  	(tag) =	ssettag $0x2  }
0x91: {  	s0 =	rddreg [dreg:$0x0];
	s2 =	stileid.u32  }
0x92: {  	s1 =	rddreg [dreg:$0x1];
	p0 =	sne.s32 s2, $0x0  }
0x93: {  	s3 =	rddreg [dreg:$0x2];
	[bflag:$0x3] =	sbarrier.arrive $0xFFFF;
	s2 =	simm.s32 @!p0 $0x1C01  }
0x94: {  	[timem:s3], [sflag:s2] =	dma.local @!p0 [hbm:s0], s1  }
0x95: {  	s0 =	simm.s32 @!p0 $0x1  }
0x96: {  	_ =	swait.ge @!p0 [sflag:s0], s1  }
0x97: {  	s1 =	ssub.s32 @!p0 $0x0, s1;
	[sflag:s0] =	ssyncset.done @!p0 $0x0  }
0x98: {  	[sflag:s0] =	ssyncadd.s32 @!p0 s1  }
0x99: {  	[bflag:$0x3] =	sbarrier.arrive $0xFFFF  }
0x9a: {  	_ =	shalt  }

// kernel: kernel.20.cloned.1.call-start
scs
__scs_entry_jumppad:
0x0: {  	(pc) =	sbr.rel $0x88, $3  }
0x1: {  	(tag) =	ssettag $0x0;
	lr =	simm.s32 $0x1  }
0x2: {  	[smem:$0x3F98] =	sst lr;
	_ =	strace $0xD0000000  }
0x3: {  	_ = 	snop  }
0x4: {  	_ = 	snop  }
0x5: {  	_ = 	snop  }
0x6: {  	_ = 	snop  }
0x7: {  	_ = 	snop  }
__scs_overlays_trampoline_lowered:
0x8: {  	[smem:$0x3FA7] =	sst s0  }
0x9: {  	[smem:$0x3FA8] =	sst s1  }
0xa: {  	[smem:$0x3FA9] =	sst s2  }
0xb: {  	[smem:$0x3FAA] =	sst s3  }
0xc: {  	[smem:$0x3FAB] =	sst s4  }
0xd: {  	[smem:$0x3FAC] =	sst s5  }
0xe: {  	[smem:$0x3FAD] =	sst s6  }
0xf: {  	[smem:$0x3FAE] =	sst s7  }
0x10: {  	[smem:$0x3FAF] =	sst s8  }
0x11: {  	[smem:$0x3FB0] =	sst s9;
	s0 =	simm.s32 @!p0 $0x0  }
0x12: {  	s1 =	sld [smem:$0x3F96];
	s0 =	simm.s32 @p0 $0x1  }
0x13: {  	[smem:$0x3FB1] =	sst s0;
	s0 =	simm.s32 @!p1 $0x0  }
0x14: {  	s2 =	sld [smem:$0x3F95];
	s0 =	simm.s32 @p1 $0x1  }
0x15: {  	[smem:$0x3FB2] =	sst s0;
	s0 =	simm.s32 @!p2 $0x0  }
0x16: {  	s3 =	sld [smem:$0x3FDB];
	s0 =	simm.s32 @p2 $0x1  }
0x17: {  	s4 =	simm.s32 $0x1BF5;
	[smem:$0x3FB4] =	sst s0  }
0x18: {  	s0 =	sld [smem:$0x3F97];
	_ =	swait.ge [sflag:s4], $0x0  }
0x19: {  	s7 =	sld [smem:$0x3F98]  }
0x1a: {  	s8 =	sadd.s32 $0xFFFFE003, lr  }
0x1b: {  	s9 =	sadd.s32 $0xFFFFFEF7, lr;
	s5 =	simm.s32 $0xFFFFFFFF;
	p2 =	slt.u32 s8, $0xFFFFF086  }
0x1c: {  	p1 =	slt.u32 s9, $0xF7A;
	s5 =	simm.s32 @!p2 $0x0  }
0x1d: {  	s5 =	simm.s32 @p1 $0x1;
	p0 =	seq.s32 s7, s2  }
0x1e: {  	s7 =	smul.u32 @!p0 $0xF7A, s2;
	p2 =	seq.s32 @!p0 s5, $0x0  }
0x1f: {  	s9 =	smul.u32 $0xF7A, s1;
	s8 =	simm.s32 @!p0 $0x1BF5;
	p2 =	por !p2, p0  }
0x20: {  	[sflag:s8] =	ssyncset.s32 @!p0 $0xFFFFF086;
	s6 =	sadd.s32 @!p0 s3, s7;
	s7 =	simm.s32 @!p0 $0x108  }
0x21: {  	s3 =	sadd.s32 s3, s9;
	s6 =	sadd.s32 @!p0 $0x88, s6;
	s7 =	simm.s32 @p2 $0x1082  }
0x22: {  	[simem:s7], [sflag:s8] =	dma.local @!p0 [hbm:s6], $0xF7A  }
0x23: {  	s9 =	sor.u32 $0xD0000000, s2;
	s6 =	simm.s32 $0x108;
	_ =	swait.ge @!p0 [sflag:s8], $0x0  }
0x24: {  	s3 =	sadd.s32 $0x88, s3;
	s6 =	simm.s32 @!p1 $0x1082;
	[sflag:s4] =	ssyncset.s32 $0xFFFFF086  }
0x25: {  	[simem:s6], [sflag:s4] =	dma.local [hbm:s3], $0xF7A  }
0x26: {  	[smem:$0x3F98] =	sst s1;
	(tag) =	ssettag s2;
	_ =	strace s9  }
0x27: {  	s1 =	sld [smem:$0x3FA8]  }
0x28: {  	s2 =	sld [smem:$0x3FA9]  }
0x29: {  	s4 =	sld [smem:$0x3FAB]  }
0x2a: {  	p0 =	seq.s32 s5, $0x0;
	s5 =	sld [smem:$0x3FAC]  }
0x2b: {  	s6 =	sld [smem:$0x3FAD]  }
0x2c: {  	s7 =	sld [smem:$0x3FAE]  }
0x2d: {  	s3 =	simm.s32 $0x108;
	s8 =	sld [smem:$0x3FAF]  }
0x2e: {  	s3 =	simm.s32 @!p0 $0x1082;
	s9 =	sld [smem:$0x3FB0]  }
0x2f: {  	lr =	sadd.s32 s0, s3;
	s0 =	sld [smem:$0x3FA7]  }
0x30: {  	s3 =	sld [smem:$0x3FAA]  }
0x31: {  	[smem:$0x3FB3] =	sst s10  }
0x32: {  	s10 =	sld [smem:$0x3FB1];
	_ =	sdelay $0x3  }
0x33: {  	p0 =	seq.s32 s10, $0x1;
	s10 =	sld [smem:$0x3FB3];
	_ =	sdelay $0x3  }
0x34: {  	[smem:$0x3FB3] =	sst s10  }
0x35: {  	s10 =	sld [smem:$0x3FB2];
	_ =	sdelay $0x3  }
0x36: {  	p1 =	seq.s32 s10, $0x1;
	s10 =	sld [smem:$0x3FB3];
	_ =	sdelay $0x3  }
0x37: {  	[smem:$0x3FB3] =	sst s10  }
0x38: {  	s10 =	sld [smem:$0x3FB4]  }
0x39: {  	_ = 	snop;
	(pc) =	sbr.ind lr, $3  }
0x3a: {  	_ = 	snop  }
0x3b: {  	_ = 	snop  }
0x3c: {  	p2 =	seq.s32 s10, $0x1;
	s10 =	sld [smem:$0x3FB3]  }
0x3d: {  	_ =	shalt  }
0x3e: {  	_ =	shalt  }
0x3f: {  	_ =	shalt  }
0x40: {  	_ =	shalt  }
0x41: {  	_ =	shalt  }
0x42: {  	_ =	shalt  }
0x43: {  	_ =	shalt  }
0x44: {  	_ =	shalt  }
0x45: {  	_ =	shalt  }
0x46: {  	_ =	shalt  }
0x47: {  	_ =	shalt  }
0x48: {  	_ =	shalt  }
0x49: {  	_ =	shalt  }
0x4a: {  	_ =	shalt  }
0x4b: {  	_ =	shalt  }
0x4c: {  	_ =	shalt  }
0x4d: {  	_ =	shalt  }
0x4e: {  	_ =	shalt  }
0x4f: {  	_ =	shalt  }
0x50: {  	_ =	shalt  }
0x51: {  	_ =	shalt  }
0x52: {  	_ =	shalt  }
0x53: {  	_ =	shalt  }
0x54: {  	_ =	shalt  }
0x55: {  	_ =	shalt  }
0x56: {  	_ =	shalt  }
0x57: {  	_ =	shalt  }
0x58: {  	_ =	shalt  }
0x59: {  	_ =	shalt  }
0x5a: {  	_ =	shalt  }
0x5b: {  	_ =	shalt  }
0x5c: {  	_ =	shalt  }
0x5d: {  	_ =	shalt  }
0x5e: {  	_ =	shalt  }
0x5f: {  	_ =	shalt  }
0x60: {  	_ =	shalt  }
0x61: {  	_ =	shalt  }
0x62: {  	_ =	shalt  }
0x63: {  	_ =	shalt  }
0x64: {  	_ =	shalt  }
0x65: {  	_ =	shalt  }
0x66: {  	_ =	shalt  }
0x67: {  	_ =	shalt  }
0x68: {  	_ =	shalt  }
0x69: {  	_ =	shalt  }
0x6a: {  	_ =	shalt  }
0x6b: {  	_ =	shalt  }
0x6c: {  	_ =	shalt  }
0x6d: {  	_ =	shalt  }
0x6e: {  	_ =	shalt  }
0x6f: {  	_ =	shalt  }
0x70: {  	_ =	shalt  }
0x71: {  	_ =	shalt  }
0x72: {  	_ =	shalt  }
0x73: {  	_ =	shalt  }
0x74: {  	_ =	shalt  }
0x75: {  	_ =	shalt  }
0x76: {  	_ =	shalt  }
0x77: {  	_ =	shalt  }
0x78: {  	_ =	shalt  }
0x79: {  	_ =	shalt  }
0x7a: {  	_ =	shalt  }
0x7b: {  	_ =	shalt  }
0x7c: {  	_ =	shalt  }
0x7d: {  	_ =	shalt  }
0x7e: {  	_ =	shalt  }
0x7f: {  	_ =	shalt  }
0x80: {  	_ =	shalt  }
0x81: {  	_ =	shalt  }
0x82: {  	_ =	shalt  }
0x83: {  	_ =	shalt  }
0x84: {  	_ =	shalt  }
0x85: {  	_ =	shalt  }
0x86: {  	_ =	shalt  }
0x87: {  	_ =	shalt  }
.Lfunc_end0:
.L_simem_size_0:
called_computation.5_lowered:
.L_overlay_start_0:
0x88: {  	s2 =	sld [smem:$0x3FD9]  }
0x89: {  	s3 =	sld [smem:$0x3FFE];
	_ =	sdelay $0x1  }
0x8a: {  	s1 =	srdreg.scid  }
0x8b: {  	s0 =	sand.u32 $0x1, s1  }
0x8c: {  	s15 =	sshll.u32 s0, $0xA;
	s2 =	sadd.s32 s3, s2  }
0x8d: {  	s2 =	sadd.s32 s2, s15  }
0x8e: {  	[smem:$0x3FBF] =	sst s2  }
0x8f: {  	_ = 	snop  }
0x90: {  	s2 =	sld [smem:$0x3FD0];
	_ =	sdelay $0x2  }
0x91: {  	s16 =	simm.s32 $0xC;
	s4 =	simm.s32 $0x10  }
0x92: {  	[smem:s4], [sflag:s16] =	dma.local [hbm:s2], $0x1  }
0x93: {  	_ =	swait.eq [sflag:s16], $0x1  }
0x94: {  	[sflag:s16] =	ssyncset.done $0x0  }
0x95: {  	[sflag:s16] =	ssyncadd.s32 $0xFFFFFFFF  }
0x96: {  	s17 =	sld [smem:$0x10];
	(tm) =	ssettm $0x1  }
0x97: {  	s18 =	sld [smem:$0x3FFB];
	_ =	sdelay $0x3  }
0x98: {  	_ =	strace s18  }
0x99: {  	s2 =	sld [smem:$0x3FFC];
	_ =	sdelay $0x3  }
0x9a: {  	_ =	strace s2  }
0x9b: {  	s2 =	sld [smem:$0x3FFD];
	_ =	sdelay $0x3  }
0x9c: {  	_ =	strace s2  }
0x9d: {  	_ =	strace $0x8FFFFFFF  }
0x9e: {  	s19 =	sld [smem:$0x3FDB];
	_ =	sdelay $0x1  }
0x9f: {  	s20 =	simm.s32 $_scs_section_size  }
0xa0: {  	s5 =	simm.s32 $_size__tile_overlayer_lowered;
	s6 =	simm.s32 $_tile_overlayer_lowered  }
0xa1: {  	s7 =	simm.s32 $0x1BFF;
	s21 =	sshll.u32 s6, $0x1;
	s4 =	sadd.s32 s20, s19  }
0xa2: {  	s22 =	simm.s32 $0x0;
	s5 =	sshll.u32 s5, $0x1;
	s6 =	sadd.s32 s21, s4  }
0xa3: {  	[timem:s22], [sflag:s7] =	dma.local [hbm:s6], s5  }
0xa4: {  	_ =	swait.ge [sflag:s7], s5  }
0xa5: {  	s5 =	ssub.s32 $0x0, s5;
	[sflag:s7] =	ssyncset.done $0x0  }
0xa6: {  	[sflag:s7] =	ssyncadd.s32 s5;
	_ =	sdelay $0x1  }
0xa7: {  	s23 =	simm.s32 $0x1B8B  }
0xa8: {  	_ =	swait.ge [sflag:s23], $0x1  }
0xa9: {  	[sflag:s23] =	ssyncset.done $0x0  }
0xaa: {  	[sflag:s23] =	ssyncadd.s32 $0xFFFFFFFF  }
0xab: {  	s5 =	sld [smem:$0x0]  }
0xac: {  	s6 =	sand.u32 $0xFFFFFFFE, s1  }
0xad: {  	p0 =	sne.s32 s1, s6  }
0xae: {  	s6 =	sshll.u32 @p0 s6, $0xE  }
0xaf: {  	s6 =	sadd.s32 @p0 $0x11B8D, s6;
	s7 =	sshll.u32 @p0 s5, $0x11  }
0xb0: {  	s6 =	sor.u32 @p0 s7, s6  }
0xb1: {  	[sflag:s6] =	ssyncadd.remote.s32 @p0 $0x1;
	_ =	sdelay $0x1  }
0xb2: {  	s6 =	simm.s32 @p0 $0x1B8D  }
0xb3: {  	_ =	swait.eq @p0 [sflag:s6], $0x1  }
0xb4: {  	[sflag:s6] =	ssyncadd.s32 @p0 $0xFFFFFFFF  }
0xb5: {  	s7 =	sshll.u32 @!p0 s1, $0xE  }
0xb6: {  	s7 =	sor.u32 @!p0 $0x4000, s7;
	s6 =	simm.s32 @!p0 $0x1B8D  }
0xb7: {  	s5 =	sshll.u32 @!p0 s5, $0x11;
	s7 =	sadd.s32 @!p0 $0x11B8D, s7;
	_ =	swait.eq @!p0 [sflag:s6], $0x1  }
0xb8: {  	s5 =	sor.u32 @!p0 s5, s7;
	[sflag:s6] =	ssyncadd.s32 @!p0 $0xFFFFFFFF  }
0xb9: {  	s25 =	simm.s32 $0x1B8E;
	s24 =	sld [smem:$0x3FFE];
	[sflag:s5] =	ssyncadd.remote.s32 @!p0 $0x1  }
0xba: {  	s26 =	simm.s32 $execute0_lowered;
	[smem:$0x3FD2] =	sst s25  }
0xbb: {  	s6 =	sshll.u32 s26, $0x1;
	_ =	strace $0x8000004C;
	[dreg:$0x1] =	wrdreg $0xFFFFFFFF  }
0xbc: {  	s28 =	simm.s32 $_size_execute0_lowered;
	s4 =	sadd.s32 s4, s6;
	[dreg:$0x0] =	wrdreg $0x0  }
0xbd: {  	s6 =	sshll.u32 s28, $0x1;
	[dreg:$0x2] =	wrdreg s4  }
0xbe: {  	[dreg:$0x3] =	wrdreg s6  }
0xbf: {  	[dreg:$0x4] =	wrdreg $0xC0  }
0xc0: {  	_ =	task [dreg:s22], $0x5FFFF  }
0xc1: {  	[dreg:$0x1] =	wrdreg $0xFFFFFFFF  }
0xc2: {  	[dreg:$0x0] =	wrdreg $0x60  }
0xc3: {  	[dreg:$0x2] =	wrdreg s24  }
0xc4: {  	[dreg:$0x3] =	wrdreg s17  }
0xc5: {  	[dreg:$0x4] =	wrdreg $0xB  }
0xc6: {  	_ =	task.clear_ibuf [dreg:s22], $0x5FFFF;
	_ =	strace $0x9000004C  }
0xc7: {  	s29 =	simm.s32 $0xB;
	_ =	strace $0x8000004E  }
0xc8: {  	_ =	swait.ge [sflag:s29], $0x1  }
0xc9: {  	[sflag:s29] =	ssyncadd.s32 $0xFFFFFFFF  }
0xca: {  	_ =	strace $0x9000004E  }
0xcb: {  	_ =	sfence  }
0xcc: {  	s30 =	sld [smem:$0x0];
	_ =	sdelay $0x2  }
0xcd: {  	s31 =	sshll.u32 s1, $0xD;
	s1 =	sshrl.u32 s1, $0x2  }
0xce: {  	s4 =	sand.u32 $0x4000, s31;
	s1 =	sadd.s32 s1, s30  }
0xcf: {  	s0 =	sor.u32 s4, s0;
	s1 =	sshll.u32 s1, $0x11  }
0xd0: {  	s0 =	sor.u32 s1, s0  }
0xd1: {  	s0 =	sadd.s32 $0x8F2B, s0  }
0xd2: {  	[sflag:s0] =	ssyncadd.remote.s32 $0x1  }
0xd3: {  	_ =	sfence.sel $0xFFFF  }
0xd4: {  	[dreg:$0x0] =	wrdreg $0xFFFFFFFF;
	(pc) =	sbr.abs _section_cstart, $3  }
0xd5: {  	[dreg:$0x1] =	wrdreg $0xFFFFFFFF  }
0xd6: {  	_ =	task.clear_ibuf [dreg:s22], $0x2FFFF;
	_ =	strace $0x9FFFFFFF  }
0xd7: {  	(tm) =	ssettm $0x7FFFFFFF  }
tec
execute0_lowered:
.L_overlay_start_1:
0x0: {  	(tag) =	ssettag $0x1  }
0x1: {  	s5 =	rddreg [dreg:$0x0]  }
0x2: {  	s7 =	rddreg [dreg:$0x1]  }
0x3: {  	s0 =	rddreg [dreg:$0x2];
	s1 =	simm.s32 $0x0;
	s2 =	srdreg.scid  }
0x4: {  	[smem:$0x7FF] =	sst s1;
	s8 =	sand.u32 $0x1, s2;
	s3 =	sadd.s32 $0xA000, s5  }
0x5: {  	s2 =	stileid.u32;
	s4 =	sadd.s32 $0x31200, s5;
	_ =	strace $0x8000004D  }
0x6: {  	s6 =	ssub.s32 $0x2, s8;
	s9 =	sshll.u32 s2, $0x5;
	s30 =	sshll.u32 s2, $0xC  }
0x7: {  	s31 =	sshll.u32 s8, $0x4;
	s8 =	sshll.u32 s8, $0xB;
	s10 =	sshrl.u32 s6, $0x1  }
0x8: {  	s11 =	sadd.s32 s9, s5;
	s7 =	sadd.s32 s9, s7;
	s6 =	ssub.s32 s6, s10  }
0x9: {  	s10 =	sadd.s32 s30, s5;
	s5 =	sshll.u32 s2, $0x1;
	s7 =	sadd.s32 s31, s7  }
0xa: {  	s9 =	sadd.s32 s31, s11;
	s6 =	smax.u32 s6, $0x1;
	s10 =	sadd.s32 s8, s10  }
0xb: {  	s8 =	sadd.s32 $0x200, s9;
	s9 =	sadd.s32 $0x54EC00, s10;
	s10 =	sadd.s32 $0x6CC00, s10  }
.LBB2_1:
0xc: {  	p0 =	sgt.u32 s5, $0x9C3  }
0xd: {  	s11 =	sadd.s32 @!p0 $0x0, s8;
	s12 =	simm.s32 @!p0 $0x0;
	s15 =	simm.s32 @!p0 $0x4  }
0xe: {  	[tilespmem:s12], [sflag:$0x4] =	stream.linear.gather @!p0 [hbm4b:s11+s12], $0x80, $0x38;
	[tilespmem:$0x8100] =	vst v63  }
0xf: {  	_ =	swait.ge @!p0 [sflag:s15], $0x80;
	p0 =	por p0, p0  }
0x10: {  	[sflag:s15] =	ssyncset.done @!p0 $0x0  }
0x11: {  	s11 =	sadd.s32 @!p0 $0x0, s7;
	s13 =	simm.s32 @!p0 $0x80;
	[sflag:s15] =	ssyncadd.s32 @!p0 $0xFFFFFF80  }
0x12: {  	[tilespmem:s13], [sflag:$0x4] =	stream.linear.gather @!p0 [hbm4b:s11+s12], $0x80, $0x38;
	[tilespmem:$0x8100] =	vst v63  }
0x13: {  	_ =	swait.ge @!p0 [sflag:s15], $0x80  }
0x14: {  	[sflag:s15] =	ssyncset.done @!p0 $0x0  }
0x15: {  	s11 =	simm.s32 @!p0 $0x100;
	[sflag:s15] =	ssyncadd.s32 @!p0 $0xFFFFFF80  }
0x16: {  	[tilespmem:s11], [sflag:$0x1] =	stream.indirect.gather @!p0 [hbm4b:s3+s13], $0x80, s12, s13, $0xb8;
	[tilespmem:$0x8100] =	vst v63  }
0x17: {  	s16 =	simm.s32 @!p0 $0x4100;
	s14 =	simm.s32 @!p0 $0x1  }
0x18: {  	[tilespmem:s16], [sflag:$0x2] =	stream.indirect.gather @!p0 [hbm4b:s4+s13], $0x80, s13, s13, $0xb8;
	[tilespmem:$0x8100] =	vst v63  }
0x19: {  	_ =	swait.ge @!p0 [sflag:s14], $0x4000  }
0x1a: {  	[sflag:s14] =	ssyncset.done @!p0 $0x0  }
0x1b: {  	s13 =	simm.s32 @!p0 $0x2;
	[sflag:s14] =	ssyncadd.s32 @!p0 $0xFFFFC000  }
0x1c: {  	_ =	swait.ge @!p0 [sflag:s13], $0x4000  }
0x1d: {  	[sflag:s13] =	ssyncset.done @!p0 $0x0  }
0x1e: {  	[sflag:s13] =	ssyncadd.s32 @!p0 $0xFFFFC000  }
0x1f: {  	[hbm4b:s10+s12] =	stream.linear.scatter @!p0 [tilespmem:s11], [sflag:$0x4], $0x4000, $0x38;
	[tilespmem:$0x8100] =	vst v63  }
0x20: {  	_ =	swait.ge @!p0 [sflag:s15], $0x4000  }
0x21: {  	[sflag:s15] =	ssyncset.done @!p0 $0x0  }
0x22: {  	s14 =	simm.s32 $0x400;
	s13 =	simm.s32 $0x200;
	[sflag:s15] =	ssyncadd.s32 @!p0 $0xFFFFC000  }
0x23: {  	[hbm4b:s9+s12] =	stream.linear.scatter @!p0 [tilespmem:s16], [sflag:$0x3], $0x4000, $0x38;
	[tilespmem:$0x8100] =	vst v63  }
0x24: {  	s11 =	sadd.s32 $0x10000, s10;
	s15 =	sadd.s32 $0x20, s5;
	s16 =	simm.s32 @!p0 $0x3  }
0x25: {  	p2 =	sgt.u32 s15, $0x9C3;
	s12 =	sadd.s32 $0x10000, s9;
	_ =	swait.ge @!p0 [sflag:s16], $0x4000  }
.LBB2_2:
0x26: {  	s17 =	sadd.s32 @!p2 s13, s8  }
0x27: {  	s18 =	simm.s32 @!p2 $0x0;
	[sflag:s16] =	ssyncset.done @!p0 $0x0;
	s19 =	smov.u32 s14  }
0x28: {  	s14 =	sadd.s32 $0x200, s14;
	s20 =	simm.s32 @!p2 $0x4;
	[sflag:s16] =	ssyncadd.s32 @!p0 $0xFFFFC000  }
0x29: {  	[tilespmem:s18], [sflag:$0x4] =	stream.linear.gather @!p2 [hbm4b:s17+s18], $0x80, $0x38;
	[tilespmem:$0x8100] =	vst v63  }
0x2a: {  	p1 =	sne.s32 s14, $0x9E00;
	p0 =	por p2, p2;
	_ =	swait.ge @!p2 [sflag:s20], $0x80  }
0x2b: {  	[sflag:s20] =	ssyncset.done @!p0 $0x0  }
0x2c: {  	s13 =	sadd.s32 @!p0 s13, s7;
	s16 =	simm.s32 @!p0 $0x80;
	[sflag:s20] =	ssyncadd.s32 @!p0 $0xFFFFFF80  }
0x2d: {  	[tilespmem:s16], [sflag:$0x4] =	stream.linear.gather @!p0 [hbm4b:s13+s18], $0x80, $0x38;
	[tilespmem:$0x8100] =	vst v63  }
0x2e: {  	s13 =	smov.u32 s19;
	_ =	swait.ge @!p0 [sflag:s20], $0x80  }
0x2f: {  	[sflag:s20] =	ssyncset.done @!p0 $0x0  }
0x30: {  	s17 =	simm.s32 @!p0 $0x100;
	[sflag:s20] =	ssyncadd.s32 @!p0 $0xFFFFFF80  }
0x31: {  	[tilespmem:s17], [sflag:$0x1] =	stream.indirect.gather @!p0 [hbm4b:s3+s16], $0x80, s18, s16, $0xb8;
	[tilespmem:$0x8100] =	vst v63  }
0x32: {  	s21 =	simm.s32 @!p0 $0x1;
	s19 =	simm.s32 @!p0 $0x4100  }
0x33: {  	[tilespmem:s19], [sflag:$0x2] =	stream.indirect.gather @!p0 [hbm4b:s4+s16], $0x80, s16, s16, $0xb8;
	[tilespmem:$0x8100] =	vst v63  }
0x34: {  	_ =	swait.ge @!p0 [sflag:s21], $0x4000  }
0x35: {  	[sflag:s21] =	ssyncset.done @!p0 $0x0  }
0x36: {  	s16 =	simm.s32 @!p0 $0x2;
	[sflag:s21] =	ssyncadd.s32 @!p0 $0xFFFFC000  }
0x37: {  	_ =	swait.ge @!p0 [sflag:s16], $0x4000  }
0x38: {  	[sflag:s16] =	ssyncset.done @!p0 $0x0  }
0x39: {  	[sflag:s16] =	ssyncadd.s32 @!p0 $0xFFFFC000  }
0x3a: {  	[hbm4b:s11+s18] =	stream.linear.scatter @!p0 [tilespmem:s17], [sflag:$0x4], $0x4000, $0x38;
	[tilespmem:$0x8100] =	vst v63  }
.Ltmp0:
0x3b: {  	_ =	swait.ge @!p0 [sflag:s20], $0x4000;
	(pc) =	sbr.rel @p1 .LBB2_2-.Ltmp0, $4  }
0x3c: {  	s11 =	sadd.s32 $0x10000, s11;
	[sflag:s20] =	ssyncset.done @!p0 $0x0  }
0x3d: {  	s15 =	sadd.s32 $0x20, s15;
	s16 =	simm.s32 @!p0 $0x3;
	[sflag:s20] =	ssyncadd.s32 @!p0 $0xFFFFC000  }
0x3e: {  	[hbm4b:s12+s18] =	stream.linear.scatter @!p0 [tilespmem:s19], [sflag:$0x3], $0x4000, $0x38;
	[tilespmem:$0x8100] =	vst v63  }
0x3f: {  	p2 =	sgt.u32 s15, $0x9C3;
	s12 =	sadd.s32 $0x10000, s12;
	_ =	swait.ge @!p0 [sflag:s16], $0x4000  }
0x40: {  	s14 =	sadd.s32 @!p2 s13, s8;
	[sflag:s16] =	ssyncset.done @!p0 $0x0  }
0x41: {  	s15 =	simm.s32 @!p2 $0x0;
	s17 =	simm.s32 @!p2 $0x4;
	[sflag:s16] =	ssyncadd.s32 @!p0 $0xFFFFC000  }
0x42: {  	[tilespmem:s15], [sflag:$0x4] =	stream.linear.gather @!p2 [hbm4b:s14+s15], $0x80, $0x38;
	[tilespmem:$0x8100] =	vst v63  }
0x43: {  	p0 =	por p2, p2;
	_ =	swait.ge @!p2 [sflag:s17], $0x80  }
0x44: {  	[sflag:s17] =	ssyncset.done @!p0 $0x0  }
0x45: {  	s13 =	sadd.s32 @!p0 s13, s7;
	s14 =	simm.s32 @!p0 $0x80;
	[sflag:s17] =	ssyncadd.s32 @!p0 $0xFFFFFF80  }
0x46: {  	[tilespmem:s14], [sflag:$0x4] =	stream.linear.gather @!p0 [hbm4b:s13+s15], $0x80, $0x38;
	[tilespmem:$0x8100] =	vst v63  }
0x47: {  	_ =	swait.ge @!p0 [sflag:s17], $0x80  }
0x48: {  	[sflag:s17] =	ssyncset.done @!p0 $0x0  }
0x49: {  	s13 =	simm.s32 @!p0 $0x100;
	[sflag:s17] =	ssyncadd.s32 @!p0 $0xFFFFFF80  }
0x4a: {  	[tilespmem:s13], [sflag:$0x1] =	stream.indirect.gather @!p0 [hbm4b:s3+s14], $0x80, s15, s14, $0xb8;
	[tilespmem:$0x8100] =	vst v63  }
0x4b: {  	s16 =	simm.s32 @!p0 $0x4100;
	s18 =	simm.s32 @!p0 $0x1  }
0x4c: {  	[tilespmem:s16], [sflag:$0x2] =	stream.indirect.gather @!p0 [hbm4b:s4+s14], $0x80, s14, s14, $0xb8;
	[tilespmem:$0x8100] =	vst v63  }
0x4d: {  	_ =	swait.ge @!p0 [sflag:s18], $0x4000  }
0x4e: {  	[sflag:s18] =	ssyncset.done @!p0 $0x0  }
0x4f: {  	s14 =	simm.s32 @!p0 $0x2;
	[sflag:s18] =	ssyncadd.s32 @!p0 $0xFFFFC000  }
0x50: {  	_ =	swait.ge @!p0 [sflag:s14], $0x4000  }
0x51: {  	[sflag:s14] =	ssyncset.done @!p0 $0x0  }
0x52: {  	[sflag:s14] =	ssyncadd.s32 @!p0 $0xFFFFC000  }
0x53: {  	[hbm4b:s11+s15] =	stream.linear.scatter @!p0 [tilespmem:s13], [sflag:$0x4], $0x4000, $0x38;
	[tilespmem:$0x8100] =	vst v63  }
0x54: {  	s1 =	sadd.s32 $0x1, s1;
	_ =	swait.ge @!p0 [sflag:s17], $0x4000  }
0x55: {  	p1 =	sne.s32 s1, s6;
	[sflag:s17] =	ssyncset.done @!p0 $0x0  }
.Ltmp1:
0x56: {  	s11 =	simm.s32 @!p0 $0x3;
	[sflag:s17] =	ssyncadd.s32 @!p0 $0xFFFFC000;
	(pc) =	sbr.rel @p1 .LBB2_1-.Ltmp1, $4  }
0x57: {  	[hbm4b:s12+s15] =	stream.linear.scatter @!p0 [tilespmem:s16], [sflag:$0x3], $0x4000, $0x38;
	[tilespmem:$0x8100] =	vst v63  }
0x58: {  	_ =	swait.ge @!p0 [sflag:s11], $0x4000  }
0x59: {  	[sflag:s11] =	ssyncset.done @!p0 $0x0  }
0x5a: {  	[sflag:s11] =	ssyncadd.s32 @!p0 $0xFFFFC000  }
0x5b: {  	_ =	sfence.sel $0x180000  }
0x5c: {  	[bflag:$0x0] =	sbarrier.arrive $0xFFFF  }
0x5d: {  	p0 =	sne.s32 s2, $0x0;
	_ =	strace $0x9000004D  }
0x5e: {  	s0 =	sadd.s32 @!p0 $0x100000, s0;
	[bflag:$0x2] =	sbarrier.arrive $0xFFFF  }
0x5f: {  	[sflag:s0] =	ssyncadd.tile.s32 @!p0 $0x1;
	_ =	shalt  }
.Lfunc_end2:
_tile_overlayer_lowered:
.L_overlay_start_2:
0x60: {  	(tag) =	ssettag $0x2  }
0x61: {  	s0 =	rddreg [dreg:$0x0];
	s2 =	stileid.u32  }
0x62: {  	s1 =	rddreg [dreg:$0x1];
	p0 =	sne.s32 s2, $0x0  }
0x63: {  	s3 =	rddreg [dreg:$0x2];
	[bflag:$0x3] =	sbarrier.arrive $0xFFFF;
	s2 =	simm.s32 @!p0 $0x1C03  }
0x64: {  	[timem:s3], [sflag:s2] =	dma.local @!p0 [hbm:s0], s1  }
0x65: {  	s0 =	simm.s32 @!p0 $0x3  }
0x66: {  	_ =	swait.ge @!p0 [sflag:s0], s1  }
0x67: {  	s1 =	ssub.s32 @!p0 $0x0, s1;
	[sflag:s0] =	ssyncset.done @!p0 $0x0  }
0x68: {  	[sflag:s0] =	ssyncadd.s32 @!p0 s1  }
0x69: {  	[bflag:$0x3] =	sbarrier.arrive $0xFFFF  }
0x6a: {  	_ =	shalt  }

// kernel: kernel.23.cloned.1.call-start
scs
__scs_entry_jumppad:
0x0: {  	(pc) =	sbr.rel $0x88, $3  }
0x1: {  	(tag) =	ssettag $0x0;
	lr =	simm.s32 $0x1  }
0x2: {  	[smem:$0x3F98] =	sst lr;
	_ =	strace $0xD0000000  }
0x3: {  	_ = 	snop  }
0x4: {  	_ = 	snop  }
0x5: {  	_ = 	snop  }
0x6: {  	_ = 	snop  }
0x7: {  	_ = 	snop  }
__scs_overlays_trampoline_lowered:
0x8: {  	[smem:$0x3FA7] =	sst s0  }
0x9: {  	[smem:$0x3FA8] =	sst s1  }
0xa: {  	[smem:$0x3FA9] =	sst s2  }
0xb: {  	[smem:$0x3FAA] =	sst s3  }
0xc: {  	[smem:$0x3FAB] =	sst s4  }
0xd: {  	[smem:$0x3FAC] =	sst s5  }
0xe: {  	[smem:$0x3FAD] =	sst s6  }
0xf: {  	[smem:$0x3FAE] =	sst s7  }
0x10: {  	[smem:$0x3FAF] =	sst s8  }
0x11: {  	[smem:$0x3FB0] =	sst s9;
	s0 =	simm.s32 @!p0 $0x0  }
0x12: {  	s1 =	sld [smem:$0x3F96];
	s0 =	simm.s32 @p0 $0x1  }
0x13: {  	[smem:$0x3FB1] =	sst s0;
	s0 =	simm.s32 @!p1 $0x0  }
0x14: {  	s2 =	sld [smem:$0x3F95];
	s0 =	simm.s32 @p1 $0x1  }
0x15: {  	[smem:$0x3FB2] =	sst s0;
	s0 =	simm.s32 @!p2 $0x0  }
0x16: {  	s3 =	sld [smem:$0x3FDB];
	s0 =	simm.s32 @p2 $0x1  }
0x17: {  	s4 =	simm.s32 $0x1BF5;
	[smem:$0x3FB4] =	sst s0  }
0x18: {  	s0 =	sld [smem:$0x3F97];
	_ =	swait.ge [sflag:s4], $0x0  }
0x19: {  	s7 =	sld [smem:$0x3F98]  }
0x1a: {  	s8 =	sadd.s32 $0xFFFFE003, lr  }
0x1b: {  	s9 =	sadd.s32 $0xFFFFFEF7, lr;
	s5 =	simm.s32 $0xFFFFFFFF;
	p2 =	slt.u32 s8, $0xFFFFF086  }
0x1c: {  	p1 =	slt.u32 s9, $0xF7A;
	s5 =	simm.s32 @!p2 $0x0  }
0x1d: {  	s5 =	simm.s32 @p1 $0x1;
	p0 =	seq.s32 s7, s2  }
0x1e: {  	s7 =	smul.u32 @!p0 $0xF7A, s2;
	p2 =	seq.s32 @!p0 s5, $0x0  }
0x1f: {  	s9 =	smul.u32 $0xF7A, s1;
	s8 =	simm.s32 @!p0 $0x1BF5;
	p2 =	por !p2, p0  }
0x20: {  	[sflag:s8] =	ssyncset.s32 @!p0 $0xFFFFF086;
	s6 =	sadd.s32 @!p0 s3, s7;
	s7 =	simm.s32 @!p0 $0x108  }
0x21: {  	s3 =	sadd.s32 s3, s9;
	s6 =	sadd.s32 @!p0 $0x88, s6;
	s7 =	simm.s32 @p2 $0x1082  }
0x22: {  	[simem:s7], [sflag:s8] =	dma.local @!p0 [hbm:s6], $0xF7A  }
0x23: {  	s9 =	sor.u32 $0xD0000000, s2;
	s6 =	simm.s32 $0x108;
	_ =	swait.ge @!p0 [sflag:s8], $0x0  }
0x24: {  	s3 =	sadd.s32 $0x88, s3;
	s6 =	simm.s32 @!p1 $0x1082;
	[sflag:s4] =	ssyncset.s32 $0xFFFFF086  }
0x25: {  	[simem:s6], [sflag:s4] =	dma.local [hbm:s3], $0xF7A  }
0x26: {  	[smem:$0x3F98] =	sst s1;
	(tag) =	ssettag s2;
	_ =	strace s9  }
0x27: {  	s1 =	sld [smem:$0x3FA8]  }
0x28: {  	s2 =	sld [smem:$0x3FA9]  }
0x29: {  	s4 =	sld [smem:$0x3FAB]  }
0x2a: {  	p0 =	seq.s32 s5, $0x0;
	s5 =	sld [smem:$0x3FAC]  }
0x2b: {  	s6 =	sld [smem:$0x3FAD]  }
0x2c: {  	s7 =	sld [smem:$0x3FAE]  }
0x2d: {  	s3 =	simm.s32 $0x108;
	s8 =	sld [smem:$0x3FAF]  }
0x2e: {  	s3 =	simm.s32 @!p0 $0x1082;
	s9 =	sld [smem:$0x3FB0]  }
0x2f: {  	lr =	sadd.s32 s0, s3;
	s0 =	sld [smem:$0x3FA7]  }
0x30: {  	s3 =	sld [smem:$0x3FAA]  }
0x31: {  	[smem:$0x3FB3] =	sst s10  }
0x32: {  	s10 =	sld [smem:$0x3FB1];
	_ =	sdelay $0x3  }
0x33: {  	p0 =	seq.s32 s10, $0x1;
	s10 =	sld [smem:$0x3FB3];
	_ =	sdelay $0x3  }
0x34: {  	[smem:$0x3FB3] =	sst s10  }
0x35: {  	s10 =	sld [smem:$0x3FB2];
	_ =	sdelay $0x3  }
0x36: {  	p1 =	seq.s32 s10, $0x1;
	s10 =	sld [smem:$0x3FB3];
	_ =	sdelay $0x3  }
0x37: {  	[smem:$0x3FB3] =	sst s10  }
0x38: {  	s10 =	sld [smem:$0x3FB4]  }
0x39: {  	_ = 	snop;
	(pc) =	sbr.ind lr, $3  }
0x3a: {  	_ = 	snop  }
0x3b: {  	_ = 	snop  }
0x3c: {  	p2 =	seq.s32 s10, $0x1;
	s10 =	sld [smem:$0x3FB3]  }
0x3d: {  	_ =	shalt  }
0x3e: {  	_ =	shalt  }
0x3f: {  	_ =	shalt  }
0x40: {  	_ =	shalt  }
0x41: {  	_ =	shalt  }
0x42: {  	_ =	shalt  }
0x43: {  	_ =	shalt  }
0x44: {  	_ =	shalt  }
0x45: {  	_ =	shalt  }
0x46: {  	_ =	shalt  }
0x47: {  	_ =	shalt  }
0x48: {  	_ =	shalt  }
0x49: {  	_ =	shalt  }
0x4a: {  	_ =	shalt  }
0x4b: {  	_ =	shalt  }
0x4c: {  	_ =	shalt  }
0x4d: {  	_ =	shalt  }
0x4e: {  	_ =	shalt  }
0x4f: {  	_ =	shalt  }
0x50: {  	_ =	shalt  }
0x51: {  	_ =	shalt  }
0x52: {  	_ =	shalt  }
0x53: {  	_ =	shalt  }
0x54: {  	_ =	shalt  }
0x55: {  	_ =	shalt  }
0x56: {  	_ =	shalt  }
0x57: {  	_ =	shalt  }
0x58: {  	_ =	shalt  }
0x59: {  	_ =	shalt  }
0x5a: {  	_ =	shalt  }
0x5b: {  	_ =	shalt  }
0x5c: {  	_ =	shalt  }
0x5d: {  	_ =	shalt  }
0x5e: {  	_ =	shalt  }
0x5f: {  	_ =	shalt  }
0x60: {  	_ =	shalt  }
0x61: {  	_ =	shalt  }
0x62: {  	_ =	shalt  }
0x63: {  	_ =	shalt  }
0x64: {  	_ =	shalt  }
0x65: {  	_ =	shalt  }
0x66: {  	_ =	shalt  }
0x67: {  	_ =	shalt  }
0x68: {  	_ =	shalt  }
0x69: {  	_ =	shalt  }
0x6a: {  	_ =	shalt  }
0x6b: {  	_ =	shalt  }
0x6c: {  	_ =	shalt  }
0x6d: {  	_ =	shalt  }
0x6e: {  	_ =	shalt  }
0x6f: {  	_ =	shalt  }
0x70: {  	_ =	shalt  }
0x71: {  	_ =	shalt  }
0x72: {  	_ =	shalt  }
0x73: {  	_ =	shalt  }
0x74: {  	_ =	shalt  }
0x75: {  	_ =	shalt  }
0x76: {  	_ =	shalt  }
0x77: {  	_ =	shalt  }
0x78: {  	_ =	shalt  }
0x79: {  	_ =	shalt  }
0x7a: {  	_ =	shalt  }
0x7b: {  	_ =	shalt  }
0x7c: {  	_ =	shalt  }
0x7d: {  	_ =	shalt  }
0x7e: {  	_ =	shalt  }
0x7f: {  	_ =	shalt  }
0x80: {  	_ =	shalt  }
0x81: {  	_ =	shalt  }
0x82: {  	_ =	shalt  }
0x83: {  	_ =	shalt  }
0x84: {  	_ =	shalt  }
0x85: {  	_ =	shalt  }
0x86: {  	_ =	shalt  }
0x87: {  	_ =	shalt  }
.Lfunc_end0:
.L_simem_size_0:
called_computation.6_lowered:
.L_overlay_start_0:
0x88: {  	s2 =	sld [smem:$0x3FD9]  }
0x89: {  	s3 =	sld [smem:$0x3FFE];
	_ =	sdelay $0x1  }
0x8a: {  	s1 =	srdreg.scid  }
0x8b: {  	s0 =	sand.u32 $0x1, s1  }
0x8c: {  	s15 =	sshll.u32 s0, $0xA;
	s2 =	sadd.s32 s3, s2  }
0x8d: {  	s2 =	sadd.s32 s2, s15  }
0x8e: {  	[smem:$0x3FBF] =	sst s2  }
0x8f: {  	_ = 	snop  }
0x90: {  	s2 =	sld [smem:$0x3FD0];
	_ =	sdelay $0x2  }
0x91: {  	s16 =	simm.s32 $0xC;
	s4 =	simm.s32 $0x10  }
0x92: {  	[smem:s4], [sflag:s16] =	dma.local [hbm:s2], $0x1  }
0x93: {  	_ =	swait.eq [sflag:s16], $0x1  }
0x94: {  	[sflag:s16] =	ssyncset.done $0x0  }
0x95: {  	[sflag:s16] =	ssyncadd.s32 $0xFFFFFFFF  }
0x96: {  	s17 =	sld [smem:$0x10];
	(tm) =	ssettm $0x1  }
0x97: {  	s18 =	sld [smem:$0x3FFB];
	_ =	sdelay $0x3  }
0x98: {  	_ =	strace s18  }
0x99: {  	s2 =	sld [smem:$0x3FFC];
	_ =	sdelay $0x3  }
0x9a: {  	_ =	strace s2  }
0x9b: {  	s2 =	sld [smem:$0x3FFD];
	_ =	sdelay $0x3  }
0x9c: {  	_ =	strace s2  }
0x9d: {  	_ =	strace $0x8FFFFFFF  }
0x9e: {  	s19 =	sld [smem:$0x3FDB];
	_ =	sdelay $0x1  }
0x9f: {  	s20 =	simm.s32 $_scs_section_size  }
0xa0: {  	s5 =	simm.s32 $_size__tile_overlayer_lowered;
	s6 =	simm.s32 $_tile_overlayer_lowered  }
0xa1: {  	s7 =	simm.s32 $0x1BFF;
	s21 =	sshll.u32 s6, $0x1;
	s4 =	sadd.s32 s20, s19  }
0xa2: {  	s22 =	simm.s32 $0x0;
	s5 =	sshll.u32 s5, $0x1;
	s6 =	sadd.s32 s21, s4  }
0xa3: {  	[timem:s22], [sflag:s7] =	dma.local [hbm:s6], s5  }
0xa4: {  	_ =	swait.ge [sflag:s7], s5  }
0xa5: {  	s5 =	ssub.s32 $0x0, s5;
	[sflag:s7] =	ssyncset.done $0x0  }
0xa6: {  	[sflag:s7] =	ssyncadd.s32 s5;
	_ =	sdelay $0x1  }
0xa7: {  	s23 =	simm.s32 $0x1B8B  }
0xa8: {  	_ =	swait.ge [sflag:s23], $0x1  }
0xa9: {  	[sflag:s23] =	ssyncset.done $0x0  }
0xaa: {  	[sflag:s23] =	ssyncadd.s32 $0xFFFFFFFF  }
0xab: {  	s5 =	sld [smem:$0x0]  }
0xac: {  	s6 =	sand.u32 $0xFFFFFFFE, s1  }
0xad: {  	p0 =	sne.s32 s1, s6  }
0xae: {  	s6 =	sshll.u32 @p0 s6, $0xE  }
0xaf: {  	s6 =	sadd.s32 @p0 $0x11B8D, s6;
	s7 =	sshll.u32 @p0 s5, $0x11  }
0xb0: {  	s6 =	sor.u32 @p0 s7, s6  }
0xb1: {  	[sflag:s6] =	ssyncadd.remote.s32 @p0 $0x1;
	_ =	sdelay $0x1  }
0xb2: {  	s6 =	simm.s32 @p0 $0x1B8D  }
0xb3: {  	_ =	swait.eq @p0 [sflag:s6], $0x1  }
0xb4: {  	[sflag:s6] =	ssyncadd.s32 @p0 $0xFFFFFFFF  }
0xb5: {  	s7 =	sshll.u32 @!p0 s1, $0xE  }
0xb6: {  	s7 =	sor.u32 @!p0 $0x4000, s7;
	s6 =	simm.s32 @!p0 $0x1B8D  }
0xb7: {  	s5 =	sshll.u32 @!p0 s5, $0x11;
	s7 =	sadd.s32 @!p0 $0x11B8D, s7;
	_ =	swait.eq @!p0 [sflag:s6], $0x1  }
0xb8: {  	s5 =	sor.u32 @!p0 s5, s7;
	[sflag:s6] =	ssyncadd.s32 @!p0 $0xFFFFFFFF  }
0xb9: {  	s25 =	simm.s32 $0x1B8E;
	s24 =	sld [smem:$0x3FFE];
	[sflag:s5] =	ssyncadd.remote.s32 @!p0 $0x1  }
0xba: {  	s26 =	simm.s32 $execute0_lowered;
	[smem:$0x3FD2] =	sst s25  }
0xbb: {  	s6 =	sshll.u32 s26, $0x1;
	_ =	strace $0x80000055;
	[dreg:$0x1] =	wrdreg $0xFFFFFFFF  }
0xbc: {  	s28 =	simm.s32 $_size_execute0_lowered;
	s4 =	sadd.s32 s4, s6;
	[dreg:$0x0] =	wrdreg $0x0  }
0xbd: {  	s6 =	sshll.u32 s28, $0x1;
	[dreg:$0x2] =	wrdreg s4  }
0xbe: {  	[dreg:$0x3] =	wrdreg s6  }
0xbf: {  	[dreg:$0x4] =	wrdreg $0xC0  }
0xc0: {  	_ =	task [dreg:s22], $0x5FFFF  }
0xc1: {  	[dreg:$0x1] =	wrdreg $0xFFFFFFFF  }
0xc2: {  	[dreg:$0x0] =	wrdreg $0x60  }
0xc3: {  	[dreg:$0x2] =	wrdreg s24  }
0xc4: {  	[dreg:$0x3] =	wrdreg s17  }
0xc5: {  	[dreg:$0x4] =	wrdreg $0x81000  }
0xc6: {  	[dreg:$0x5] =	wrdreg $0x1B9800  }
0xc7: {  	[dreg:$0x6] =	wrdreg $0xB  }
0xc8: {  	_ =	task.clear_ibuf [dreg:s22], $0x7FFFF;
	_ =	strace $0x90000055  }
0xc9: {  	s29 =	simm.s32 $0xB;
	_ =	strace $0x80000057  }
0xca: {  	_ =	swait.ge [sflag:s29], $0x1  }
0xcb: {  	[sflag:s29] =	ssyncadd.s32 $0xFFFFFFFF  }
0xcc: {  	_ =	strace $0x90000057  }
0xcd: {  	_ =	sfence  }
0xce: {  	s30 =	sld [smem:$0x0];
	_ =	sdelay $0x2  }
0xcf: {  	s31 =	sshll.u32 s1, $0xD;
	s1 =	sshrl.u32 s1, $0x2  }
0xd0: {  	s4 =	sand.u32 $0x4000, s31;
	s1 =	sadd.s32 s1, s30  }
0xd1: {  	s0 =	sor.u32 s4, s0;
	s1 =	sshll.u32 s1, $0x11  }
0xd2: {  	s0 =	sor.u32 s1, s0  }
0xd3: {  	s0 =	sadd.s32 $0x8F2B, s0  }
0xd4: {  	[sflag:s0] =	ssyncadd.remote.s32 $0x1  }
0xd5: {  	_ =	sfence.sel $0xFFFF  }
0xd6: {  	[dreg:$0x0] =	wrdreg $0xFFFFFFFF;
	(pc) =	sbr.abs _section_cstart, $3  }
0xd7: {  	[dreg:$0x1] =	wrdreg $0xFFFFFFFF  }
0xd8: {  	_ =	task.clear_ibuf [dreg:s22], $0x2FFFF;
	_ =	strace $0x9FFFFFFF  }
0xd9: {  	(tm) =	ssettm $0x7FFFFFFF  }
tec
execute0_lowered:
.L_overlay_start_1:
0x0: {  	(tag) =	ssettag $0x1  }
0x1: {  	s10 =	rddreg [dreg:$0x0]  }
0x2: {  	s17 =	rddreg [dreg:$0x1]  }
0x3: {  	s1 =	rddreg [dreg:$0x2]  }
0x4: {  	s2 =	rddreg [dreg:$0x3];
	s0 =	stileid.u32  }
0x5: {  	s4 =	srdreg.scid;
	s8 =	smul.u32 $0x4E000, s0  }
0x6: {  	s3 =	simm.s32 $0x0;
	s7 =	sand.u32 $0x1, s4;
	s12 =	smul.u32 $0x13800, s0  }
0x7: {  	[smem:$0x7FF] =	sst s3;
	s23 =	sadd.s32 $0xA000, s10;
	s4 =	smul.u32 $0x271000, s7  }
0x8: {  	s15 =	sadd.s32 $0x6CC00, s10;
	s26 =	sshll.u32 s0, $0x6;
	s18 =	smul.u32 $0x4E20, s7  }
0x9: {  	s29 =	sshll.u32 s0, $0x4;
	s30 =	sshll.u32 s0, $0xB;
	s6 =	smul.u32 $0x2800, s7  }
0xa: {  	p0 =	seq.s32 s0, $0x0;
	p1 =	seq.s32 s0, $0x1;
	s13 =	smul.u32 $0x4E2, s7  }
0xb: {  	_ =	strace $0x80000056;
	s24 =	ssub.s32 $0x2, s7;
	s21 =	smul.u32 $0x138800, s7  }
0xc: {  	p2 =	sne.s32 @!p0 s0, $0xF;
	p3 =	sne.s32 @!p1 s0, $0xF;
	s9 =	sshrl.u32 s24, $0x1  }
0xd: {  	s8 =	sshrl.u32 s8, $0x2;
	s25 =	sshrl.u32 s12, $0x3;
	p2 =	por p2, p0  }
0xe: {  	p3 =	por p3, p1;
	s19 =	sadd.s32 s4, s10;
	s20 =	sadd.s32 s18, s10  }
0xf: {  	s14 =	sadd.s32 s6, s10;
	s16 =	ssub.s32 s24, s9;
	s5 =	sadd.s32 s8, s1  }
0x10: {  	s6 =	smov.u32 s23;
	s7 =	sadd.s32 s23, s25;
	s8 =	sor.u32 $0x1C01, s26  }
0x11: {  	s9 =	sadd.s32 $0x138000, s1;
	s10 =	sadd.s32 $0x31000, s10;
	s11 =	sadd.s32 s0, s13  }
0x12: {  	s22 =	sadd.s32 s12, s21;
	s12 =	sadd.s32 $0x4E2, s13;
	s21 =	sshrl.u32 s21, $0x3  }
0x13: {  	s18 =	sadd.s32 s18, s17;
	[dreg:$0x5] =	wrdreg s5;
	s28 =	sshrl.u32 s22, $0x3  }
0x14: {  	s14 =	sadd.s32 $0x31200, s14;
	s16 =	smax.u32 s16, $0x1;
	s20 =	sadd.s32 s29, s20  }
0x15: {  	s18 =	sadd.s32 s29, s18;
	s31 =	sadd.s32 s30, s19;
	s13 =	sadd.s32 s15, s28  }
0x16: {  	s15 =	sadd.s32 s15, s21;
	s17 =	sadd.s32 $0xF13400, s20;
	s19 =	sadd.s32 $0x1409600, s31  }
0x17: {  	s20 =	sadd.s32 $0xF27600, s31;
	s21 =	simm.s32 $0x1;
	s15 =	sadd.s32 $0x27000, s15  }
.LBB2_1:
0x18: {  	s0 =	rddreg [dreg:$0x5]  }
0x19: {  	s22 =	sshrl.u32 s0, $0x3  }
0x1a: {  	[spmem:s22], [sflag:s8] =	dma.local [hbm:s7], $0x2700  }
0x1b: {  	_ =	swait.ge [sflag:s21], $0x2700  }
0x1c: {  	[sflag:s21] =	ssyncset.done $0x0  }
0x1d: {  	s23 =	sshrl.u32 @p0 s2, $0x3;
	[sflag:s21] =	ssyncadd.s32 $0xFFFFD900  }
0x1e: {  	[spmem:s23], [sflag:s8] =	dma.local @p0 [hbm:s6], $0x2800  }
0x1f: {  	s23 =	simm.s32 @p0 $0x1  }
0x20: {  	_ =	swait.ge @p0 [sflag:s23], $0x2800  }
0x21: {  	[sflag:s23] =	ssyncset.done @p0 $0x0  }
0x22: {  	[sflag:s23] =	ssyncadd.s32 @p0 $0xFFFFD800;
	s23 =	sshrl.u32 @!p2 s9, $0x3  }
0x23: {  	[spmem:s23], [sflag:s8] =	dma.local @!p2 [hbm:s10], $0x100  }
0x24: {  	s23 =	simm.s32 @!p2 $0x1  }
0x25: {  	_ =	swait.ge @!p2 [sflag:s23], $0x100  }
0x26: {  	p4 =	sge.u32 s11, s12;
	[sflag:s23] =	ssyncset.done @!p2 $0x0  }
0x27: {  	s24 =	simm.s32 @!p4 $0x0;
	[sflag:s23] =	ssyncadd.s32 @!p2 $0xFFFFFF00  }
0x28: {  	s28 =	simm.s32 @!p4 $0x2;
	s23 =	sadd.s32 @!p4 $0x0, s18;
	[bflag:$0x0] =	sbarrier.arrive $0xFFFF  }
0x29: {  	[tilespmem:s24], [sflag:$0x2] =	stream.linear.gather @!p4 [hbm4b:s23+s24], $0x80, $0x38;
	[tilespmem:$0x1CD80] =	vst v63  }
0x2a: {  	_ =	swait.ge @!p4 [sflag:s28], $0x80;
	p4 =	por p4, p4  }
0x2b: {  	[sflag:s28] =	ssyncset.done @!p4 $0x0  }
0x2c: {  	s23 =	sadd.s32 @!p4 $0x0, s17;
	s29 =	simm.s32 @!p4 $0x80;
	[sflag:s28] =	ssyncadd.s32 @!p4 $0xFFFFFF80  }
0x2d: {  	[tilespmem:s29], [sflag:$0x2] =	stream.linear.gather @!p4 [hbm4b:s23+s24], $0x80, $0x38;
	[tilespmem:$0x1CD80] =	vst v63  }
0x2e: {  	_ =	swait.ge @!p4 [sflag:s28], $0x80  }
0x2f: {  	[sflag:s28] =	ssyncset.done @!p4 $0x0  }
0x30: {  	s23 =	simm.s32 @!p4 $0x100;
	[sflag:s28] =	ssyncadd.s32 @!p4 $0xFFFFFF80  }
0x31: {  	[tilespmem:s23], [sflag:$0x2] =	stream.linear.gather @!p4 [hbm4b:s20+s24], $0x4000, $0x38;
	[tilespmem:$0x1CD80] =	vst v63  }
0x32: {  	_ =	swait.ge @!p4 [sflag:s28], $0x4000  }
0x33: {  	[sflag:s28] =	ssyncset.done @!p4 $0x0  }
0x34: {  	s30 =	simm.s32 @!p4 $0x4100;
	[sflag:s28] =	ssyncadd.s32 @!p4 $0xFFFFC000  }
0x35: {  	[tilespmem:s30], [sflag:$0x2] =	stream.linear.gather @!p4 [hbm4b:s19+s24], $0x4000, $0x38;
	[tilespmem:$0x1CD80] =	vst v63  }
0x36: {  	_ =	swait.ge @!p4 [sflag:s28], $0x4000  }
0x37: {  	[sflag:s28] =	ssyncset.done @!p4 $0x0  }
0x38: {  	[sflag:s28] =	ssyncadd.s32 @!p4 $0xFFFFC000  }
0x39: {  	[spmem:s1] =	stream.indirect.scatter.add.f32 @!p4 [tilespmem:s23], [sflag:$0x2], $0x80, s24, s29, $0xb8;
	[tilespmem:$0x1CD80] =	vst v63  }
0x3a: {  	_ =	swait.ge @!p4 [sflag:s28], $0x4000  }
0x3b: {  	[sflag:s28] =	ssyncset.done @!p4 $0x0  }
0x3c: {  	s25 =	simm.s32 $0x100;
	s26 =	simm.s32 $0x200;
	[sflag:s28] =	ssyncadd.s32 @!p4 $0xFFFFC000  }
0x3d: {  	[spmem:s2] =	stream.indirect.scatter.add.f32 @!p4 [tilespmem:s30], [sflag:$0x1], $0x80, s29, s29, $0xb8;
	[tilespmem:$0x1CD80] =	vst v63  }
0x3e: {  	s23 =	sadd.s32 $0x8000, s20;
	s28 =	sadd.s32 $0x10, s11;
	s29 =	simm.s32 @!p4 $0x1  }
0x3f: {  	s24 =	sadd.s32 $0x8000, s19;
	p6 =	sge.u32 s28, s12;
	_ =	swait.ge @!p4 [sflag:s29], $0x4000  }
.LBB2_2:
0x40: {  	s30 =	sadd.s32 @!p6 s25, s18  }
0x41: {  	s31 =	simm.s32 @!p6 $0x0;
	[sflag:s29] =	ssyncset.done @!p4 $0x0;
	s0 =	smov.u32 s26  }
0x42: {  	s26 =	sadd.s32 $0x100, s26;
	s4 =	simm.s32 @!p6 $0x2;
	[sflag:s29] =	ssyncadd.s32 @!p4 $0xFFFFC000  }
0x43: {  	[tilespmem:s31], [sflag:$0x2] =	stream.linear.gather @!p6 [hbm4b:s30+s31], $0x80, $0x38;
	[tilespmem:$0x1CD80] =	vst v63  }
0x44: {  	p5 =	sne.s32 s26, $0x4F00;
	p4 =	por p6, p6;
	_ =	swait.ge @!p6 [sflag:s4], $0x80  }
0x45: {  	[sflag:s4] =	ssyncset.done @!p4 $0x0  }
0x46: {  	s25 =	sadd.s32 @!p4 s25, s17;
	s30 =	simm.s32 @!p4 $0x80;
	[sflag:s4] =	ssyncadd.s32 @!p4 $0xFFFFFF80  }
0x47: {  	[tilespmem:s30], [sflag:$0x2] =	stream.linear.gather @!p4 [hbm4b:s25+s31], $0x80, $0x38;
	[tilespmem:$0x1CD80] =	vst v63  }
0x48: {  	s25 =	smov.u32 s0;
	_ =	swait.ge @!p4 [sflag:s4], $0x80  }
0x49: {  	[sflag:s4] =	ssyncset.done @!p4 $0x0  }
0x4a: {  	s0 =	simm.s32 @!p4 $0x100;
	[sflag:s4] =	ssyncadd.s32 @!p4 $0xFFFFFF80  }
0x4b: {  	[tilespmem:s0], [sflag:$0x2] =	stream.linear.gather @!p4 [hbm4b:s23+s31], $0x4000, $0x38;
	[tilespmem:$0x1CD80] =	vst v63  }
0x4c: {  	_ =	swait.ge @!p4 [sflag:s4], $0x4000  }
0x4d: {  	[sflag:s4] =	ssyncset.done @!p4 $0x0  }
0x4e: {  	s5 =	simm.s32 @!p4 $0x4100;
	[sflag:s4] =	ssyncadd.s32 @!p4 $0xFFFFC000  }
0x4f: {  	[tilespmem:s5], [sflag:$0x2] =	stream.linear.gather @!p4 [hbm4b:s24+s31], $0x4000, $0x38;
	[tilespmem:$0x1CD80] =	vst v63  }
0x50: {  	_ =	swait.ge @!p4 [sflag:s4], $0x4000  }
0x51: {  	[sflag:s4] =	ssyncset.done @!p4 $0x0  }
0x52: {  	[sflag:s4] =	ssyncadd.s32 @!p4 $0xFFFFC000  }
0x53: {  	[spmem:s1] =	stream.indirect.scatter.add.f32 @!p4 [tilespmem:s0], [sflag:$0x2], $0x80, s31, s30, $0xb8;
	[tilespmem:$0x1CD80] =	vst v63  }
.Ltmp0:
0x54: {  	_ =	swait.ge @!p4 [sflag:s4], $0x4000;
	(pc) =	sbr.rel @p5 .LBB2_2-.Ltmp0, $4  }
0x55: {  	s23 =	sadd.s32 $0x8000, s23;
	[sflag:s4] =	ssyncset.done @!p4 $0x0  }
0x56: {  	s28 =	sadd.s32 $0x10, s28;
	s29 =	simm.s32 @!p4 $0x1;
	[sflag:s4] =	ssyncadd.s32 @!p4 $0xFFFFC000  }
0x57: {  	[spmem:s2] =	stream.indirect.scatter.add.f32 @!p4 [tilespmem:s5], [sflag:$0x1], $0x80, s30, s30, $0xb8;
	[tilespmem:$0x1CD80] =	vst v63  }
0x58: {  	p6 =	sge.u32 s28, s12;
	s24 =	sadd.s32 $0x8000, s24;
	_ =	swait.ge @!p4 [sflag:s29], $0x4000  }
0x59: {  	s0 =	sadd.s32 @!p6 s25, s18;
	[sflag:s29] =	ssyncset.done @!p4 $0x0  }
0x5a: {  	s4 =	simm.s32 @!p6 $0x0;
	s5 =	simm.s32 @!p6 $0x2;
	[sflag:s29] =	ssyncadd.s32 @!p4 $0xFFFFC000  }
0x5b: {  	[tilespmem:s4], [sflag:$0x2] =	stream.linear.gather @!p6 [hbm4b:s0+s4], $0x80, $0x38;
	[tilespmem:$0x1CD80] =	vst v63  }
0x5c: {  	p4 =	por p6, p6;
	_ =	swait.ge @!p6 [sflag:s5], $0x80  }
0x5d: {  	[sflag:s5] =	ssyncset.done @!p4 $0x0  }
0x5e: {  	s0 =	sadd.s32 @!p4 s25, s17;
	s25 =	simm.s32 @!p4 $0x80;
	[sflag:s5] =	ssyncadd.s32 @!p4 $0xFFFFFF80  }
0x5f: {  	[tilespmem:s25], [sflag:$0x2] =	stream.linear.gather @!p4 [hbm4b:s0+s4], $0x80, $0x38;
	[tilespmem:$0x1CD80] =	vst v63  }
0x60: {  	_ =	swait.ge @!p4 [sflag:s5], $0x80  }
0x61: {  	[sflag:s5] =	ssyncset.done @!p4 $0x0  }
0x62: {  	s0 =	simm.s32 @!p4 $0x100;
	[sflag:s5] =	ssyncadd.s32 @!p4 $0xFFFFFF80  }
0x63: {  	[tilespmem:s0], [sflag:$0x2] =	stream.linear.gather @!p4 [hbm4b:s23+s4], $0x4000, $0x38;
	[tilespmem:$0x1CD80] =	vst v63  }
0x64: {  	_ =	swait.ge @!p4 [sflag:s5], $0x4000  }
0x65: {  	[sflag:s5] =	ssyncset.done @!p4 $0x0  }
0x66: {  	s23 =	simm.s32 @!p4 $0x4100;
	[sflag:s5] =	ssyncadd.s32 @!p4 $0xFFFFC000  }
0x67: {  	[tilespmem:s23], [sflag:$0x2] =	stream.linear.gather @!p4 [hbm4b:s24+s4], $0x4000, $0x38;
	[tilespmem:$0x1CD80] =	vst v63  }
0x68: {  	_ =	swait.ge @!p4 [sflag:s5], $0x4000  }
0x69: {  	[sflag:s5] =	ssyncset.done @!p4 $0x0  }
0x6a: {  	[sflag:s5] =	ssyncadd.s32 @!p4 $0xFFFFC000  }
0x6b: {  	[spmem:s1] =	stream.indirect.scatter.add.f32 @!p4 [tilespmem:s0], [sflag:$0x2], $0x80, s4, s25, $0xb8;
	[tilespmem:$0x1CD80] =	vst v63  }
0x6c: {  	_ =	swait.ge @!p4 [sflag:s5], $0x4000  }
0x6d: {  	[sflag:s5] =	ssyncset.done @!p4 $0x0  }
0x6e: {  	s0 =	simm.s32 @!p4 $0x1;
	[sflag:s5] =	ssyncadd.s32 @!p4 $0xFFFFC000  }
0x6f: {  	[spmem:s2] =	stream.indirect.scatter.add.f32 @!p4 [tilespmem:s23], [sflag:$0x1], $0x80, s25, s25, $0xb8;
	[tilespmem:$0x1CD80] =	vst v63  }
0x70: {  	_ =	swait.ge @!p4 [sflag:s0], $0x4000  }
0x71: {  	[sflag:s0] =	ssyncset.done @!p4 $0x0  }
0x72: {  	[sflag:s0] =	ssyncadd.s32 @!p4 $0xFFFFC000  }
0x73: {  	[bflag:$0x0] =	sbarrier.arrive $0xFFFF  }
0x74: {  	[hbm:s13], [sflag:s8] =	dma.local [spmem:s22], $0x2700  }
0x75: {  	_ =	swait.ge [sflag:s21], $0x2700  }
0x76: {  	[sflag:s21] =	ssyncset.done $0x0  }
0x77: {  	s0 =	sshrl.u32 @p1 s2, $0x3;
	[sflag:s21] =	ssyncadd.s32 $0xFFFFD900  }
0x78: {  	[hbm:s14], [sflag:s8] =	dma.local @p1 [spmem:s0], $0x2800  }
0x79: {  	s0 =	simm.s32 @p1 $0x1  }
0x7a: {  	_ =	swait.ge @p1 [sflag:s0], $0x2800  }
0x7b: {  	s3 =	sadd.s32 $0x1, s3;
	[sflag:s0] =	ssyncset.done @p1 $0x0  }
0x7c: {  	p4 =	sne.s32 s3, s16;
	[sflag:s0] =	ssyncadd.s32 @p1 $0xFFFFD800;
	s0 =	sshrl.u32 @!p3 s9, $0x3  }
0x7d: {  	[hbm:s15], [sflag:s8] =	dma.local @!p3 [spmem:s0], $0x100  }
.Ltmp1:
0x7e: {  	_ = 	snop;
	(pc) =	sbr.rel @p4 .LBB2_1-.Ltmp1, $4  }
0x7f: {  	s0 =	simm.s32 @!p3 $0x1  }
0x80: {  	_ =	swait.ge @!p3 [sflag:s0], $0x100  }
0x81: {  	[sflag:s0] =	ssyncset.done @!p3 $0x0  }
0x82: {  	[sflag:s0] =	ssyncadd.s32 @!p3 $0xFFFFFF00  }
0x83: {  	_ =	sfence.sel $0x180000  }
0x84: {  	[bflag:$0x0] =	sbarrier.arrive $0xFFFF  }
0x85: {  	_ =	strace $0x90000056  }
0x86: {  	s0 =	stileid.u32;
	[bflag:$0x2] =	sbarrier.arrive $0xFFFF  }
0x87: {  	p0 =	sne.s32 s0, $0x0;
	s0 =	rddreg [dreg:$0x4]  }
0x88: {  	s0 =	sadd.s32 @!p0 $0x100000, s0  }
0x89: {  	[sflag:s0] =	ssyncadd.tile.s32 @!p0 $0x1;
	_ =	shalt  }
.Lfunc_end2:
_tile_overlayer_lowered:
.L_overlay_start_2:
0x8a: {  	(tag) =	ssettag $0x2  }
0x8b: {  	s0 =	rddreg [dreg:$0x0];
	s2 =	stileid.u32  }
0x8c: {  	s1 =	rddreg [dreg:$0x1];
	p0 =	sne.s32 s2, $0x0  }
0x8d: {  	s3 =	rddreg [dreg:$0x2];
	[bflag:$0x3] =	sbarrier.arrive $0xFFFF;
	s2 =	simm.s32 @!p0 $0x1C01  }
0x8e: {  	[timem:s3], [sflag:s2] =	dma.local @!p0 [hbm:s0], s1  }
0x8f: {  	s0 =	simm.s32 @!p0 $0x1  }
0x90: {  	_ =	swait.ge @!p0 [sflag:s0], s1  }
0x91: {  	s1 =	ssub.s32 @!p0 $0x0, s1;
	[sflag:s0] =	ssyncset.done @!p0 $0x0  }
0x92: {  	[sflag:s0] =	ssyncadd.s32 @!p0 s1  }
0x93: {  	[bflag:$0x3] =	sbarrier.arrive $0xFFFF  }
0x94: {  	_ =	shalt  }

// kernel: scatter_offload_async_start.1
scs
__scs_entry_jumppad:
0x0: {  	(pc) =	sbr.rel $0x88, $3  }
0x1: {  	(tag) =	ssettag $0x0;
	lr =	simm.s32 $0x1  }
0x2: {  	[smem:$0x3F98] =	sst lr;
	_ =	strace $0xD0000000  }
0x3: {  	_ = 	snop  }
0x4: {  	_ = 	snop  }
0x5: {  	_ = 	snop  }
0x6: {  	_ = 	snop  }
0x7: {  	_ = 	snop  }
__scs_overlays_trampoline_lowered:
0x8: {  	[smem:$0x3FA7] =	sst s0  }
0x9: {  	[smem:$0x3FA8] =	sst s1  }
0xa: {  	[smem:$0x3FA9] =	sst s2  }
0xb: {  	[smem:$0x3FAA] =	sst s3  }
0xc: {  	[smem:$0x3FAB] =	sst s4  }
0xd: {  	[smem:$0x3FAC] =	sst s5  }
0xe: {  	[smem:$0x3FAD] =	sst s6  }
0xf: {  	[smem:$0x3FAE] =	sst s7  }
0x10: {  	[smem:$0x3FAF] =	sst s8  }
0x11: {  	[smem:$0x3FB0] =	sst s9;
	s0 =	simm.s32 @!p0 $0x0  }
0x12: {  	s1 =	sld [smem:$0x3F96];
	s0 =	simm.s32 @p0 $0x1  }
0x13: {  	[smem:$0x3FB1] =	sst s0;
	s0 =	simm.s32 @!p1 $0x0  }
0x14: {  	s2 =	sld [smem:$0x3F95];
	s0 =	simm.s32 @p1 $0x1  }
0x15: {  	[smem:$0x3FB2] =	sst s0;
	s0 =	simm.s32 @!p2 $0x0  }
0x16: {  	s3 =	sld [smem:$0x3FDB];
	s0 =	simm.s32 @p2 $0x1  }
0x17: {  	s4 =	simm.s32 $0x1BF5;
	[smem:$0x3FB4] =	sst s0  }
0x18: {  	s0 =	sld [smem:$0x3F97];
	_ =	swait.ge [sflag:s4], $0x0  }
0x19: {  	s7 =	sld [smem:$0x3F98]  }
0x1a: {  	s8 =	sadd.s32 $0xFFFFE003, lr  }
0x1b: {  	s9 =	sadd.s32 $0xFFFFFEF7, lr;
	s5 =	simm.s32 $0xFFFFFFFF;
	p2 =	slt.u32 s8, $0xFFFFF086  }
0x1c: {  	p1 =	slt.u32 s9, $0xF7A;
	s5 =	simm.s32 @!p2 $0x0  }
0x1d: {  	s5 =	simm.s32 @p1 $0x1;
	p0 =	seq.s32 s7, s2  }
0x1e: {  	s7 =	smul.u32 @!p0 $0xF7A, s2;
	p2 =	seq.s32 @!p0 s5, $0x0  }
0x1f: {  	s9 =	smul.u32 $0xF7A, s1;
	s8 =	simm.s32 @!p0 $0x1BF5;
	p2 =	por !p2, p0  }
0x20: {  	[sflag:s8] =	ssyncset.s32 @!p0 $0xFFFFF086;
	s6 =	sadd.s32 @!p0 s3, s7;
	s7 =	simm.s32 @!p0 $0x108  }
0x21: {  	s3 =	sadd.s32 s3, s9;
	s6 =	sadd.s32 @!p0 $0x88, s6;
	s7 =	simm.s32 @p2 $0x1082  }
0x22: {  	[simem:s7], [sflag:s8] =	dma.local @!p0 [hbm:s6], $0xF7A  }
0x23: {  	s9 =	sor.u32 $0xD0000000, s2;
	s6 =	simm.s32 $0x108;
	_ =	swait.ge @!p0 [sflag:s8], $0x0  }
0x24: {  	s3 =	sadd.s32 $0x88, s3;
	s6 =	simm.s32 @!p1 $0x1082;
	[sflag:s4] =	ssyncset.s32 $0xFFFFF086  }
0x25: {  	[simem:s6], [sflag:s4] =	dma.local [hbm:s3], $0xF7A  }
0x26: {  	[smem:$0x3F98] =	sst s1;
	(tag) =	ssettag s2;
	_ =	strace s9  }
0x27: {  	s1 =	sld [smem:$0x3FA8]  }
0x28: {  	s2 =	sld [smem:$0x3FA9]  }
0x29: {  	s4 =	sld [smem:$0x3FAB]  }
0x2a: {  	p0 =	seq.s32 s5, $0x0;
	s5 =	sld [smem:$0x3FAC]  }
0x2b: {  	s6 =	sld [smem:$0x3FAD]  }
0x2c: {  	s7 =	sld [smem:$0x3FAE]  }
0x2d: {  	s3 =	simm.s32 $0x108;
	s8 =	sld [smem:$0x3FAF]  }
0x2e: {  	s3 =	simm.s32 @!p0 $0x1082;
	s9 =	sld [smem:$0x3FB0]  }
0x2f: {  	lr =	sadd.s32 s0, s3;
	s0 =	sld [smem:$0x3FA7]  }
0x30: {  	s3 =	sld [smem:$0x3FAA]  }
0x31: {  	[smem:$0x3FB3] =	sst s10  }
0x32: {  	s10 =	sld [smem:$0x3FB1];
	_ =	sdelay $0x3  }
0x33: {  	p0 =	seq.s32 s10, $0x1;
	s10 =	sld [smem:$0x3FB3];
	_ =	sdelay $0x3  }
0x34: {  	[smem:$0x3FB3] =	sst s10  }
0x35: {  	s10 =	sld [smem:$0x3FB2];
	_ =	sdelay $0x3  }
0x36: {  	p1 =	seq.s32 s10, $0x1;
	s10 =	sld [smem:$0x3FB3];
	_ =	sdelay $0x3  }
0x37: {  	[smem:$0x3FB3] =	sst s10  }
0x38: {  	s10 =	sld [smem:$0x3FB4]  }
0x39: {  	_ = 	snop;
	(pc) =	sbr.ind lr, $3  }
0x3a: {  	_ = 	snop  }
0x3b: {  	_ = 	snop  }
0x3c: {  	p2 =	seq.s32 s10, $0x1;
	s10 =	sld [smem:$0x3FB3]  }
0x3d: {  	_ =	shalt  }
0x3e: {  	_ =	shalt  }
0x3f: {  	_ =	shalt  }
0x40: {  	_ =	shalt  }
0x41: {  	_ =	shalt  }
0x42: {  	_ =	shalt  }
0x43: {  	_ =	shalt  }
0x44: {  	_ =	shalt  }
0x45: {  	_ =	shalt  }
0x46: {  	_ =	shalt  }
0x47: {  	_ =	shalt  }
0x48: {  	_ =	shalt  }
0x49: {  	_ =	shalt  }
0x4a: {  	_ =	shalt  }
0x4b: {  	_ =	shalt  }
0x4c: {  	_ =	shalt  }
0x4d: {  	_ =	shalt  }
0x4e: {  	_ =	shalt  }
0x4f: {  	_ =	shalt  }
0x50: {  	_ =	shalt  }
0x51: {  	_ =	shalt  }
0x52: {  	_ =	shalt  }
0x53: {  	_ =	shalt  }
0x54: {  	_ =	shalt  }
0x55: {  	_ =	shalt  }
0x56: {  	_ =	shalt  }
0x57: {  	_ =	shalt  }
0x58: {  	_ =	shalt  }
0x59: {  	_ =	shalt  }
0x5a: {  	_ =	shalt  }
0x5b: {  	_ =	shalt  }
0x5c: {  	_ =	shalt  }
0x5d: {  	_ =	shalt  }
0x5e: {  	_ =	shalt  }
0x5f: {  	_ =	shalt  }
0x60: {  	_ =	shalt  }
0x61: {  	_ =	shalt  }
0x62: {  	_ =	shalt  }
0x63: {  	_ =	shalt  }
0x64: {  	_ =	shalt  }
0x65: {  	_ =	shalt  }
0x66: {  	_ =	shalt  }
0x67: {  	_ =	shalt  }
0x68: {  	_ =	shalt  }
0x69: {  	_ =	shalt  }
0x6a: {  	_ =	shalt  }
0x6b: {  	_ =	shalt  }
0x6c: {  	_ =	shalt  }
0x6d: {  	_ =	shalt  }
0x6e: {  	_ =	shalt  }
0x6f: {  	_ =	shalt  }
0x70: {  	_ =	shalt  }
0x71: {  	_ =	shalt  }
0x72: {  	_ =	shalt  }
0x73: {  	_ =	shalt  }
0x74: {  	_ =	shalt  }
0x75: {  	_ =	shalt  }
0x76: {  	_ =	shalt  }
0x77: {  	_ =	shalt  }
0x78: {  	_ =	shalt  }
0x79: {  	_ =	shalt  }
0x7a: {  	_ =	shalt  }
0x7b: {  	_ =	shalt  }
0x7c: {  	_ =	shalt  }
0x7d: {  	_ =	shalt  }
0x7e: {  	_ =	shalt  }
0x7f: {  	_ =	shalt  }
0x80: {  	_ =	shalt  }
0x81: {  	_ =	shalt  }
0x82: {  	_ =	shalt  }
0x83: {  	_ =	shalt  }
0x84: {  	_ =	shalt  }
0x85: {  	_ =	shalt  }
0x86: {  	_ =	shalt  }
0x87: {  	_ =	shalt  }
.Lfunc_end0:
.L_simem_size_0:
called_computation.1_lowered:
.L_overlay_start_0:
0x88: {  	s0 =	sld [smem:$0x3FD9]  }
0x89: {  	s1 =	sld [smem:$0x3FFE];
	_ =	sdelay $0x3  }
0x8a: {  	s0 =	sadd.s32 s1, s0  }
0x8b: {  	[smem:$0x3FBF] =	sst s0  }
0x8c: {  	_ = 	snop  }
0x8d: {  	s0 =	sld [smem:$0x3FD0];
	_ =	sdelay $0x2  }
0x8e: {  	s13 =	simm.s32 $0xC;
	s2 =	simm.s32 $0x10  }
0x8f: {  	[smem:s2], [sflag:s13] =	dma.local [hbm:s0], $0x1  }
0x90: {  	_ =	swait.eq [sflag:s13], $0x1  }
0x91: {  	[sflag:s13] =	ssyncset.done $0x0  }
0x92: {  	[sflag:s13] =	ssyncadd.s32 $0xFFFFFFFF  }
0x93: {  	s14 =	sld [smem:$0x10];
	(tm) =	ssettm $0x1  }
0x94: {  	s15 =	sld [smem:$0x3FFB];
	_ =	sdelay $0x3  }
0x95: {  	_ =	strace s15  }
0x96: {  	s1 =	sld [smem:$0x3FFC];
	_ =	sdelay $0x3  }
0x97: {  	_ =	strace s1  }
0x98: {  	s1 =	sld [smem:$0x3FFD];
	_ =	sdelay $0x3  }
0x99: {  	_ =	strace s1  }
0x9a: {  	_ =	strace $0x8FFFFFFF  }
0x9b: {  	s16 =	sld [smem:$0x3FDB];
	_ =	sdelay $0x1  }
0x9c: {  	s17 =	simm.s32 $_scs_section_size  }
0x9d: {  	s3 =	simm.s32 $_size__tile_overlayer_lowered;
	s4 =	simm.s32 $_tile_overlayer_lowered  }
0x9e: {  	s20 =	simm.s32 $0x1BFF;
	s19 =	sshll.u32 s4, $0x1;
	s1 =	sadd.s32 s17, s16  }
0x9f: {  	s5 =	simm.s32 $0x0;
	s18 =	sshll.u32 s3, $0x1;
	s3 =	sadd.s32 s19, s1  }
0xa0: {  	[timem:s5], [sflag:s20] =	dma.local [hbm:s3], s18  }
0xa1: {  	_ =	swait.ge [sflag:s20], s18  }
0xa2: {  	s2 =	ssub.s32 $0x0, s18;
	[sflag:s20] =	ssyncset.done $0x0  }
0xa3: {  	[sflag:s20] =	ssyncadd.s32 s2;
	_ =	sdelay $0x1  }
0xa4: {  	s21 =	simm.s32 $0x1B8B  }
0xa5: {  	_ =	swait.ge [sflag:s21], $0x1  }
0xa6: {  	[sflag:s21] =	ssyncset.done $0x0  }
0xa7: {  	s23 =	simm.s32 $0x1B8E;
	s22 =	sld [smem:$0x3FFE];
	[sflag:s21] =	ssyncadd.s32 $0xFFFFFFFF  }
0xa8: {  	s24 =	simm.s32 $execute0_lowered;
	[smem:$0x3FD2] =	sst s23  }
0xa9: {  	s3 =	sshll.u32 s24, $0x1;
	_ =	strace $0x8000005B;
	[dreg:$0x1] =	wrdreg $0xFFFFFFFF  }
0xaa: {  	s25 =	simm.s32 $_size_execute0_lowered;
	s1 =	sadd.s32 s1, s3;
	[dreg:$0x0] =	wrdreg $0x0  }
0xab: {  	s3 =	sshll.u32 s25, $0x1;
	[dreg:$0x2] =	wrdreg s1  }
0xac: {  	[dreg:$0x3] =	wrdreg s3  }
0xad: {  	[dreg:$0x4] =	wrdreg $0xC0  }
0xae: {  	_ =	task [dreg:s5], $0x5FFFF  }
0xaf: {  	[dreg:$0x1] =	wrdreg $0xFFFFFFFF  }
0xb0: {  	[dreg:$0x0] =	wrdreg $0x60  }
0xb1: {  	[dreg:$0x2] =	wrdreg s22  }
0xb2: {  	[dreg:$0x3] =	wrdreg s14  }
0xb3: {  	[dreg:$0x4] =	wrdreg $0x9  }
0xb4: {  	_ =	task.clear_ibuf [dreg:s5], $0x5FFFF;
	_ =	strace $0x9000005B  }
0xb5: {  	s26 =	simm.s32 $0x9;
	_ =	strace $0x8000005D  }
0xb6: {  	_ =	swait.ge [sflag:s26], $0x1  }
0xb7: {  	[sflag:s26] =	ssyncadd.s32 $0xFFFFFFFF  }
0xb8: {  	_ =	strace $0x9000005D  }
0xb9: {  	_ =	sfence  }
0xba: {  	s28 =	sld [smem:$0x0];
	_ =	sdelay $0x1  }
0xbb: {  	s29 =	srdreg.scid  }
0xbc: {  	s30 =	sshll.u32 s29, $0xD;
	s31 =	sshrl.u32 s29, $0x2  }
0xbd: {  	s2 =	sand.u32 $0x4000, s30;
	s1 =	sand.u32 $0x1, s29;
	s0 =	sadd.s32 s31, s28  }
0xbe: {  	s1 =	sor.u32 s2, s1;
	s0 =	sshll.u32 s0, $0x11  }
0xbf: {  	s0 =	sor.u32 s0, s1  }
0xc0: {  	s0 =	sadd.s32 $0x8F2B, s0  }
0xc1: {  	[sflag:s0] =	ssyncadd.remote.s32 $0x1  }
0xc2: {  	_ =	sfence.sel $0xFFFF  }
0xc3: {  	[dreg:$0x0] =	wrdreg $0xFFFFFFFF;
	(pc) =	sbr.abs _section_cstart, $3  }
0xc4: {  	[dreg:$0x1] =	wrdreg $0xFFFFFFFF  }
0xc5: {  	_ =	task.clear_ibuf [dreg:s5], $0x2FFFF;
	_ =	strace $0x9FFFFFFF  }
0xc6: {  	(tm) =	ssettm $0x7FFFFFFF  }
0xc7: {  	_ =	shalt  }
tec
execute0_lowered:
.L_overlay_start_1:
0x0: {  	(tag) =	ssettag $0x1  }
0x1: {  	s11 =	rddreg [dreg:$0x0]  }
0x2: {  	s4 =	rddreg [dreg:$0x1];
	_ =	strace $0x8000005C;
	s15 =	stileid.u32  }
0x3: {  	s0 =	simm.s32 $0x1;
	s1 =	smin.u32 s15, $0x8;
	s5 =	sshll.u32 s15, $0x1  }
0x4: {  	[sflag:s0] =	ssyncpa.u1 $0x0;
	s1 =	sadd.s32 s1, s5  }
0x5: {  	v1 =	vimm.s32 $0xFFFFFFFF;
	p0 =	slt.u32 s15, $0x8;
	s6 =	smul.u32 $0x1F40, s1;
	s1 =	simm.s32 $0x5DC0  }
0x6: {  	[tilespmem:$0x10] =	vst v1;
	s1 =	simm.s32 @!p0 $0x3E80  }
0x7: {  	v0 =	vimm.f32 $0.0e+00;
	[tilespmem:$0x20] =	vst v1;
	s1 =	sadd.s32 s1, s6  }
0x8: {  	[tilespmem:$0x30] =	vst v0;
	s7 =	smin.u32 s1, $0x4E200  }
0x9: {  	s3 =	simm.s32 $0x2;
	[tilespmem:$0x40] =	vst v0;
	s1 =	ssub.s32 s7, s6  }
0xa: {  	s8 =	simm.s32 $0x7;
	s9 =	simm.s32 $0x8;
	[tilespmem:$0x50] =	vst v0;
	p0 =	sgt.s32 s1, $0x0  }
0xb: {  	s31 =	simm.s32 $0x9;
	s16 =	simm.s32 $0x0;
	[tilespmem:$0x60] =	vst v1;
	s1 =	simm.s32 @!p0 $0x0  }
0xc: {  	s17 =	simm.s32 $0xF0;
	s18 =	simm.s32 $0xFFFFFFFF;
	[tilespmem:$0x70] =	vst v1;
	s2 =	smulhi.u32 $0x10624DD3, s1  }
0xd: {  	s19 =	simm.s32 $0xFFFFC280;
	s20 =	simm.s32 $0xFFFFFFFE;
	s21 =	simm.s32 $0xF;
	[tilespmem:$0x80] =	vst v1  }
0xe: {  	s22 =	simm.s32 $0x30;
	s25 =	simm.s32 $0x0;
	v1 =	vimm.s32 $0x0;
	[tilespmem:$0xB0] =	vst v0;
	s2 =	sshrl.u32 s2, $0x9  }
0xf: {  	s24 =	simm.s32 $0x0;
	s15 =	sshllo.u32 s15, $0x1;
	[tilespmem:$0x90] =	vst v1;
	s10 =	smul.u32 $0x1F40, s2  }
.Ltmp0:
0x10: {  	s13 =	sor.u32 $0x80, s5;
	[tilespmem:$0xA0] =	vst v1;
	[sflag:s3] =	ssyncpa.u1 $0x0;
	(pc) =	sbr.rel .LBB2_1-.Ltmp0, $4  }
0x11: {  	s14 =	sor.u32 $0x81, s5;
	[sflag:s8] =	ssyncpa.u1 $0x0;
	p0 =	sne.s32 s1, s10  }
0x12: {  	[sflag:s9] =	ssyncpa.u1 $0x0;
	s23 =	smov.u32 s6;
	s0 =	simm.s32 @!p0 $0x0  }
0x13: {  	vm0 =	vmmov $0xffff;
	v2 =	vlaneseq.u32;
	[sflag:s31] =	ssyncpa.u1 $0x0;
	s1 =	sadd.s32 $0x58400, s11;
	s10 =	sadd.s32 s0, s2  }
0x14: {  	vm1 =	vmxor vm1, vm1;
	vm2 =	vmmov $0x1;
	vm3 =	vcmask $0x3F3C;
	p0 =	por $0x0, $0x0;
	s11 =	sadd.s32 $0x1, s10;
	s12 =	sadd.s32 $0x2, s10  }
.LBB2_9:
0x15: {  	p1 =	slt.u32 s24, $0x3  }
0x16: {  	s0 =	simm.s32 @!p1 $0x2  }
0x17: {  	_ =	swait.ge @!p1 [sflag:s0], $0x1F40  }
0x18: {  	[sflag:s0] =	ssyncset.done @!p1 $0x0  }
0x19: {  	[sflag:s0] =	ssyncadd.s32 @!p1 $0xFFFFE0C0;
	s0 =	simm.s32 @!p1 $0x9  }
0x1a: {  	_ =	swait.ge @!p1 [sflag:s0], $0x10  }
0x1b: {  	[sflag:s0] =	ssyncset.done @!p1 $0x0  }
0x1c: {  	[sflag:s0] =	ssyncadd.s32 @!p1 $0xFFFFFFF0;
	p1 =	sne.s32 s24, s12  }
.Ltmp1:
0x1d: {  	s2 =	sadd.s32 $0x1F40, s23;
	(pc) =	sbr.rel @!p1 .LBB2_10-.Ltmp1, $4  }
0x1e: {  	s3 =	smov.u32 s6;
	s31 =	sadd.s32 $0x1, s24;
	s17 =	sadd.s32 $0x1F40, s17  }
0x1f: {  	s18 =	sadd.s32 $0x1, s18;
	s25 =	smov.u32 s23;
	p2 =	slt.s32 s2, s7  }
0x20: {  	p0 =	por !p0, !p0;
	s19 =	sadd.s32 $0x1F40, s19;
	s3 =	smov.u32 @p2 s2  }
0x21: {  	s20 =	sadd.s32 $0x1, s20;
	s23 =	smov.u32 s3;
	s24 =	smov.u32 s31  }
.LBB2_1:
0x22: {  	p1 =	sge.u32 s24, s10  }
0x23: {  	s0 =	smulhi.u32 @!p1 $0xAAAAAAAB, s24;
	_ =	sdelay $0x1  }
0x24: {  	s0 =	sshrl.u32 @!p1 s0, $0x1  }
0x25: {  	s0 =	smul.u32 @!p1 $0x3, s0;
	_ =	sdelay $0x1  }
0x26: {  	s0 =	ssub.s32 @!p1 s24, s0  }
0x27: {  	s0 =	smul.u32 @!p1 $0x7D00, s0;
	_ =	sdelay $0x1  }
0x28: {  	s2 =	sshrl.u32 @!p1 s23, $0x3;
	s0 =	sshrl.u32 @!p1 s0, $0x2  }
0x29: {  	s3 =	sand.u32 @!p1 $0x7, s23;
	s2 =	sadd.s32 @!p1 s4, s2;
	s0 =	sadd.s32 @!p1 $0x100, s0  }
0x2a: {  	[tilespmem:s0], [sflag:$0x7] =	stream.linear.gather @!p1 [hbm4b:s2+s3], $0x1F40, $0x38;
	[tilespmem:$0x11A60] =	vst v63  }
0x2b: {  	s0 =	sadd.s32 $0xFFFFFFFF, s24  }
0x2c: {  	p1 =	sge.u32 s0, s10  }
.Ltmp2:
0x2d: {  	_ = 	snop;
	(pc) =	sbr.rel @p1 .LBB2_5-.Ltmp2, $1  }
0x2e: {  	_ =	sdelay $0x3  }
0x2f: {  	s2 =	smulhi.u32 $0xAAAAAAAB, s0;
	_ =	sdelay $0x1  }
0x30: {  	s2 =	sshrl.u32 s2, $0x1  }
0x31: {  	s2 =	smul.u32 $0x3, s2;
	_ =	sdelay $0x1  }
0x32: {  	s2 =	ssub.s32 s0, s2  }
0x33: {  	s2 =	smul.u32 $0x7D00, s2  }
0x34: {  	_ =	swait.ge [sflag:s8], $0x1F40  }
0x35: {  	[sflag:s8] =	ssyncset.done $0x0;
	s2 =	sshrl.u32 s2, $0x2  }
0x36: {  	[sflag:s8] =	ssyncadd.s32 $0xFFFFE0C0;
	(ifvalue) =	ssetifvalue $0xFFFFFFFF;
	v3 =	vld.msk [tilespmem:s2+$0x100 ss:$0x1], $0xffff;
	_ =	sdelay $0x2  }
0x37: {  	s30 =	smulhi.u32 $0xAAAAAAAB, s18;
	p1 =	sne.s32 s24, $0x1  }
0x38: {  	v4 =	vimm.s32 @!p1 $0x0  }
0x39: {  	s2 =	sshrl.u32 s30, $0x1;
	v4 =	vperm.xlane @!p1 v3, v4  }
0x3a: {  	s3 =	sshll.u32 s24, $0x4;
	s2 =	smul.u32 $0xFFFE8900, s2;
	vm4 =	vlt.u32 v3, $0x2800  }
0x3b: {  	s3 =	sand.u32 $0x10, s3;
	v3 =	vnsel vm4, $0xFFFFFFFE, v3;
	vm4 =	vlt.u32 @!p1 v4, $0x2800  }
0x3c: {  	s2 =	sshra.s32 s2, $0x2;
	[tilespmem:s3+$0x60] =	vst v3;
	v3 =	vnsel @!p1 vm4, $0xFFFFFFFE, v4  }
0x3d: {  	s28 =	sadd.s32 s2, s17;
	[tilespmem:$0x80] =	vst @!p1 v3  }
0x3e: {  	v3 =	vld.msk [tilespmem:s28+$0x0 ss:$0x1], $0xffff;
	_ =	sdelay $0x4  }
0x3f: {  	(xrf1) =	vunique.msk.u32 $0xffff, v3;
	_ =	sdelay $0xd  }
0x40: {  	v4 =	vimm.s32 $0xFFFFFFFF;
	v5, _, _ =	vpop (xrf1)  }
0x41: {  	vm5 =	vne.s32 v3, v4;
	vm4 =	veq.s32 v5, v2  }
0x42: {  	vm6 =	vlt.u32 v3, $0x2800;
	vm4 =	vmand vm5, vm4  }
0x43: {  	vm4 =	vmand vm6, vm4  }
0x44: {  	v4 =	vnsel vm4, $0xFFFFFFFF, v3  }
0x45: {  	s31 =	sand.u32 $0x1, s0  }
0x46: {  	s0 =	simm.s32 $0x1F40;
	p1 =	seq.s32 s31, $0x1  }
0x47: {  	s0 =	simm.s32 @!p1 $0x0  }
0x48: {  	s26 =	sadd.s32 $0x7DF0, s0;
	(ifvalue) =	ssetifvalue $0xFFFFFFFF  }
0x49: {  	v3 =	vperm.xlane v3, v1;
	[tilespmem:s26], [sflag:$0x8] =	stream.indirect_vreg.gather [hbm4b:s1+s16], $0x1, v4, vm0, $0x4038;
	v4 =	vnsel vm6, $0xFFFFFFFE, v4;
	[tilespmem:$0x11A60] =	vst v63  }
0x4a: {  	s2 =	simm.s32 $0x0;
	s3 =	sadd.s32 $0xFFFFFFF0, s28;
	[tilespmem:s28+$0x0] =	vst v4  }
.LBB2_3:
0x4b: {  	v4 =	vld.msk [tilespmem:s3+$0x0 ss:$0x1], $0xffff;
	s2 =	sadd.s32 $0x10, s2;
	v5 =	vmov v3;
	s28 =	smov.u32 s3  }
0x4c: {  	p1 =	slt.u32 s2, $0x1F30;
	_ =	sdelay $0x4  }
0x4d: {  	v3 =	vperm.xlane v4, v1;
	(xrf1) =	vunique.msk.u32 $0xffff, v4;
	_ =	sdelay $0xd  }
0x4e: {  	v6, _, _ =	vpop (xrf1)  }
0x4f: {  	vm5 =	vne.s32 v4, v5;
	vm4 =	veq.s32 v6, v2  }
0x50: {  	vm6 =	vlt.u32 v4, $0x2800;
	vm4 =	vmand vm5, vm4  }
0x51: {  	vm4 =	vmand vm6, vm4  }
0x52: {  	v4 =	vnsel vm4, $0xFFFFFFFF, v4  }
.Ltmp3:
0x53: {  	v5 =	vnsel vm6, $0xFFFFFFFE, v4;
	(pc) =	sbr.rel @p1 .LBB2_3-.Ltmp3, $3  }
0x54: {  	_ =	sdelay $0x1  }
0x55: {  	s3 =	sadd.s32 $0xFFFFFFF0, s3;
	s26 =	sadd.s32 $0xFFFFFFF0, s26;
	(ifvalue) =	ssetifvalue $0xFFFFFFFF  }
0x56: {  	[tilespmem:s26], [sflag:$0x8] =	stream.indirect_vreg.gather [hbm4b:s1+s16], $0x1, v4, vm0, $0x4038;
	[tilespmem:s28+$0x0] =	vst v5  }
0x57: {  	s2 =	sshrl.u32 s25, $0x3;
	s3 =	rddreg [dreg:$0x0]  }
0x58: {  	s0 =	sadd.s32 $0x9D40, s0;
	s2 =	sadd.s32 s3, s2  }
0x59: {  	[tilespmem:s0], [sflag:$0x8] =	stream.linear.gather [hbm:s2], $0x1F40, $0x38;
	[tilespmem:$0x11A60] =	vst v63  }
.LBB2_5:
0x5a: {  	p1 =	slt.u32 s24, $0x2  }
0x5b: {  	p2 =	sge.u32 @!p1 s24, s12  }
0x5c: {  	p1 =	por p1, p2  }
.Ltmp4:
0x5d: {  	_ = 	snop;
	(pc) =	sbr.rel @p1 .LBB2_9-.Ltmp4, $1  }
0x5e: {  	_ =	sdelay $0x3  }
0x5f: {  	s0 =	sadd.s32 $0xFFFFFFFE, s24  }
0x60: {  	s2 =	smulhi.u32 $0xAAAAAAAB, s0;
	_ =	sdelay $0x1  }
0x61: {  	s2 =	sshrl.u32 s2, $0x1  }
0x62: {  	s2 =	smul.u32 $0x3, s2;
	_ =	sdelay $0x1  }
0x63: {  	s0 =	ssub.s32 s0, s2  }
0x64: {  	_ =	swait.ge [sflag:s9], $0x3E80;
	s0 =	smul.u32 $0x1F40, s0  }
0x65: {  	p1 =	sne.s32 s24, s11;
	[sflag:s9] =	ssyncset.done $0x0  }
0x66: {  	[sflag:s9] =	ssyncadd.s32 $0xFFFFC180;
	s2 =	sadd.s32 @!p1 $0x203F, s0  }
0x67: {  	[spmem:s14] =	stream.linear.scatter @!p1 [tilespmem:s2], [sflag:$0x1], $0x1, $0x38;
	[tilespmem:$0x11A60] =	vst v63  }
0x68: {  	s2 =	simm.s32 @!p1 $0x1  }
0x69: {  	_ =	swait.ge @!p1 [sflag:s2], $0x1  }
0x6a: {  	s3 =	sshll.u32 s24, $0x4;
	[sflag:s2] =	ssyncset.done @!p1 $0x0  }
0x6b: {  	s25 =	sand.u32 $0x10, s3;
	[sflag:s2] =	ssyncadd.s32 @!p1 $0xFFFFFFFF  }
0x6c: {  	s2 =	sxor.u32 $0x10, s25;
	v4 =	vld [tilespmem:s25+$0x10]  }
0x6d: {  	v5 =	vld [tilespmem:s2+$0x60]  }
0x6e: {  	v3 =	vld [tilespmem:$0x80];
	_ =	sdelay $0x2  }
0x6f: {  	(v2sf) =	vpush v4, $0x0  }
0x70: {  	(v2sf) =	vpush v5, $0x0  }
0x71: {  	(v2sf) =	vpush v3, $0x0;
	_ =	sdelay $0xc  }
0x72: {  	s3 =	spop (v2sf)  }
0x73: {  	s26 =	spop (v2sf)  }
0x74: {  	s28 =	spop (v2sf)  }
0x75: {  	p2 =	seq.s32 s3, s26;
	p3 =	seq.s32 s28, s3  }
0x76: {  	p3 =	por p2, p3  }
0x77: {  	s26 =	sand.u32 $0x1, s24;
	v4 =	vpsel p3, $0xFFFFFFFF, v4  }
0x78: {  	s29 =	smul.u32 $0x1F40, s26;
	[tilespmem:s25+$0x10] =	vst.msk $0x1, v4  }
0x79: {  	v4 =	vld [tilespmem:$0x30]  }
0x7a: {  	v5 =	vld [tilespmem:s29+$0x9D40]  }
0x7b: {  	v6 =	vld [tilespmem:s25+$0x40];
	_ =	sdelay $0x3  }
0x7c: {  	vm4 =	vmmov vm1;
	v5 =	vadd.f32 v5, v4  }
0x7d: {  	vm5 =	vmmov vm2;
	vm4 =	vmmov @p2 vm2;
	s3 =	sshll.u32 s26, $0x4;
	v4 =	vadd.f32 v6, v4  }
0x7e: {  	s26 =	sor.u32 $0x11A40, s3;
	vm5 =	vmmov @p3 vm1;
	[tilespmem:s29+$0x9D40] =	vst.msk vm4, v5  }
0x7f: {  	[tilespmem:s26+$0x0] =	vst.msk vm5, v4  }
0x80: {  	v4 =	vld [tilespmem:s29+$0x7DF0];
	_ =	sdelay $0x3  }
0x81: {  	v5 =	vimm.f32 $0.0e+00  }
0x82: {  	v4 =	vshift.insert v4, v5, s21  }
0x83: {  	s3 =	sor.u32 $0x40, s2  }
0x84: {  	[tilespmem:s3+$0x0] =	vst.msk $0x1, v4  }
0x85: {  	[tilespmem:s29+$0x7DFF] =	vst.msk $0x1, v5  }
0x86: {  	v4 =	vld [tilespmem:s0+$0x2030];
	_ =	sdelay $0x1  }
0x87: {  	s3 =	smulhi.u32 $0xAAAAAAAB, s20;
	s0 =	simm.s32 $0x1  }
0x88: {  	s0 =	simm.s32 @!p0 $0x0  }
0x89: {  	s3 =	sshrl.u32 s3, $0x1;
	s0 =	smul.u32 $0x7D00, s0  }
0x8a: {  	s3 =	smul.u32 $0xFFFE8900, s3;
	v4 =	vshift.insert v4, v1, s21  }
0x8b: {  	s0 =	sshrl.u32 s0, $0x2  }
0x8c: {  	s3 =	sshra.s32 s3, $0x2;
	s30 =	sadd.s32 $0x9D40, s0;
	[tilespmem:s2+$0x10] =	vst.msk $0x1, v4  }
0x8d: {  	s3 =	sadd.s32 s3, s19;
	v6 =	vld [tilespmem:s30+$0x0]  }
0x8e: {  	v7 =	vld [tilespmem:s3+$0x0];
	_ =	sdelay $0x3  }
0x8f: {  	v5 =	vadd.f32 v6, v5  }
0x90: {  	vm4 =	vne.s32 v7, $0xFFFFFFFF  }
0x91: {  	(xrf2) =	vadd.seg.scan.f32 vm4, v5;
	_ =	sdelay $0x3  }
0x92: {  	s31 =	sadd.s32 $0x5EC0, s0;
	v5 =	vperm.xlane v4, v1  }
0x93: {  	v6 =	vld [tilespmem:s31+$0x0]  }
0x94: {  	vm5 =	veq.s32 v7, v3;
	vm6 =	veq.s32 v7, v5  }
0x95: {  	vm7 =	vgt.u32 v7, $0xFFFFFFFD;
	vm6 =	vmor vm6, vm5  }
0x96: {  	vm6 =	vmor vm6, vm7  }
0x97: {  	v9 =	vld [tilespmem:$0xA0];
	v7 =	vsel vm6, $0xFFFFFFFF, v7  }
0x98: {  	v10 =	vld [tilespmem:$0x90];
	v6 =	vsel vm5, $0x0, v6;
	v8, _, _ =	vpop (xrf2)  }
0x99: {  	v6 =	vadd.f32 v8, v6  }
0x9a: {  	s0 =	sadd.s32 $0xDBC0, s0  }
0x9b: {  	vm4 =	vmand vm4, vm3;
	[tilespmem:s0+$0x0] =	vst v6;
	(ifvalue) =	ssetifvalue $0xFFFFFFFF  }
0x9c: {  	vm6 =	veq.s32 v9, $0x1;
	[hbm4b:s1+s16] =	stream.indirect_vreg.scatter [tilespmem:s0], [sflag:$0x2], $0x1, v7, vm0, $0x4038;
	v7 =	vsel vm4, $0x0, v8;
	[tilespmem:$0x11A60] =	vst v63  }
0x9d: {  	s2 =	simm.s32 $0x0;
	s3 =	sadd.s32 $0x10, s3;
	vm4 =	vmor vm6, vm5;
	v6 =	vsel vm5, v8, v10;
	v7 =	vshift.insert v7, v0, s21  }
.LBB2_7:
0x9e: {  	v8 =	vld [tilespmem:s3+$0x0];
	s30 =	sadd.s32 $0x10, s30  }
0x9f: {  	s31 =	sadd.s32 $0x10, s31;
	v9 =	vld [tilespmem:s30+$0x0]  }
0xa0: {  	s2 =	sadd.s32 $0x10, s2;
	v10 =	vld [tilespmem:s31+$0x0]  }
0xa1: {  	p2 =	slt.u32 s2, $0x1F30;
	_ =	sdelay $0x2  }
0xa2: {  	v7 =	vadd.f32 v9, v7  }
0xa3: {  	vm5 =	vne.s32 v8, $0xFFFFFFFF  }
0xa4: {  	vm6 =	vmand vm5, vm3;
	(xrf2) =	vadd.seg.scan.f32 vm5, v7;
	_ =	sdelay $0x5  }
0xa5: {  	vm7 =	veq.s32 v8, v5;
	vm5 =	veq.s32 v8, v3  }
0xa6: {  	vm8 =	vgt.u32 v8, $0xFFFFFFFD;
	vm4 =	vmor vm4, vm5;
	vm7 =	vmor vm7, vm5  }
0xa7: {  	vm7 =	vmor vm7, vm8  }
0xa8: {  	v8 =	vsel vm7, $0xFFFFFFFF, v8  }
.Ltmp5:
0xa9: {  	v7 =	vsel vm5, $0x0, v10;
	v9, _, _ =	vpop (xrf2);
	(pc) =	sbr.rel @p2 .LBB2_7-.Ltmp5, $4  }
0xaa: {  	v6 =	vsel vm5, v9, v6;
	v10 =	vadd.f32 v9, v7;
	v7 =	vsel vm6, $0x0, v9  }
0xab: {  	s0 =	sadd.s32 $0x10, s0;
	v7 =	vshift.insert v7, v0, s21  }
0xac: {  	s3 =	sadd.s32 $0x10, s3;
	[tilespmem:s0+$0x0] =	vst v10;
	(ifvalue) =	ssetifvalue $0xFFFFFFFF  }
0xad: {  	[hbm4b:s1+s16] =	stream.indirect_vreg.scatter [tilespmem:s0], [sflag:$0x2], $0x1, v8, vm0, $0x4038;
	[tilespmem:$0x11A60] =	vst v63  }
0xae: {  	v3 =	vld [tilespmem:s29+$0xFAF0];
	_ =	sdelay $0x4  }
0xaf: {  	v3 =	vshift.insert v3, v0, s21;
	_ =	sdelay $0x1  }
0xb0: {  	[tilespmem:s22+$0x0] =	vst.msk $0x1, v3  }
0xb1: {  	v3 =	vsel vm4, $0x1, v1;
	[tilespmem:$0x90] =	vst v6  }
0xb2: {  	s0 =	sadd.s32 @!p1 $0xFAFF, s29;
	[tilespmem:$0xA0] =	vst v3  }
0xb3: {  	[spmem:s15] =	stream.linear.scatter @!p1 [tilespmem:s0], [sflag:$0x1], $0x1, $0x38;
	[tilespmem:$0x11A60] =	vst v63  }
0xb4: {  	s0 =	simm.s32 @!p1 $0x1  }
0xb5: {  	v3 =	vmctz.xlane @!p1 vm4;
	_ =	swait.ge @!p1 [sflag:s0], $0x1  }
0xb6: {  	(v2sf) =	vpush @!p1 v4, $0x0  }
0xb7: {  	(v2sf) =	vpush @!p1 v3, $0x0;
	_ =	sdelay $0xd  }
0xb8: {  	s2 =	spop @!p1 (v2sf)  }
0xb9: {  	s3 =	spop @!p1 (v2sf)  }
0xba: {  	p2 =	sne.s32 @!p1 s28, s2;
	p3 =	slt.s32 @!p1 s3, $0xF  }
0xbb: {  	[sflag:s0] =	ssyncset.done @!p1 $0x0;
	p2 =	por p2, p1;
	p3 =	por !p3, p1  }
0xbc: {  	[sflag:s0] =	ssyncadd.s32 @!p1 $0xFFFFFFFF;
	v3 =	vimm.s32 @!p2 $0xFFFFFFFF;
	s3 =	simm.s32 @p3 $0xF  }
0xbd: {  	[tilespmem:$0x80] =	vst @!p2 v3;
	s2 =	sadd.s32 @!p1 $0x90, s3  }
0xbe: {  	[spmem:s5] =	stream.linear.scatter @!p1 [tilespmem:s2], [sflag:$0x1], $0x1, $0x38;
	[tilespmem:$0x11A60] =	vst v63  }
0xbf: {  	_ =	swait.ge @!p1 [sflag:s0], $0x1  }
0xc0: {  	[sflag:s0] =	ssyncset.done @!p1 $0x0  }
0xc1: {  	s2 =	simm.s32 @!p1 $0x80;
	[sflag:s0] =	ssyncadd.s32 @!p1 $0xFFFFFFFF  }
0xc2: {  	[spmem:s13] =	stream.linear.scatter @!p1 [tilespmem:s2], [sflag:$0x1], $0x1, $0x38;
	[tilespmem:$0x11A60] =	vst v63  }
0xc3: {  	_ =	swait.ge @!p1 [sflag:s0], $0x1  }
0xc4: {  	[sflag:s0] =	ssyncset.done @!p1 $0x0  }
0xc5: {  	[sflag:s0] =	ssyncadd.s32 @!p1 $0xFFFFFFFF;
	(ifvalue) =	ssetifvalue $0xFFFFFFFF;
	v3 =	vld [tilespmem:s25+$0x10];
	_ =	sdelay $0x3  }
.Ltmp6:
0xc6: {  	_ = 	snop;
	(pc) =	sbr.rel .LBB2_9-.Ltmp6, $3  }
0xc7: {  	_ =	sdelay $0x1  }
0xc8: {  	(ifvalue) =	ssetifvalue $0xFFFFFFFF  }
0xc9: {  	[hbm4b:s1+s16] =	stream.indirect_vreg.scatter [tilespmem:s26], [sflag:$0x9], $0x1, v3, vm0, $0x4038;
	[tilespmem:$0x11A60] =	vst v63  }
.LBB2_10:
0xca: {  	_ =	sfence.sel $0x180000  }
0xcb: {  	s0 =	simm.s32 $0x7;
	[bflag:$0x0] =	sbarrier.arrive $0xFFFF  }
0xcc: {  	s26 =	simm.s32 $0x8;
	[sflag:s0] =	ssyncpa.u1 $0x1  }
0xcd: {  	s28 =	simm.s32 $0x9;
	[sflag:s26] =	ssyncpa.u1 $0x1  }
0xce: {  	[sflag:s28] =	ssyncpa.u1 $0x1  }
0xcf: {  	_ =	sfence.stream.spmem  }
0xd0: {  	s29 =	simm.s32 $0x3;
	[bflag:$0x0] =	sbarrier.arrive $0xFFFF  }
0xd1: {  	s30 =	simm.s32 $0x4;
	[sflag:s29] =	ssyncpa.u1 $0x1  }
0xd2: {  	s31 =	simm.s32 $0x3C;
	s2 =	stileid.u32;
	[sflag:s30] =	ssyncpa.u1 $0x1  }
0xd3: {  	p0 =	sne.s32 s2, $0x0;
	[sflag:s31] =	ssyncpa.u1 $0x1  }
0xd4: {  	s0 =	simm.s32 @p0 $0x1;
	_ =	sfence @p0  }
0xd5: {  	[sflag:s0] =	ssyncpa.u1 @p0 $0x1;
	s0 =	simm.s32 @p0 $0x2  }
0xd6: {  	[sflag:s0] =	ssyncpa.u1 @p0 $0x1  }
0xd7: {  	_ =	strace @p0 $0x9000005C  }
0xd8: {  	[bflag:$0x2] =	sbarrier.arrive @p0 $0xFFFF  }
0xd9: {  	_ =	shalt @p0  }
.LBB2_11:
0xda: {  	_ =	sfence.stream.spmem;
	s0 =	simm.s32 $0x5  }
0xdb: {  	s2 =	simm.s32 $0x80;
	s3 =	simm.s32 $0xC0;
	[sflag:s0] =	ssyncpa.u1 $0x0  }
0xdc: {  	[tilespmem:s3], [sflag:$0x5] =	stream.linear.gather [spmem:s2], $0x20, $0x38;
	[tilespmem:$0x11A60] =	vst v63  }
0xdd: {  	s2 =	simm.s32 $0x0;
	s3 =	simm.s32 $0xE0  }
0xde: {  	[tilespmem:s3], [sflag:$0x5] =	stream.linear.gather [spmem:s2], $0x20, $0x38;
	[tilespmem:$0x11A60] =	vst v63  }
.Ltmp7:
0xdf: {  	_ = 	snop;
	(pc) =	sbr.rel .LBB2_12-.Ltmp7, $4  }
0xe0: {  	_ =	swait.ge [sflag:s0], $0x40  }
0xe1: {  	[sflag:s0] =	ssyncset.done $0x0  }
0xe2: {  	s31 =	simm.s32 $0x6;
	[sflag:s0] =	ssyncadd.s32 $0xFFFFFFC0  }
0xe3: {  	s4 =	simm.s32 $0x0;
	[sflag:s31] =	ssyncpa.u1 $0x0  }
.LBB2_17:
0xe4: {  	p0 =	sgt.u32 s5, $0x27FF  }
0xe5: {  	s0 =	sshrl.u32 @!p0 s5, $0x3  }
0xe6: {  	s5 =	sand.u32 @!p0 $0x7, s5;
	s6 =	simm.s32 @!p0 $0xB0;
	s0 =	sadd.s32 @!p0 s1, s0  }
0xe7: {  	[tilespmem:s6], [sflag:$0x6] =	stream.linear.gather @!p0 [hbm4b:s0+s5], $0x1, $0x38;
	[tilespmem:$0x11A60] =	vst v63  }
0xe8: {  	s0 =	simm.s32 @!p0 $0x6  }
0xe9: {  	_ =	swait.ge @!p0 [sflag:s0], $0x1  }
0xea: {  	[sflag:s0] =	ssyncset.done @!p0 $0x0  }
0xeb: {  	[sflag:s0] =	ssyncadd.s32 @!p0 $0xFFFFFFFF  }
0xec: {  	v2 =	vmov @!p0 s4;
	v1 =	vld.msk @!p0 [tilespmem:$0xB0], $0x1;
	_ =	sdelay $0x3  }
0xed: {  	s0 =	simm.s32 @!p0 $0xE0  }
0xee: {  	[tilespmem:v2+s0+$0x0], v1 =	vst.idx.ret.add.f32.msk @!p0 $0x1, v1  }
0xef: {  	[tilespmem:s2+$0xC0] =	vst.msk $0x1, v0  }
0xf0: {  	v0 =	vld.msk [tilespmem:s4+$0xE0], $0x1;
	_ =	sdelay $0x4  }
0xf1: {  	[tilespmem:s2+$0xE0] =	vst.msk $0x1, v0;
	s2 =	sadd.s32 $0x1, s2  }
.LBB2_19:
0xf2: {  	s4 =	sadd.s32 $0x1, s4  }
0xf3: {  	p0 =	sne.s32 s4, $0x20  }
.Ltmp8:
0xf4: {  	_ = 	snop;
	(pc) =	sbr.rel @!p0 .LBB2_20-.Ltmp8, $1  }
0xf5: {  	_ =	sdelay $0x3  }
.LBB2_12:
0xf6: {  	v0 =	vld.msk [tilespmem:s4+$0xC0], $0x1;
	_ =	sdelay $0x4  }
0xf7: {  	(v2sf) =	vpush v0, $0x0;
	_ =	sdelay $0xe  }
0xf8: {  	s5 =	spop (v2sf)  }
0xf9: {  	p0 =	seq.s32 s5, $0xFFFFFFFF  }
.Ltmp9:
0xfa: {  	_ = 	snop;
	(pc) =	sbr.rel @p0 .LBB2_19-.Ltmp9, $1  }
0xfb: {  	_ =	sdelay $0x3  }
0xfc: {  	p0 =	slt.s32 s2, $0x1  }
.Ltmp10:
0xfd: {  	_ = 	snop;
	(pc) =	sbr.rel @p0 .LBB2_17-.Ltmp10, $1  }
0xfe: {  	_ =	sdelay $0x3  }
0xff: {  	s0 =	simm.s32 $0xC0;
	p0 =	por $0x0, $0x0  }
0x100: {  	v1 =	vld.msk @!p0 [tilespmem:s0+$0x0], $0x1;
	_ =	sdelay $0x4  }
0x101: {  	(v2sf) =	vpush @!p0 v1, $0x0;
	_ =	sdelay $0xd  }
0x102: {  	p2 =	sne.s32 s2, $0x1  }
.Ltmp11:
0x103: {  	s6 =	spop @!p0 (v2sf);
	(pc) =	sbr.rel @!p2 .LBB2_16-.Ltmp11, $4  }
0x104: {  	p1 =	seq.s32 @!p0 s5, s6  }
0x105: {  	s6 =	simm.s32 $0x0;
	p1 =	por !p1, p0  }
0x106: {  	s8 =	simm.s32 $0xFFFFFFFF;
	s6 =	simm.s32 @p1 $0xFFFFFFFF  }
0x107: {  	s7 =	simm.s32 $0x1;
	s6 =	smov.u32 @p0 s8  }
.LBB2_15:
0x108: {  	s8 =	smov.u32 s6;
	p0 =	sne.s32 s6, $0xFFFFFFFF  }
0x109: {  	s0 =	sadd.s32 $0x1, s0;
	s6 =	smov.u32 s7;
	s7 =	sadd.s32 $0x1, s7  }
0x10a: {  	p1 =	sne.s32 s2, s7;
	v1 =	vld.msk @!p0 [tilespmem:s0+$0x0], $0x1;
	_ =	sdelay $0x4  }
0x10b: {  	(v2sf) =	vpush @!p0 v1, $0x0;
	_ =	sdelay $0xe  }
.Ltmp12:
0x10c: {  	s9 =	spop @!p0 (v2sf);
	(pc) =	sbr.rel @p1 .LBB2_15-.Ltmp12, $4  }
0x10d: {  	p2 =	seq.s32 @!p0 s5, s9  }
0x10e: {  	p2 =	por !p2, p0  }
0x10f: {  	s6 =	simm.s32 @p2 $0xFFFFFFFF  }
0x110: {  	s6 =	smov.u32 @p0 s8  }
.LBB2_16:
0x111: {  	p0 =	sne.s32 s6, $0xFFFFFFFF  }
.Ltmp13:
0x112: {  	_ = 	snop;
	(pc) =	sbr.rel @!p0 .LBB2_17-.Ltmp13, $1  }
0x113: {  	_ =	sdelay $0x3  }
0x114: {  	v0 =	vld.msk [tilespmem:s4+$0xE0], $0x1;
	v1 =	vmov s6  }
.Ltmp14:
0x115: {  	_ = 	snop;
	(pc) =	sbr.rel .LBB2_19-.Ltmp14, $2  }
0x116: {  	_ =	sdelay $0x2  }
0x117: {  	[tilespmem:v1+s3+$0x0], v0 =	vst.idx.ret.add.f32.msk $0x1, v0  }
.LBB2_20:
0x118: {  	p0 =	slt.s32 s2, $0x1  }
.Ltmp15:
0x119: {  	_ = 	snop;
	(pc) =	sbr.rel @p0 .LBB2_24-.Ltmp15, $3  }
0x11a: {  	_ =	sdelay $0x1  }
0x11b: {  	s0 =	simm.s32 $0x6  }
0x11c: {  	s3 =	simm.s32 $0x0;
	[sflag:s0] =	ssyncpa.u1 $0x1  }
0x11d: {  	s0 =	simm.s32 $0xC0  }
0x11e: {  	v0 =	vld.msk [tilespmem:s0+$0x0], $0x1;
	_ =	sdelay $0x4  }
0x11f: {  	(v2sf) =	vpush v0, $0x0;
	_ =	sdelay $0xe  }
0x120: {  	s2 =	sadd.s32 $0xFFFFFFFF, s2;
	s4 =	spop (v2sf)  }
0x121: {  	p1 =	sne.s32 s2, $0x0;
	p0 =	sgt.u32 s4, $0x27FF  }
.Ltmp16:
0x122: {  	s5 =	sshrl.u32 @!p0 s4, $0x3;
	(pc) =	sbr.rel @!p1 .LBB2_23-.Ltmp16, $4  }
0x123: {  	s0 =	simm.s32 $0xE0;
	s4 =	sand.u32 @!p0 $0x7, s4;
	s5 =	sadd.s32 @!p0 s1, s5  }
0x124: {  	[hbm4b:s5+s4] =	stream.linear.scatter @!p0 [tilespmem:s0], [sflag:$0x5], $0x1, $0x38;
	[tilespmem:$0x11A60] =	vst v63  }
0x125: {  	s5 =	simm.s32 $0x0  }
0x126: {  	s4 =	simm.s32 $0xC1;
	s5 =	simm.s32 @!p0 $0x4  }
.LBB2_22:
0x127: {  	v0 =	vld.msk [tilespmem:s4+$0x0], $0x1;
	s2 =	sadd.s32 $0xFFFFFFFF, s2;
	s3 =	sadd.s32 s3, s5  }
0x128: {  	p0 =	sne.s32 s2, $0x0;
	_ =	sdelay $0x3  }
0x129: {  	(v2sf) =	vpush v0, $0x0;
	_ =	sdelay $0xe  }
.Ltmp17:
0x12a: {  	s6 =	spop (v2sf);
	(pc) =	sbr.rel @p0 .LBB2_22-.Ltmp17, $4  }
0x12b: {  	s5 =	simm.s32 $0x0;
	p1 =	sgt.u32 s6, $0x27FF  }
0x12c: {  	s0 =	sadd.s32 $0x1, s0;
	s5 =	simm.s32 @!p1 $0x4;
	s7 =	sshrl.u32 @!p1 s6, $0x3  }
0x12d: {  	s4 =	sadd.s32 $0x1, s4;
	s6 =	sand.u32 @!p1 $0x7, s6;
	s7 =	sadd.s32 @!p1 s1, s7  }
0x12e: {  	[hbm4b:s7+s6] =	stream.linear.scatter @!p1 [tilespmem:s0], [sflag:$0x5], $0x1, $0x38;
	[tilespmem:$0x11A60] =	vst v63  }
.LBB2_23:
0x12f: {  	s0 =	sadd.s32 s3, s5  }
0x130: {  	s3 =	sshrl.u32 s0, $0x2  }
.LBB2_24:
0x131: {  	s0 =	simm.s32 $0x5  }
0x132: {  	_ =	swait.ge [sflag:s0], s3  }
0x133: {  	s1 =	ssub.s32 $0x0, s3;
	[sflag:s0] =	ssyncset.done $0x0  }
0x134: {  	[sflag:s0] =	ssyncadd.s32 s1  }
0x135: {  	[sflag:s0] =	ssyncpa.u1 $0x1  }
0x136: {  	s29 =	simm.s32 $0x1;
	_ =	sfence  }
0x137: {  	s30 =	simm.s32 $0x2;
	[sflag:s29] =	ssyncpa.u1 $0x1  }
0x138: {  	[sflag:s30] =	ssyncpa.u1 $0x1  }
0x139: {  	_ =	strace $0x9000005C  }
0x13a: {  	[bflag:$0x2] =	sbarrier.arrive $0xFFFF  }
0x13b: {  	s31 =	rddreg [dreg:$0x2]  }
0x13c: {  	s0 =	sadd.s32 $0x100000, s31  }
0x13d: {  	[sflag:s0] =	ssyncadd.tile.s32 $0x1;
	_ =	shalt  }
.Lfunc_end2:
_tile_overlayer_lowered:
.L_overlay_start_2:
0x13e: {  	(tag) =	ssettag $0x2  }
0x13f: {  	s0 =	rddreg [dreg:$0x0];
	s2 =	stileid.u32  }
0x140: {  	s1 =	rddreg [dreg:$0x1];
	p0 =	sne.s32 s2, $0x0  }
0x141: {  	s3 =	rddreg [dreg:$0x2];
	[bflag:$0x3] =	sbarrier.arrive $0xFFFF;
	s2 =	simm.s32 @!p0 $0x1C01  }
0x142: {  	[timem:s3], [sflag:s2] =	dma.local @!p0 [hbm:s0], s1  }
0x143: {  	s0 =	simm.s32 @!p0 $0x1  }
0x144: {  	_ =	swait.ge @!p0 [sflag:s0], s1  }
0x145: {  	s1 =	ssub.s32 @!p0 $0x0, s1;
	[sflag:s0] =	ssyncset.done @!p0 $0x0  }
0x146: {  	[sflag:s0] =	ssyncadd.s32 @!p0 s1  }
0x147: {  	[bflag:$0x3] =	sbarrier.arrive $0xFFFF  }
0x148: {  	_ =	shalt  }

// kernel: scatter_offload_async_start
scs
__scs_entry_jumppad:
0x0: {  	(pc) =	sbr.rel $0x88, $3  }
0x1: {  	(tag) =	ssettag $0x0;
	lr =	simm.s32 $0x1  }
0x2: {  	[smem:$0x3F98] =	sst lr;
	_ =	strace $0xD0000000  }
0x3: {  	_ = 	snop  }
0x4: {  	_ = 	snop  }
0x5: {  	_ = 	snop  }
0x6: {  	_ = 	snop  }
0x7: {  	_ = 	snop  }
__scs_overlays_trampoline_lowered:
0x8: {  	[smem:$0x3FA7] =	sst s0  }
0x9: {  	[smem:$0x3FA8] =	sst s1  }
0xa: {  	[smem:$0x3FA9] =	sst s2  }
0xb: {  	[smem:$0x3FAA] =	sst s3  }
0xc: {  	[smem:$0x3FAB] =	sst s4  }
0xd: {  	[smem:$0x3FAC] =	sst s5  }
0xe: {  	[smem:$0x3FAD] =	sst s6  }
0xf: {  	[smem:$0x3FAE] =	sst s7  }
0x10: {  	[smem:$0x3FAF] =	sst s8  }
0x11: {  	[smem:$0x3FB0] =	sst s9;
	s0 =	simm.s32 @!p0 $0x0  }
0x12: {  	s1 =	sld [smem:$0x3F96];
	s0 =	simm.s32 @p0 $0x1  }
0x13: {  	[smem:$0x3FB1] =	sst s0;
	s0 =	simm.s32 @!p1 $0x0  }
0x14: {  	s2 =	sld [smem:$0x3F95];
	s0 =	simm.s32 @p1 $0x1  }
0x15: {  	[smem:$0x3FB2] =	sst s0;
	s0 =	simm.s32 @!p2 $0x0  }
0x16: {  	s3 =	sld [smem:$0x3FDB];
	s0 =	simm.s32 @p2 $0x1  }
0x17: {  	s4 =	simm.s32 $0x1BF5;
	[smem:$0x3FB4] =	sst s0  }
0x18: {  	s0 =	sld [smem:$0x3F97];
	_ =	swait.ge [sflag:s4], $0x0  }
0x19: {  	s7 =	sld [smem:$0x3F98]  }
0x1a: {  	s8 =	sadd.s32 $0xFFFFE003, lr  }
0x1b: {  	s9 =	sadd.s32 $0xFFFFFEF7, lr;
	s5 =	simm.s32 $0xFFFFFFFF;
	p2 =	slt.u32 s8, $0xFFFFF086  }
0x1c: {  	p1 =	slt.u32 s9, $0xF7A;
	s5 =	simm.s32 @!p2 $0x0  }
0x1d: {  	s5 =	simm.s32 @p1 $0x1;
	p0 =	seq.s32 s7, s2  }
0x1e: {  	s7 =	smul.u32 @!p0 $0xF7A, s2;
	p2 =	seq.s32 @!p0 s5, $0x0  }
0x1f: {  	s9 =	smul.u32 $0xF7A, s1;
	s8 =	simm.s32 @!p0 $0x1BF5;
	p2 =	por !p2, p0  }
0x20: {  	[sflag:s8] =	ssyncset.s32 @!p0 $0xFFFFF086;
	s6 =	sadd.s32 @!p0 s3, s7;
	s7 =	simm.s32 @!p0 $0x108  }
0x21: {  	s3 =	sadd.s32 s3, s9;
	s6 =	sadd.s32 @!p0 $0x88, s6;
	s7 =	simm.s32 @p2 $0x1082  }
0x22: {  	[simem:s7], [sflag:s8] =	dma.local @!p0 [hbm:s6], $0xF7A  }
0x23: {  	s9 =	sor.u32 $0xD0000000, s2;
	s6 =	simm.s32 $0x108;
	_ =	swait.ge @!p0 [sflag:s8], $0x0  }
0x24: {  	s3 =	sadd.s32 $0x88, s3;
	s6 =	simm.s32 @!p1 $0x1082;
	[sflag:s4] =	ssyncset.s32 $0xFFFFF086  }
0x25: {  	[simem:s6], [sflag:s4] =	dma.local [hbm:s3], $0xF7A  }
0x26: {  	[smem:$0x3F98] =	sst s1;
	(tag) =	ssettag s2;
	_ =	strace s9  }
0x27: {  	s1 =	sld [smem:$0x3FA8]  }
0x28: {  	s2 =	sld [smem:$0x3FA9]  }
0x29: {  	s4 =	sld [smem:$0x3FAB]  }
0x2a: {  	p0 =	seq.s32 s5, $0x0;
	s5 =	sld [smem:$0x3FAC]  }
0x2b: {  	s6 =	sld [smem:$0x3FAD]  }
0x2c: {  	s7 =	sld [smem:$0x3FAE]  }
0x2d: {  	s3 =	simm.s32 $0x108;
	s8 =	sld [smem:$0x3FAF]  }
0x2e: {  	s3 =	simm.s32 @!p0 $0x1082;
	s9 =	sld [smem:$0x3FB0]  }
0x2f: {  	lr =	sadd.s32 s0, s3;
	s0 =	sld [smem:$0x3FA7]  }
0x30: {  	s3 =	sld [smem:$0x3FAA]  }
0x31: {  	[smem:$0x3FB3] =	sst s10  }
0x32: {  	s10 =	sld [smem:$0x3FB1];
	_ =	sdelay $0x3  }
0x33: {  	p0 =	seq.s32 s10, $0x1;
	s10 =	sld [smem:$0x3FB3];
	_ =	sdelay $0x3  }
0x34: {  	[smem:$0x3FB3] =	sst s10  }
0x35: {  	s10 =	sld [smem:$0x3FB2];
	_ =	sdelay $0x3  }
0x36: {  	p1 =	seq.s32 s10, $0x1;
	s10 =	sld [smem:$0x3FB3];
	_ =	sdelay $0x3  }
0x37: {  	[smem:$0x3FB3] =	sst s10  }
0x38: {  	s10 =	sld [smem:$0x3FB4]  }
0x39: {  	_ = 	snop;
	(pc) =	sbr.ind lr, $3  }
0x3a: {  	_ = 	snop  }
0x3b: {  	_ = 	snop  }
0x3c: {  	p2 =	seq.s32 s10, $0x1;
	s10 =	sld [smem:$0x3FB3]  }
0x3d: {  	_ =	shalt  }
0x3e: {  	_ =	shalt  }
0x3f: {  	_ =	shalt  }
0x40: {  	_ =	shalt  }
0x41: {  	_ =	shalt  }
0x42: {  	_ =	shalt  }
0x43: {  	_ =	shalt  }
0x44: {  	_ =	shalt  }
0x45: {  	_ =	shalt  }
0x46: {  	_ =	shalt  }
0x47: {  	_ =	shalt  }
0x48: {  	_ =	shalt  }
0x49: {  	_ =	shalt  }
0x4a: {  	_ =	shalt  }
0x4b: {  	_ =	shalt  }
0x4c: {  	_ =	shalt  }
0x4d: {  	_ =	shalt  }
0x4e: {  	_ =	shalt  }
0x4f: {  	_ =	shalt  }
0x50: {  	_ =	shalt  }
0x51: {  	_ =	shalt  }
0x52: {  	_ =	shalt  }
0x53: {  	_ =	shalt  }
0x54: {  	_ =	shalt  }
0x55: {  	_ =	shalt  }
0x56: {  	_ =	shalt  }
0x57: {  	_ =	shalt  }
0x58: {  	_ =	shalt  }
0x59: {  	_ =	shalt  }
0x5a: {  	_ =	shalt  }
0x5b: {  	_ =	shalt  }
0x5c: {  	_ =	shalt  }
0x5d: {  	_ =	shalt  }
0x5e: {  	_ =	shalt  }
0x5f: {  	_ =	shalt  }
0x60: {  	_ =	shalt  }
0x61: {  	_ =	shalt  }
0x62: {  	_ =	shalt  }
0x63: {  	_ =	shalt  }
0x64: {  	_ =	shalt  }
0x65: {  	_ =	shalt  }
0x66: {  	_ =	shalt  }
0x67: {  	_ =	shalt  }
0x68: {  	_ =	shalt  }
0x69: {  	_ =	shalt  }
0x6a: {  	_ =	shalt  }
0x6b: {  	_ =	shalt  }
0x6c: {  	_ =	shalt  }
0x6d: {  	_ =	shalt  }
0x6e: {  	_ =	shalt  }
0x6f: {  	_ =	shalt  }
0x70: {  	_ =	shalt  }
0x71: {  	_ =	shalt  }
0x72: {  	_ =	shalt  }
0x73: {  	_ =	shalt  }
0x74: {  	_ =	shalt  }
0x75: {  	_ =	shalt  }
0x76: {  	_ =	shalt  }
0x77: {  	_ =	shalt  }
0x78: {  	_ =	shalt  }
0x79: {  	_ =	shalt  }
0x7a: {  	_ =	shalt  }
0x7b: {  	_ =	shalt  }
0x7c: {  	_ =	shalt  }
0x7d: {  	_ =	shalt  }
0x7e: {  	_ =	shalt  }
0x7f: {  	_ =	shalt  }
0x80: {  	_ =	shalt  }
0x81: {  	_ =	shalt  }
0x82: {  	_ =	shalt  }
0x83: {  	_ =	shalt  }
0x84: {  	_ =	shalt  }
0x85: {  	_ =	shalt  }
0x86: {  	_ =	shalt  }
0x87: {  	_ =	shalt  }
.Lfunc_end0:
.L_simem_size_0:
called_computation_lowered:
.L_overlay_start_0:
0x88: {  	s0 =	sld [smem:$0x3FD9]  }
0x89: {  	s1 =	sld [smem:$0x3FFE];
	_ =	sdelay $0x3  }
0x8a: {  	s0 =	sadd.s32 s1, s0  }
0x8b: {  	[smem:$0x3FBF] =	sst s0  }
0x8c: {  	_ = 	snop  }
0x8d: {  	(tm) =	ssettm $0x1  }
0x8e: {  	s14 =	sld [smem:$0x3FFB];
	_ =	sdelay $0x3  }
0x8f: {  	_ =	strace s14  }
0x90: {  	s0 =	sld [smem:$0x3FFC];
	_ =	sdelay $0x3  }
0x91: {  	_ =	strace s0  }
0x92: {  	s0 =	sld [smem:$0x3FFD];
	_ =	sdelay $0x3  }
0x93: {  	_ =	strace s0  }
0x94: {  	_ =	strace $0x8FFFFFFF  }
0x95: {  	s15 =	sld [smem:$0x3FDB];
	_ =	sdelay $0x1  }
0x96: {  	s16 =	simm.s32 $_scs_section_size  }
0x97: {  	s2 =	simm.s32 $_size__tile_overlayer_lowered;
	s3 =	simm.s32 $_tile_overlayer_lowered  }
0x98: {  	s4 =	simm.s32 $0x1BFF;
	s17 =	sshll.u32 s3, $0x1;
	s1 =	sadd.s32 s16, s15  }
0x99: {  	s18 =	simm.s32 $0x0;
	s2 =	sshll.u32 s2, $0x1;
	s3 =	sadd.s32 s17, s1  }
0x9a: {  	[timem:s18], [sflag:s4] =	dma.local [hbm:s3], s2  }
0x9b: {  	_ =	swait.ge [sflag:s4], s2  }
0x9c: {  	s2 =	ssub.s32 $0x0, s2;
	[sflag:s4] =	ssyncset.done $0x0  }
0x9d: {  	[sflag:s4] =	ssyncadd.s32 s2;
	_ =	sdelay $0x1  }
0x9e: {  	s19 =	simm.s32 $0x1B8B  }
0x9f: {  	_ =	swait.ge [sflag:s19], $0x1  }
0xa0: {  	[sflag:s19] =	ssyncset.done $0x0  }
0xa1: {  	s21 =	simm.s32 $0x1B8E;
	s20 =	sld [smem:$0x3FFE];
	[sflag:s19] =	ssyncadd.s32 $0xFFFFFFFF  }
0xa2: {  	s22 =	simm.s32 $execute0_lowered;
	[smem:$0x3FD2] =	sst s21  }
0xa3: {  	s3 =	sshll.u32 s22, $0x1;
	_ =	strace $0x8000004F;
	[dreg:$0x1] =	wrdreg $0xFFFFFFFF  }
0xa4: {  	s23 =	simm.s32 $_size_execute0_lowered;
	s3 =	sadd.s32 s1, s3;
	[dreg:$0x0] =	wrdreg $0x0  }
0xa5: {  	s4 =	sshll.u32 s23, $0x1;
	[dreg:$0x2] =	wrdreg s3  }
0xa6: {  	[dreg:$0x3] =	wrdreg s4  }
0xa7: {  	[dreg:$0x4] =	wrdreg $0xC0  }
0xa8: {  	s24 =	simm.s32 $execute1_lowered;
	_ =	task [dreg:s18], $0x5FFFF  }
0xa9: {  	s3 =	sshll.u32 s24, $0x1;
	[dreg:$0x1] =	wrdreg $0xFFFFFFFF  }
0xaa: {  	s1 =	sadd.s32 s1, s3;
	[dreg:$0x0] =	wrdreg $0x60  }
0xab: {  	[dreg:$0x2] =	wrdreg s1  }
0xac: {  	[dreg:$0x3] =	wrdreg s20  }
0xad: {  	[dreg:$0x4] =	wrdreg $0x9  }
0xae: {  	_ =	task.clear_ibuf [dreg:s18], $0x5FFFF;
	_ =	strace $0x9000004F  }
0xaf: {  	s25 =	simm.s32 $0x9;
	_ =	strace $0x80000051  }
0xb0: {  	_ =	swait.ge [sflag:s25], $0x1  }
0xb1: {  	[sflag:s25] =	ssyncadd.s32 $0xFFFFFFFF  }
0xb2: {  	_ =	strace $0x90000051  }
0xb3: {  	_ =	strace $0x80000052;
	[dreg:$0x1] =	wrdreg $0xFFFFFFFF  }
0xb4: {  	[dreg:$0x0] =	wrdreg $0x2030  }
0xb5: {  	[dreg:$0x2] =	wrdreg s20  }
0xb6: {  	[dreg:$0x3] =	wrdreg $0xA  }
0xb7: {  	_ =	task.clear_ibuf [dreg:s18], $0x4FFFF;
	_ =	strace $0x90000052  }
0xb8: {  	s26 =	simm.s32 $0xA;
	_ =	strace $0x80000054  }
0xb9: {  	_ =	swait.ge [sflag:s26], $0x1  }
0xba: {  	[sflag:s26] =	ssyncadd.s32 $0xFFFFFFFF  }
0xbb: {  	_ =	strace $0x90000054  }
0xbc: {  	_ =	sfence  }
0xbd: {  	s28 =	sld [smem:$0x0];
	_ =	sdelay $0x1  }
0xbe: {  	s29 =	srdreg.scid  }
0xbf: {  	s30 =	sshll.u32 s29, $0xD;
	s31 =	sshrl.u32 s29, $0x2  }
0xc0: {  	s2 =	sand.u32 $0x1, s29;
	s3 =	sand.u32 $0x4000, s30;
	s1 =	sadd.s32 s31, s28  }
0xc1: {  	s2 =	sor.u32 s3, s2;
	s1 =	sshll.u32 s1, $0x11  }
0xc2: {  	s1 =	sor.u32 s1, s2  }
0xc3: {  	s1 =	sadd.s32 $0x8F2B, s1  }
0xc4: {  	[sflag:s1] =	ssyncadd.remote.s32 $0x1  }
0xc5: {  	_ =	sfence.sel $0xFFFF  }
0xc6: {  	[dreg:$0x0] =	wrdreg $0xFFFFFFFF;
	(pc) =	sbr.abs _section_cstart, $3  }
0xc7: {  	[dreg:$0x1] =	wrdreg $0xFFFFFFFF  }
0xc8: {  	_ =	task.clear_ibuf [dreg:s18], $0x2FFFF;
	_ =	strace $0x9FFFFFFF  }
0xc9: {  	(tm) =	ssettm $0x7FFFFFFF  }
tec
execute0_lowered:
.L_overlay_start_1:
0x0: {  	(tag) =	ssettag $0x1  }
0x1: {  	s2 =	rddreg [dreg:$0x0]  }
0x2: {  	s4 =	rddreg [dreg:$0x1]  }
0x3: {  	s0 =	rddreg [dreg:$0x2];
	s3 =	stileid.u32  }
0x4: {  	[bflag:$0x3] =	sbarrier.arrive $0xFFFF;
	s1 =	simm.s32 $_size_execute1_lowered;
	p0 =	sne.s32 s3, $0x0  }
0x5: {  	s1 =	sshll.u32 s1, $0x1;
	s5 =	simm.s32 @!p0 $0x1C3F;
	s6 =	simm.s32 @!p0 $0x4060  }
0x6: {  	[timem:s6], [sflag:s5] =	dma.local @!p0 [hbm:s2], s1  }
0x7: {  	s2 =	smul.u32 $0x280, s3  }
.Ltmp0:
0x8: {  	s31 =	simm.s32 $0x2;
	s7 =	simm.s32 $0x280;
	(pc) =	sbr.rel .LBB2_1-.Ltmp0, $4  }
0x9: {  	s8 =	simm.s32 $0x780;
	s10 =	simm.s32 $0x0;
	s9 =	simm.s32 $0x0  }
0xa: {  	s3 =	simm.s32 $0x1;
	_ =	strace $0x80000050;
	s30 =	sshrl.u32 s2, $0x3  }
0xb: {  	s6 =	simm.s32 $0x0;
	[sflag:s3] =	ssyncpa.u1 $0x0;
	s5 =	sadd.s32 s30, s4  }
0xc: {  	s4 =	sadd.s32 $0xF27000, s4;
	[sflag:s31] =	ssyncpa.u1 $0x0;
	s5 =	sadd.s32 $0x58400, s5  }
.LBB2_8:
0xd: {  	p1 =	seq.s32 s9, $0x2  }
.Ltmp1:
0xe: {  	_ = 	snop;
	(pc) =	sbr.rel @p1 .LBB2_10-.Ltmp1, $1  }
0xf: {  	_ =	sdelay $0x3  }
.LBB2_9:
0x10: {  	s9 =	sadd.s32 $0x1, s9;
	s10 =	smov.u32 s2  }
.LBB2_1:
0x11: {  	p1 =	sne.s32 s9, $0x0  }
.Ltmp2:
0x12: {  	_ = 	snop;
	(pc) =	sbr.rel @!p1 .LBB2_2-.Ltmp2, $1  }
0x13: {  	_ =	sdelay $0x3  }
0x14: {  	s11 =	sand.u32 $0x1, s9  }
0x15: {  	p1 =	seq.s32 s11, $0x0  }
.Ltmp3:
0x16: {  	_ = 	snop;
	(pc) =	sbr.rel @p1 .LBB2_8-.Ltmp3, $1  }
0x17: {  	_ =	sdelay $0x3  }
0x18: {  	_ =	swait.ge [sflag:s3], $0x280  }
0x19: {  	[sflag:s3] =	ssyncset.done $0x0  }
0x1a: {  	s11 =	simm.s32 $0x0;
	p1 =	por $0x1, $0x1;
	[sflag:s3] =	ssyncadd.s32 $0xFFFFFD80  }
.LBB2_5:
0x1b: {  	v0 =	vld [tilespmem:s11+$0x280]  }
0x1c: {  	v1 =	vld [tilespmem:s11+$0x290]  }
0x1d: {  	v2 =	vld [tilespmem:s11+$0x2A0]  }
0x1e: {  	v3 =	vld [tilespmem:s11+$0x2B0]  }
0x1f: {  	v4 =	vld [tilespmem:s11+$0x2C0]  }
0x20: {  	v53 =	vld [tilespmem:s11+$0x2D0];
	[tilespmem:s11+$0x780] =	vst v0  }
0x21: {  	v54 =	vld [tilespmem:s11+$0x2E0];
	[tilespmem:s11+$0x790] =	vst v1  }
0x22: {  	v55 =	vld [tilespmem:s11+$0x2F0];
	[tilespmem:s11+$0x7A0] =	vst v2  }
0x23: {  	v56 =	vld [tilespmem:s11+$0x300];
	[tilespmem:s11+$0x7B0] =	vst v3  }
0x24: {  	v57 =	vld [tilespmem:s11+$0x310];
	[tilespmem:s11+$0x7C0] =	vst v4  }
0x25: {  	v58 =	vld [tilespmem:s11+$0x320];
	[tilespmem:s11+$0x7D0] =	vst v53  }
0x26: {  	v59 =	vld [tilespmem:s11+$0x330];
	[tilespmem:s11+$0x7E0] =	vst v54  }
0x27: {  	v60 =	vld [tilespmem:s11+$0x340];
	[tilespmem:s11+$0x7F0] =	vst v55  }
0x28: {  	v61 =	vld [tilespmem:s11+$0x350];
	[tilespmem:s11+$0x800] =	vst v56  }
0x29: {  	v62 =	vld [tilespmem:s11+$0x360];
	[tilespmem:s11+$0x810] =	vst v57  }
0x2a: {  	v63 =	vld [tilespmem:s11+$0x370];
	p2 =	por p1, p1;
	[tilespmem:s11+$0x820] =	vst v58  }
.Ltmp4:
0x2b: {  	[tilespmem:s11+$0x830] =	vst v59;
	(pc) =	sbr.rel @p2 .LBB2_5-.Ltmp4, $4  }
0x2c: {  	[tilespmem:s11+$0x840] =	vst v60  }
0x2d: {  	[tilespmem:s11+$0x850] =	vst v61  }
0x2e: {  	s12 =	simm.s32 $0x1F0;
	s13 =	simm.s32 $0x980;
	[tilespmem:s11+$0x860] =	vst v62  }
0x2f: {  	s14 =	simm.s32 $0x480;
	p1 =	por $0x0, $0x0;
	[tilespmem:s11+$0x870] =	vst v63;
	s11 =	simm.s32 $0x100  }
.LBB2_6:
0x30: {  	s12 =	sadd.s32 $0x10, s12  }
0x31: {  	v0 =	vld [tilespmem:s14+$0x0];
	p1 =	slt.u32 s12, $0x270  }
.Ltmp5:
0x32: {  	_ = 	snop;
	(pc) =	sbr.rel @p1 .LBB2_6-.Ltmp5, $2  }
0x33: {  	_ =	sdelay $0x2  }
0x34: {  	s14 =	sadd.s32 $0x10, s14;
	[tilespmem:s13+$0x0] =	vst v0;
	s13 =	sadd.s32 $0x10, s13  }
.Ltmp6:
0x35: {  	(pc) =	sbr.rel .LBB2_8-.Ltmp6, $4  }
0x36: {  	_ = 	snop  }
0x37: {  	s10 =	sshrl.u32 s10, $0x3  }
0x38: {  	s10 =	sadd.s32 s4, s10  }
0x39: {  	[hbm4b:s10+s6] =	stream.linear.scatter [tilespmem:s8], [sflag:$0x2], $0x280, $0x38;
	[tilespmem:$0xA00] =	vst v63  }
.LBB2_2:
.Ltmp7:
0x3a: {  	(pc) =	sbr.rel .LBB2_9-.Ltmp7, $2  }
0x3b: {  	_ =	sdelay $0x2  }
0x3c: {  	[tilespmem:s7], [sflag:$0x1] =	stream.linear.gather [hbm4b:s5+s6], $0x280, $0x38;
	[tilespmem:$0xA00] =	vst v63  }
.LBB2_10:
0x3d: {  	s2 =	simm.s32 $0x2  }
0x3e: {  	_ =	swait.ge [sflag:s2], $0x280  }
0x3f: {  	[sflag:s2] =	ssyncset.done $0x0  }
0x40: {  	[sflag:s2] =	ssyncadd.s32 $0xFFFFFD80  }
0x41: {  	_ =	sfence.sel $0x180000  }
0x42: {  	s3 =	simm.s32 $0x1;
	[bflag:$0x0] =	sbarrier.arrive $0xFFFF  }
0x43: {  	[sflag:s3] =	ssyncpa.u1 $0x1  }
0x44: {  	[sflag:s2] =	ssyncpa.u1 $0x1  }
0x45: {  	_ =	strace $0x90000050  }
0x46: {  	s0 =	sadd.s32 @!p0 $0x100000, s0;
	[bflag:$0x2] =	sbarrier.arrive $0xFFFF  }
0x47: {  	[sflag:s0] =	ssyncadd.tile.s32 @!p0 $0x1;
	s0 =	simm.s32 @!p0 $0x3F  }
0x48: {  	_ =	swait.ge @!p0 [sflag:s0], s1  }
0x49: {  	s1 =	ssub.s32 @!p0 $0x0, s1;
	[sflag:s0] =	ssyncset.done @!p0 $0x0  }
0x4a: {  	[sflag:s0] =	ssyncadd.s32 @!p0 s1  }
0x4b: {  	[bflag:$0x3] =	sbarrier.arrive $0xFFFF  }
0x4c: {  	_ =	shalt  }
.Lfunc_end2:
execute1_lowered:
.L_overlay_start_2:
0x4d: {  	(tag) =	ssettag $0x2  }
0x4e: {  	s0 =	rddreg [dreg:$0x0];
	_ =	strace $0x80000053;
	s15 =	stileid.u32  }
0x4f: {  	s2 =	simm.s32 $0x1;
	s1 =	smin.u32 s15, $0x8;
	s3 =	sshll.u32 s15, $0x1  }
0x50: {  	v1 =	vimm.s32 $0xFFFFFFFF;
	[sflag:s2] =	ssyncpa.u1 $0x0;
	s1 =	sadd.s32 s1, s3  }
0x51: {  	p0 =	slt.u32 s15, $0x8;
	[tilespmem:$0x10] =	vst v1;
	s4 =	smul.u32 $0x1F40, s1;
	s1 =	simm.s32 $0x5DC0  }
0x52: {  	v0 =	vimm.f32 $0.0e+00;
	[tilespmem:$0x20] =	vst v1;
	s1 =	simm.s32 @!p0 $0x3E80  }
0x53: {  	[tilespmem:$0x30] =	vst v0;
	s1 =	sadd.s32 s1, s4  }
0x54: {  	[tilespmem:$0x40] =	vst v0;
	s5 =	smin.u32 s1, $0x4E200  }
0x55: {  	s7 =	simm.s32 $0x2;
	s8 =	simm.s32 $0x8;
	[tilespmem:$0x50] =	vst v0;
	s9 =	ssub.s32 s5, s4  }
0x56: {  	s31 =	simm.s32 $0x9;
	s16 =	simm.s32 $0x0;
	[tilespmem:$0x60] =	vst v1;
	p0 =	sgt.s32 s9, $0x0  }
0x57: {  	s17 =	simm.s32 $0xF0;
	s18 =	simm.s32 $0xFFFFFFFF;
	[tilespmem:$0x70] =	vst v1;
	s9 =	simm.s32 @!p0 $0x0  }
0x58: {  	s19 =	simm.s32 $0xFFFFC280;
	s20 =	simm.s32 $0xFFFFFFFE;
	[tilespmem:$0x80] =	vst v1;
	s30 =	smulhi.u32 $0x10624DD3, s9  }
0x59: {  	s21 =	simm.s32 $0xF;
	s25 =	simm.s32 $0x0;
	s24 =	simm.s32 $0x0;
	v1 =	vimm.s32 $0x0;
	[tilespmem:$0xB0] =	vst v0  }
0x5a: {  	s6 =	sadd.s32 $0x62E00, s0;
	s15 =	sshllo.u32 s15, $0x1;
	[tilespmem:$0x90] =	vst v1;
	s10 =	sshrl.u32 s30, $0x9  }
0x5b: {  	[tilespmem:$0xA0] =	vst v1;
	[sflag:s7] =	ssyncpa.u1 $0x0;
	s7 =	simm.s32 $0x7;
	s11 =	smul.u32 $0x1F40, s10  }
.Ltmp8:
0x5c: {  	s13 =	sor.u32 $0x80, s3;
	[sflag:s7] =	ssyncpa.u1 $0x0;
	(pc) =	sbr.rel .LBB3_1-.Ltmp8, $4  }
0x5d: {  	s14 =	sor.u32 $0x81, s3;
	[sflag:s8] =	ssyncpa.u1 $0x0;
	p0 =	sne.s32 s9, s11  }
0x5e: {  	s23 =	smov.u32 s4;
	s1 =	sadd.s32 $0xF27000, s0;
	s2 =	simm.s32 @!p0 $0x0  }
0x5f: {  	vm0 =	vmmov $0xffff;
	v2 =	vlaneseq.u32;
	[sflag:s31] =	ssyncpa.u1 $0x0;
	s9 =	sadd.s32 $0xF1D200, s0;
	s10 =	sadd.s32 s2, s10  }
0x60: {  	vm1 =	vmxor vm1, vm1;
	vm2 =	vmmov $0x1;
	vm3 =	vcmask $0x3F3C;
	p0 =	por $0x0, $0x0;
	s11 =	sadd.s32 $0x1, s10;
	s12 =	sadd.s32 $0x2, s10  }
.LBB3_9:
0x61: {  	p1 =	slt.u32 s24, $0x3  }
0x62: {  	s0 =	simm.s32 @!p1 $0x2  }
0x63: {  	_ =	swait.ge @!p1 [sflag:s0], $0x1F40  }
0x64: {  	[sflag:s0] =	ssyncset.done @!p1 $0x0  }
0x65: {  	[sflag:s0] =	ssyncadd.s32 @!p1 $0xFFFFE0C0;
	s0 =	simm.s32 @!p1 $0x9  }
0x66: {  	_ =	swait.ge @!p1 [sflag:s0], $0x10  }
0x67: {  	[sflag:s0] =	ssyncset.done @!p1 $0x0  }
0x68: {  	[sflag:s0] =	ssyncadd.s32 @!p1 $0xFFFFFFF0;
	p1 =	sne.s32 s24, s12  }
.Ltmp9:
0x69: {  	s2 =	sadd.s32 $0x1F40, s23;
	(pc) =	sbr.rel @!p1 .LBB3_10-.Ltmp9, $4  }
0x6a: {  	s22 =	smov.u32 s4;
	s31 =	sadd.s32 $0x1, s24;
	s17 =	sadd.s32 $0x1F40, s17  }
0x6b: {  	s18 =	sadd.s32 $0x1, s18;
	s25 =	smov.u32 s23;
	p2 =	slt.s32 s2, s5  }
0x6c: {  	p0 =	por !p0, !p0;
	s19 =	sadd.s32 $0x1F40, s19;
	s22 =	smov.u32 @p2 s2  }
0x6d: {  	s20 =	sadd.s32 $0x1, s20;
	s23 =	smov.u32 s22;
	s24 =	smov.u32 s31  }
.LBB3_1:
0x6e: {  	p1 =	sge.u32 s24, s10  }
0x6f: {  	s0 =	smulhi.u32 @!p1 $0xAAAAAAAB, s24;
	_ =	sdelay $0x1  }
0x70: {  	s0 =	sshrl.u32 @!p1 s0, $0x1  }
0x71: {  	s0 =	smul.u32 @!p1 $0x3, s0;
	_ =	sdelay $0x1  }
0x72: {  	s0 =	ssub.s32 @!p1 s24, s0  }
0x73: {  	s0 =	smul.u32 @!p1 $0x7D00, s0;
	_ =	sdelay $0x1  }
0x74: {  	s2 =	sshrl.u32 @!p1 s23, $0x3;
	s0 =	sshrl.u32 @!p1 s0, $0x2  }
0x75: {  	s22 =	sand.u32 @!p1 $0x7, s23;
	s2 =	sadd.s32 @!p1 s6, s2;
	s0 =	sadd.s32 @!p1 $0x100, s0  }
0x76: {  	[tilespmem:s0], [sflag:$0x7] =	stream.linear.gather @!p1 [hbm4b:s2+s22], $0x1F40, $0x38;
	[tilespmem:$0x11A60] =	vst v63  }
0x77: {  	s0 =	sadd.s32 $0xFFFFFFFF, s24  }
0x78: {  	p1 =	sge.u32 s0, s10  }
.Ltmp10:
0x79: {  	_ = 	snop;
	(pc) =	sbr.rel @p1 .LBB3_5-.Ltmp10, $1  }
0x7a: {  	_ =	sdelay $0x3  }
0x7b: {  	s2 =	smulhi.u32 $0xAAAAAAAB, s0;
	_ =	sdelay $0x1  }
0x7c: {  	s2 =	sshrl.u32 s2, $0x1  }
0x7d: {  	s2 =	smul.u32 $0x3, s2;
	_ =	sdelay $0x1  }
0x7e: {  	s2 =	ssub.s32 s0, s2  }
0x7f: {  	s2 =	smul.u32 $0x7D00, s2  }
0x80: {  	_ =	swait.ge [sflag:s7], $0x1F40  }
0x81: {  	[sflag:s7] =	ssyncset.done $0x0;
	s2 =	sshrl.u32 s2, $0x2  }
0x82: {  	[sflag:s7] =	ssyncadd.s32 $0xFFFFE0C0;
	(ifvalue) =	ssetifvalue $0xFFFFFFFF;
	v3 =	vld.msk [tilespmem:s2+$0x100 ss:$0x1], $0xffff;
	_ =	sdelay $0x2  }
0x83: {  	s30 =	smulhi.u32 $0xAAAAAAAB, s18;
	p1 =	sne.s32 s24, $0x1  }
0x84: {  	v4 =	vimm.s32 @!p1 $0x0  }
0x85: {  	s2 =	sshrl.u32 s30, $0x1;
	v4 =	vperm.xlane @!p1 v3, v4  }
0x86: {  	s22 =	sshll.u32 s24, $0x4;
	s2 =	smul.u32 $0xFFFE8900, s2;
	vm4 =	vlt.u32 v3, $0x2800  }
0x87: {  	s22 =	sand.u32 $0x10, s22;
	v3 =	vnsel vm4, $0xFFFFFFFE, v3;
	vm4 =	vlt.u32 @!p1 v4, $0x2800  }
0x88: {  	s2 =	sshra.s32 s2, $0x2;
	[tilespmem:s22+$0x60] =	vst v3;
	v3 =	vnsel @!p1 vm4, $0xFFFFFFFE, v4  }
0x89: {  	s28 =	sadd.s32 s2, s17;
	[tilespmem:$0x80] =	vst @!p1 v3  }
0x8a: {  	v3 =	vld.msk [tilespmem:s28+$0x0 ss:$0x1], $0xffff;
	_ =	sdelay $0x4  }
0x8b: {  	(xrf1) =	vunique.msk.u32 $0xffff, v3;
	_ =	sdelay $0xd  }
0x8c: {  	v4 =	vimm.s32 $0xFFFFFFFF;
	v5, _, _ =	vpop (xrf1)  }
0x8d: {  	vm5 =	vne.s32 v3, v4;
	vm4 =	veq.s32 v5, v2  }
0x8e: {  	vm6 =	vlt.u32 v3, $0x2800;
	vm4 =	vmand vm5, vm4  }
0x8f: {  	vm4 =	vmand vm6, vm4  }
0x90: {  	v4 =	vnsel vm4, $0xFFFFFFFF, v3  }
0x91: {  	s31 =	sand.u32 $0x1, s0  }
0x92: {  	s0 =	simm.s32 $0x1F40;
	p1 =	seq.s32 s31, $0x1  }
0x93: {  	s0 =	simm.s32 @!p1 $0x0  }
0x94: {  	s26 =	sadd.s32 $0x7DF0, s0;
	(ifvalue) =	ssetifvalue $0xFFFFFFFF  }
0x95: {  	v3 =	vperm.xlane v3, v1;
	[tilespmem:s26], [sflag:$0x8] =	stream.indirect_vreg.gather [hbm4b:s1+s16], $0x1, v4, vm0, $0x4038;
	v4 =	vnsel vm6, $0xFFFFFFFE, v4;
	[tilespmem:$0x11A60] =	vst v63  }
0x96: {  	s2 =	simm.s32 $0x0;
	s22 =	sadd.s32 $0xFFFFFFF0, s28;
	[tilespmem:s28+$0x0] =	vst v4  }
.LBB3_3:
0x97: {  	v4 =	vld.msk [tilespmem:s22+$0x0 ss:$0x1], $0xffff;
	s2 =	sadd.s32 $0x10, s2;
	v5 =	vmov v3;
	s28 =	smov.u32 s22  }
0x98: {  	p1 =	slt.u32 s2, $0x1F30;
	_ =	sdelay $0x4  }
0x99: {  	v3 =	vperm.xlane v4, v1;
	(xrf1) =	vunique.msk.u32 $0xffff, v4;
	_ =	sdelay $0xd  }
0x9a: {  	v6, _, _ =	vpop (xrf1)  }
0x9b: {  	vm5 =	vne.s32 v4, v5;
	vm4 =	veq.s32 v6, v2  }
0x9c: {  	vm6 =	vlt.u32 v4, $0x2800;
	vm4 =	vmand vm5, vm4  }
0x9d: {  	vm4 =	vmand vm6, vm4  }
0x9e: {  	v4 =	vnsel vm4, $0xFFFFFFFF, v4  }
.Ltmp11:
0x9f: {  	v5 =	vnsel vm6, $0xFFFFFFFE, v4;
	(pc) =	sbr.rel @p1 .LBB3_3-.Ltmp11, $3  }
0xa0: {  	_ =	sdelay $0x1  }
0xa1: {  	s22 =	sadd.s32 $0xFFFFFFF0, s22;
	s26 =	sadd.s32 $0xFFFFFFF0, s26;
	(ifvalue) =	ssetifvalue $0xFFFFFFFF  }
0xa2: {  	[tilespmem:s26], [sflag:$0x8] =	stream.indirect_vreg.gather [hbm4b:s1+s16], $0x1, v4, vm0, $0x4038;
	[tilespmem:s28+$0x0] =	vst v5  }
0xa3: {  	s2 =	sshrl.u32 s25, $0x3  }
0xa4: {  	s0 =	sadd.s32 $0x9D40, s0;
	s2 =	sadd.s32 s9, s2  }
0xa5: {  	[tilespmem:s0], [sflag:$0x8] =	stream.linear.gather [hbm:s2], $0x1F40, $0x38;
	[tilespmem:$0x11A60] =	vst v63  }
.LBB3_5:
0xa6: {  	p1 =	slt.u32 s24, $0x2  }
0xa7: {  	p2 =	sge.u32 @!p1 s24, s12  }
0xa8: {  	p1 =	por p1, p2  }
.Ltmp12:
0xa9: {  	_ = 	snop;
	(pc) =	sbr.rel @p1 .LBB3_9-.Ltmp12, $1  }
0xaa: {  	_ =	sdelay $0x3  }
0xab: {  	s0 =	sadd.s32 $0xFFFFFFFE, s24  }
0xac: {  	s2 =	smulhi.u32 $0xAAAAAAAB, s0;
	_ =	sdelay $0x1  }
0xad: {  	s2 =	sshrl.u32 s2, $0x1  }
0xae: {  	s2 =	smul.u32 $0x3, s2;
	_ =	sdelay $0x1  }
0xaf: {  	s0 =	ssub.s32 s0, s2  }
0xb0: {  	_ =	swait.ge [sflag:s8], $0x3E80;
	s0 =	smul.u32 $0x1F40, s0  }
0xb1: {  	p1 =	sne.s32 s24, s11;
	[sflag:s8] =	ssyncset.done $0x0  }
0xb2: {  	[sflag:s8] =	ssyncadd.s32 $0xFFFFC180;
	s2 =	sadd.s32 @!p1 $0x203F, s0  }
0xb3: {  	[spmem:s14] =	stream.linear.scatter @!p1 [tilespmem:s2], [sflag:$0x1], $0x1, $0x38;
	[tilespmem:$0x11A60] =	vst v63  }
0xb4: {  	s2 =	simm.s32 @!p1 $0x1  }
0xb5: {  	_ =	swait.ge @!p1 [sflag:s2], $0x1  }
0xb6: {  	s22 =	sshll.u32 s24, $0x4;
	[sflag:s2] =	ssyncset.done @!p1 $0x0  }
0xb7: {  	s25 =	sand.u32 $0x10, s22;
	[sflag:s2] =	ssyncadd.s32 @!p1 $0xFFFFFFFF  }
0xb8: {  	s2 =	sxor.u32 $0x10, s25;
	v4 =	vld [tilespmem:s25+$0x10]  }
0xb9: {  	v5 =	vld [tilespmem:s2+$0x60]  }
0xba: {  	v3 =	vld [tilespmem:$0x80];
	_ =	sdelay $0x2  }
0xbb: {  	(v2sf) =	vpush v4, $0x0  }
0xbc: {  	(v2sf) =	vpush v5, $0x0  }
0xbd: {  	(v2sf) =	vpush v3, $0x0;
	_ =	sdelay $0xc  }
0xbe: {  	s22 =	spop (v2sf)  }
0xbf: {  	s26 =	spop (v2sf)  }
0xc0: {  	s28 =	spop (v2sf)  }
0xc1: {  	p2 =	seq.s32 s22, s26;
	p3 =	seq.s32 s28, s22  }
0xc2: {  	p3 =	por p2, p3  }
0xc3: {  	s26 =	sand.u32 $0x1, s24;
	v4 =	vpsel p3, $0xFFFFFFFF, v4  }
0xc4: {  	s29 =	smul.u32 $0x1F40, s26;
	[tilespmem:s25+$0x10] =	vst.msk $0x1, v4  }
0xc5: {  	v4 =	vld [tilespmem:$0x30]  }
0xc6: {  	v5 =	vld [tilespmem:s29+$0x9D40]  }
0xc7: {  	v6 =	vld [tilespmem:s25+$0x40];
	_ =	sdelay $0x3  }
0xc8: {  	vm4 =	vmmov vm1;
	v5 =	vadd.f32 v5, v4  }
0xc9: {  	vm5 =	vmmov vm2;
	vm4 =	vmmov @p2 vm2;
	s22 =	sshll.u32 s26, $0x4;
	v4 =	vadd.f32 v6, v4  }
0xca: {  	s26 =	sor.u32 $0x11A40, s22;
	vm5 =	vmmov @p3 vm1;
	[tilespmem:s29+$0x9D40] =	vst.msk vm4, v5  }
0xcb: {  	[tilespmem:s26+$0x0] =	vst.msk vm5, v4  }
0xcc: {  	v4 =	vld [tilespmem:s29+$0x7DF0];
	_ =	sdelay $0x3  }
0xcd: {  	v5 =	vimm.f32 $0.0e+00  }
0xce: {  	v4 =	vshift.insert v4, v5, s21  }
0xcf: {  	s22 =	sor.u32 $0x40, s2  }
0xd0: {  	[tilespmem:s22+$0x0] =	vst.msk $0x1, v4  }
0xd1: {  	[tilespmem:s29+$0x7DFF] =	vst.msk $0x1, v5  }
0xd2: {  	v4 =	vld [tilespmem:s0+$0x2030];
	_ =	sdelay $0x1  }
0xd3: {  	s22 =	smulhi.u32 $0xAAAAAAAB, s20;
	s0 =	simm.s32 $0x1  }
0xd4: {  	s0 =	simm.s32 @!p0 $0x0  }
0xd5: {  	s22 =	sshrl.u32 s22, $0x1;
	s0 =	smul.u32 $0x7D00, s0  }
0xd6: {  	s22 =	smul.u32 $0xFFFE8900, s22;
	v4 =	vshift.insert v4, v1, s21  }
0xd7: {  	s0 =	sshrl.u32 s0, $0x2  }
0xd8: {  	s22 =	sshra.s32 s22, $0x2;
	s30 =	sadd.s32 $0x9D40, s0;
	[tilespmem:s2+$0x10] =	vst.msk $0x1, v4  }
0xd9: {  	s22 =	sadd.s32 s22, s19;
	v6 =	vld [tilespmem:s30+$0x0]  }
0xda: {  	v7 =	vld [tilespmem:s22+$0x0];
	_ =	sdelay $0x3  }
0xdb: {  	v5 =	vadd.f32 v6, v5  }
0xdc: {  	vm4 =	vne.s32 v7, $0xFFFFFFFF  }
0xdd: {  	(xrf2) =	vadd.seg.scan.f32 vm4, v5;
	_ =	sdelay $0x3  }
0xde: {  	s31 =	sadd.s32 $0x5EC0, s0;
	v5 =	vperm.xlane v4, v1  }
0xdf: {  	v6 =	vld [tilespmem:s31+$0x0]  }
0xe0: {  	vm5 =	veq.s32 v7, v3;
	vm6 =	veq.s32 v7, v5  }
0xe1: {  	vm7 =	vgt.u32 v7, $0xFFFFFFFD;
	vm6 =	vmor vm6, vm5  }
0xe2: {  	vm6 =	vmor vm6, vm7  }
0xe3: {  	v9 =	vld [tilespmem:$0xA0];
	v7 =	vsel vm6, $0xFFFFFFFF, v7  }
0xe4: {  	v10 =	vld [tilespmem:$0x90];
	v6 =	vsel vm5, $0x0, v6;
	v8, _, _ =	vpop (xrf2)  }
0xe5: {  	v6 =	vadd.f32 v8, v6  }
0xe6: {  	s0 =	sadd.s32 $0xDBC0, s0  }
0xe7: {  	vm4 =	vmand vm4, vm3;
	[tilespmem:s0+$0x0] =	vst v6;
	(ifvalue) =	ssetifvalue $0xFFFFFFFF  }
0xe8: {  	vm6 =	veq.s32 v9, $0x1;
	[hbm4b:s1+s16] =	stream.indirect_vreg.scatter [tilespmem:s0], [sflag:$0x2], $0x1, v7, vm0, $0x4038;
	v7 =	vsel vm4, $0x0, v8;
	[tilespmem:$0x11A60] =	vst v63  }
0xe9: {  	s2 =	simm.s32 $0x0;
	s22 =	sadd.s32 $0x10, s22;
	vm4 =	vmor vm6, vm5;
	v6 =	vsel vm5, v8, v10;
	v7 =	vshift.insert v7, v0, s21  }
.LBB3_7:
0xea: {  	v8 =	vld [tilespmem:s22+$0x0];
	s30 =	sadd.s32 $0x10, s30  }
0xeb: {  	s31 =	sadd.s32 $0x10, s31;
	v9 =	vld [tilespmem:s30+$0x0]  }
0xec: {  	s2 =	sadd.s32 $0x10, s2;
	v10 =	vld [tilespmem:s31+$0x0]  }
0xed: {  	p2 =	slt.u32 s2, $0x1F30;
	_ =	sdelay $0x2  }
0xee: {  	v7 =	vadd.f32 v9, v7  }
0xef: {  	vm5 =	vne.s32 v8, $0xFFFFFFFF  }
0xf0: {  	vm6 =	vmand vm5, vm3;
	(xrf2) =	vadd.seg.scan.f32 vm5, v7;
	_ =	sdelay $0x5  }
0xf1: {  	vm7 =	veq.s32 v8, v5;
	vm5 =	veq.s32 v8, v3  }
0xf2: {  	vm8 =	vgt.u32 v8, $0xFFFFFFFD;
	vm4 =	vmor vm4, vm5;
	vm7 =	vmor vm7, vm5  }
0xf3: {  	vm7 =	vmor vm7, vm8  }
0xf4: {  	v8 =	vsel vm7, $0xFFFFFFFF, v8  }
.Ltmp13:
0xf5: {  	v7 =	vsel vm5, $0x0, v10;
	v9, _, _ =	vpop (xrf2);
	(pc) =	sbr.rel @p2 .LBB3_7-.Ltmp13, $4  }
0xf6: {  	v6 =	vsel vm5, v9, v6;
	v10 =	vadd.f32 v9, v7;
	v7 =	vsel vm6, $0x0, v9  }
0xf7: {  	s0 =	sadd.s32 $0x10, s0;
	v7 =	vshift.insert v7, v0, s21  }
0xf8: {  	s22 =	sadd.s32 $0x10, s22;
	[tilespmem:s0+$0x0] =	vst v10;
	(ifvalue) =	ssetifvalue $0xFFFFFFFF  }
0xf9: {  	[hbm4b:s1+s16] =	stream.indirect_vreg.scatter [tilespmem:s0], [sflag:$0x2], $0x1, v8, vm0, $0x4038;
	[tilespmem:$0x11A60] =	vst v63  }
0xfa: {  	v3 =	vld [tilespmem:s29+$0xFAF0];
	_ =	sdelay $0x4  }
0xfb: {  	v3 =	vshift.insert v3, v0, s21  }
0xfc: {  	s0 =	simm.s32 $0x30  }
0xfd: {  	[tilespmem:s0+$0x0] =	vst.msk $0x1, v3  }
0xfe: {  	v3 =	vsel vm4, $0x1, v1;
	[tilespmem:$0x90] =	vst v6  }
0xff: {  	s0 =	sadd.s32 @!p1 $0xFAFF, s29;
	[tilespmem:$0xA0] =	vst v3  }
0x100: {  	[spmem:s15] =	stream.linear.scatter @!p1 [tilespmem:s0], [sflag:$0x1], $0x1, $0x38;
	[tilespmem:$0x11A60] =	vst v63  }
0x101: {  	s0 =	simm.s32 @!p1 $0x1  }
0x102: {  	v3 =	vmctz.xlane @!p1 vm4;
	_ =	swait.ge @!p1 [sflag:s0], $0x1  }
0x103: {  	(v2sf) =	vpush @!p1 v4, $0x0  }
0x104: {  	(v2sf) =	vpush @!p1 v3, $0x0;
	_ =	sdelay $0xd  }
0x105: {  	s2 =	spop @!p1 (v2sf)  }
0x106: {  	s22 =	spop @!p1 (v2sf)  }
0x107: {  	p2 =	sne.s32 @!p1 s28, s2;
	p3 =	slt.s32 @!p1 s22, $0xF  }
0x108: {  	[sflag:s0] =	ssyncset.done @!p1 $0x0;
	p2 =	por p2, p1;
	p3 =	por !p3, p1  }
0x109: {  	[sflag:s0] =	ssyncadd.s32 @!p1 $0xFFFFFFFF;
	v3 =	vimm.s32 @!p2 $0xFFFFFFFF;
	s22 =	simm.s32 @p3 $0xF  }
0x10a: {  	[tilespmem:$0x80] =	vst @!p2 v3;
	s2 =	sadd.s32 @!p1 $0x90, s22  }
0x10b: {  	[spmem:s3] =	stream.linear.scatter @!p1 [tilespmem:s2], [sflag:$0x1], $0x1, $0x38;
	[tilespmem:$0x11A60] =	vst v63  }
0x10c: {  	_ =	swait.ge @!p1 [sflag:s0], $0x1  }
0x10d: {  	[sflag:s0] =	ssyncset.done @!p1 $0x0  }
0x10e: {  	s2 =	simm.s32 @!p1 $0x80;
	[sflag:s0] =	ssyncadd.s32 @!p1 $0xFFFFFFFF  }
0x10f: {  	[spmem:s13] =	stream.linear.scatter @!p1 [tilespmem:s2], [sflag:$0x1], $0x1, $0x38;
	[tilespmem:$0x11A60] =	vst v63  }
0x110: {  	_ =	swait.ge @!p1 [sflag:s0], $0x1  }
0x111: {  	[sflag:s0] =	ssyncset.done @!p1 $0x0  }
0x112: {  	[sflag:s0] =	ssyncadd.s32 @!p1 $0xFFFFFFFF;
	(ifvalue) =	ssetifvalue $0xFFFFFFFF;
	v3 =	vld [tilespmem:s25+$0x10];
	_ =	sdelay $0x3  }
.Ltmp14:
0x113: {  	_ = 	snop;
	(pc) =	sbr.rel .LBB3_9-.Ltmp14, $3  }
0x114: {  	_ =	sdelay $0x1  }
0x115: {  	(ifvalue) =	ssetifvalue $0xFFFFFFFF  }
0x116: {  	[hbm4b:s1+s16] =	stream.indirect_vreg.scatter [tilespmem:s26], [sflag:$0x9], $0x1, v3, vm0, $0x4038;
	[tilespmem:$0x11A60] =	vst v63  }
.LBB3_10:
0x117: {  	_ =	sfence.sel $0x180000  }
0x118: {  	s0 =	simm.s32 $0x7;
	[bflag:$0x0] =	sbarrier.arrive $0xFFFF  }
0x119: {  	s26 =	simm.s32 $0x8;
	[sflag:s0] =	ssyncpa.u1 $0x1  }
0x11a: {  	s28 =	simm.s32 $0x9;
	[sflag:s26] =	ssyncpa.u1 $0x1  }
0x11b: {  	[sflag:s28] =	ssyncpa.u1 $0x1  }
0x11c: {  	_ =	sfence.stream.spmem  }
0x11d: {  	s29 =	simm.s32 $0x3;
	[bflag:$0x0] =	sbarrier.arrive $0xFFFF  }
0x11e: {  	s30 =	simm.s32 $0x4;
	[sflag:s29] =	ssyncpa.u1 $0x1  }
0x11f: {  	s31 =	simm.s32 $0x3C;
	s2 =	stileid.u32;
	[sflag:s30] =	ssyncpa.u1 $0x1  }
0x120: {  	p0 =	sne.s32 s2, $0x0;
	[sflag:s31] =	ssyncpa.u1 $0x1  }
0x121: {  	s0 =	simm.s32 @p0 $0x1;
	_ =	sfence @p0  }
0x122: {  	[sflag:s0] =	ssyncpa.u1 @p0 $0x1;
	s0 =	simm.s32 @p0 $0x2  }
0x123: {  	[sflag:s0] =	ssyncpa.u1 @p0 $0x1  }
0x124: {  	_ =	strace @p0 $0x90000053  }
0x125: {  	[bflag:$0x2] =	sbarrier.arrive @p0 $0xFFFF  }
0x126: {  	_ =	shalt @p0  }
.LBB3_11:
0x127: {  	_ =	sfence.stream.spmem;
	s0 =	simm.s32 $0x5  }
0x128: {  	s2 =	simm.s32 $0x80;
	s3 =	simm.s32 $0xC0;
	[sflag:s0] =	ssyncpa.u1 $0x0  }
0x129: {  	[tilespmem:s3], [sflag:$0x5] =	stream.linear.gather [spmem:s2], $0x20, $0x38;
	[tilespmem:$0x11A60] =	vst v63  }
0x12a: {  	s2 =	simm.s32 $0x0;
	s3 =	simm.s32 $0xE0  }
0x12b: {  	[tilespmem:s3], [sflag:$0x5] =	stream.linear.gather [spmem:s2], $0x20, $0x38;
	[tilespmem:$0x11A60] =	vst v63  }
.Ltmp15:
0x12c: {  	_ = 	snop;
	(pc) =	sbr.rel .LBB3_12-.Ltmp15, $4  }
0x12d: {  	_ =	swait.ge [sflag:s0], $0x40  }
0x12e: {  	[sflag:s0] =	ssyncset.done $0x0  }
0x12f: {  	s31 =	simm.s32 $0x6;
	[sflag:s0] =	ssyncadd.s32 $0xFFFFFFC0  }
0x130: {  	s4 =	simm.s32 $0x0;
	[sflag:s31] =	ssyncpa.u1 $0x0  }
.LBB3_17:
0x131: {  	p0 =	sgt.u32 s5, $0x27FF  }
0x132: {  	s0 =	sshrl.u32 @!p0 s5, $0x3  }
0x133: {  	s5 =	sand.u32 @!p0 $0x7, s5;
	s6 =	simm.s32 @!p0 $0xB0;
	s0 =	sadd.s32 @!p0 s1, s0  }
0x134: {  	[tilespmem:s6], [sflag:$0x6] =	stream.linear.gather @!p0 [hbm4b:s0+s5], $0x1, $0x38;
	[tilespmem:$0x11A60] =	vst v63  }
0x135: {  	s0 =	simm.s32 @!p0 $0x6  }
0x136: {  	_ =	swait.ge @!p0 [sflag:s0], $0x1  }
0x137: {  	[sflag:s0] =	ssyncset.done @!p0 $0x0  }
0x138: {  	[sflag:s0] =	ssyncadd.s32 @!p0 $0xFFFFFFFF  }
0x139: {  	v2 =	vmov @!p0 s4;
	v1 =	vld.msk @!p0 [tilespmem:$0xB0], $0x1;
	_ =	sdelay $0x3  }
0x13a: {  	s0 =	simm.s32 @!p0 $0xE0  }
0x13b: {  	[tilespmem:v2+s0+$0x0], v1 =	vst.idx.ret.add.f32.msk @!p0 $0x1, v1  }
0x13c: {  	[tilespmem:s2+$0xC0] =	vst.msk $0x1, v0  }
0x13d: {  	v0 =	vld.msk [tilespmem:s4+$0xE0], $0x1;
	_ =	sdelay $0x4  }
0x13e: {  	[tilespmem:s2+$0xE0] =	vst.msk $0x1, v0;
	s2 =	sadd.s32 $0x1, s2  }
.LBB3_19:
0x13f: {  	s4 =	sadd.s32 $0x1, s4  }
0x140: {  	p0 =	sne.s32 s4, $0x20  }
.Ltmp16:
0x141: {  	_ = 	snop;
	(pc) =	sbr.rel @!p0 .LBB3_20-.Ltmp16, $1  }
0x142: {  	_ =	sdelay $0x3  }
.LBB3_12:
0x143: {  	v0 =	vld.msk [tilespmem:s4+$0xC0], $0x1;
	_ =	sdelay $0x4  }
0x144: {  	(v2sf) =	vpush v0, $0x0;
	_ =	sdelay $0xe  }
0x145: {  	s5 =	spop (v2sf)  }
0x146: {  	p0 =	seq.s32 s5, $0xFFFFFFFF  }
.Ltmp17:
0x147: {  	_ = 	snop;
	(pc) =	sbr.rel @p0 .LBB3_19-.Ltmp17, $1  }
0x148: {  	_ =	sdelay $0x3  }
0x149: {  	p0 =	slt.s32 s2, $0x1  }
.Ltmp18:
0x14a: {  	_ = 	snop;
	(pc) =	sbr.rel @p0 .LBB3_17-.Ltmp18, $1  }
0x14b: {  	_ =	sdelay $0x3  }
0x14c: {  	s0 =	simm.s32 $0xC0;
	p0 =	por $0x0, $0x0  }
0x14d: {  	v1 =	vld.msk @!p0 [tilespmem:s0+$0x0], $0x1;
	_ =	sdelay $0x4  }
0x14e: {  	(v2sf) =	vpush @!p0 v1, $0x0;
	_ =	sdelay $0xd  }
0x14f: {  	p2 =	sne.s32 s2, $0x1  }
.Ltmp19:
0x150: {  	s6 =	spop @!p0 (v2sf);
	(pc) =	sbr.rel @!p2 .LBB3_16-.Ltmp19, $4  }
0x151: {  	p1 =	seq.s32 @!p0 s5, s6  }
0x152: {  	s6 =	simm.s32 $0x0;
	p1 =	por !p1, p0  }
0x153: {  	s8 =	simm.s32 $0xFFFFFFFF;
	s6 =	simm.s32 @p1 $0xFFFFFFFF  }
0x154: {  	s7 =	simm.s32 $0x1;
	s6 =	smov.u32 @p0 s8  }
.LBB3_15:
0x155: {  	s8 =	smov.u32 s6;
	p0 =	sne.s32 s6, $0xFFFFFFFF  }
0x156: {  	s0 =	sadd.s32 $0x1, s0;
	s6 =	smov.u32 s7;
	s7 =	sadd.s32 $0x1, s7  }
0x157: {  	p1 =	sne.s32 s2, s7;
	v1 =	vld.msk @!p0 [tilespmem:s0+$0x0], $0x1;
	_ =	sdelay $0x4  }
0x158: {  	(v2sf) =	vpush @!p0 v1, $0x0;
	_ =	sdelay $0xe  }
.Ltmp20:
0x159: {  	s9 =	spop @!p0 (v2sf);
	(pc) =	sbr.rel @p1 .LBB3_15-.Ltmp20, $4  }
0x15a: {  	p2 =	seq.s32 @!p0 s5, s9  }
0x15b: {  	p2 =	por !p2, p0  }
0x15c: {  	s6 =	simm.s32 @p2 $0xFFFFFFFF  }
0x15d: {  	s6 =	smov.u32 @p0 s8  }
.LBB3_16:
0x15e: {  	p0 =	sne.s32 s6, $0xFFFFFFFF  }
.Ltmp21:
0x15f: {  	_ = 	snop;
	(pc) =	sbr.rel @!p0 .LBB3_17-.Ltmp21, $1  }
0x160: {  	_ =	sdelay $0x3  }
0x161: {  	v0 =	vld.msk [tilespmem:s4+$0xE0], $0x1;
	v1 =	vmov s6  }
.Ltmp22:
0x162: {  	_ = 	snop;
	(pc) =	sbr.rel .LBB3_19-.Ltmp22, $2  }
0x163: {  	_ =	sdelay $0x2  }
0x164: {  	[tilespmem:v1+s3+$0x0], v0 =	vst.idx.ret.add.f32.msk $0x1, v0  }
.LBB3_20:
0x165: {  	p0 =	slt.s32 s2, $0x1  }
.Ltmp23:
0x166: {  	_ = 	snop;
	(pc) =	sbr.rel @p0 .LBB3_24-.Ltmp23, $3  }
0x167: {  	_ =	sdelay $0x1  }
0x168: {  	s0 =	simm.s32 $0x6  }
0x169: {  	s3 =	simm.s32 $0x0;
	[sflag:s0] =	ssyncpa.u1 $0x1  }
0x16a: {  	s0 =	simm.s32 $0xC0  }
0x16b: {  	v0 =	vld.msk [tilespmem:s0+$0x0], $0x1;
	_ =	sdelay $0x4  }
0x16c: {  	(v2sf) =	vpush v0, $0x0;
	_ =	sdelay $0xe  }
0x16d: {  	s2 =	sadd.s32 $0xFFFFFFFF, s2;
	s4 =	spop (v2sf)  }
0x16e: {  	p1 =	sne.s32 s2, $0x0;
	p0 =	sgt.u32 s4, $0x27FF  }
.Ltmp24:
0x16f: {  	s5 =	sshrl.u32 @!p0 s4, $0x3;
	(pc) =	sbr.rel @!p1 .LBB3_23-.Ltmp24, $4  }
0x170: {  	s0 =	simm.s32 $0xE0;
	s4 =	sand.u32 @!p0 $0x7, s4;
	s5 =	sadd.s32 @!p0 s1, s5  }
0x171: {  	[hbm4b:s5+s4] =	stream.linear.scatter @!p0 [tilespmem:s0], [sflag:$0x5], $0x1, $0x38;
	[tilespmem:$0x11A60] =	vst v63  }
0x172: {  	s5 =	simm.s32 $0x0  }
0x173: {  	s4 =	simm.s32 $0xC1;
	s5 =	simm.s32 @!p0 $0x4  }
.LBB3_22:
0x174: {  	v0 =	vld.msk [tilespmem:s4+$0x0], $0x1;
	s2 =	sadd.s32 $0xFFFFFFFF, s2;
	s3 =	sadd.s32 s3, s5  }
0x175: {  	p0 =	sne.s32 s2, $0x0;
	_ =	sdelay $0x3  }
0x176: {  	(v2sf) =	vpush v0, $0x0;
	_ =	sdelay $0xe  }
.Ltmp25:
0x177: {  	s6 =	spop (v2sf);
	(pc) =	sbr.rel @p0 .LBB3_22-.Ltmp25, $4  }
0x178: {  	s5 =	simm.s32 $0x0;
	p1 =	sgt.u32 s6, $0x27FF  }
0x179: {  	s0 =	sadd.s32 $0x1, s0;
	s5 =	simm.s32 @!p1 $0x4;
	s7 =	sshrl.u32 @!p1 s6, $0x3  }
0x17a: {  	s4 =	sadd.s32 $0x1, s4;
	s6 =	sand.u32 @!p1 $0x7, s6;
	s7 =	sadd.s32 @!p1 s1, s7  }
0x17b: {  	[hbm4b:s7+s6] =	stream.linear.scatter @!p1 [tilespmem:s0], [sflag:$0x5], $0x1, $0x38;
	[tilespmem:$0x11A60] =	vst v63  }
.LBB3_23:
0x17c: {  	s0 =	sadd.s32 s3, s5  }
0x17d: {  	s3 =	sshrl.u32 s0, $0x2  }
.LBB3_24:
0x17e: {  	s0 =	simm.s32 $0x5  }
0x17f: {  	_ =	swait.ge [sflag:s0], s3  }
0x180: {  	s1 =	ssub.s32 $0x0, s3;
	[sflag:s0] =	ssyncset.done $0x0  }
0x181: {  	[sflag:s0] =	ssyncadd.s32 s1  }
0x182: {  	[sflag:s0] =	ssyncpa.u1 $0x1  }
0x183: {  	s29 =	simm.s32 $0x1;
	_ =	sfence  }
0x184: {  	s30 =	simm.s32 $0x2;
	[sflag:s29] =	ssyncpa.u1 $0x1  }
0x185: {  	[sflag:s30] =	ssyncpa.u1 $0x1  }
0x186: {  	_ =	strace $0x90000053  }
0x187: {  	[bflag:$0x2] =	sbarrier.arrive $0xFFFF  }
0x188: {  	s31 =	rddreg [dreg:$0x1]  }
0x189: {  	s0 =	sadd.s32 $0x100000, s31  }
0x18a: {  	[sflag:s0] =	ssyncadd.tile.s32 $0x1;
	_ =	shalt  }
.Lfunc_end3:
_tile_overlayer_lowered:
.L_overlay_start_3:
0x18b: {  	(tag) =	ssettag $0x3  }
0x18c: {  	s0 =	rddreg [dreg:$0x0];
	s2 =	stileid.u32  }
0x18d: {  	s1 =	rddreg [dreg:$0x1];
	p0 =	sne.s32 s2, $0x0  }
0x18e: {  	s3 =	rddreg [dreg:$0x2];
	[bflag:$0x3] =	sbarrier.arrive $0xFFFF;
	s2 =	simm.s32 @!p0 $0x1C01  }
0x18f: {  	[timem:s3], [sflag:s2] =	dma.local @!p0 [hbm:s0], s1  }
0x190: {  	s0 =	simm.s32 @!p0 $0x1  }
0x191: {  	_ =	swait.ge @!p0 [sflag:s0], s1  }
0x192: {  	s1 =	ssub.s32 @!p0 $0x0, s1;
	[sflag:s0] =	ssyncset.done @!p0 $0x0  }
0x193: {  	[sflag:s0] =	ssyncadd.s32 @!p0 s1  }
0x194: {  	[bflag:$0x3] =	sbarrier.arrive $0xFFFF  }
0x195: {  	_ =	shalt  }

</sc_bundles>
